<compile_context>
chip_gen: v7x
topology: tpu7x:2x2x1
jax: 0.10.2.dev20260603
libtpu: 0.0.44.dev20260713+nightly
codegen_flags: <defaults>
</compile_context>

<pallas_src>
import functools

import jax
import jax.numpy as jnp
from jax import lax
from jax.experimental import pallas as pl
from jax.experimental.pallas import tpu as pltpu
from jax.experimental.pallas import tpu_sc as plsc

H = 128
W = 128
NRAY = H * W
SP = 500
SPP = 512
VOL = 128 * 128 * 128
HALF = VOL // 2
SINK = 256
NTILE = 16
ZCH = 8192
CH = 16
ROWS_PER_TILE = (NRAY * SPP) // NTILE // 128



def _idx_body(srcF_ref, srcL_ref, a_ref, b_ref,
              mF_ref, fx_ref, fy_ref, fz_ref,
              mL_ref, lx_ref, ly_ref, lz_ref,
              loF_ref, hiF_ref, loL_ref, hiL_ref, flgF_ref, flgL_ref):
    ki = lax.broadcasted_iota(jnp.int32, (H, SPP), 1)
    kf = ki.astype(jnp.float32)
    ri = lax.broadcasted_iota(jnp.int32, (H, SPP), 0)
    step = jnp.float32(1.0 / (SP - 1))
    tv = kf * step
    dummy = jnp.int32(HALF) + ((ki + ri) & (SINK - 1))
    a00 = a_ref[0, 0]; a01 = a_ref[0, 1]; a02 = a_ref[0, 2]
    a10 = a_ref[1, 0]; a11 = a_ref[1, 1]; a12 = a_ref[1, 2]
    a20 = a_ref[2, 0]; a21 = a_ref[2, 1]; a22 = a_ref[2, 2]
    b0 = b_ref[0, 0]; b1 = b_ref[0, 1]; b2 = b_ref[0, 2]

    def one_view(src_ref, m_ref, tx_ref, ty_ref, tz_ref,
                 lo_ref, hi_ref, flg_ref):
        sx = src_ref[0, 0]; sy = src_ref[0, 1]; sz = src_ref[0, 2]
        dx = tx_ref[0] - sx
        dy = ty_ref[0] - sy
        dz = tz_ref[0] - sz
        ln = jnp.sqrt(dx * dx + dy * dy + dz * dz)
        lden = ln + jnp.float32(1e-8)
        ux = dx / lden
        uy = dy / lden
        uz = dz / lden
        ts = tv * (ln * jnp.float32(2.5))
        wx = sx + ux * ts
        wy = sy + uy * ts
        wz = sz + uz * ts
        vcx = wx * a00 + wy * a01 + wz * a02 + b0
        vcy = wx * a10 + wy * a11 + wz * a12 + b1
        vcz = wx * a20 + wy * a21 + wz * a22 + b2
        vx = jnp.round(vcx).astype(jnp.int32)
        vy = jnp.round(vcy).astype(jnp.int32)
        vz = jnp.round(vcz).astype(jnp.int32)
        act = m_ref[0] > jnp.float32(0.5)
        valid = (act
                 & (vx >= 0) & (vx < 128)
                 & (vy >= 0) & (vy < 128)
                 & (vz >= 0) & (vz < 128)
                 & (ki < SP))
        lin = (vx * 128 + vy) * 128 + vz
        lo_ref[...] = jnp.where(valid & (lin < HALF), lin, dummy)
        hi_ref[...] = jnp.where(valid & (lin >= HALF), lin - HALF, dummy)
        flg_ref[...] = jnp.broadcast_to(
            jnp.where(act, jnp.int32(1), jnp.int32(0)), (H, 4))

    one_view(srcF_ref, mF_ref, fx_ref, fy_ref, fz_ref,
             loF_ref, hiF_ref, flgF_ref)
    one_view(srcL_ref, mL_ref, lx_ref, ly_ref, lz_ref,
             loL_ref, hiL_ref, flgL_ref)


def _compute_indices(srcF, srcL, a, b, mF, fx, fy, fz, mL, lx, ly, lz):
    col = pl.BlockSpec((1, H, 1), lambda i: (i, 0, 0))
    smem = pl.BlockSpec(memory_space=pltpu.SMEM)
    out_spec = pl.BlockSpec((H, SPP), lambda i: (i, 0))
    flg_spec = pl.BlockSpec((H, 4), lambda i: (i, 0))
    return pl.pallas_call(
        _idx_body,
        grid=(H,),
        in_specs=[smem, smem, smem, smem,
                  col, col, col, col,
                  col, col, col, col],
        out_specs=[out_spec, out_spec, out_spec, out_spec,
                   flg_spec, flg_spec],
        out_shape=[jax.ShapeDtypeStruct((NRAY, SPP), jnp.int32),
                   jax.ShapeDtypeStruct((NRAY, SPP), jnp.int32),
                   jax.ShapeDtypeStruct((NRAY, SPP), jnp.int32),
                   jax.ShapeDtypeStruct((NRAY, SPP), jnp.int32),
                   jax.ShapeDtypeStruct((NRAY, 4), jnp.int32),
                   jax.ShapeDtypeStruct((NRAY, 4), jnp.int32)],
    )(srcF, srcL, a, b, mF, fx, fy, fz, mL, lx, ly, lz)



ZSLAB = (HALF + SINK) // NTILE
OSLAB = HALF // NTILE


def _scatter_body(loF_hbm, hiF_hbm, loL_hbm, hiL_hbm, flgF_hbm, flgL_hbm,
                  volF_hbm, volL_hbm,
                  idx_v, flg_v, zeros_v, ones_v, stage_v, vol_sh, sem):
    c = lax.axis_index("c")
    s = lax.axis_index("s")
    z16 = jnp.zeros((16,), jnp.float32)
    o16 = jnp.ones((16,), jnp.float32)

    def zfill(i, carry):
        zeros_v[pl.ds(i * 16, 16)] = z16
        return carry

    lax.fori_loop(0, ZCH // 16, zfill, 0)
    for i in range(128 // 16):
        ones_v[pl.ds(i * 16, 16)] = o16

    def one_pass(idx_hbm, flg_hbm, vol_hbm, out_base):
        zbase = s * ZSLAB

        def zero_chunk(k, carry):
            pltpu.sync_copy(zeros_v, vol_sh.at[pl.ds(zbase + k * ZCH, ZCH)])
            return carry

        lax.fori_loop(0, ZSLAB // ZCH, zero_chunk, 0)
        rem = ZSLAB - (ZSLAB // ZCH) * ZCH
        if rem:
            pltpu.sync_copy(zeros_v.at[pl.ds(0, rem)],
                            vol_sh.at[pl.ds(zbase + (ZSLAB // ZCH) * ZCH, rem)])
        plsc.subcore_barrier()

        def scatter_step(j, carry):
            pltpu.sync_copy(idx_hbm.at[s, pl.ds(j * CH, CH)], idx_v)
            pltpu.sync_copy(flg_hbm.at[s, pl.ds(j * CH, CH)], flg_v)
            fv = flg_v[...]
            for r in range(CH):
                @pl.when(fv[r] != 0)
                def _():
                    pltpu.async_copy(ones_v, vol_sh.at[idx_v.at[r]], sem)
            for r in range(CH):
                @pl.when(fv[r] != 0)
                def _():
                    pltpu.make_async_copy(
                        ones_v, vol_sh.at[idx_v.at[r]], sem).wait()
            return carry

        lax.fori_loop(0, ROWS_PER_TILE // CH, scatter_step, 0)
        plsc.subcore_barrier()
        obase = s * OSLAB
        for k in range(OSLAB // ZCH):
            pltpu.sync_copy(vol_sh.at[pl.ds(obase + k * ZCH, ZCH)],
                            stage_v)
            pltpu.sync_copy(stage_v,
                            vol_hbm.at[pl.ds(out_base + obase + k * ZCH, ZCH)])
        plsc.subcore_barrier()

    def run(lo_hbm, hi_hbm, flg_hbm, vol_hbm):
        one_pass(lo_hbm, flg_hbm, vol_hbm, 0)
        one_pass(hi_hbm, flg_hbm, vol_hbm, HALF)

    @pl.when(c == 0)
    def _():
        run(loF_hbm, hiF_hbm, flgF_hbm, volF_hbm)

    @pl.when(c == 1)
    def _():
        run(loL_hbm, hiL_hbm, flgL_hbm, volL_hbm)


@functools.cache
def _scatter_kernel():
    return functools.partial(
        pl.kernel,
        mesh=plsc.VectorSubcoreMesh(core_axis_name="c", subcore_axis_name="s"),
        out_type=[jax.ShapeDtypeStruct((VOL,), jnp.float32),
                  jax.ShapeDtypeStruct((VOL,), jnp.float32)],
        scratch_types=[pltpu.VMEM((CH, 128), jnp.int32),
                       pltpu.VMEM((CH,), jnp.int32),
                       pltpu.VMEM((ZCH,), jnp.float32),
                       pltpu.VMEM((128,), jnp.float32),
                       pltpu.VMEM((ZCH,), jnp.float32),
                       pltpu.VMEM_SHARED((HALF + SINK,), jnp.float32),
                       pltpu.SemaphoreType.DMA],
    )(_scatter_body)


def _scatter_volumes(loF3, hiF3, loL3, hiL3, flgF2, flgL2):
    return _scatter_kernel()(loF3, hiF3, loL3, hiL3, flgF2, flgL2)



def _bce_body(f_ref, l_ref, g_ref, out_ref, acc_ref):
    i = pl.program_id(0)
    n = pl.num_programs(0)

    @pl.when(i == 0)
    def _():
        acc_ref[0] = jnp.float32(0.0)

    ssum = f_ref[...] + l_ref[...]
    p = 1.0 / (1.0 + jnp.exp(-ssum))
    g = g_ref[...]
    term = g * jnp.log(p) + (1.0 - g) * jnp.log(1.0 - p)
    acc_ref[0] = acc_ref[0] + jnp.sum(term)

    @pl.when(i == n - 1)
    def _():
        out_ref[0, 0] = acc_ref[0] * jnp.float32(-1.0 / VOL)


def _bce_loss(volF, volL, gt):
    blk = pl.BlockSpec((1024, 128), lambda i: (i, 0))
    return pl.pallas_call(
        _bce_body,
        grid=(16,),
        in_specs=[blk, blk, blk],
        out_specs=pl.BlockSpec(memory_space=pltpu.SMEM),
        out_shape=jax.ShapeDtypeStruct((1, 1), jnp.float32),
        scratch_shapes=[pltpu.SMEM((1,), jnp.float32)],
    )(volF, volL, gt)



def kernel(pred_frontal, pred_lateral, source_F, target_F, source_L,
           target_L, vol_gt_3d, A_inv, b_inv):
    mF = pred_frontal[0, 0].reshape(H, W, 1)
    mL = pred_lateral[0, 0].reshape(H, W, 1)
    fx = target_F[0, :, :, 0].reshape(H, W, 1)
    fy = target_F[0, :, :, 1].reshape(H, W, 1)
    fz = target_F[0, :, :, 2].reshape(H, W, 1)
    lx = target_L[0, :, :, 0].reshape(H, W, 1)
    ly = target_L[0, :, :, 1].reshape(H, W, 1)
    lz = target_L[0, :, :, 2].reshape(H, W, 1)
    b2d = b_inv.reshape(1, 3)

    loF, hiF, loL, hiL, flgF, flgL = _compute_indices(
        source_F, source_L, A_inv, b2d,
        mF, fx, fy, fz, mL, lx, ly, lz)
    r3 = lambda a: a.reshape(NTILE, ROWS_PER_TILE, 128)
    volF, volL = _scatter_volumes(
        r3(loF), r3(hiF), r3(loL), r3(hiL),
        flgF.reshape(NTILE, ROWS_PER_TILE),
        flgL.reshape(NTILE, ROWS_PER_TILE))
    loss = _bce_loss(volF.reshape(NRAY, 128),
                     volL.reshape(NRAY, 128),
                     vol_gt_3d.reshape(NRAY, 128))
    return loss[0, 0]

# --- scband reference (transcript-rebuilt; emitter-appended) ---
"""Pipeline reference for scband-backprojection3-dconsistency-loss-42915313222175 (READ-ONLY COPY).

The authoritative reference and input builder live on the scoring server;
editing this copy changes nothing except your own understanding.
"""

import jax, jax.numpy as jnp
import numpy as np

SAMPLE_POINTS = 500
VOL_SHAPE = (128, 128, 128)

def setup_inputs(seed: int = 0):
    key = jax.random.key(seed)
    ks = jax.random.split(key, 8)
    H = 128
    W = 128
    pred_frontal = jax.random.uniform(ks[0], (1, 1, H, W), dtype=jnp.float32)
    pred_lateral = jax.random.uniform(ks[1], (1, 1, H, W), dtype=jnp.float32)
    source_F = jax.random.normal(ks[2], (1, 3), dtype=jnp.float32) * 5.0 + jnp.array([-150.0, 64.0, 64.0], dtype=jnp.float32)
    ys, zs = jnp.meshgrid(jnp.linspace(0.0, 127.0, H), jnp.linspace(0.0, 127.0, W), indexing='ij')
    det_F = jnp.stack([jnp.full_like(ys, 200.0), ys, zs], axis=-1)
    target_F = (det_F + jax.random.uniform(ks[3], (H, W, 3)) * 0.5)[None].astype(jnp.float32)
    source_L = jax.random.normal(ks[4], (1, 3), dtype=jnp.float32) * 5.0 + jnp.array([64.0, -150.0, 64.0], dtype=jnp.float32)
    xs, zs2 = jnp.meshgrid(jnp.linspace(0.0, 127.0, H), jnp.linspace(0.0, 127.0, W), indexing='ij')
    det_L = jnp.stack([xs, jnp.full_like(xs, 200.0), zs2], axis=-1)
    target_L = (det_L + jax.random.uniform(ks[5], (H, W, 3)) * 0.5)[None].astype(jnp.float32)
    vol_gt_3d = (jax.random.uniform(ks[6], VOL_SHAPE) > 0.5).astype(jnp.float32)
    A_inv = jnp.eye(3, dtype=jnp.float32)
    b_inv = jnp.zeros((3,), dtype=jnp.float32)
    return {"pred_frontal": pred_frontal, "pred_lateral": pred_lateral, "source_F": source_F, "target_F": target_F, "source_L": source_L, "target_L": target_L, "vol_gt_3d": vol_gt_3d, "A_inv": A_inv, "b_inv": b_inv}

def _backproject(mask_2d, source, target, A_inv, b_inv, threshold=0.5):
    D, Hv, Wv = VOL_SHAPE
    volume = jnp.zeros(VOL_SHAPE, dtype=jnp.float32)
    src = source[0]
    target_grid = target[0]
    mask_binary = (mask_2d > threshold)
    mask_flat = mask_binary.reshape(-1)
    det_pixels = target_grid.reshape(-1, 3)
    ray_dirs = det_pixels - src[None, :]
    ray_lengths = jnp.linalg.norm(ray_dirs, axis=1, keepdims=True)
    ray_dirs = ray_dirs / (ray_lengths + 1e-08)
    t_values = jnp.linspace(0.0, 1.0, SAMPLE_POINTS)[None, :, None]
    t_samples = t_values * (ray_lengths[:, None, :] * 2.5)
    world_pts = src[None, None, :] + ray_dirs[:, None, :] * t_samples
    flat_pts = world_pts.reshape(-1, 3)
    voxel_coords = flat_pts @ A_inv.T + b_inv[None, :]
    voxel_idx = jnp.round(voxel_coords).astype(jnp.int32)
    active = jnp.repeat(mask_flat, SAMPLE_POINTS)
    valid = active & (voxel_idx[:, 0] >= 0) & (voxel_idx[:, 0] < D) & (voxel_idx[:, 1] >= 0) & (voxel_idx[:, 1] < Hv) & (voxel_idx[:, 2] >= 0) & (voxel_idx[:, 2] < Wv)
    safe_idx = jnp.where(valid[:, None], voxel_idx, jnp.full_like(voxel_idx, D))
    volume = volume.at[safe_idx[:, 0], safe_idx[:, 1], safe_idx[:, 2]].set(1.0, mode='drop')
    return volume

def reference(pred_frontal, pred_lateral, source_F, target_F, source_L, target_L, vol_gt_3d, A_inv, b_inv):
    B = pred_frontal.shape[0]
    total = 0.0
    for i in range(B):
        vol_F = _backproject(pred_frontal[i, 0], source_F, target_F, A_inv, b_inv)
        vol_L = _backproject(pred_lateral[i, 0], source_L, target_L, A_inv, b_inv)
        p = jax.nn.sigmoid(vol_F + vol_L)
        gt = vol_gt_3d
        bce = -jnp.mean(gt * jnp.log(p) + (1.0 - gt) * jnp.log(1.0 - p))
        total = total + bce
    return total / B

if __name__ == "__main__":
    import jax
    _d = setup_inputs()
    print(jax.jit(kernel)(*tuple(_d.values())))

</pallas_src>

<mosaic_0001>
#map = affine_map<(d0, d1) -> (0, 0, 0)>
#map1 = affine_map<(d0, d1) -> (0, 0)>
#map2 = affine_map<(d0, d1) -> (0)>
module attributes {stable_mosaic.version = 14 : i64} {
  func.func @_scatter_body(%arg0: i32, %arg1: i32, %arg2: memref<16x4096x128xi32, #tpu.memory_space<hbm>>, %arg3: memref<16x4096x128xi32, #tpu.memory_space<hbm>>, %arg4: memref<16x4096x128xi32, #tpu.memory_space<hbm>>, %arg5: memref<16x4096x128xi32, #tpu.memory_space<hbm>>, %arg6: memref<16x4096xi32, #tpu.memory_space<hbm>>, %arg7: memref<16x4096xi32, #tpu.memory_space<hbm>>, %arg8: memref<2097152xf32, #tpu.memory_space<hbm>>, %arg9: memref<2097152xf32, #tpu.memory_space<hbm>>, %arg10: memref<16x128xi32, #tpu.memory_space<vmem>>, %arg11: memref<16xi32, #tpu.memory_space<vmem>>, %arg12: memref<8192xf32, #tpu.memory_space<vmem>>, %arg13: memref<128xf32, #tpu.memory_space<vmem>>, %arg14: memref<8192xf32, #tpu.memory_space<vmem>>, %arg15: memref<1048832xf32, #tpu.memory_space<vmem_shared>>, %arg16: memref<!tpu.dma_semaphore, #tpu.memory_space<semaphore_mem>>) attributes {dimension_semantics = [#tpu.dimension_semantics<core_parallel>, #tpu.dimension_semantics<subcore_parallel>], iteration_bounds = array<i64: 2, 16>, scalar_prefetch = 0 : i64, scratch_operands = 7 : i64, tpu.core_type = #tpu.core_type<sc_vector_subcore>, window_params = [{transform_indices = #map}, {transform_indices = #map}, {transform_indices = #map}, {transform_indices = #map}, {transform_indices = #map1}, {transform_indices = #map1}, {transform_indices = #map2}, {transform_indices = #map2}]} {
    %broadcast_in_dim3A = arith.constant 0.000000e+00 : f32
    %broadcast_in_dim3A_0 = vector.broadcast %broadcast_in_dim3A : f32 to vector<16xf32>
    %broadcast_in_dim3A_1 = arith.constant 1.000000e+00 : f32
    %broadcast_in_dim3A_2 = vector.broadcast %broadcast_in_dim3A_1 : f32 to vector<16xf32>
    %scan3A = arith.constant 0 : i32
    %scan3A_3 = arith.constant 0 : i32
    %scan3A_4 = arith.constant 512 : i32
    %scan3A_5 = arith.addi %scan3A_3, %scan3A_4 : i32
    %scan3A_6 = arith.constant 1 : i32
    scf.for %scan3A_46 = %scan3A_3 to %scan3A_5 step %scan3A_6  : i32 {
      %mul3A = arith.constant 16 : i32
      %mul3A_47 = arith.muli %scan3A_46, %mul3A : i32
      %swap3A_48 = arith.index_cast %mul3A_47 : i32 to index
      %swap3A_49 = tpu.vector_load %arg12[%swap3A_48] {strides = array<i32>} : memref<8192xf32, #tpu.memory_space<vmem>>, vector<16xf32>,
      %swap3A_50 = vector.shape_cast %swap3A_49 : vector<16xf32> to vector<16xf32>
      %swap3A_51 = vector.shape_cast %broadcast_in_dim3A_0 : vector<16xf32> to vector<16xf32>
      tpu.vector_store %arg12[%swap3A_48], %swap3A_51 {strides = array<i32>} : memref<8192xf32, #tpu.memory_space<vmem>>, vector<16xf32>,
    }
    %scan3A_7 = arith.constant 512 : i32
    %swap3A = arith.constant 0 : index
    %swap3A_8 = tpu.vector_load %arg13[%swap3A] {strides = array<i32>} : memref<128xf32, #tpu.memory_space<vmem>>, vector<16xf32>,
    %swap3A_9 = vector.shape_cast %swap3A_8 : vector<16xf32> to vector<16xf32>
    %swap3A_10 = vector.shape_cast %broadcast_in_dim3A_2 : vector<16xf32> to vector<16xf32>
    tpu.vector_store %arg13[%swap3A], %swap3A_10 {strides = array<i32>} : memref<128xf32, #tpu.memory_space<vmem>>, vector<16xf32>,
    %swap3A_11 = arith.constant 16 : index
    %swap3A_12 = tpu.vector_load %arg13[%swap3A_11] {strides = array<i32>} : memref<128xf32, #tpu.memory_space<vmem>>, vector<16xf32>,
    %swap3A_13 = vector.shape_cast %swap3A_12 : vector<16xf32> to vector<16xf32>
    %swap3A_14 = vector.shape_cast %broadcast_in_dim3A_2 : vector<16xf32> to vector<16xf32>
    tpu.vector_store %arg13[%swap3A_11], %swap3A_14 {strides = array<i32>} : memref<128xf32, #tpu.memory_space<vmem>>, vector<16xf32>,
    %swap3A_15 = arith.constant 32 : index
    %swap3A_16 = tpu.vector_load %arg13[%swap3A_15] {strides = array<i32>} : memref<128xf32, #tpu.memory_space<vmem>>, vector<16xf32>,
    %swap3A_17 = vector.shape_cast %swap3A_16 : vector<16xf32> to vector<16xf32>
    %swap3A_18 = vector.shape_cast %broadcast_in_dim3A_2 : vector<16xf32> to vector<16xf32>
    tpu.vector_store %arg13[%swap3A_15], %swap3A_18 {strides = array<i32>} : memref<128xf32, #tpu.memory_space<vmem>>, vector<16xf32>,
    %swap3A_19 = arith.constant 48 : index
    %swap3A_20 = tpu.vector_load %arg13[%swap3A_19] {strides = array<i32>} : memref<128xf32, #tpu.memory_space<vmem>>, vector<16xf32>,
    %swap3A_21 = vector.shape_cast %swap3A_20 : vector<16xf32> to vector<16xf32>
    %swap3A_22 = vector.shape_cast %broadcast_in_dim3A_2 : vector<16xf32> to vector<16xf32>
    tpu.vector_store %arg13[%swap3A_19], %swap3A_22 {strides = array<i32>} : memref<128xf32, #tpu.memory_space<vmem>>, vector<16xf32>,
    %swap3A_23 = arith.constant 64 : index
    %swap3A_24 = tpu.vector_load %arg13[%swap3A_23] {strides = array<i32>} : memref<128xf32, #tpu.memory_space<vmem>>, vector<16xf32>,
    %swap3A_25 = vector.shape_cast %swap3A_24 : vector<16xf32> to vector<16xf32>
    %swap3A_26 = vector.shape_cast %broadcast_in_dim3A_2 : vector<16xf32> to vector<16xf32>
    tpu.vector_store %arg13[%swap3A_23], %swap3A_26 {strides = array<i32>} : memref<128xf32, #tpu.memory_space<vmem>>, vector<16xf32>,
    %swap3A_27 = arith.constant 80 : index
    %swap3A_28 = tpu.vector_load %arg13[%swap3A_27] {strides = array<i32>} : memref<128xf32, #tpu.memory_space<vmem>>, vector<16xf32>,
    %swap3A_29 = vector.shape_cast %swap3A_28 : vector<16xf32> to vector<16xf32>
    %swap3A_30 = vector.shape_cast %broadcast_in_dim3A_2 : vector<16xf32> to vector<16xf32>
    tpu.vector_store %arg13[%swap3A_27], %swap3A_30 {strides = array<i32>} : memref<128xf32, #tpu.memory_space<vmem>>, vector<16xf32>,
    %swap3A_31 = arith.constant 96 : index
    %swap3A_32 = tpu.vector_load %arg13[%swap3A_31] {strides = array<i32>} : memref<128xf32, #tpu.memory_space<vmem>>, vector<16xf32>,
    %swap3A_33 = vector.shape_cast %swap3A_32 : vector<16xf32> to vector<16xf32>
    %swap3A_34 = vector.shape_cast %broadcast_in_dim3A_2 : vector<16xf32> to vector<16xf32>
    tpu.vector_store %arg13[%swap3A_31], %swap3A_34 {strides = array<i32>} : memref<128xf32, #tpu.memory_space<vmem>>, vector<16xf32>,
    %swap3A_35 = arith.constant 112 : index
    %swap3A_36 = tpu.vector_load %arg13[%swap3A_35] {strides = array<i32>} : memref<128xf32, #tpu.memory_space<vmem>>, vector<16xf32>,
    %swap3A_37 = vector.shape_cast %swap3A_36 : vector<16xf32> to vector<16xf32>
    %swap3A_38 = vector.shape_cast %broadcast_in_dim3A_2 : vector<16xf32> to vector<16xf32>
    tpu.vector_store %arg13[%swap3A_35], %swap3A_38 {strides = array<i32>} : memref<128xf32, #tpu.memory_space<vmem>>, vector<16xf32>,
    %eq3A = arith.constant 0 : i32
    %eq3A_39 = arith.cmpi eq, %arg0, %eq3A : i32
    %convert_element_type3A = arith.extui %eq3A_39 : i1 to i32
    %cond3A = arith.constant 0 : i32
    %cond3A_40 = arith.cmpi ne, %convert_element_type3A, %cond3A : i32
    scf.if %cond3A_40 {
      %mul3A = arith.constant 65552 : i32
      %mul3A_46 = arith.muli %arg1, %mul3A : i32
      %scan3A_47 = arith.constant 0 : i32
      %scan3A_48 = arith.constant 0 : i32
      %scan3A_49 = arith.constant 8 : i32
      %scan3A_50 = arith.addi %scan3A_48, %scan3A_49 : i32
      %scan3A_51 = arith.constant 1 : i32
      scf.for %scan3A_181 = %scan3A_48 to %scan3A_50 step %scan3A_51  : i32 {
        %mul3A_182 = arith.constant 8192 : i32
        %mul3A_183 = arith.muli %scan3A_181, %mul3A_182 : i32
        %add3A_184 = arith.addi %mul3A_46, %mul3A_183 : i32
        "tpu.region"() ({
          %run_scoped3A = tpu.sem_alloc : memref<!tpu.dma_semaphore, #tpu.memory_space<semaphore_mem>>
          %dma_start3A = tpu.memref_slice %arg15[%add3A_184] : memref<1048832xf32, #tpu.memory_space<vmem_shared>> -> memref<8192xf32, #tpu.memory_space<vmem_shared>>
          %dma_start3A_185 = tpu.memref_slice %arg15[%add3A_184] : memref<1048832xf32, #tpu.memory_space<vmem_shared>> -> memref<8192xf32, #tpu.memory_space<vmem_shared>>
          tpu.enqueue_dma source(%arg12 : memref<8192xf32, #tpu.memory_space<vmem>>) target(%dma_start3A_185 : memref<8192xf32, #tpu.memory_space<vmem_shared>>) target_semaphore(%run_scoped3A : memref<!tpu.dma_semaphore, #tpu.memory_space<semaphore_mem>>)
          %dma_wait3A = tpu.memref_slice %arg15[%add3A_184] : memref<1048832xf32, #tpu.memory_space<vmem_shared>> -> memref<8192xf32, #tpu.memory_space<vmem_shared>>
          %dma_wait3A_186 = tpu.memref_slice %arg15[%add3A_184] : memref<1048832xf32, #tpu.memory_space<vmem_shared>> -> memref<8192xf32, #tpu.memory_space<vmem_shared>>
          tpu.wait_dma2 semaphore(%run_scoped3A : memref<!tpu.dma_semaphore, #tpu.memory_space<semaphore_mem>>) src(%arg12 : memref<8192xf32, #tpu.memory_space<vmem>>) dst(%dma_wait3A_186 : memref<8192xf32, #tpu.memory_space<vmem_shared>>)
          tpu.yield
        }) : () -> ()
      }
      %scan3A_52 = arith.constant 8 : i32
      %add3A = arith.constant 65536 : i32
      %add3A_53 = arith.addi %mul3A_46, %add3A : i32
      "tpu.region"() ({
        %run_scoped3A = tpu.sem_alloc : memref<!tpu.dma_semaphore, #tpu.memory_space<semaphore_mem>>
        %dma_start3A = arith.constant 0 : i32
        %dma_start3A_181 = tpu.memref_slice %arg12[%dma_start3A] : memref<8192xf32, #tpu.memory_space<vmem>> -> memref<16xf32, #tpu.memory_space<vmem>>
        %dma_start3A_182 = tpu.memref_slice %arg15[%add3A_53] : memref<1048832xf32, #tpu.memory_space<vmem_shared>> -> memref<16xf32, #tpu.memory_space<vmem_shared>>
        %dma_start3A_183 = tpu.memref_slice %arg15[%add3A_53] : memref<1048832xf32, #tpu.memory_space<vmem_shared>> -> memref<16xf32, #tpu.memory_space<vmem_shared>>
        %dma_start3A_184 = arith.constant 0 : i32
        %dma_start3A_185 = tpu.memref_slice %arg12[%dma_start3A_184] : memref<8192xf32, #tpu.memory_space<vmem>> -> memref<16xf32, #tpu.memory_space<vmem>>
        tpu.enqueue_dma source(%dma_start3A_185 : memref<16xf32, #tpu.memory_space<vmem>>) target(%dma_start3A_183 : memref<16xf32, #tpu.memory_space<vmem_shared>>) target_semaphore(%run_scoped3A : memref<!tpu.dma_semaphore, #tpu.memory_space<semaphore_mem>>)
        %dma_wait3A = arith.constant 0 : i32
        %dma_wait3A_186 = tpu.memref_slice %arg12[%dma_wait3A] : memref<8192xf32, #tpu.memory_space<vmem>> -> memref<16xf32, #tpu.memory_space<vmem>>
        %dma_wait3A_187 = tpu.memref_slice %arg15[%add3A_53] : memref<1048832xf32, #tpu.memory_space<vmem_shared>> -> memref<16xf32, #tpu.memory_space<vmem_shared>>
        %dma_wait3A_188 = tpu.memref_slice %arg15[%add3A_53] : memref<1048832xf32, #tpu.memory_space<vmem_shared>> -> memref<16xf32, #tpu.memory_space<vmem_shared>>
        %dma_wait3A_189 = arith.constant 0 : i32
        %dma_wait3A_190 = tpu.memref_slice %arg12[%dma_wait3A_189] : memref<8192xf32, #tpu.memory_space<vmem>> -> memref<16xf32, #tpu.memory_space<vmem>>
        tpu.wait_dma2 semaphore(%run_scoped3A : memref<!tpu.dma_semaphore, #tpu.memory_space<semaphore_mem>>) src(%dma_wait3A_190 : memref<16xf32, #tpu.memory_space<vmem>>) dst(%dma_wait3A_188 : memref<16xf32, #tpu.memory_space<vmem_shared>>)
        tpu.yield
      }) : () -> ()
      %barrier3A = arith.constant 0 : index
      tpu.barrier barrier_id(%barrier3A)
      %scan3A_54 = arith.constant 0 : i32
      %scan3A_55 = arith.constant 0 : i32
      %scan3A_56 = arith.constant 256 : i32
      %scan3A_57 = arith.addi %scan3A_55, %scan3A_56 : i32
      %scan3A_58 = arith.constant 1 : i32
      scf.for %scan3A_181 = %scan3A_55 to %scan3A_57 step %scan3A_58  : i32 {
        %mul3A_182 = arith.constant 16 : i32
        %mul3A_183 = arith.muli %scan3A_181, %mul3A_182 : i32
        "tpu.region"() ({
          %run_scoped3A = tpu.sem_alloc : memref<!tpu.dma_semaphore, #tpu.memory_space<semaphore_mem>>
          %dma_start3A = arith.constant 0 : i32
          %dma_start3A_409 = tpu.memref_slice %arg2[%arg1, %mul3A_183, %dma_start3A] : memref<16x4096x128xi32, #tpu.memory_space<hbm>> -> memref<1x16x128xi32, #tpu.memory_space<hbm>>
          %dma_start3A_410 = tpu.memref_squeeze %dma_start3A_409 : memref<1x16x128xi32, #tpu.memory_space<hbm>> -> memref<16x128xi32, #tpu.memory_space<hbm>>
          %dma_start3A_411 = arith.constant 0 : i32
          %dma_start3A_412 = tpu.memref_slice %arg2[%arg1, %mul3A_183, %dma_start3A_411] : memref<16x4096x128xi32, #tpu.memory_space<hbm>> -> memref<1x16x128xi32, #tpu.memory_space<hbm>>
          %dma_start3A_413 = tpu.memref_squeeze %dma_start3A_412 : memref<1x16x128xi32, #tpu.memory_space<hbm>> -> memref<16x128xi32, #tpu.memory_space<hbm>>
          tpu.enqueue_dma source(%dma_start3A_413 : memref<16x128xi32, #tpu.memory_space<hbm>>) target(%arg10 : memref<16x128xi32, #tpu.memory_space<vmem>>) target_semaphore(%run_scoped3A : memref<!tpu.dma_semaphore, #tpu.memory_space<semaphore_mem>>)
          %dma_wait3A = arith.constant 0 : i32
          %dma_wait3A_414 = tpu.memref_slice %arg2[%arg1, %mul3A_183, %dma_wait3A] : memref<16x4096x128xi32, #tpu.memory_space<hbm>> -> memref<1x16x128xi32, #tpu.memory_space<hbm>>
          %dma_wait3A_415 = tpu.memref_squeeze %dma_wait3A_414 : memref<1x16x128xi32, #tpu.memory_space<hbm>> -> memref<16x128xi32, #tpu.memory_space<hbm>>
          %dma_wait3A_416 = arith.constant 0 : i32
          %dma_wait3A_417 = tpu.memref_slice %arg2[%arg1, %mul3A_183, %dma_wait3A_416] : memref<16x4096x128xi32, #tpu.memory_space<hbm>> -> memref<1x16x128xi32, #tpu.memory_space<hbm>>
          %dma_wait3A_418 = tpu.memref_squeeze %dma_wait3A_417 : memref<1x16x128xi32, #tpu.memory_space<hbm>> -> memref<16x128xi32, #tpu.memory_space<hbm>>
          tpu.wait_dma2 semaphore(%run_scoped3A : memref<!tpu.dma_semaphore, #tpu.memory_space<semaphore_mem>>) src(%dma_wait3A_418 : memref<16x128xi32, #tpu.memory_space<hbm>>) dst(%arg10 : memref<16x128xi32, #tpu.memory_space<vmem>>)
          tpu.yield
        }) : () -> ()
        %mul3A_184 = arith.constant 16 : i32
        %mul3A_185 = arith.muli %scan3A_181, %mul3A_184 : i32
        "tpu.region"() ({
          %run_scoped3A = tpu.sem_alloc : memref<!tpu.dma_semaphore, #tpu.memory_space<semaphore_mem>>
          %dma_start3A = tpu.memref_slice %arg6[%arg1, %mul3A_185] : memref<16x4096xi32, #tpu.memory_space<hbm>> -> memref<1x16xi32, #tpu.memory_space<hbm>>
          %dma_start3A_409 = tpu.memref_squeeze %dma_start3A : memref<1x16xi32, #tpu.memory_space<hbm>> -> memref<16xi32, #tpu.memory_space<hbm>>
          %dma_start3A_410 = tpu.memref_slice %arg6[%arg1, %mul3A_185] : memref<16x4096xi32, #tpu.memory_space<hbm>> -> memref<1x16xi32, #tpu.memory_space<hbm>>
          %dma_start3A_411 = tpu.memref_squeeze %dma_start3A_410 : memref<1x16xi32, #tpu.memory_space<hbm>> -> memref<16xi32, #tpu.memory_space<hbm>>
          tpu.enqueue_dma source(%dma_start3A_411 : memref<16xi32, #tpu.memory_space<hbm>>) target(%arg11 : memref<16xi32, #tpu.memory_space<vmem>>) target_semaphore(%run_scoped3A : memref<!tpu.dma_semaphore, #tpu.memory_space<semaphore_mem>>)
          %dma_wait3A = tpu.memref_slice %arg6[%arg1, %mul3A_185] : memref<16x4096xi32, #tpu.memory_space<hbm>> -> memref<1x16xi32, #tpu.memory_space<hbm>>
          %dma_wait3A_412 = tpu.memref_squeeze %dma_wait3A : memref<1x16xi32, #tpu.memory_space<hbm>> -> memref<16xi32, #tpu.memory_space<hbm>>
          %dma_wait3A_413 = tpu.memref_slice %arg6[%arg1, %mul3A_185] : memref<16x4096xi32, #tpu.memory_space<hbm>> -> memref<1x16xi32, #tpu.memory_space<hbm>>
          %dma_wait3A_414 = tpu.memref_squeeze %dma_wait3A_413 : memref<1x16xi32, #tpu.memory_space<hbm>> -> memref<16xi32, #tpu.memory_space<hbm>>
          tpu.wait_dma2 semaphore(%run_scoped3A : memref<!tpu.dma_semaphore, #tpu.memory_space<semaphore_mem>>) src(%dma_wait3A_414 : memref<16xi32, #tpu.memory_space<hbm>>) dst(%arg11 : memref<16xi32, #tpu.memory_space<vmem>>)
          tpu.yield
        }) : () -> ()
        %get3A = arith.constant 0 : index
        %get3A_186 = tpu.vector_load %arg11[%get3A] {strides = array<i32>} : memref<16xi32, #tpu.memory_space<vmem>>, vector<16xi32>,
        %get3A_187 = vector.shape_cast %get3A_186 : vector<16xi32> to vector<16xi32>
        %slice3A = vector.extract_strided_slice %get3A_187 {offsets = [0], sizes = [1], strides = [1]} : vector<16xi32> to vector<1xi32>
        %squeeze3A = vector.extract %slice3A[0] : i32 from vector<1xi32>
        %ne3A = arith.constant 0 : i32
        %ne3A_188 = arith.cmpi ne, %squeeze3A, %ne3A : i32
        %convert_element_type3A_189 = arith.extui %ne3A_188 : i1 to i32
        %cond3A_190 = arith.constant 0 : i32
        %cond3A_191 = arith.cmpi ne, %convert_element_type3A_189, %cond3A_190 : i32
        scf.if %cond3A_191 {
          %dma_start3A = arith.constant 0 : i32
          %dma_start3A_409 = arith.constant 0 : i32
          %dma_start3A_410 = tpu.memref_slice %arg10[%dma_start3A, %dma_start3A_409] : memref<16x128xi32, #tpu.memory_space<vmem>> -> memref<1x128xi32, #tpu.memory_space<vmem>>
          %dma_start3A_411 = tpu.memref_squeeze %dma_start3A_410 : memref<1x128xi32, #tpu.memory_space<vmem>> -> memref<128xi32, #tpu.memory_space<vmem>>
          %dma_start3A_412 = arith.constant 0 : i32
          %dma_start3A_413 = tpu.memref_slice %arg15[%dma_start3A_412] : memref<1048832xf32, #tpu.memory_space<vmem_shared>> -> memref<1048832xf32, #tpu.memory_space<vmem_shared>>
          tpu.enqueue_indirect_dma source(%arg13 : memref<128xf32, #tpu.memory_space<vmem>>) target(%dma_start3A_413 : memref<1048832xf32, #tpu.memory_space<vmem_shared>>) offsets(%dma_start3A_411 : memref<128xi32, #tpu.memory_space<vmem>>) semaphore(%arg16 : memref<!tpu.dma_semaphore, #tpu.memory_space<semaphore_mem>>)
        } else {
        }
        %slice3A_192 = vector.extract_strided_slice %get3A_187 {offsets = [1], sizes = [1], strides = [1]} : vector<16xi32> to vector<1xi32>
        %squeeze3A_193 = vector.extract %slice3A_192[0] : i32 from vector<1xi32>
        %ne3A_194 = arith.constant 0 : i32
        %ne3A_195 = arith.cmpi ne, %squeeze3A_193, %ne3A_194 : i32
        %convert_element_type3A_196 = arith.extui %ne3A_195 : i1 to i32
        %cond3A_197 = arith.constant 0 : i32
        %cond3A_198 = arith.cmpi ne, %convert_element_type3A_196, %cond3A_197 : i32
        scf.if %cond3A_198 {
          %dma_start3A = arith.constant 1 : i32
          %dma_start3A_409 = arith.constant 0 : i32
          %dma_start3A_410 = tpu.memref_slice %arg10[%dma_start3A, %dma_start3A_409] : memref<16x128xi32, #tpu.memory_space<vmem>> -> memref<1x128xi32, #tpu.memory_space<vmem>>
          %dma_start3A_411 = tpu.memref_squeeze %dma_start3A_410 : memref<1x128xi32, #tpu.memory_space<vmem>> -> memref<128xi32, #tpu.memory_space<vmem>>
          %dma_start3A_412 = arith.constant 0 : i32
          %dma_start3A_413 = tpu.memref_slice %arg15[%dma_start3A_412] : memref<1048832xf32, #tpu.memory_space<vmem_shared>> -> memref<1048832xf32, #tpu.memory_space<vmem_shared>>
          tpu.enqueue_indirect_dma source(%arg13 : memref<128xf32, #tpu.memory_space<vmem>>) target(%dma_start3A_413 : memref<1048832xf32, #tpu.memory_space<vmem_shared>>) offsets(%dma_start3A_411 : memref<128xi32, #tpu.memory_space<vmem>>) semaphore(%arg16 : memref<!tpu.dma_semaphore, #tpu.memory_space<semaphore_mem>>)
        } else {
        }
        %slice3A_199 = vector.extract_strided_slice %get3A_187 {offsets = [2], sizes = [1], strides = [1]} : vector<16xi32> to vector<1xi32>
        %squeeze3A_200 = vector.extract %slice3A_199[0] : i32 from vector<1xi32>
        %ne3A_201 = arith.constant 0 : i32
        %ne3A_202 = arith.cmpi ne, %squeeze3A_200, %ne3A_201 : i32
        %convert_element_type3A_203 = arith.extui %ne3A_202 : i1 to i32
        %cond3A_204 = arith.constant 0 : i32
        %cond3A_205 = arith.cmpi ne, %convert_element_type3A_203, %cond3A_204 : i32
        scf.if %cond3A_205 {
          %dma_start3A = arith.constant 2 : i32
          %dma_start3A_409 = arith.constant 0 : i32
          %dma_start3A_410 = tpu.memref_slice %arg10[%dma_start3A, %dma_start3A_409] : memref<16x128xi32, #tpu.memory_space<vmem>> -> memref<1x128xi32, #tpu.memory_space<vmem>>
          %dma_start3A_411 = tpu.memref_squeeze %dma_start3A_410 : memref<1x128xi32, #tpu.memory_space<vmem>> -> memref<128xi32, #tpu.memory_space<vmem>>
          %dma_start3A_412 = arith.constant 0 : i32
          %dma_start3A_413 = tpu.memref_slice %arg15[%dma_start3A_412] : memref<1048832xf32, #tpu.memory_space<vmem_shared>> -> memref<1048832xf32, #tpu.memory_space<vmem_shared>>
          tpu.enqueue_indirect_dma source(%arg13 : memref<128xf32, #tpu.memory_space<vmem>>) target(%dma_start3A_413 : memref<1048832xf32, #tpu.memory_space<vmem_shared>>) offsets(%dma_start3A_411 : memref<128xi32, #tpu.memory_space<vmem>>) semaphore(%arg16 : memref<!tpu.dma_semaphore, #tpu.memory_space<semaphore_mem>>)
        } else {
        }
        %slice3A_206 = vector.extract_strided_slice %get3A_187 {offsets = [3], sizes = [1], strides = [1]} : vector<16xi32> to vector<1xi32>
        %squeeze3A_207 = vector.extract %slice3A_206[0] : i32 from vector<1xi32>
        %ne3A_208 = arith.constant 0 : i32
        %ne3A_209 = arith.cmpi ne, %squeeze3A_207, %ne3A_208 : i32
        %convert_element_type3A_210 = arith.extui %ne3A_209 : i1 to i32
        %cond3A_211 = arith.constant 0 : i32
        %cond3A_212 = arith.cmpi ne, %convert_element_type3A_210, %cond3A_211 : i32
        scf.if %cond3A_212 {
          %dma_start3A = arith.constant 3 : i32
          %dma_start3A_409 = arith.constant 0 : i32
          %dma_start3A_410 = tpu.memref_slice %arg10[%dma_start3A, %dma_start3A_409] : memref<16x128xi32, #tpu.memory_space<vmem>> -> memref<1x128xi32, #tpu.memory_space<vmem>>
          %dma_start3A_411 = tpu.memref_squeeze %dma_start3A_410 : memref<1x128xi32, #tpu.memory_space<vmem>> -> memref<128xi32, #tpu.memory_space<vmem>>
          %dma_start3A_412 = arith.constant 0 : i32
          %dma_start3A_413 = tpu.memref_slice %arg15[%dma_start3A_412] : memref<1048832xf32, #tpu.memory_space<vmem_shared>> -> memref<1048832xf32, #tpu.memory_space<vmem_shared>>
          tpu.enqueue_indirect_dma source(%arg13 : memref<128xf32, #tpu.memory_space<vmem>>) target(%dma_start3A_413 : memref<1048832xf32, #tpu.memory_space<vmem_shared>>) offsets(%dma_start3A_411 : memref<128xi32, #tpu.memory_space<vmem>>) semaphore(%arg16 : memref<!tpu.dma_semaphore, #tpu.memory_space<semaphore_mem>>)
        } else {
        }
        %slice3A_213 = vector.extract_strided_slice %get3A_187 {offsets = [4], sizes = [1], strides = [1]} : vector<16xi32> to vector<1xi32>
        %squeeze3A_214 = vector.extract %slice3A_213[0] : i32 from vector<1xi32>
        %ne3A_215 = arith.constant 0 : i32
        %ne3A_216 = arith.cmpi ne, %squeeze3A_214, %ne3A_215 : i32
        %convert_element_type3A_217 = arith.extui %ne3A_216 : i1 to i32
        %cond3A_218 = arith.constant 0 : i32
        %cond3A_219 = arith.cmpi ne, %convert_element_type3A_217, %cond3A_218 : i32
        scf.if %cond3A_219 {
          %dma_start3A = arith.constant 4 : i32
          %dma_start3A_409 = arith.constant 0 : i32
          %dma_start3A_410 = tpu.memref_slice %arg10[%dma_start3A, %dma_start3A_409] : memref<16x128xi32, #tpu.memory_space<vmem>> -> memref<1x128xi32, #tpu.memory_space<vmem>>
          %dma_start3A_411 = tpu.memref_squeeze %dma_start3A_410 : memref<1x128xi32, #tpu.memory_space<vmem>> -> memref<128xi32, #tpu.memory_space<vmem>>
          %dma_start3A_412 = arith.constant 0 : i32
          %dma_start3A_413 = tpu.memref_slice %arg15[%dma_start3A_412] : memref<1048832xf32, #tpu.memory_space<vmem_shared>> -> memref<1048832xf32, #tpu.memory_space<vmem_shared>>
          tpu.enqueue_indirect_dma source(%arg13 : memref<128xf32, #tpu.memory_space<vmem>>) target(%dma_start3A_413 : memref<1048832xf32, #tpu.memory_space<vmem_shared>>) offsets(%dma_start3A_411 : memref<128xi32, #tpu.memory_space<vmem>>) semaphore(%arg16 : memref<!tpu.dma_semaphore, #tpu.memory_space<semaphore_mem>>)
        } else {
        }
        %slice3A_220 = vector.extract_strided_slice %get3A_187 {offsets = [5], sizes = [1], strides = [1]} : vector<16xi32> to vector<1xi32>
        %squeeze3A_221 = vector.extract %slice3A_220[0] : i32 from vector<1xi32>
        %ne3A_222 = arith.constant 0 : i32
        %ne3A_223 = arith.cmpi ne, %squeeze3A_221, %ne3A_222 : i32
        %convert_element_type3A_224 = arith.extui %ne3A_223 : i1 to i32
        %cond3A_225 = arith.constant 0 : i32
        %cond3A_226 = arith.cmpi ne, %convert_element_type3A_224, %cond3A_225 : i32
        scf.if %cond3A_226 {
          %dma_start3A = arith.constant 5 : i32
          %dma_start3A_409 = arith.constant 0 : i32
          %dma_start3A_410 = tpu.memref_slice %arg10[%dma_start3A, %dma_start3A_409] : memref<16x128xi32, #tpu.memory_space<vmem>> -> memref<1x128xi32, #tpu.memory_space<vmem>>
          %dma_start3A_411 = tpu.memref_squeeze %dma_start3A_410 : memref<1x128xi32, #tpu.memory_space<vmem>> -> memref<128xi32, #tpu.memory_space<vmem>>
          %dma_start3A_412 = arith.constant 0 : i32
          %dma_start3A_413 = tpu.memref_slice %arg15[%dma_start3A_412] : memref<1048832xf32, #tpu.memory_space<vmem_shared>> -> memref<1048832xf32, #tpu.memory_space<vmem_shared>>
          tpu.enqueue_indirect_dma source(%arg13 : memref<128xf32, #tpu.memory_space<vmem>>) target(%dma_start3A_413 : memref<1048832xf32, #tpu.memory_space<vmem_shared>>) offsets(%dma_start3A_411 : memref<128xi32, #tpu.memory_space<vmem>>) semaphore(%arg16 : memref<!tpu.dma_semaphore, #tpu.memory_space<semaphore_mem>>)
        } else {
        }
        %slice3A_227 = vector.extract_strided_slice %get3A_187 {offsets = [6], sizes = [1], strides = [1]} : vector<16xi32> to vector<1xi32>
        %squeeze3A_228 = vector.extract %slice3A_227[0] : i32 from vector<1xi32>
        %ne3A_229 = arith.constant 0 : i32
        %ne3A_230 = arith.cmpi ne, %squeeze3A_228, %ne3A_229 : i32
        %convert_element_type3A_231 = arith.extui %ne3A_230 : i1 to i32
        %cond3A_232 = arith.constant 0 : i32
        %cond3A_233 = arith.cmpi ne, %convert_element_type3A_231, %cond3A_232 : i32
        scf.if %cond3A_233 {
          %dma_start3A = arith.constant 6 : i32
          %dma_start3A_409 = arith.constant 0 : i32
          %dma_start3A_410 = tpu.memref_slice %arg10[%dma_start3A, %dma_start3A_409] : memref<16x128xi32, #tpu.memory_space<vmem>> -> memref<1x128xi32, #tpu.memory_space<vmem>>
          %dma_start3A_411 = tpu.memref_squeeze %dma_start3A_410 : memref<1x128xi32, #tpu.memory_space<vmem>> -> memref<128xi32, #tpu.memory_space<vmem>>
          %dma_start3A_412 = arith.constant 0 : i32
          %dma_start3A_413 = tpu.memref_slice %arg15[%dma_start3A_412] : memref<1048832xf32, #tpu.memory_space<vmem_shared>> -> memref<1048832xf32, #tpu.memory_space<vmem_shared>>
          tpu.enqueue_indirect_dma source(%arg13 : memref<128xf32, #tpu.memory_space<vmem>>) target(%dma_start3A_413 : memref<1048832xf32, #tpu.memory_space<vmem_shared>>) offsets(%dma_start3A_411 : memref<128xi32, #tpu.memory_space<vmem>>) semaphore(%arg16 : memref<!tpu.dma_semaphore, #tpu.memory_space<semaphore_mem>>)
        } else {
        }
        %slice3A_234 = vector.extract_strided_slice %get3A_187 {offsets = [7], sizes = [1], strides = [1]} : vector<16xi32> to vector<1xi32>
        %squeeze3A_235 = vector.extract %slice3A_234[0] : i32 from vector<1xi32>
        %ne3A_236 = arith.constant 0 : i32
        %ne3A_237 = arith.cmpi ne, %squeeze3A_235, %ne3A_236 : i32
        %convert_element_type3A_238 = arith.extui %ne3A_237 : i1 to i32
        %cond3A_239 = arith.constant 0 : i32
        %cond3A_240 = arith.cmpi ne, %convert_element_type3A_238, %cond3A_239 : i32
        scf.if %cond3A_240 {
          %dma_start3A = arith.constant 7 : i32
          %dma_start3A_409 = arith.constant 0 : i32
          %dma_start3A_410 = tpu.memref_slice %arg10[%dma_start3A, %dma_start3A_409] : memref<16x128xi32, #tpu.memory_space<vmem>> -> memref<1x128xi32, #tpu.memory_space<vmem>>
          %dma_start3A_411 = tpu.memref_squeeze %dma_start3A_410 : memref<1x128xi32, #tpu.memory_space<vmem>> -> memref<128xi32, #tpu.memory_space<vmem>>
          %dma_start3A_412 = arith.constant 0 : i32
          %dma_start3A_413 = tpu.memref_slice %arg15[%dma_start3A_412] : memref<1048832xf32, #tpu.memory_space<vmem_shared>> -> memref<1048832xf32, #tpu.memory_space<vmem_shared>>
          tpu.enqueue_indirect_dma source(%arg13 : memref<128xf32, #tpu.memory_space<vmem>>) target(%dma_start3A_413 : memref<1048832xf32, #tpu.memory_space<vmem_shared>>) offsets(%dma_start3A_411 : memref<128xi32, #tpu.memory_space<vmem>>) semaphore(%arg16 : memref<!tpu.dma_semaphore, #tpu.memory_space<semaphore_mem>>)
        } else {
        }
        %slice3A_241 = vector.extract_strided_slice %get3A_187 {offsets = [8], sizes = [1], strides = [1]} : vector<16xi32> to vector<1xi32>
        %squeeze3A_242 = vector.extract %slice3A_241[0] : i32 from vector<1xi32>
        %ne3A_243 = arith.constant 0 : i32
        %ne3A_244 = arith.cmpi ne, %squeeze3A_242, %ne3A_243 : i32
        %convert_element_type3A_245 = arith.extui %ne3A_244 : i1 to i32
        %cond3A_246 = arith.constant 0 : i32
        %cond3A_247 = arith.cmpi ne, %convert_element_type3A_245, %cond3A_246 : i32
        scf.if %cond3A_247 {
          %dma_start3A = arith.constant 8 : i32
          %dma_start3A_409 = arith.constant 0 : i32
          %dma_start3A_410 = tpu.memref_slice %arg10[%dma_start3A, %dma_start3A_409] : memref<16x128xi32, #tpu.memory_space<vmem>> -> memref<1x128xi32, #tpu.memory_space<vmem>>
          %dma_start3A_411 = tpu.memref_squeeze %dma_start3A_410 : memref<1x128xi32, #tpu.memory_space<vmem>> -> memref<128xi32, #tpu.memory_space<vmem>>
          %dma_start3A_412 = arith.constant 0 : i32
          %dma_start3A_413 = tpu.memref_slice %arg15[%dma_start3A_412] : memref<1048832xf32, #tpu.memory_space<vmem_shared>> -> memref<1048832xf32, #tpu.memory_space<vmem_shared>>
          tpu.enqueue_indirect_dma source(%arg13 : memref<128xf32, #tpu.memory_space<vmem>>) target(%dma_start3A_413 : memref<1048832xf32, #tpu.memory_space<vmem_shared>>) offsets(%dma_start3A_411 : memref<128xi32, #tpu.memory_space<vmem>>) semaphore(%arg16 : memref<!tpu.dma_semaphore, #tpu.memory_space<semaphore_mem>>)
        } else {
        }
        %slice3A_248 = vector.extract_strided_slice %get3A_187 {offsets = [9], sizes = [1], strides = [1]} : vector<16xi32> to vector<1xi32>
        %squeeze3A_249 = vector.extract %slice3A_248[0] : i32 from vector<1xi32>
        %ne3A_250 = arith.constant 0 : i32
        %ne3A_251 = arith.cmpi ne, %squeeze3A_249, %ne3A_250 : i32
        %convert_element_type3A_252 = arith.extui %ne3A_251 : i1 to i32
        %cond3A_253 = arith.constant 0 : i32
        %cond3A_254 = arith.cmpi ne, %convert_element_type3A_252, %cond3A_253 : i32
        scf.if %cond3A_254 {
          %dma_start3A = arith.constant 9 : i32
          %dma_start3A_409 = arith.constant 0 : i32
          %dma_start3A_410 = tpu.memref_slice %arg10[%dma_start3A, %dma_start3A_409] : memref<16x128xi32, #tpu.memory_space<vmem>> -> memref<1x128xi32, #tpu.memory_space<vmem>>
          %dma_start3A_411 = tpu.memref_squeeze %dma_start3A_410 : memref<1x128xi32, #tpu.memory_space<vmem>> -> memref<128xi32, #tpu.memory_space<vmem>>
          %dma_start3A_412 = arith.constant 0 : i32
          %dma_start3A_413 = tpu.memref_slice %arg15[%dma_start3A_412] : memref<1048832xf32, #tpu.memory_space<vmem_shared>> -> memref<1048832xf32, #tpu.memory_space<vmem_shared>>
          tpu.enqueue_indirect_dma source(%arg13 : memref<128xf32, #tpu.memory_space<vmem>>) target(%dma_start3A_413 : memref<1048832xf32, #tpu.memory_space<vmem_shared>>) offsets(%dma_start3A_411 : memref<128xi32, #tpu.memory_space<vmem>>) semaphore(%arg16 : memref<!tpu.dma_semaphore, #tpu.memory_space<semaphore_mem>>)
        } else {
        }
        %slice3A_255 = vector.extract_strided_slice %get3A_187 {offsets = [10], sizes = [1], strides = [1]} : vector<16xi32> to vector<1xi32>
        %squeeze3A_256 = vector.extract %slice3A_255[0] : i32 from vector<1xi32>
        %ne3A_257 = arith.constant 0 : i32
        %ne3A_258 = arith.cmpi ne, %squeeze3A_256, %ne3A_257 : i32
        %convert_element_type3A_259 = arith.extui %ne3A_258 : i1 to i32
        %cond3A_260 = arith.constant 0 : i32
        %cond3A_261 = arith.cmpi ne, %convert_element_type3A_259, %cond3A_260 : i32
        scf.if %cond3A_261 {
          %dma_start3A = arith.constant 10 : i32
          %dma_start3A_409 = arith.constant 0 : i32
          %dma_start3A_410 = tpu.memref_slice %arg10[%dma_start3A, %dma_start3A_409] : memref<16x128xi32, #tpu.memory_space<vmem>> -> memref<1x128xi32, #tpu.memory_space<vmem>>
          %dma_start3A_411 = tpu.memref_squeeze %dma_start3A_410 : memref<1x128xi32, #tpu.memory_space<vmem>> -> memref<128xi32, #tpu.memory_space<vmem>>
          %dma_start3A_412 = arith.constant 0 : i32
          %dma_start3A_413 = tpu.memref_slice %arg15[%dma_start3A_412] : memref<1048832xf32, #tpu.memory_space<vmem_shared>> -> memref<1048832xf32, #tpu.memory_space<vmem_shared>>
          tpu.enqueue_indirect_dma source(%arg13 : memref<128xf32, #tpu.memory_space<vmem>>) target(%dma_start3A_413 : memref<1048832xf32, #tpu.memory_space<vmem_shared>>) offsets(%dma_start3A_411 : memref<128xi32, #tpu.memory_space<vmem>>) semaphore(%arg16 : memref<!tpu.dma_semaphore, #tpu.memory_space<semaphore_mem>>)
        } else {
        }
        %slice3A_262 = vector.extract_strided_slice %get3A_187 {offsets = [11], sizes = [1], strides = [1]} : vector<16xi32> to vector<1xi32>
        %squeeze3A_263 = vector.extract %slice3A_262[0] : i32 from vector<1xi32>
        %ne3A_264 = arith.constant 0 : i32
        %ne3A_265 = arith.cmpi ne, %squeeze3A_263, %ne3A_264 : i32
        %convert_element_type3A_266 = arith.extui %ne3A_265 : i1 to i32
        %cond3A_267 = arith.constant 0 : i32
        %cond3A_268 = arith.cmpi ne, %convert_element_type3A_266, %cond3A_267 : i32
        scf.if %cond3A_268 {
          %dma_start3A = arith.constant 11 : i32
          %dma_start3A_409 = arith.constant 0 : i32
          %dma_start3A_410 = tpu.memref_slice %arg10[%dma_start3A, %dma_start3A_409] : memref<16x128xi32, #tpu.memory_space<vmem>> -> memref<1x128xi32, #tpu.memory_space<vmem>>
          %dma_start3A_411 = tpu.memref_squeeze %dma_start3A_410 : memref<1x128xi32, #tpu.memory_space<vmem>> -> memref<128xi32, #tpu.memory_space<vmem>>
          %dma_start3A_412 = arith.constant 0 : i32
          %dma_start3A_413 = tpu.memref_slice %arg15[%dma_start3A_412] : memref<1048832xf32, #tpu.memory_space<vmem_shared>> -> memref<1048832xf32, #tpu.memory_space<vmem_shared>>
          tpu.enqueue_indirect_dma source(%arg13 : memref<128xf32, #tpu.memory_space<vmem>>) target(%dma_start3A_413 : memref<1048832xf32, #tpu.memory_space<vmem_shared>>) offsets(%dma_start3A_411 : memref<128xi32, #tpu.memory_space<vmem>>) semaphore(%arg16 : memref<!tpu.dma_semaphore, #tpu.memory_space<semaphore_mem>>)
        } else {
        }
        %slice3A_269 = vector.extract_strided_slice %get3A_187 {offsets = [12], sizes = [1], strides = [1]} : vector<16xi32> to vector<1xi32>
        %squeeze3A_270 = vector.extract %slice3A_269[0] : i32 from vector<1xi32>
        %ne3A_271 = arith.constant 0 : i32
        %ne3A_272 = arith.cmpi ne, %squeeze3A_270, %ne3A_271 : i32
        %convert_element_type3A_273 = arith.extui %ne3A_272 : i1 to i32
        %cond3A_274 = arith.constant 0 : i32
        %cond3A_275 = arith.cmpi ne, %convert_element_type3A_273, %cond3A_274 : i32
        scf.if %cond3A_275 {
          %dma_start3A = arith.constant 12 : i32
          %dma_start3A_409 = arith.constant 0 : i32
          %dma_start3A_410 = tpu.memref_slice %arg10[%dma_start3A, %dma_start3A_409] : memref<16x128xi32, #tpu.memory_space<vmem>> -> memref<1x128xi32, #tpu.memory_space<vmem>>
          %dma_start3A_411 = tpu.memref_squeeze %dma_start3A_410 : memref<1x128xi32, #tpu.memory_space<vmem>> -> memref<128xi32, #tpu.memory_space<vmem>>
          %dma_start3A_412 = arith.constant 0 : i32
          %dma_start3A_413 = tpu.memref_slice %arg15[%dma_start3A_412] : memref<1048832xf32, #tpu.memory_space<vmem_shared>> -> memref<1048832xf32, #tpu.memory_space<vmem_shared>>
          tpu.enqueue_indirect_dma source(%arg13 : memref<128xf32, #tpu.memory_space<vmem>>) target(%dma_start3A_413 : memref<1048832xf32, #tpu.memory_space<vmem_shared>>) offsets(%dma_start3A_411 : memref<128xi32, #tpu.memory_space<vmem>>) semaphore(%arg16 : memref<!tpu.dma_semaphore, #tpu.memory_space<semaphore_mem>>)
        } else {
        }
        %slice3A_276 = vector.extract_strided_slice %get3A_187 {offsets = [13], sizes = [1], strides = [1]} : vector<16xi32> to vector<1xi32>
        %squeeze3A_277 = vector.extract %slice3A_276[0] : i32 from vector<1xi32>
        %ne3A_278 = arith.constant 0 : i32
        %ne3A_279 = arith.cmpi ne, %squeeze3A_277, %ne3A_278 : i32
        %convert_element_type3A_280 = arith.extui %ne3A_279 : i1 to i32
        %cond3A_281 = arith.constant 0 : i32
        %cond3A_282 = arith.cmpi ne, %convert_element_type3A_280, %cond3A_281 : i32
        scf.if %cond3A_282 {
          %dma_start3A = arith.constant 13 : i32
          %dma_start3A_409 = arith.constant 0 : i32
          %dma_start3A_410 = tpu.memref_slice %arg10[%dma_start3A, %dma_start3A_409] : memref<16x128xi32, #tpu.memory_space<vmem>> -> memref<1x128xi32, #tpu.memory_space<vmem>>
          %dma_start3A_411 = tpu.memref_squeeze %dma_start3A_410 : memref<1x128xi32, #tpu.memory_space<vmem>> -> memref<128xi32, #tpu.memory_space<vmem>>
          %dma_start3A_412 = arith.constant 0 : i32
          %dma_start3A_413 = tpu.memref_slice %arg15[%dma_start3A_412] : memref<1048832xf32, #tpu.memory_space<vmem_shared>> -> memref<1048832xf32, #tpu.memory_space<vmem_shared>>
          tpu.enqueue_indirect_dma source(%arg13 : memref<128xf32, #tpu.memory_space<vmem>>) target(%dma_start3A_413 : memref<1048832xf32, #tpu.memory_space<vmem_shared>>) offsets(%dma_start3A_411 : memref<128xi32, #tpu.memory_space<vmem>>) semaphore(%arg16 : memref<!tpu.dma_semaphore, #tpu.memory_space<semaphore_mem>>)
        } else {
        }
        %slice3A_283 = vector.extract_strided_slice %get3A_187 {offsets = [14], sizes = [1], strides = [1]} : vector<16xi32> to vector<1xi32>
        %squeeze3A_284 = vector.extract %slice3A_283[0] : i32 from vector<1xi32>
        %ne3A_285 = arith.constant 0 : i32
        %ne3A_286 = arith.cmpi ne, %squeeze3A_284, %ne3A_285 : i32
        %convert_element_type3A_287 = arith.extui %ne3A_286 : i1 to i32
        %cond3A_288 = arith.constant 0 : i32
        %cond3A_289 = arith.cmpi ne, %convert_element_type3A_287, %cond3A_288 : i32
        scf.if %cond3A_289 {
          %dma_start3A = arith.constant 14 : i32
          %dma_start3A_409 = arith.constant 0 : i32
          %dma_start3A_410 = tpu.memref_slice %arg10[%dma_start3A, %dma_start3A_409] : memref<16x128xi32, #tpu.memory_space<vmem>> -> memref<1x128xi32, #tpu.memory_space<vmem>>
          %dma_start3A_411 = tpu.memref_squeeze %dma_start3A_410 : memref<1x128xi32, #tpu.memory_space<vmem>> -> memref<128xi32, #tpu.memory_space<vmem>>
          %dma_start3A_412 = arith.constant 0 : i32
          %dma_start3A_413 = tpu.memref_slice %arg15[%dma_start3A_412] : memref<1048832xf32, #tpu.memory_space<vmem_shared>> -> memref<1048832xf32, #tpu.memory_space<vmem_shared>>
          tpu.enqueue_indirect_dma source(%arg13 : memref<128xf32, #tpu.memory_space<vmem>>) target(%dma_start3A_413 : memref<1048832xf32, #tpu.memory_space<vmem_shared>>) offsets(%dma_start3A_411 : memref<128xi32, #tpu.memory_space<vmem>>) semaphore(%arg16 : memref<!tpu.dma_semaphore, #tpu.memory_space<semaphore_mem>>)
        } else {
        }
        %slice3A_290 = vector.extract_strided_slice %get3A_187 {offsets = [15], sizes = [1], strides = [1]} : vector<16xi32> to vector<1xi32>
        %squeeze3A_291 = vector.extract %slice3A_290[0] : i32 from vector<1xi32>
        %ne3A_292 = arith.constant 0 : i32
        %ne3A_293 = arith.cmpi ne, %squeeze3A_291, %ne3A_292 : i32
        %convert_element_type3A_294 = arith.extui %ne3A_293 : i1 to i32
        %cond3A_295 = arith.constant 0 : i32
        %cond3A_296 = arith.cmpi ne, %convert_element_type3A_294, %cond3A_295 : i32
        scf.if %cond3A_296 {
          %dma_start3A = arith.constant 15 : i32
          %dma_start3A_409 = arith.constant 0 : i32
          %dma_start3A_410 = tpu.memref_slice %arg10[%dma_start3A, %dma_start3A_409] : memref<16x128xi32, #tpu.memory_space<vmem>> -> memref<1x128xi32, #tpu.memory_space<vmem>>
          %dma_start3A_411 = tpu.memref_squeeze %dma_start3A_410 : memref<1x128xi32, #tpu.memory_space<vmem>> -> memref<128xi32, #tpu.memory_space<vmem>>
          %dma_start3A_412 = arith.constant 0 : i32
          %dma_start3A_413 = tpu.memref_slice %arg15[%dma_start3A_412] : memref<1048832xf32, #tpu.memory_space<vmem_shared>> -> memref<1048832xf32, #tpu.memory_space<vmem_shared>>
          tpu.enqueue_indirect_dma source(%arg13 : memref<128xf32, #tpu.memory_space<vmem>>) target(%dma_start3A_413 : memref<1048832xf32, #tpu.memory_space<vmem_shared>>) offsets(%dma_start3A_411 : memref<128xi32, #tpu.memory_space<vmem>>) semaphore(%arg16 : memref<!tpu.dma_semaphore, #tpu.memory_space<semaphore_mem>>)
        } else {
        }
        %slice3A_297 = vector.extract_strided_slice %get3A_187 {offsets = [0], sizes = [1], strides = [1]} : vector<16xi32> to vector<1xi32>
        %squeeze3A_298 = vector.extract %slice3A_297[0] : i32 from vector<1xi32>
        %ne3A_299 = arith.constant 0 : i32
        %ne3A_300 = arith.cmpi ne, %squeeze3A_298, %ne3A_299 : i32
        %convert_element_type3A_301 = arith.extui %ne3A_300 : i1 to i32
        %cond3A_302 = arith.constant 0 : i32
        %cond3A_303 = arith.cmpi ne, %convert_element_type3A_301, %cond3A_302 : i32
        scf.if %cond3A_303 {
          %dma_wait3A = arith.constant 0 : i32
          %dma_wait3A_409 = arith.constant 0 : i32
          %dma_wait3A_410 = tpu.memref_slice %arg10[%dma_wait3A, %dma_wait3A_409] : memref<16x128xi32, #tpu.memory_space<vmem>> -> memref<1x128xi32, #tpu.memory_space<vmem>>
          %dma_wait3A_411 = tpu.memref_squeeze %dma_wait3A_410 : memref<1x128xi32, #tpu.memory_space<vmem>> -> memref<128xi32, #tpu.memory_space<vmem>>
          %dma_wait3A_412 = arith.constant 0 : i32
          %dma_wait3A_413 = tpu.memref_slice %arg15[%dma_wait3A_412] : memref<1048832xf32, #tpu.memory_space<vmem_shared>> -> memref<1048832xf32, #tpu.memory_space<vmem_shared>>
          tpu.wait_indirect_dma semaphore(%arg16 : memref<!tpu.dma_semaphore, #tpu.memory_space<semaphore_mem>>) src(%arg13 : memref<128xf32, #tpu.memory_space<vmem>>) dst(%dma_wait3A_413 : memref<1048832xf32, #tpu.memory_space<vmem_shared>>)
        } else {
        }
        %slice3A_304 = vector.extract_strided_slice %get3A_187 {offsets = [1], sizes = [1], strides = [1]} : vector<16xi32> to vector<1xi32>
        %squeeze3A_305 = vector.extract %slice3A_304[0] : i32 from vector<1xi32>
        %ne3A_306 = arith.constant 0 : i32
        %ne3A_307 = arith.cmpi ne, %squeeze3A_305, %ne3A_306 : i32
        %convert_element_type3A_308 = arith.extui %ne3A_307 : i1 to i32
        %cond3A_309 = arith.constant 0 : i32
        %cond3A_310 = arith.cmpi ne, %convert_element_type3A_308, %cond3A_309 : i32
        scf.if %cond3A_310 {
          %dma_wait3A = arith.constant 1 : i32
          %dma_wait3A_409 = arith.constant 0 : i32
          %dma_wait3A_410 = tpu.memref_slice %arg10[%dma_wait3A, %dma_wait3A_409] : memref<16x128xi32, #tpu.memory_space<vmem>> -> memref<1x128xi32, #tpu.memory_space<vmem>>
          %dma_wait3A_411 = tpu.memref_squeeze %dma_wait3A_410 : memref<1x128xi32, #tpu.memory_space<vmem>> -> memref<128xi32, #tpu.memory_space<vmem>>
          %dma_wait3A_412 = arith.constant 0 : i32
          %dma_wait3A_413 = tpu.memref_slice %arg15[%dma_wait3A_412] : memref<1048832xf32, #tpu.memory_space<vmem_shared>> -> memref<1048832xf32, #tpu.memory_space<vmem_shared>>
          tpu.wait_indirect_dma semaphore(%arg16 : memref<!tpu.dma_semaphore, #tpu.memory_space<semaphore_mem>>) src(%arg13 : memref<128xf32, #tpu.memory_space<vmem>>) dst(%dma_wait3A_413 : memref<1048832xf32, #tpu.memory_space<vmem_shared>>)
        } else {
        }
        %slice3A_311 = vector.extract_strided_slice %get3A_187 {offsets = [2], sizes = [1], strides = [1]} : vector<16xi32> to vector<1xi32>
        %squeeze3A_312 = vector.extract %slice3A_311[0] : i32 from vector<1xi32>
        %ne3A_313 = arith.constant 0 : i32
        %ne3A_314 = arith.cmpi ne, %squeeze3A_312, %ne3A_313 : i32
        %convert_element_type3A_315 = arith.extui %ne3A_314 : i1 to i32
        %cond3A_316 = arith.constant 0 : i32
        %cond3A_317 = arith.cmpi ne, %convert_element_type3A_315, %cond3A_316 : i32
        scf.if %cond3A_317 {
          %dma_wait3A = arith.constant 2 : i32
          %dma_wait3A_409 = arith.constant 0 : i32
          %dma_wait3A_410 = tpu.memref_slice %arg10[%dma_wait3A, %dma_wait3A_409] : memref<16x128xi32, #tpu.memory_space<vmem>> -> memref<1x128xi32, #tpu.memory_space<vmem>>
          %dma_wait3A_411 = tpu.memref_squeeze %dma_wait3A_410 : memref<1x128xi32, #tpu.memory_space<vmem>> -> memref<128xi32, #tpu.memory_space<vmem>>
          %dma_wait3A_412 = arith.constant 0 : i32
          %dma_wait3A_413 = tpu.memref_slice %arg15[%dma_wait3A_412] : memref<1048832xf32, #tpu.memory_space<vmem_shared>> -> memref<1048832xf32, #tpu.memory_space<vmem_shared>>
          tpu.wait_indirect_dma semaphore(%arg16 : memref<!tpu.dma_semaphore, #tpu.memory_space<semaphore_mem>>) src(%arg13 : memref<128xf32, #tpu.memory_space<vmem>>) dst(%dma_wait3A_413 : memref<1048832xf32, #tpu.memory_space<vmem_shared>>)
        } else {
        }
        %slice3A_318 = vector.extract_strided_slice %get3A_187 {offsets = [3], sizes = [1], strides = [1]} : vector<16xi32> to vector<1xi32>
        %squeeze3A_319 = vector.extract %slice3A_318[0] : i32 from vector<1xi32>
        %ne3A_320 = arith.constant 0 : i32
        %ne3A_321 = arith.cmpi ne, %squeeze3A_319, %ne3A_320 : i32
        %convert_element_type3A_322 = arith.extui %ne3A_321 : i1 to i32
        %cond3A_323 = arith.constant 0 : i32
        %cond3A_324 = arith.cmpi ne, %convert_element_type3A_322, %cond3A_323 : i32
        scf.if %cond3A_324 {
          %dma_wait3A = arith.constant 3 : i32
          %dma_wait3A_409 = arith.constant 0 : i32
          %dma_wait3A_410 = tpu.memref_slice %arg10[%dma_wait3A, %dma_wait3A_409] : memref<16x128xi32, #tpu.memory_space<vmem>> -> memref<1x128xi32, #tpu.memory_space<vmem>>
          %dma_wait3A_411 = tpu.memref_squeeze %dma_wait3A_410 : memref<1x128xi32, #tpu.memory_space<vmem>> -> memref<128xi32, #tpu.memory_space<vmem>>
          %dma_wait3A_412 = arith.constant 0 : i32
          %dma_wait3A_413 = tpu.memref_slice %arg15[%dma_wait3A_412] : memref<1048832xf32, #tpu.memory_space<vmem_shared>> -> memref<1048832xf32, #tpu.memory_space<vmem_shared>>
          tpu.wait_indirect_dma semaphore(%arg16 : memref<!tpu.dma_semaphore, #tpu.memory_space<semaphore_mem>>) src(%arg13 : memref<128xf32, #tpu.memory_space<vmem>>) dst(%dma_wait3A_413 : memref<1048832xf32, #tpu.memory_space<vmem_shared>>)
        } else {
        }
        %slice3A_325 = vector.extract_strided_slice %get3A_187 {offsets = [4], sizes = [1], strides = [1]} : vector<16xi32> to vector<1xi32>
        %squeeze3A_326 = vector.extract %slice3A_325[0] : i32 from vector<1xi32>
        %ne3A_327 = arith.constant 0 : i32
        %ne3A_328 = arith.cmpi ne, %squeeze3A_326, %ne3A_327 : i32
        %convert_element_type3A_329 = arith.extui %ne3A_328 : i1 to i32
        %cond3A_330 = arith.constant 0 : i32
        %cond3A_331 = arith.cmpi ne, %convert_element_type3A_329, %cond3A_330 : i32
        scf.if %cond3A_331 {
          %dma_wait3A = arith.constant 4 : i32
          %dma_wait3A_409 = arith.constant 0 : i32
          %dma_wait3A_410 = tpu.memref_slice %arg10[%dma_wait3A, %dma_wait3A_409] : memref<16x128xi32, #tpu.memory_space<vmem>> -> memref<1x128xi32, #tpu.memory_space<vmem>>
          %dma_wait3A_411 = tpu.memref_squeeze %dma_wait3A_410 : memref<1x128xi32, #tpu.memory_space<vmem>> -> memref<128xi32, #tpu.memory_space<vmem>>
          %dma_wait3A_412 = arith.constant 0 : i32
          %dma_wait3A_413 = tpu.memref_slice %arg15[%dma_wait3A_412] : memref<1048832xf32, #tpu.memory_space<vmem_shared>> -> memref<1048832xf32, #tpu.memory_space<vmem_shared>>
          tpu.wait_indirect_dma semaphore(%arg16 : memref<!tpu.dma_semaphore, #tpu.memory_space<semaphore_mem>>) src(%arg13 : memref<128xf32, #tpu.memory_space<vmem>>) dst(%dma_wait3A_413 : memref<1048832xf32, #tpu.memory_space<vmem_shared>>)
        } else {
        }
        %slice3A_332 = vector.extract_strided_slice %get3A_187 {offsets = [5], sizes = [1], strides = [1]} : vector<16xi32> to vector<1xi32>
        %squeeze3A_333 = vector.extract %slice3A_332[0] : i32 from vector<1xi32>
        %ne3A_334 = arith.constant 0 : i32
        %ne3A_335 = arith.cmpi ne, %squeeze3A_333, %ne3A_334 : i32
        %convert_element_type3A_336 = arith.extui %ne3A_335 : i1 to i32
        %cond3A_337 = arith.constant 0 : i32
        %cond3A_338 = arith.cmpi ne, %convert_element_type3A_336, %cond3A_337 : i32
        scf.if %cond3A_338 {
          %dma_wait3A = arith.constant 5 : i32
          %dma_wait3A_409 = arith.constant 0 : i32
          %dma_wait3A_410 = tpu.memref_slice %arg10[%dma_wait3A, %dma_wait3A_409] : memref<16x128xi32, #tpu.memory_space<vmem>> -> memref<1x128xi32, #tpu.memory_space<vmem>>
          %dma_wait3A_411 = tpu.memref_squeeze %dma_wait3A_410 : memref<1x128xi32, #tpu.memory_space<vmem>> -> memref<128xi32, #tpu.memory_space<vmem>>
          %dma_wait3A_412 = arith.constant 0 : i32
          %dma_wait3A_413 = tpu.memref_slice %arg15[%dma_wait3A_412] : memref<1048832xf32, #tpu.memory_space<vmem_shared>> -> memref<1048832xf32, #tpu.memory_space<vmem_shared>>
          tpu.wait_indirect_dma semaphore(%arg16 : memref<!tpu.dma_semaphore, #tpu.memory_space<semaphore_mem>>) src(%arg13 : memref<128xf32, #tpu.memory_space<vmem>>) dst(%dma_wait3A_413 : memref<1048832xf32, #tpu.memory_space<vmem_shared>>)
        } else {
        }
        %slice3A_339 = vector.extract_strided_slice %get3A_187 {offsets = [6], sizes = [1], strides = [1]} : vector<16xi32> to vector<1xi32>
        %squeeze3A_340 = vector.extract %slice3A_339[0] : i32 from vector<1xi32>
        %ne3A_341 = arith.constant 0 : i32
        %ne3A_342 = arith.cmpi ne, %squeeze3A_340, %ne3A_341 : i32
        %convert_element_type3A_343 = arith.extui %ne3A_342 : i1 to i32
        %cond3A_344 = arith.constant 0 : i32
        %cond3A_345 = arith.cmpi ne, %convert_element_type3A_343, %cond3A_344 : i32
        scf.if %cond3A_345 {
          %dma_wait3A = arith.constant 6 : i32
          %dma_wait3A_409 = arith.constant 0 : i32
          %dma_wait3A_410 = tpu.memref_slice %arg10[%dma_wait3A, %dma_wait3A_409] : memref<16x128xi32, #tpu.memory_space<vmem>> -> memref<1x128xi32, #tpu.memory_space<vmem>>
          %dma_wait3A_411 = tpu.memref_squeeze %dma_wait3A_410 : memref<1x128xi32, #tpu.memory_space<vmem>> -> memref<128xi32, #tpu.memory_space<vmem>>
          %dma_wait3A_412 = arith.constant 0 : i32
          %dma_wait3A_413 = tpu.memref_slice %arg15[%dma_wait3A_412] : memref<1048832xf32, #tpu.memory_space<vmem_shared>> -> memref<1048832xf32, #tpu.memory_space<vmem_shared>>
          tpu.wait_indirect_dma semaphore(%arg16 : memref<!tpu.dma_semaphore, #tpu.memory_space<semaphore_mem>>) src(%arg13 : memref<128xf32, #tpu.memory_space<vmem>>) dst(%dma_wait3A_413 : memref<1048832xf32, #tpu.memory_space<vmem_shared>>)
        } else {
        }
        %slice3A_346 = vector.extract_strided_slice %get3A_187 {offsets = [7], sizes = [1], strides = [1]} : vector<16xi32> to vector<1xi32>
        %squeeze3A_347 = vector.extract %slice3A_346[0] : i32 from vector<1xi32>
        %ne3A_348 = arith.constant 0 : i32
        %ne3A_349 = arith.cmpi ne, %squeeze3A_347, %ne3A_348 : i32
        %convert_element_type3A_350 = arith.extui %ne3A_349 : i1 to i32
        %cond3A_351 = arith.constant 0 : i32
        %cond3A_352 = arith.cmpi ne, %convert_element_type3A_350, %cond3A_351 : i32
        scf.if %cond3A_352 {
          %dma_wait3A = arith.constant 7 : i32
          %dma_wait3A_409 = arith.constant 0 : i32
          %dma_wait3A_410 = tpu.memref_slice %arg10[%dma_wait3A, %dma_wait3A_409] : memref<16x128xi32, #tpu.memory_space<vmem>> -> memref<1x128xi32, #tpu.memory_space<vmem>>
          %dma_wait3A_411 = tpu.memref_squeeze %dma_wait3A_410 : memref<1x128xi32, #tpu.memory_space<vmem>> -> memref<128xi32, #tpu.memory_space<vmem>>
          %dma_wait3A_412 = arith.constant 0 : i32
          %dma_wait3A_413 = tpu.memref_slice %arg15[%dma_wait3A_412] : memref<1048832xf32, #tpu.memory_space<vmem_shared>> -> memref<1048832xf32, #tpu.memory_space<vmem_shared>>
          tpu.wait_indirect_dma semaphore(%arg16 : memref<!tpu.dma_semaphore, #tpu.memory_space<semaphore_mem>>) src(%arg13 : memref<128xf32, #tpu.memory_space<vmem>>) dst(%dma_wait3A_413 : memref<1048832xf32, #tpu.memory_space<vmem_shared>>)
        } else {
        }
        %slice3A_353 = vector.extract_strided_slice %get3A_187 {offsets = [8], sizes = [1], strides = [1]} : vector<16xi32> to vector<1xi32>
        %squeeze3A_354 = vector.extract %slice3A_353[0] : i32 from vector<1xi32>
        %ne3A_355 = arith.constant 0 : i32
        %ne3A_356 = arith.cmpi ne, %squeeze3A_354, %ne3A_355 : i32
        %convert_element_type3A_357 = arith.extui %ne3A_356 : i1 to i32
        %cond3A_358 = arith.constant 0 : i32
        %cond3A_359 = arith.cmpi ne, %convert_element_type3A_357, %cond3A_358 : i32
        scf.if %cond3A_359 {
          %dma_wait3A = arith.constant 8 : i32
          %dma_wait3A_409 = arith.constant 0 : i32
          %dma_wait3A_410 = tpu.memref_slice %arg10[%dma_wait3A, %dma_wait3A_409] : memref<16x128xi32, #tpu.memory_space<vmem>> -> memref<1x128xi32, #tpu.memory_space<vmem>>
          %dma_wait3A_411 = tpu.memref_squeeze %dma_wait3A_410 : memref<1x128xi32, #tpu.memory_space<vmem>> -> memref<128xi32, #tpu.memory_space<vmem>>
          %dma_wait3A_412 = arith.constant 0 : i32
          %dma_wait3A_413 = tpu.memref_slice %arg15[%dma_wait3A_412] : memref<1048832xf32, #tpu.memory_space<vmem_shared>> -> memref<1048832xf32, #tpu.memory_space<vmem_shared>>
          tpu.wait_indirect_dma semaphore(%arg16 : memref<!tpu.dma_semaphore, #tpu.memory_space<semaphore_mem>>) src(%arg13 : memref<128xf32, #tpu.memory_space<vmem>>) dst(%dma_wait3A_413 : memref<1048832xf32, #tpu.memory_space<vmem_shared>>)
        } else {
        }
        %slice3A_360 = vector.extract_strided_slice %get3A_187 {offsets = [9], sizes = [1], strides = [1]} : vector<16xi32> to vector<1xi32>
        %squeeze3A_361 = vector.extract %slice3A_360[0] : i32 from vector<1xi32>
        %ne3A_362 = arith.constant 0 : i32
        %ne3A_363 = arith.cmpi ne, %squeeze3A_361, %ne3A_362 : i32
        %convert_element_type3A_364 = arith.extui %ne3A_363 : i1 to i32
        %cond3A_365 = arith.constant 0 : i32
        %cond3A_366 = arith.cmpi ne, %convert_element_type3A_364, %cond3A_365 : i32
        scf.if %cond3A_366 {
          %dma_wait3A = arith.constant 9 : i32
          %dma_wait3A_409 = arith.constant 0 : i32
          %dma_wait3A_410 = tpu.memref_slice %arg10[%dma_wait3A, %dma_wait3A_409] : memref<16x128xi32, #tpu.memory_space<vmem>> -> memref<1x128xi32, #tpu.memory_space<vmem>>
          %dma_wait3A_411 = tpu.memref_squeeze %dma_wait3A_410 : memref<1x128xi32, #tpu.memory_space<vmem>> -> memref<128xi32, #tpu.memory_space<vmem>>
          %dma_wait3A_412 = arith.constant 0 : i32
          %dma_wait3A_413 = tpu.memref_slice %arg15[%dma_wait3A_412] : memref<1048832xf32, #tpu.memory_space<vmem_shared>> -> memref<1048832xf32, #tpu.memory_space<vmem_shared>>
          tpu.wait_indirect_dma semaphore(%arg16 : memref<!tpu.dma_semaphore, #tpu.memory_space<semaphore_mem>>) src(%arg13 : memref<128xf32, #tpu.memory_space<vmem>>) dst(%dma_wait3A_413 : memref<1048832xf32, #tpu.memory_space<vmem_shared>>)
        } else {
        }
        %slice3A_367 = vector.extract_strided_slice %get3A_187 {offsets = [10], sizes = [1], strides = [1]} : vector<16xi32> to vector<1xi32>
        %squeeze3A_368 = vector.extract %slice3A_367[0] : i32 from vector<1xi32>
        %ne3A_369 = arith.constant 0 : i32
        %ne3A_370 = arith.cmpi ne, %squeeze3A_368, %ne3A_369 : i32
        %convert_element_type3A_371 = arith.extui %ne3A_370 : i1 to i32
        %cond3A_372 = arith.constant 0 : i32
        %cond3A_373 = arith.cmpi ne, %convert_element_type3A_371, %cond3A_372 : i32
        scf.if %cond3A_373 {
          %dma_wait3A = arith.constant 10 : i32
          %dma_wait3A_409 = arith.constant 0 : i32
          %dma_wait3A_410 = tpu.memref_slice %arg10[%dma_wait3A, %dma_wait3A_409] : memref<16x128xi32, #tpu.memory_space<vmem>> -> memref<1x128xi32, #tpu.memory_space<vmem>>
          %dma_wait3A_411 = tpu.memref_squeeze %dma_wait3A_410 : memref<1x128xi32, #tpu.memory_space<vmem>> -> memref<128xi32, #tpu.memory_space<vmem>>
          %dma_wait3A_412 = arith.constant 0 : i32
          %dma_wait3A_413 = tpu.memref_slice %arg15[%dma_wait3A_412] : memref<1048832xf32, #tpu.memory_space<vmem_shared>> -> memref<1048832xf32, #tpu.memory_space<vmem_shared>>
          tpu.wait_indirect_dma semaphore(%arg16 : memref<!tpu.dma_semaphore, #tpu.memory_space<semaphore_mem>>) src(%arg13 : memref<128xf32, #tpu.memory_space<vmem>>) dst(%dma_wait3A_413 : memref<1048832xf32, #tpu.memory_space<vmem_shared>>)
        } else {
        }
        %slice3A_374 = vector.extract_strided_slice %get3A_187 {offsets = [11], sizes = [1], strides = [1]} : vector<16xi32> to vector<1xi32>
        %squeeze3A_375 = vector.extract %slice3A_374[0] : i32 from vector<1xi32>
        %ne3A_376 = arith.constant 0 : i32
        %ne3A_377 = arith.cmpi ne, %squeeze3A_375, %ne3A_376 : i32
        %convert_element_type3A_378 = arith.extui %ne3A_377 : i1 to i32
        %cond3A_379 = arith.constant 0 : i32
        %cond3A_380 = arith.cmpi ne, %convert_element_type3A_378, %cond3A_379 : i32
        scf.if %cond3A_380 {
          %dma_wait3A = arith.constant 11 : i32
          %dma_wait3A_409 = arith.constant 0 : i32
          %dma_wait3A_410 = tpu.memref_slice %arg10[%dma_wait3A, %dma_wait3A_409] : memref<16x128xi32, #tpu.memory_space<vmem>> -> memref<1x128xi32, #tpu.memory_space<vmem>>
          %dma_wait3A_411 = tpu.memref_squeeze %dma_wait3A_410 : memref<1x128xi32, #tpu.memory_space<vmem>> -> memref<128xi32, #tpu.memory_space<vmem>>
          %dma_wait3A_412 = arith.constant 0 : i32
          %dma_wait3A_413 = tpu.memref_slice %arg15[%dma_wait3A_412] : memref<1048832xf32, #tpu.memory_space<vmem_shared>> -> memref<1048832xf32, #tpu.memory_space<vmem_shared>>
          tpu.wait_indirect_dma semaphore(%arg16 : memref<!tpu.dma_semaphore, #tpu.memory_space<semaphore_mem>>) src(%arg13 : memref<128xf32, #tpu.memory_space<vmem>>) dst(%dma_wait3A_413 : memref<1048832xf32, #tpu.memory_space<vmem_shared>>)
        } else {
        }
        %slice3A_381 = vector.extract_strided_slice %get3A_187 {offsets = [12], sizes = [1], strides = [1]} : vector<16xi32> to vector<1xi32>
        %squeeze3A_382 = vector.extract %slice3A_381[0] : i32 from vector<1xi32>
        %ne3A_383 = arith.constant 0 : i32
        %ne3A_384 = arith.cmpi ne, %squeeze3A_382, %ne3A_383 : i32
        %convert_element_type3A_385 = arith.extui %ne3A_384 : i1 to i32
        %cond3A_386 = arith.constant 0 : i32
        %cond3A_387 = arith.cmpi ne, %convert_element_type3A_385, %cond3A_386 : i32
        scf.if %cond3A_387 {
          %dma_wait3A = arith.constant 12 : i32
          %dma_wait3A_409 = arith.constant 0 : i32
          %dma_wait3A_410 = tpu.memref_slice %arg10[%dma_wait3A, %dma_wait3A_409] : memref<16x128xi32, #tpu.memory_space<vmem>> -> memref<1x128xi32, #tpu.memory_space<vmem>>
          %dma_wait3A_411 = tpu.memref_squeeze %dma_wait3A_410 : memref<1x128xi32, #tpu.memory_space<vmem>> -> memref<128xi32, #tpu.memory_space<vmem>>
          %dma_wait3A_412 = arith.constant 0 : i32
          %dma_wait3A_413 = tpu.memref_slice %arg15[%dma_wait3A_412] : memref<1048832xf32, #tpu.memory_space<vmem_shared>> -> memref<1048832xf32, #tpu.memory_space<vmem_shared>>
          tpu.wait_indirect_dma semaphore(%arg16 : memref<!tpu.dma_semaphore, #tpu.memory_space<semaphore_mem>>) src(%arg13 : memref<128xf32, #tpu.memory_space<vmem>>) dst(%dma_wait3A_413 : memref<1048832xf32, #tpu.memory_space<vmem_shared>>)
        } else {
        }
        %slice3A_388 = vector.extract_strided_slice %get3A_187 {offsets = [13], sizes = [1], strides = [1]} : vector<16xi32> to vector<1xi32>
        %squeeze3A_389 = vector.extract %slice3A_388[0] : i32 from vector<1xi32>
        %ne3A_390 = arith.constant 0 : i32
        %ne3A_391 = arith.cmpi ne, %squeeze3A_389, %ne3A_390 : i32
        %convert_element_type3A_392 = arith.extui %ne3A_391 : i1 to i32
        %cond3A_393 = arith.constant 0 : i32
        %cond3A_394 = arith.cmpi ne, %convert_element_type3A_392, %cond3A_393 : i32
        scf.if %cond3A_394 {
          %dma_wait3A = arith.constant 13 : i32
          %dma_wait3A_409 = arith.constant 0 : i32
          %dma_wait3A_410 = tpu.memref_slice %arg10[%dma_wait3A, %dma_wait3A_409] : memref<16x128xi32, #tpu.memory_space<vmem>> -> memref<1x128xi32, #tpu.memory_space<vmem>>
          %dma_wait3A_411 = tpu.memref_squeeze %dma_wait3A_410 : memref<1x128xi32, #tpu.memory_space<vmem>> -> memref<128xi32, #tpu.memory_space<vmem>>
          %dma_wait3A_412 = arith.constant 0 : i32
          %dma_wait3A_413 = tpu.memref_slice %arg15[%dma_wait3A_412] : memref<1048832xf32, #tpu.memory_space<vmem_shared>> -> memref<1048832xf32, #tpu.memory_space<vmem_shared>>
          tpu.wait_indirect_dma semaphore(%arg16 : memref<!tpu.dma_semaphore, #tpu.memory_space<semaphore_mem>>) src(%arg13 : memref<128xf32, #tpu.memory_space<vmem>>) dst(%dma_wait3A_413 : memref<1048832xf32, #tpu.memory_space<vmem_shared>>)
        } else {
        }
        %slice3A_395 = vector.extract_strided_slice %get3A_187 {offsets = [14], sizes = [1], strides = [1]} : vector<16xi32> to vector<1xi32>
        %squeeze3A_396 = vector.extract %slice3A_395[0] : i32 from vector<1xi32>
        %ne3A_397 = arith.constant 0 : i32
        %ne3A_398 = arith.cmpi ne, %squeeze3A_396, %ne3A_397 : i32
        %convert_element_type3A_399 = arith.extui %ne3A_398 : i1 to i32
        %cond3A_400 = arith.constant 0 : i32
        %cond3A_401 = arith.cmpi ne, %convert_element_type3A_399, %cond3A_400 : i32
        scf.if %cond3A_401 {
          %dma_wait3A = arith.constant 14 : i32
          %dma_wait3A_409 = arith.constant 0 : i32
          %dma_wait3A_410 = tpu.memref_slice %arg10[%dma_wait3A, %dma_wait3A_409] : memref<16x128xi32, #tpu.memory_space<vmem>> -> memref<1x128xi32, #tpu.memory_space<vmem>>
          %dma_wait3A_411 = tpu.memref_squeeze %dma_wait3A_410 : memref<1x128xi32, #tpu.memory_space<vmem>> -> memref<128xi32, #tpu.memory_space<vmem>>
          %dma_wait3A_412 = arith.constant 0 : i32
          %dma_wait3A_413 = tpu.memref_slice %arg15[%dma_wait3A_412] : memref<1048832xf32, #tpu.memory_space<vmem_shared>> -> memref<1048832xf32, #tpu.memory_space<vmem_shared>>
          tpu.wait_indirect_dma semaphore(%arg16 : memref<!tpu.dma_semaphore, #tpu.memory_space<semaphore_mem>>) src(%arg13 : memref<128xf32, #tpu.memory_space<vmem>>) dst(%dma_wait3A_413 : memref<1048832xf32, #tpu.memory_space<vmem_shared>>)
        } else {
        }
        %slice3A_402 = vector.extract_strided_slice %get3A_187 {offsets = [15], sizes = [1], strides = [1]} : vector<16xi32> to vector<1xi32>
        %squeeze3A_403 = vector.extract %slice3A_402[0] : i32 from vector<1xi32>
        %ne3A_404 = arith.constant 0 : i32
        %ne3A_405 = arith.cmpi ne, %squeeze3A_403, %ne3A_404 : i32
        %convert_element_type3A_406 = arith.extui %ne3A_405 : i1 to i32
        %cond3A_407 = arith.constant 0 : i32
        %cond3A_408 = arith.cmpi ne, %convert_element_type3A_406, %cond3A_407 : i32
        scf.if %cond3A_408 {
          %dma_wait3A = arith.constant 15 : i32
          %dma_wait3A_409 = arith.constant 0 : i32
          %dma_wait3A_410 = tpu.memref_slice %arg10[%dma_wait3A, %dma_wait3A_409] : memref<16x128xi32, #tpu.memory_space<vmem>> -> memref<1x128xi32, #tpu.memory_space<vmem>>
          %dma_wait3A_411 = tpu.memref_squeeze %dma_wait3A_410 : memref<1x128xi32, #tpu.memory_space<vmem>> -> memref<128xi32, #tpu.memory_space<vmem>>
          %dma_wait3A_412 = arith.constant 0 : i32
          %dma_wait3A_413 = tpu.memref_slice %arg15[%dma_wait3A_412] : memref<1048832xf32, #tpu.memory_space<vmem_shared>> -> memref<1048832xf32, #tpu.memory_space<vmem_shared>>
          tpu.wait_indirect_dma semaphore(%arg16 : memref<!tpu.dma_semaphore, #tpu.memory_space<semaphore_mem>>) src(%arg13 : memref<128xf32, #tpu.memory_space<vmem>>) dst(%dma_wait3A_413 : memref<1048832xf32, #tpu.memory_space<vmem_shared>>)
        } else {
        }
      }
      %scan3A_59 = arith.constant 256 : i32
      %barrier3A_60 = arith.constant 0 : index
      tpu.barrier barrier_id(%barrier3A_60)
      %mul3A_61 = arith.constant 65536 : i32
      %mul3A_62 = arith.muli %arg1, %mul3A_61 : i32
      %add3A_63 = arith.constant 0 : i32
      %add3A_64 = arith.addi %mul3A_62, %add3A_63 : i32
      "tpu.region"() ({
        %run_scoped3A = tpu.sem_alloc : memref<!tpu.dma_semaphore, #tpu.memory_space<semaphore_mem>>
        %dma_start3A = tpu.memref_slice %arg15[%add3A_64] : memref<1048832xf32, #tpu.memory_space<vmem_shared>> -> memref<8192xf32, #tpu.memory_space<vmem_shared>>
        %dma_start3A_181 = tpu.memref_slice %arg15[%add3A_64] : memref<1048832xf32, #tpu.memory_space<vmem_shared>> -> memref<8192xf32, #tpu.memory_space<vmem_shared>>
        tpu.enqueue_dma source(%dma_start3A_181 : memref<8192xf32, #tpu.memory_space<vmem_shared>>) target(%arg14 : memref<8192xf32, #tpu.memory_space<vmem>>) target_semaphore(%run_scoped3A : memref<!tpu.dma_semaphore, #tpu.memory_space<semaphore_mem>>)
        %dma_wait3A = tpu.memref_slice %arg15[%add3A_64] : memref<1048832xf32, #tpu.memory_space<vmem_shared>> -> memref<8192xf32, #tpu.memory_space<vmem_shared>>
        %dma_wait3A_182 = tpu.memref_slice %arg15[%add3A_64] : memref<1048832xf32, #tpu.memory_space<vmem_shared>> -> memref<8192xf32, #tpu.memory_space<vmem_shared>>
        tpu.wait_dma2 semaphore(%run_scoped3A : memref<!tpu.dma_semaphore, #tpu.memory_space<semaphore_mem>>) src(%dma_wait3A_182 : memref<8192xf32, #tpu.memory_space<vmem_shared>>) dst(%arg14 : memref<8192xf32, #tpu.memory_space<vmem>>)
        tpu.yield
      }) : () -> ()
      %add3A_65 = arith.constant 0 : i32
      %add3A_66 = arith.addi %add3A_65, %mul3A_62 : i32
      %add3A_67 = arith.constant 0 : i32
      %add3A_68 = arith.addi %add3A_66, %add3A_67 : i32
      "tpu.region"() ({
        %run_scoped3A = tpu.sem_alloc : memref<!tpu.dma_semaphore, #tpu.memory_space<semaphore_mem>>
        %dma_start3A = tpu.memref_slice %arg8[%add3A_68] : memref<2097152xf32, #tpu.memory_space<hbm>> -> memref<8192xf32, #tpu.memory_space<hbm>>
        %dma_start3A_181 = tpu.memref_slice %arg8[%add3A_68] : memref<2097152xf32, #tpu.memory_space<hbm>> -> memref<8192xf32, #tpu.memory_space<hbm>>
        tpu.enqueue_dma source(%arg14 : memref<8192xf32, #tpu.memory_space<vmem>>) target(%dma_start3A_181 : memref<8192xf32, #tpu.memory_space<hbm>>) target_semaphore(%run_scoped3A : memref<!tpu.dma_semaphore, #tpu.memory_space<semaphore_mem>>)
        %dma_wait3A = tpu.memref_slice %arg8[%add3A_68] : memref<2097152xf32, #tpu.memory_space<hbm>> -> memref<8192xf32, #tpu.memory_space<hbm>>
        %dma_wait3A_182 = tpu.memref_slice %arg8[%add3A_68] : memref<2097152xf32, #tpu.memory_space<hbm>> -> memref<8192xf32, #tpu.memory_space<hbm>>
        tpu.wait_dma2 semaphore(%run_scoped3A : memref<!tpu.dma_semaphore, #tpu.memory_space<semaphore_mem>>) src(%arg14 : memref<8192xf32, #tpu.memory_space<vmem>>) dst(%dma_wait3A_182 : memref<8192xf32, #tpu.memory_space<hbm>>)
        tpu.yield
      }) : () -> ()
      %add3A_69 = arith.constant 8192 : i32
      %add3A_70 = arith.addi %mul3A_62, %add3A_69 : i32
      "tpu.region"() ({
        %run_scoped3A = tpu.sem_alloc : memref<!tpu.dma_semaphore, #tpu.memory_space<semaphore_mem>>
        %dma_start3A = tpu.memref_slice %arg15[%add3A_70] : memref<1048832xf32, #tpu.memory_space<vmem_shared>> -> memref<8192xf32, #tpu.memory_space<vmem_shared>>
        %dma_start3A_181 = tpu.memref_slice %arg15[%add3A_70] : memref<1048832xf32, #tpu.memory_space<vmem_shared>> -> memref<8192xf32, #tpu.memory_space<vmem_shared>>
        tpu.enqueue_dma source(%dma_start3A_181 : memref<8192xf32, #tpu.memory_space<vmem_shared>>) target(%arg14 : memref<8192xf32, #tpu.memory_space<vmem>>) target_semaphore(%run_scoped3A : memref<!tpu.dma_semaphore, #tpu.memory_space<semaphore_mem>>)
        %dma_wait3A = tpu.memref_slice %arg15[%add3A_70] : memref<1048832xf32, #tpu.memory_space<vmem_shared>> -> memref<8192xf32, #tpu.memory_space<vmem_shared>>
        %dma_wait3A_182 = tpu.memref_slice %arg15[%add3A_70] : memref<1048832xf32, #tpu.memory_space<vmem_shared>> -> memref<8192xf32, #tpu.memory_space<vmem_shared>>
        tpu.wait_dma2 semaphore(%run_scoped3A : memref<!tpu.dma_semaphore, #tpu.memory_space<semaphore_mem>>) src(%dma_wait3A_182 : memref<8192xf32, #tpu.memory_space<vmem_shared>>) dst(%arg14 : memref<8192xf32, #tpu.memory_space<vmem>>)
        tpu.yield
      }) : () -> ()
      %add3A_71 = arith.constant 0 : i32
      %add3A_72 = arith.addi %add3A_71, %mul3A_62 : i32
      %add3A_73 = arith.constant 8192 : i32
      %add3A_74 = arith.addi %add3A_72, %add3A_73 : i32
      "tpu.region"() ({
        %run_scoped3A = tpu.sem_alloc : memref<!tpu.dma_semaphore, #tpu.memory_space<semaphore_mem>>
        %dma_start3A = tpu.memref_slice %arg8[%add3A_74] : memref<2097152xf32, #tpu.memory_space<hbm>> -> memref<8192xf32, #tpu.memory_space<hbm>>
        %dma_start3A_181 = tpu.memref_slice %arg8[%add3A_74] : memref<2097152xf32, #tpu.memory_space<hbm>> -> memref<8192xf32, #tpu.memory_space<hbm>>
        tpu.enqueue_dma source(%arg14 : memref<8192xf32, #tpu.memory_space<vmem>>) target(%dma_start3A_181 : memref<8192xf32, #tpu.memory_space<hbm>>) target_semaphore(%run_scoped3A : memref<!tpu.dma_semaphore, #tpu.memory_space<semaphore_mem>>)
        %dma_wait3A = tpu.memref_slice %arg8[%add3A_74] : memref<2097152xf32, #tpu.memory_space<hbm>> -> memref<8192xf32, #tpu.memory_space<hbm>>
        %dma_wait3A_182 = tpu.memref_slice %arg8[%add3A_74] : memref<2097152xf32, #tpu.memory_space<hbm>> -> memref<8192xf32, #tpu.memory_space<hbm>>
        tpu.wait_dma2 semaphore(%run_scoped3A : memref<!tpu.dma_semaphore, #tpu.memory_space<semaphore_mem>>) src(%arg14 : memref<8192xf32, #tpu.memory_space<vmem>>) dst(%dma_wait3A_182 : memref<8192xf32, #tpu.memory_space<hbm>>)
        tpu.yield
      }) : () -> ()
      %add3A_75 = arith.constant 16384 : i32
      %add3A_76 = arith.addi %mul3A_62, %add3A_75 : i32
      "tpu.region"() ({
        %run_scoped3A = tpu.sem_alloc : memref<!tpu.dma_semaphore, #tpu.memory_space<semaphore_mem>>
        %dma_start3A = tpu.memref_slice %arg15[%add3A_76] : memref<1048832xf32, #tpu.memory_space<vmem_shared>> -> memref<8192xf32, #tpu.memory_space<vmem_shared>>
        %dma_start3A_181 = tpu.memref_slice %arg15[%add3A_76] : memref<1048832xf32, #tpu.memory_space<vmem_shared>> -> memref<8192xf32, #tpu.memory_space<vmem_shared>>
        tpu.enqueue_dma source(%dma_start3A_181 : memref<8192xf32, #tpu.memory_space<vmem_shared>>) target(%arg14 : memref<8192xf32, #tpu.memory_space<vmem>>) target_semaphore(%run_scoped3A : memref<!tpu.dma_semaphore, #tpu.memory_space<semaphore_mem>>)
        %dma_wait3A = tpu.memref_slice %arg15[%add3A_76] : memref<1048832xf32, #tpu.memory_space<vmem_shared>> -> memref<8192xf32, #tpu.memory_space<vmem_shared>>
        %dma_wait3A_182 = tpu.memref_slice %arg15[%add3A_76] : memref<1048832xf32, #tpu.memory_space<vmem_shared>> -> memref<8192xf32, #tpu.memory_space<vmem_shared>>
        tpu.wait_dma2 semaphore(%run_scoped3A : memref<!tpu.dma_semaphore, #tpu.memory_space<semaphore_mem>>) src(%dma_wait3A_182 : memref<8192xf32, #tpu.memory_space<vmem_shared>>) dst(%arg14 : memref<8192xf32, #tpu.memory_space<vmem>>)
        tpu.yield
      }) : () -> ()
      %add3A_77 = arith.constant 0 : i32
      %add3A_78 = arith.addi %add3A_77, %mul3A_62 : i32
      %add3A_79 = arith.constant 16384 : i32
      %add3A_80 = arith.addi %add3A_78, %add3A_79 : i32
      "tpu.region"() ({
        %run_scoped3A = tpu.sem_alloc : memref<!tpu.dma_semaphore, #tpu.memory_space<semaphore_mem>>
        %dma_start3A = tpu.memref_slice %arg8[%add3A_80] : memref<2097152xf32, #tpu.memory_space<hbm>> -> memref<8192xf32, #tpu.memory_space<hbm>>
        %dma_start3A_181 = tpu.memref_slice %arg8[%add3A_80] : memref<2097152xf32, #tpu.memory_space<hbm>> -> memref<8192xf32, #tpu.memory_space<hbm>>
        tpu.enqueue_dma source(%arg14 : memref<8192xf32, #tpu.memory_space<vmem>>) target(%dma_start3A_181 : memref<8192xf32, #tpu.memory_space<hbm>>) target_semaphore(%run_scoped3A : memref<!tpu.dma_semaphore, #tpu.memory_space<semaphore_mem>>)
        %dma_wait3A = tpu.memref_slice %arg8[%add3A_80] : memref<2097152xf32, #tpu.memory_space<hbm>> -> memref<8192xf32, #tpu.memory_space<hbm>>
        %dma_wait3A_182 = tpu.memref_slice %arg8[%add3A_80] : memref<2097152xf32, #tpu.memory_space<hbm>> -> memref<8192xf32, #tpu.memory_space<hbm>>
        tpu.wait_dma2 semaphore(%run_scoped3A : memref<!tpu.dma_semaphore, #tpu.memory_space<semaphore_mem>>) src(%arg14 : memref<8192xf32, #tpu.memory_space<vmem>>) dst(%dma_wait3A_182 : memref<8192xf32, #tpu.memory_space<hbm>>)
        tpu.yield
      }) : () -> ()
      %add3A_81 = arith.constant 24576 : i32
      %add3A_82 = arith.addi %mul3A_62, %add3A_81 : i32
      "tpu.region"() ({
        %run_scoped3A = tpu.sem_alloc : memref<!tpu.dma_semaphore, #tpu.memory_space<semaphore_mem>>
        %dma_start3A = tpu.memref_slice %arg15[%add3A_82] : memref<1048832xf32, #tpu.memory_space<vmem_shared>> -> memref<8192xf32, #tpu.memory_space<vmem_shared>>
        %dma_start3A_181 = tpu.memref_slice %arg15[%add3A_82] : memref<1048832xf32, #tpu.memory_space<vmem_shared>> -> memref<8192xf32, #tpu.memory_space<vmem_shared>>
        tpu.enqueue_dma source(%dma_start3A_181 : memref<8192xf32, #tpu.memory_space<vmem_shared>>) target(%arg14 : memref<8192xf32, #tpu.memory_space<vmem>>) target_semaphore(%run_scoped3A : memref<!tpu.dma_semaphore, #tpu.memory_space<semaphore_mem>>)
        %dma_wait3A = tpu.memref_slice %arg15[%add3A_82] : memref<1048832xf32, #tpu.memory_space<vmem_shared>> -> memref<8192xf32, #tpu.memory_space<vmem_shared>>
        %dma_wait3A_182 = tpu.memref_slice %arg15[%add3A_82] : memref<1048832xf32, #tpu.memory_space<vmem_shared>> -> memref<8192xf32, #tpu.memory_space<vmem_shared>>
        tpu.wait_dma2 semaphore(%run_scoped3A : memref<!tpu.dma_semaphore, #tpu.memory_space<semaphore_mem>>) src(%dma_wait3A_182 : memref<8192xf32, #tpu.memory_space<vmem_shared>>) dst(%arg14 : memref<8192xf32, #tpu.memory_space<vmem>>)
        tpu.yield
      }) : () -> ()
      %add3A_83 = arith.constant 0 : i32
      %add3A_84 = arith.addi %add3A_83, %mul3A_62 : i32
      %add3A_85 = arith.constant 24576 : i32
      %add3A_86 = arith.addi %add3A_84, %add3A_85 : i32
      "tpu.region"() ({
        %run_scoped3A = tpu.sem_alloc : memref<!tpu.dma_semaphore, #tpu.memory_space<semaphore_mem>>
        %dma_start3A = tpu.memref_slice %arg8[%add3A_86] : memref<2097152xf32, #tpu.memory_space<hbm>> -> memref<8192xf32, #tpu.memory_space<hbm>>
        %dma_start3A_181 = tpu.memref_slice %arg8[%add3A_86] : memref<2097152xf32, #tpu.memory_space<hbm>> -> memref<8192xf32, #tpu.memory_space<hbm>>
        tpu.enqueue_dma source(%arg14 : memref<8192xf32, #tpu.memory_space<vmem>>) target(%dma_start3A_181 : memref<8192xf32, #tpu.memory_space<hbm>>) target_semaphore(%run_scoped3A : memref<!tpu.dma_semaphore, #tpu.memory_space<semaphore_mem>>)
        %dma_wait3A = tpu.memref_slice %arg8[%add3A_86] : memref<2097152xf32, #tpu.memory_space<hbm>> -> memref<8192xf32, #tpu.memory_space<hbm>>
        %dma_wait3A_182 = tpu.memref_slice %arg8[%add3A_86] : memref<2097152xf32, #tpu.memory_space<hbm>> -> memref<8192xf32, #tpu.memory_space<hbm>>
        tpu.wait_dma2 semaphore(%run_scoped3A : memref<!tpu.dma_semaphore, #tpu.memory_space<semaphore_mem>>) src(%arg14 : memref<8192xf32, #tpu.memory_space<vmem>>) dst(%dma_wait3A_182 : memref<8192xf32, #tpu.memory_space<hbm>>)
        tpu.yield
      }) : () -> ()
      %add3A_87 = arith.constant 32768 : i32
      %add3A_88 = arith.addi %mul3A_62, %add3A_87 : i32
      "tpu.region"() ({
        %run_scoped3A = tpu.sem_alloc : memref<!tpu.dma_semaphore, #tpu.memory_space<semaphore_mem>>
        %dma_start3A = tpu.memref_slice %arg15[%add3A_88] : memref<1048832xf32, #tpu.memory_space<vmem_shared>> -> memref<8192xf32, #tpu.memory_space<vmem_shared>>
        %dma_start3A_181 = tpu.memref_slice %arg15[%add3A_88] : memref<1048832xf32, #tpu.memory_space<vmem_shared>> -> memref<8192xf32, #tpu.memory_space<vmem_shared>>
        tpu.enqueue_dma source(%dma_start3A_181 : memref<8192xf32, #tpu.memory_space<vmem_shared>>) target(%arg14 : memref<8192xf32, #tpu.memory_space<vmem>>) target_semaphore(%run_scoped3A : memref<!tpu.dma_semaphore, #tpu.memory_space<semaphore_mem>>)
        %dma_wait3A = tpu.memref_slice %arg15[%add3A_88] : memref<1048832xf32, #tpu.memory_space<vmem_shared>> -> memref<8192xf32, #tpu.memory_space<vmem_shared>>
        %dma_wait3A_182 = tpu.memref_slice %arg15[%add3A_88] : memref<1048832xf32, #tpu.memory_space<vmem_shared>> -> memref<8192xf32, #tpu.memory_space<vmem_shared>>
        tpu.wait_dma2 semaphore(%run_scoped3A : memref<!tpu.dma_semaphore, #tpu.memory_space<semaphore_mem>>) src(%dma_wait3A_182 : memref<8192xf32, #tpu.memory_space<vmem_shared>>) dst(%arg14 : memref<8192xf32, #tpu.memory_space<vmem>>)
        tpu.yield
      }) : () -> ()
      %add3A_89 = arith.constant 0 : i32
      %add3A_90 = arith.addi %add3A_89, %mul3A_62 : i32
      %add3A_91 = arith.constant 32768 : i32
      %add3A_92 = arith.addi %add3A_90, %add3A_91 : i32
      "tpu.region"() ({
        %run_scoped3A = tpu.sem_alloc : memref<!tpu.dma_semaphore, #tpu.memory_space<semaphore_mem>>
        %dma_start3A = tpu.memref_slice %arg8[%add3A_92] : memref<2097152xf32, #tpu.memory_space<hbm>> -> memref<8192xf32, #tpu.memory_space<hbm>>
        %dma_start3A_181 = tpu.memref_slice %arg8[%add3A_92] : memref<2097152xf32, #tpu.memory_space<hbm>> -> memref<8192xf32, #tpu.memory_space<hbm>>
        tpu.enqueue_dma source(%arg14 : memref<8192xf32, #tpu.memory_space<vmem>>) target(%dma_start3A_181 : memref<8192xf32, #tpu.memory_space<hbm>>) target_semaphore(%run_scoped3A : memref<!tpu.dma_semaphore, #tpu.memory_space<semaphore_mem>>)
        %dma_wait3A = tpu.memref_slice %arg8[%add3A_92] : memref<2097152xf32, #tpu.memory_space<hbm>> -> memref<8192xf32, #tpu.memory_space<hbm>>
        %dma_wait3A_182 = tpu.memref_slice %arg8[%add3A_92] : memref<2097152xf32, #tpu.memory_space<hbm>> -> memref<8192xf32, #tpu.memory_space<hbm>>
        tpu.wait_dma2 semaphore(%run_scoped3A : memref<!tpu.dma_semaphore, #tpu.memory_space<semaphore_mem>>) src(%arg14 : memref<8192xf32, #tpu.memory_space<vmem>>) dst(%dma_wait3A_182 : memref<8192xf32, #tpu.memory_space<hbm>>)
        tpu.yield
      }) : () -> ()
      %add3A_93 = arith.constant 40960 : i32
      %add3A_94 = arith.addi %mul3A_62, %add3A_93 : i32
      "tpu.region"() ({
        %run_scoped3A = tpu.sem_alloc : memref<!tpu.dma_semaphore, #tpu.memory_space<semaphore_mem>>
        %dma_start3A = tpu.memref_slice %arg15[%add3A_94] : memref<1048832xf32, #tpu.memory_space<vmem_shared>> -> memref<8192xf32, #tpu.memory_space<vmem_shared>>
        %dma_start3A_181 = tpu.memref_slice %arg15[%add3A_94] : memref<1048832xf32, #tpu.memory_space<vmem_shared>> -> memref<8192xf32, #tpu.memory_space<vmem_shared>>
        tpu.enqueue_dma source(%dma_start3A_181 : memref<8192xf32, #tpu.memory_space<vmem_shared>>) target(%arg14 : memref<8192xf32, #tpu.memory_space<vmem>>) target_semaphore(%run_scoped3A : memref<!tpu.dma_semaphore, #tpu.memory_space<semaphore_mem>>)
        %dma_wait3A = tpu.memref_slice %arg15[%add3A_94] : memref<1048832xf32, #tpu.memory_space<vmem_shared>> -> memref<8192xf32, #tpu.memory_space<vmem_shared>>
        %dma_wait3A_182 = tpu.memref_slice %arg15[%add3A_94] : memref<1048832xf32, #tpu.memory_space<vmem_shared>> -> memref<8192xf32, #tpu.memory_space<vmem_shared>>
        tpu.wait_dma2 semaphore(%run_scoped3A : memref<!tpu.dma_semaphore, #tpu.memory_space<semaphore_mem>>) src(%dma_wait3A_182 : memref<8192xf32, #tpu.memory_space<vmem_shared>>) dst(%arg14 : memref<8192xf32, #tpu.memory_space<vmem>>)
        tpu.yield
      }) : () -> ()
      %add3A_95 = arith.constant 0 : i32
      %add3A_96 = arith.addi %add3A_95, %mul3A_62 : i32
      %add3A_97 = arith.constant 40960 : i32
      %add3A_98 = arith.addi %add3A_96, %add3A_97 : i32
      "tpu.region"() ({
        %run_scoped3A = tpu.sem_alloc : memref<!tpu.dma_semaphore, #tpu.memory_space<semaphore_mem>>
        %dma_start3A = tpu.memref_slice %arg8[%add3A_98] : memref<2097152xf32, #tpu.memory_space<hbm>> -> memref<8192xf32, #tpu.memory_space<hbm>>
        %dma_start3A_181 = tpu.memref_slice %arg8[%add3A_98] : memref<2097152xf32, #tpu.memory_space<hbm>> -> memref<8192xf32, #tpu.memory_space<hbm>>
        tpu.enqueue_dma source(%arg14 : memref<8192xf32, #tpu.memory_space<vmem>>) target(%dma_start3A_181 : memref<8192xf32, #tpu.memory_space<hbm>>) target_semaphore(%run_scoped3A : memref<!tpu.dma_semaphore, #tpu.memory_space<semaphore_mem>>)
        %dma_wait3A = tpu.memref_slice %arg8[%add3A_98] : memref<2097152xf32, #tpu.memory_space<hbm>> -> memref<8192xf32, #tpu.memory_space<hbm>>
        %dma_wait3A_182 = tpu.memref_slice %arg8[%add3A_98] : memref<2097152xf32, #tpu.memory_space<hbm>> -> memref<8192xf32, #tpu.memory_space<hbm>>
        tpu.wait_dma2 semaphore(%run_scoped3A : memref<!tpu.dma_semaphore, #tpu.memory_space<semaphore_mem>>) src(%arg14 : memref<8192xf32, #tpu.memory_space<vmem>>) dst(%dma_wait3A_182 : memref<8192xf32, #tpu.memory_space<hbm>>)
        tpu.yield
      }) : () -> ()
      %add3A_99 = arith.constant 49152 : i32
      %add3A_100 = arith.addi %mul3A_62, %add3A_99 : i32
      "tpu.region"() ({
        %run_scoped3A = tpu.sem_alloc : memref<!tpu.dma_semaphore, #tpu.memory_space<semaphore_mem>>
        %dma_start3A = tpu.memref_slice %arg15[%add3A_100] : memref<1048832xf32, #tpu.memory_space<vmem_shared>> -> memref<8192xf32, #tpu.memory_space<vmem_shared>>
        %dma_start3A_181 = tpu.memref_slice %arg15[%add3A_100] : memref<1048832xf32, #tpu.memory_space<vmem_shared>> -> memref<8192xf32, #tpu.memory_space<vmem_shared>>
        tpu.enqueue_dma source(%dma_start3A_181 : memref<8192xf32, #tpu.memory_space<vmem_shared>>) target(%arg14 : memref<8192xf32, #tpu.memory_space<vmem>>) target_semaphore(%run_scoped3A : memref<!tpu.dma_semaphore, #tpu.memory_space<semaphore_mem>>)
        %dma_wait3A = tpu.memref_slice %arg15[%add3A_100] : memref<1048832xf32, #tpu.memory_space<vmem_shared>> -> memref<8192xf32, #tpu.memory_space<vmem_shared>>
        %dma_wait3A_182 = tpu.memref_slice %arg15[%add3A_100] : memref<1048832xf32, #tpu.memory_space<vmem_shared>> -> memref<8192xf32, #tpu.memory_space<vmem_shared>>
        tpu.wait_dma2 semaphore(%run_scoped3A : memref<!tpu.dma_semaphore, #tpu.memory_space<semaphore_mem>>) src(%dma_wait3A_182 : memref<8192xf32, #tpu.memory_space<vmem_shared>>) dst(%arg14 : memref<8192xf32, #tpu.memory_space<vmem>>)
        tpu.yield
      }) : () -> ()
      %add3A_101 = arith.constant 0 : i32
      %add3A_102 = arith.addi %add3A_101, %mul3A_62 : i32
      %add3A_103 = arith.constant 49152 : i32
      %add3A_104 = arith.addi %add3A_102, %add3A_103 : i32
      "tpu.region"() ({
        %run_scoped3A = tpu.sem_alloc : memref<!tpu.dma_semaphore, #tpu.memory_space<semaphore_mem>>
        %dma_start3A = tpu.memref_slice %arg8[%add3A_104] : memref<2097152xf32, #tpu.memory_space<hbm>> -> memref<8192xf32, #tpu.memory_space<hbm>>
        %dma_start3A_181 = tpu.memref_slice %arg8[%add3A_104] : memref<2097152xf32, #tpu.memory_space<hbm>> -> memref<8192xf32, #tpu.memory_space<hbm>>
        tpu.enqueue_dma source(%arg14 : memref<8192xf32, #tpu.memory_space<vmem>>) target(%dma_start3A_181 : memref<8192xf32, #tpu.memory_space<hbm>>) target_semaphore(%run_scoped3A : memref<!tpu.dma_semaphore, #tpu.memory_space<semaphore_mem>>)
        %dma_wait3A = tpu.memref_slice %arg8[%add3A_104] : memref<2097152xf32, #tpu.memory_space<hbm>> -> memref<8192xf32, #tpu.memory_space<hbm>>
        %dma_wait3A_182 = tpu.memref_slice %arg8[%add3A_104] : memref<2097152xf32, #tpu.memory_space<hbm>> -> memref<8192xf32, #tpu.memory_space<hbm>>
        tpu.wait_dma2 semaphore(%run_scoped3A : memref<!tpu.dma_semaphore, #tpu.memory_space<semaphore_mem>>) src(%arg14 : memref<8192xf32, #tpu.memory_space<vmem>>) dst(%dma_wait3A_182 : memref<8192xf32, #tpu.memory_space<hbm>>)
        tpu.yield
      }) : () -> ()
      %add3A_105 = arith.constant 57344 : i32
      %add3A_106 = arith.addi %mul3A_62, %add3A_105 : i32
      "tpu.region"() ({
        %run_scoped3A = tpu.sem_alloc : memref<!tpu.dma_semaphore, #tpu.memory_space<semaphore_mem>>
        %dma_start3A = tpu.memref_slice %arg15[%add3A_106] : memref<1048832xf32, #tpu.memory_space<vmem_shared>> -> memref<8192xf32, #tpu.memory_space<vmem_shared>>
        %dma_start3A_181 = tpu.memref_slice %arg15[%add3A_106] : memref<1048832xf32, #tpu.memory_space<vmem_shared>> -> memref<8192xf32, #tpu.memory_space<vmem_shared>>
        tpu.enqueue_dma source(%dma_start3A_181 : memref<8192xf32, #tpu.memory_space<vmem_shared>>) target(%arg14 : memref<8192xf32, #tpu.memory_space<vmem>>) target_semaphore(%run_scoped3A : memref<!tpu.dma_semaphore, #tpu.memory_space<semaphore_mem>>)
        %dma_wait3A = tpu.memref_slice %arg15[%add3A_106] : memref<1048832xf32, #tpu.memory_space<vmem_shared>> -> memref<8192xf32, #tpu.memory_space<vmem_shared>>
        %dma_wait3A_182 = tpu.memref_slice %arg15[%add3A_106] : memref<1048832xf32, #tpu.memory_space<vmem_shared>> -> memref<8192xf32, #tpu.memory_space<vmem_shared>>
        tpu.wait_dma2 semaphore(%run_scoped3A : memref<!tpu.dma_semaphore, #tpu.memory_space<semaphore_mem>>) src(%dma_wait3A_182 : memref<8192xf32, #tpu.memory_space<vmem_shared>>) dst(%arg14 : memref<8192xf32, #tpu.memory_space<vmem>>)
        tpu.yield
      }) : () -> ()
      %add3A_107 = arith.constant 0 : i32
      %add3A_108 = arith.addi %add3A_107, %mul3A_62 : i32
      %add3A_109 = arith.constant 57344 : i32
      %add3A_110 = arith.addi %add3A_108, %add3A_109 : i32
      "tpu.region"() ({
        %run_scoped3A = tpu.sem_alloc : memref<!tpu.dma_semaphore, #tpu.memory_space<semaphore_mem>>
        %dma_start3A = tpu.memref_slice %arg8[%add3A_110] : memref<2097152xf32, #tpu.memory_space<hbm>> -> memref<8192xf32, #tpu.memory_space<hbm>>
        %dma_start3A_181 = tpu.memref_slice %arg8[%add3A_110] : memref<2097152xf32, #tpu.memory_space<hbm>> -> memref<8192xf32, #tpu.memory_space<hbm>>
        tpu.enqueue_dma source(%arg14 : memref<8192xf32, #tpu.memory_space<vmem>>) target(%dma_start3A_181 : memref<8192xf32, #tpu.memory_space<hbm>>) target_semaphore(%run_scoped3A : memref<!tpu.dma_semaphore, #tpu.memory_space<semaphore_mem>>)
        %dma_wait3A = tpu.memref_slice %arg8[%add3A_110] : memref<2097152xf32, #tpu.memory_space<hbm>> -> memref<8192xf32, #tpu.memory_space<hbm>>
        %dma_wait3A_182 = tpu.memref_slice %arg8[%add3A_110] : memref<2097152xf32, #tpu.memory_space<hbm>> -> memref<8192xf32, #tpu.memory_space<hbm>>
        tpu.wait_dma2 semaphore(%run_scoped3A : memref<!tpu.dma_semaphore, #tpu.memory_space<semaphore_mem>>) src(%arg14 : memref<8192xf32, #tpu.memory_space<vmem>>) dst(%dma_wait3A_182 : memref<8192xf32, #tpu.memory_space<hbm>>)
        tpu.yield
      }) : () -> ()
      %barrier3A_111 = arith.constant 0 : index
      tpu.barrier barrier_id(%barrier3A_111)
      %mul3A_112 = arith.constant 65552 : i32
      %mul3A_113 = arith.muli %arg1, %mul3A_112 : i32
      %scan3A_114 = arith.constant 0 : i32
      %scan3A_115 = arith.constant 0 : i32
      %scan3A_116 = arith.constant 8 : i32
      %scan3A_117 = arith.addi %scan3A_115, %scan3A_116 : i32
      %scan3A_118 = arith.constant 1 : i32
      scf.for %scan3A_181 = %scan3A_115 to %scan3A_117 step %scan3A_118  : i32 {
        %mul3A_182 = arith.constant 8192 : i32
        %mul3A_183 = arith.muli %scan3A_181, %mul3A_182 : i32
        %add3A_184 = arith.addi %mul3A_113, %mul3A_183 : i32
        "tpu.region"() ({
          %run_scoped3A = tpu.sem_alloc : memref<!tpu.dma_semaphore, #tpu.memory_space<semaphore_mem>>
          %dma_start3A = tpu.memref_slice %arg15[%add3A_184] : memref<1048832xf32, #tpu.memory_space<vmem_shared>> -> memref<8192xf32, #tpu.memory_space<vmem_shared>>
          %dma_start3A_185 = tpu.memref_slice %arg15[%add3A_184] : memref<1048832xf32, #tpu.memory_space<vmem_shared>> -> memref<8192xf32, #tpu.memory_space<vmem_shared>>
          tpu.enqueue_dma source(%arg12 : memref<8192xf32, #tpu.memory_space<vmem>>) target(%dma_start3A_185 : memref<8192xf32, #tpu.memory_space<vmem_shared>>) target_semaphore(%run_scoped3A : memref<!tpu.dma_semaphore, #tpu.memory_space<semaphore_mem>>)
          %dma_wait3A = tpu.memref_slice %arg15[%add3A_184] : memref<1048832xf32, #tpu.memory_space<vmem_shared>> -> memref<8192xf32, #tpu.memory_space<vmem_shared>>
          %dma_wait3A_186 = tpu.memref_slice %arg15[%add3A_184] : memref<1048832xf32, #tpu.memory_space<vmem_shared>> -> memref<8192xf32, #tpu.memory_space<vmem_shared>>
          tpu.wait_dma2 semaphore(%run_scoped3A : memref<!tpu.dma_semaphore, #tpu.memory_space<semaphore_mem>>) src(%arg12 : memref<8192xf32, #tpu.memory_space<vmem>>) dst(%dma_wait3A_186 : memref<8192xf32, #tpu.memory_space<vmem_shared>>)
          tpu.yield
        }) : () -> ()
      }
      %scan3A_119 = arith.constant 8 : i32
      %add3A_120 = arith.constant 65536 : i32
      %add3A_121 = arith.addi %mul3A_113, %add3A_120 : i32
      "tpu.region"() ({
        %run_scoped3A = tpu.sem_alloc : memref<!tpu.dma_semaphore, #tpu.memory_space<semaphore_mem>>
        %dma_start3A = arith.constant 0 : i32
        %dma_start3A_181 = tpu.memref_slice %arg12[%dma_start3A] : memref<8192xf32, #tpu.memory_space<vmem>> -> memref<16xf32, #tpu.memory_space<vmem>>
        %dma_start3A_182 = tpu.memref_slice %arg15[%add3A_121] : memref<1048832xf32, #tpu.memory_space<vmem_shared>> -> memref<16xf32, #tpu.memory_space<vmem_shared>>
        %dma_start3A_183 = tpu.memref_slice %arg15[%add3A_121] : memref<1048832xf32, #tpu.memory_space<vmem_shared>> -> memref<16xf32, #tpu.memory_space<vmem_shared>>
        %dma_start3A_184 = arith.constant 0 : i32
        %dma_start3A_185 = tpu.memref_slice %arg12[%dma_start3A_184] : memref<8192xf32, #tpu.memory_space<vmem>> -> memref<16xf32, #tpu.memory_space<vmem>>
        tpu.enqueue_dma source(%dma_start3A_185 : memref<16xf32, #tpu.memory_space<vmem>>) target(%dma_start3A_183 : memref<16xf32, #tpu.memory_space<vmem_shared>>) target_semaphore(%run_scoped3A : memref<!tpu.dma_semaphore, #tpu.memory_space<semaphore_mem>>)
        %dma_wait3A = arith.constant 0 : i32
        %dma_wait3A_186 = tpu.memref_slice %arg12[%dma_wait3A] : memref<8192xf32, #tpu.memory_space<vmem>> -> memref<16xf32, #tpu.memory_space<vmem>>
        %dma_wait3A_187 = tpu.memref_slice %arg15[%add3A_121] : memref<1048832xf32, #tpu.memory_space<vmem_shared>> -> memref<16xf32, #tpu.memory_space<vmem_shared>>
        %dma_wait3A_188 = tpu.memref_slice %arg15[%add3A_121] : memref<1048832xf32, #tpu.memory_space<vmem_shared>> -> memref<16xf32, #tpu.memory_space<vmem_shared>>
        %dma_wait3A_189 = arith.constant 0 : i32
        %dma_wait3A_190 = tpu.memref_slice %arg12[%dma_wait3A_189] : memref<8192xf32, #tpu.memory_space<vmem>> -> memref<16xf32, #tpu.memory_space<vmem>>
        tpu.wait_dma2 semaphore(%run_scoped3A : memref<!tpu.dma_semaphore, #tpu.memory_space<semaphore_mem>>) src(%dma_wait3A_190 : memref<16xf32, #tpu.memory_space<vmem>>) dst(%dma_wait3A_188 : memref<16xf32, #tpu.memory_space<vmem_shared>>)
        tpu.yield
      }) : () -> ()
      %barrier3A_122 = arith.constant 0 : index
      tpu.barrier barrier_id(%barrier3A_122)
      %scan3A_123 = arith.constant 0 : i32
      %scan3A_124 = arith.constant 0 : i32
      %scan3A_125 = arith.constant 256 : i32
      %scan3A_126 = arith.addi %scan3A_124, %scan3A_125 : i32
      %scan3A_127 = arith.constant 1 : i32
      scf.for %scan3A_181 = %scan3A_124 to %scan3A_126 step %scan3A_127  : i32 {
        %mul3A_182 = arith.constant 16 : i32
        %mul3A_183 = arith.muli %scan3A_181, %mul3A_182 : i32
        "tpu.region"() ({
          %run_scoped3A = tpu.sem_alloc : memref<!tpu.dma_semaphore, #tpu.memory_space<semaphore_mem>>
          %dma_start3A = arith.constant 0 : i32
          %dma_start3A_409 = tpu.memref_slice %arg3[%arg1, %mul3A_183, %dma_start3A] : memref<16x4096x128xi32, #tpu.memory_space<hbm>> -> memref<1x16x128xi32, #tpu.memory_space<hbm>>
          %dma_start3A_410 = tpu.memref_squeeze %dma_start3A_409 : memref<1x16x128xi32, #tpu.memory_space<hbm>> -> memref<16x128xi32, #tpu.memory_space<hbm>>
          %dma_start3A_411 = arith.constant 0 : i32
          %dma_start3A_412 = tpu.memref_slice %arg3[%arg1, %mul3A_183, %dma_start3A_411] : memref<16x4096x128xi32, #tpu.memory_space<hbm>> -> memref<1x16x128xi32, #tpu.memory_space<hbm>>
          %dma_start3A_413 = tpu.memref_squeeze %dma_start3A_412 : memref<1x16x128xi32, #tpu.memory_space<hbm>> -> memref<16x128xi32, #tpu.memory_space<hbm>>
          tpu.enqueue_dma source(%dma_start3A_413 : memref<16x128xi32, #tpu.memory_space<hbm>>) target(%arg10 : memref<16x128xi32, #tpu.memory_space<vmem>>) target_semaphore(%run_scoped3A : memref<!tpu.dma_semaphore, #tpu.memory_space<semaphore_mem>>)
          %dma_wait3A = arith.constant 0 : i32
          %dma_wait3A_414 = tpu.memref_slice %arg3[%arg1, %mul3A_183, %dma_wait3A] : memref<16x4096x128xi32, #tpu.memory_space<hbm>> -> memref<1x16x128xi32, #tpu.memory_space<hbm>>
          %dma_wait3A_415 = tpu.memref_squeeze %dma_wait3A_414 : memref<1x16x128xi32, #tpu.memory_space<hbm>> -> memref<16x128xi32, #tpu.memory_space<hbm>>
          %dma_wait3A_416 = arith.constant 0 : i32
          %dma_wait3A_417 = tpu.memref_slice %arg3[%arg1, %mul3A_183, %dma_wait3A_416] : memref<16x4096x128xi32, #tpu.memory_space<hbm>> -> memref<1x16x128xi32, #tpu.memory_space<hbm>>
          %dma_wait3A_418 = tpu.memref_squeeze %dma_wait3A_417 : memref<1x16x128xi32, #tpu.memory_space<hbm>> -> memref<16x128xi32, #tpu.memory_space<hbm>>
          tpu.wait_dma2 semaphore(%run_scoped3A : memref<!tpu.dma_semaphore, #tpu.memory_space<semaphore_mem>>) src(%dma_wait3A_418 : memref<16x128xi32, #tpu.memory_space<hbm>>) dst(%arg10 : memref<16x128xi32, #tpu.memory_space<vmem>>)
          tpu.yield
        }) : () -> ()
        %mul3A_184 = arith.constant 16 : i32
        %mul3A_185 = arith.muli %scan3A_181, %mul3A_184 : i32
        "tpu.region"() ({
          %run_scoped3A = tpu.sem_alloc : memref<!tpu.dma_semaphore, #tpu.memory_space<semaphore_mem>>
          %dma_start3A = tpu.memref_slice %arg6[%arg1, %mul3A_185] : memref<16x4096xi32, #tpu.memory_space<hbm>> -> memref<1x16xi32, #tpu.memory_space<hbm>>
          %dma_start3A_409 = tpu.memref_squeeze %dma_start3A : memref<1x16xi32, #tpu.memory_space<hbm>> -> memref<16xi32, #tpu.memory_space<hbm>>
          %dma_start3A_410 = tpu.memref_slice %arg6[%arg1, %mul3A_185] : memref<16x4096xi32, #tpu.memory_space<hbm>> -> memref<1x16xi32, #tpu.memory_space<hbm>>
          %dma_start3A_411 = tpu.memref_squeeze %dma_start3A_410 : memref<1x16xi32, #tpu.memory_space<hbm>> -> memref<16xi32, #tpu.memory_space<hbm>>
          tpu.enqueue_dma source(%dma_start3A_411 : memref<16xi32, #tpu.memory_space<hbm>>) target(%arg11 : memref<16xi32, #tpu.memory_space<vmem>>) target_semaphore(%run_scoped3A : memref<!tpu.dma_semaphore, #tpu.memory_space<semaphore_mem>>)
          %dma_wait3A = tpu.memref_slice %arg6[%arg1, %mul3A_185] : memref<16x4096xi32, #tpu.memory_space<hbm>> -> memref<1x16xi32, #tpu.memory_space<hbm>>
          %dma_wait3A_412 = tpu.memref_squeeze %dma_wait3A : memref<1x16xi32, #tpu.memory_space<hbm>> -> memref<16xi32, #tpu.memory_space<hbm>>
          %dma_wait3A_413 = tpu.memref_slice %arg6[%arg1, %mul3A_185] : memref<16x4096xi32, #tpu.memory_space<hbm>> -> memref<1x16xi32, #tpu.memory_space<hbm>>
          %dma_wait3A_414 = tpu.memref_squeeze %dma_wait3A_413 : memref<1x16xi32, #tpu.memory_space<hbm>> -> memref<16xi32, #tpu.memory_space<hbm>>
          tpu.wait_dma2 semaphore(%run_scoped3A : memref<!tpu.dma_semaphore, #tpu.memory_space<semaphore_mem>>) src(%dma_wait3A_414 : memref<16xi32, #tpu.memory_space<hbm>>) dst(%arg11 : memref<16xi32, #tpu.memory_space<vmem>>)
          tpu.yield
        }) : () -> ()
        %get3A = arith.constant 0 : index
        %get3A_186 = tpu.vector_load %arg11[%get3A] {strides = array<i32>} : memref<16xi32, #tpu.memory_space<vmem>>, vector<16xi32>,
        %get3A_187 = vector.shape_cast %get3A_186 : vector<16xi32> to vector<16xi32>
        %slice3A = vector.extract_strided_slice %get3A_187 {offsets = [0], sizes = [1], strides = [1]} : vector<16xi32> to vector<1xi32>
        %squeeze3A = vector.extract %slice3A[0] : i32 from vector<1xi32>
        %ne3A = arith.constant 0 : i32
        %ne3A_188 = arith.cmpi ne, %squeeze3A, %ne3A : i32
        %convert_element_type3A_189 = arith.extui %ne3A_188 : i1 to i32
        %cond3A_190 = arith.constant 0 : i32
        %cond3A_191 = arith.cmpi ne, %convert_element_type3A_189, %cond3A_190 : i32
        scf.if %cond3A_191 {
          %dma_start3A = arith.constant 0 : i32
          %dma_start3A_409 = arith.constant 0 : i32
          %dma_start3A_410 = tpu.memref_slice %arg10[%dma_start3A, %dma_start3A_409] : memref<16x128xi32, #tpu.memory_space<vmem>> -> memref<1x128xi32, #tpu.memory_space<vmem>>
          %dma_start3A_411 = tpu.memref_squeeze %dma_start3A_410 : memref<1x128xi32, #tpu.memory_space<vmem>> -> memref<128xi32, #tpu.memory_space<vmem>>
          %dma_start3A_412 = arith.constant 0 : i32
          %dma_start3A_413 = tpu.memref_slice %arg15[%dma_start3A_412] : memref<1048832xf32, #tpu.memory_space<vmem_shared>> -> memref<1048832xf32, #tpu.memory_space<vmem_shared>>
          tpu.enqueue_indirect_dma source(%arg13 : memref<128xf32, #tpu.memory_space<vmem>>) target(%dma_start3A_413 : memref<1048832xf32, #tpu.memory_space<vmem_shared>>) offsets(%dma_start3A_411 : memref<128xi32, #tpu.memory_space<vmem>>) semaphore(%arg16 : memref<!tpu.dma_semaphore, #tpu.memory_space<semaphore_mem>>)
        } else {
        }
        %slice3A_192 = vector.extract_strided_slice %get3A_187 {offsets = [1], sizes = [1], strides = [1]} : vector<16xi32> to vector<1xi32>
        %squeeze3A_193 = vector.extract %slice3A_192[0] : i32 from vector<1xi32>
        %ne3A_194 = arith.constant 0 : i32
        %ne3A_195 = arith.cmpi ne, %squeeze3A_193, %ne3A_194 : i32
        %convert_element_type3A_196 = arith.extui %ne3A_195 : i1 to i32
        %cond3A_197 = arith.constant 0 : i32
        %cond3A_198 = arith.cmpi ne, %convert_element_type3A_196, %cond3A_197 : i32
        scf.if %cond3A_198 {
          %dma_start3A = arith.constant 1 : i32
          %dma_start3A_409 = arith.constant 0 : i32
          %dma_start3A_410 = tpu.memref_slice %arg10[%dma_start3A, %dma_start3A_409] : memref<16x128xi32, #tpu.memory_space<vmem>> -> memref<1x128xi32, #tpu.memory_space<vmem>>
          %dma_start3A_411 = tpu.memref_squeeze %dma_start3A_410 : memref<1x128xi32, #tpu.memory_space<vmem>> -> memref<128xi32, #tpu.memory_space<vmem>>
          %dma_start3A_412 = arith.constant 0 : i32
          %dma_start3A_413 = tpu.memref_slice %arg15[%dma_start3A_412] : memref<1048832xf32, #tpu.memory_space<vmem_shared>> -> memref<1048832xf32, #tpu.memory_space<vmem_shared>>
          tpu.enqueue_indirect_dma source(%arg13 : memref<128xf32, #tpu.memory_space<vmem>>) target(%dma_start3A_413 : memref<1048832xf32, #tpu.memory_space<vmem_shared>>) offsets(%dma_start3A_411 : memref<128xi32, #tpu.memory_space<vmem>>) semaphore(%arg16 : memref<!tpu.dma_semaphore, #tpu.memory_space<semaphore_mem>>)
        } else {
        }
        %slice3A_199 = vector.extract_strided_slice %get3A_187 {offsets = [2], sizes = [1], strides = [1]} : vector<16xi32> to vector<1xi32>
        %squeeze3A_200 = vector.extract %slice3A_199[0] : i32 from vector<1xi32>
        %ne3A_201 = arith.constant 0 : i32
        %ne3A_202 = arith.cmpi ne, %squeeze3A_200, %ne3A_201 : i32
        %convert_element_type3A_203 = arith.extui %ne3A_202 : i1 to i32
        %cond3A_204 = arith.constant 0 : i32
        %cond3A_205 = arith.cmpi ne, %convert_element_type3A_203, %cond3A_204 : i32
        scf.if %cond3A_205 {
          %dma_start3A = arith.constant 2 : i32
          %dma_start3A_409 = arith.constant 0 : i32
          %dma_start3A_410 = tpu.memref_slice %arg10[%dma_start3A, %dma_start3A_409] : memref<16x128xi32, #tpu.memory_space<vmem>> -> memref<1x128xi32, #tpu.memory_space<vmem>>
          %dma_start3A_411 = tpu.memref_squeeze %dma_start3A_410 : memref<1x128xi32, #tpu.memory_space<vmem>> -> memref<128xi32, #tpu.memory_space<vmem>>
          %dma_start3A_412 = arith.constant 0 : i32
          %dma_start3A_413 = tpu.memref_slice %arg15[%dma_start3A_412] : memref<1048832xf32, #tpu.memory_space<vmem_shared>> -> memref<1048832xf32, #tpu.memory_space<vmem_shared>>
          tpu.enqueue_indirect_dma source(%arg13 : memref<128xf32, #tpu.memory_space<vmem>>) target(%dma_start3A_413 : memref<1048832xf32, #tpu.memory_space<vmem_shared>>) offsets(%dma_start3A_411 : memref<128xi32, #tpu.memory_space<vmem>>) semaphore(%arg16 : memref<!tpu.dma_semaphore, #tpu.memory_space<semaphore_mem>>)
        } else {
        }
        %slice3A_206 = vector.extract_strided_slice %get3A_187 {offsets = [3], sizes = [1], strides = [1]} : vector<16xi32> to vector<1xi32>
        %squeeze3A_207 = vector.extract %slice3A_206[0] : i32 from vector<1xi32>
        %ne3A_208 = arith.constant 0 : i32
        %ne3A_209 = arith.cmpi ne, %squeeze3A_207, %ne3A_208 : i32
        %convert_element_type3A_210 = arith.extui %ne3A_209 : i1 to i32
        %cond3A_211 = arith.constant 0 : i32
        %cond3A_212 = arith.cmpi ne, %convert_element_type3A_210, %cond3A_211 : i32
        scf.if %cond3A_212 {
          %dma_start3A = arith.constant 3 : i32
          %dma_start3A_409 = arith.constant 0 : i32
          %dma_start3A_410 = tpu.memref_slice %arg10[%dma_start3A, %dma_start3A_409] : memref<16x128xi32, #tpu.memory_space<vmem>> -> memref<1x128xi32, #tpu.memory_space<vmem>>
          %dma_start3A_411 = tpu.memref_squeeze %dma_start3A_410 : memref<1x128xi32, #tpu.memory_space<vmem>> -> memref<128xi32, #tpu.memory_space<vmem>>
          %dma_start3A_412 = arith.constant 0 : i32
          %dma_start3A_413 = tpu.memref_slice %arg15[%dma_start3A_412] : memref<1048832xf32, #tpu.memory_space<vmem_shared>> -> memref<1048832xf32, #tpu.memory_space<vmem_shared>>
          tpu.enqueue_indirect_dma source(%arg13 : memref<128xf32, #tpu.memory_space<vmem>>) target(%dma_start3A_413 : memref<1048832xf32, #tpu.memory_space<vmem_shared>>) offsets(%dma_start3A_411 : memref<128xi32, #tpu.memory_space<vmem>>) semaphore(%arg16 : memref<!tpu.dma_semaphore, #tpu.memory_space<semaphore_mem>>)
        } else {
        }
        %slice3A_213 = vector.extract_strided_slice %get3A_187 {offsets = [4], sizes = [1], strides = [1]} : vector<16xi32> to vector<1xi32>
        %squeeze3A_214 = vector.extract %slice3A_213[0] : i32 from vector<1xi32>
        %ne3A_215 = arith.constant 0 : i32
        %ne3A_216 = arith.cmpi ne, %squeeze3A_214, %ne3A_215 : i32
        %convert_element_type3A_217 = arith.extui %ne3A_216 : i1 to i32
        %cond3A_218 = arith.constant 0 : i32
        %cond3A_219 = arith.cmpi ne, %convert_element_type3A_217, %cond3A_218 : i32
        scf.if %cond3A_219 {
          %dma_start3A = arith.constant 4 : i32
          %dma_start3A_409 = arith.constant 0 : i32
          %dma_start3A_410 = tpu.memref_slice %arg10[%dma_start3A, %dma_start3A_409] : memref<16x128xi32, #tpu.memory_space<vmem>> -> memref<1x128xi32, #tpu.memory_space<vmem>>
          %dma_start3A_411 = tpu.memref_squeeze %dma_start3A_410 : memref<1x128xi32, #tpu.memory_space<vmem>> -> memref<128xi32, #tpu.memory_space<vmem>>
          %dma_start3A_412 = arith.constant 0 : i32
          %dma_start3A_413 = tpu.memref_slice %arg15[%dma_start3A_412] : memref<1048832xf32, #tpu.memory_space<vmem_shared>> -> memref<1048832xf32, #tpu.memory_space<vmem_shared>>
          tpu.enqueue_indirect_dma source(%arg13 : memref<128xf32, #tpu.memory_space<vmem>>) target(%dma_start3A_413 : memref<1048832xf32, #tpu.memory_space<vmem_shared>>) offsets(%dma_start3A_411 : memref<128xi32, #tpu.memory_space<vmem>>) semaphore(%arg16 : memref<!tpu.dma_semaphore, #tpu.memory_space<semaphore_mem>>)
        } else {
        }
        %slice3A_220 = vector.extract_strided_slice %get3A_187 {offsets = [5], sizes = [1], strides = [1]} : vector<16xi32> to vector<1xi32>
        %squeeze3A_221 = vector.extract %slice3A_220[0] : i32 from vector<1xi32>
        %ne3A_222 = arith.constant 0 : i32
        %ne3A_223 = arith.cmpi ne, %squeeze3A_221, %ne3A_222 : i32
        %convert_element_type3A_224 = arith.extui %ne3A_223 : i1 to i32
        %cond3A_225 = arith.constant 0 : i32
        %cond3A_226 = arith.cmpi ne, %convert_element_type3A_224, %cond3A_225 : i32
        scf.if %cond3A_226 {
          %dma_start3A = arith.constant 5 : i32
          %dma_start3A_409 = arith.constant 0 : i32
          %dma_start3A_410 = tpu.memref_slice %arg10[%dma_start3A, %dma_start3A_409] : memref<16x128xi32, #tpu.memory_space<vmem>> -> memref<1x128xi32, #tpu.memory_space<vmem>>
          %dma_start3A_411 = tpu.memref_squeeze %dma_start3A_410 : memref<1x128xi32, #tpu.memory_space<vmem>> -> memref<128xi32, #tpu.memory_space<vmem>>
          %dma_start3A_412 = arith.constant 0 : i32
          %dma_start3A_413 = tpu.memref_slice %arg15[%dma_start3A_412] : memref<1048832xf32, #tpu.memory_space<vmem_shared>> -> memref<1048832xf32, #tpu.memory_space<vmem_shared>>
          tpu.enqueue_indirect_dma source(%arg13 : memref<128xf32, #tpu.memory_space<vmem>>) target(%dma_start3A_413 : memref<1048832xf32, #tpu.memory_space<vmem_shared>>) offsets(%dma_start3A_411 : memref<128xi32, #tpu.memory_space<vmem>>) semaphore(%arg16 : memref<!tpu.dma_semaphore, #tpu.memory_space<semaphore_mem>>)
        } else {
        }
        %slice3A_227 = vector.extract_strided_slice %get3A_187 {offsets = [6], sizes = [1], strides = [1]} : vector<16xi32> to vector<1xi32>
        %squeeze3A_228 = vector.extract %slice3A_227[0] : i32 from vector<1xi32>
        %ne3A_229 = arith.constant 0 : i32
        %ne3A_230 = arith.cmpi ne, %squeeze3A_228, %ne3A_229 : i32
        %convert_element_type3A_231 = arith.extui %ne3A_230 : i1 to i32
        %cond3A_232 = arith.constant 0 : i32
        %cond3A_233 = arith.cmpi ne, %convert_element_type3A_231, %cond3A_232 : i32
        scf.if %cond3A_233 {
          %dma_start3A = arith.constant 6 : i32
          %dma_start3A_409 = arith.constant 0 : i32
          %dma_start3A_410 = tpu.memref_slice %arg10[%dma_start3A, %dma_start3A_409] : memref<16x128xi32, #tpu.memory_space<vmem>> -> memref<1x128xi32, #tpu.memory_space<vmem>>
          %dma_start3A_411 = tpu.memref_squeeze %dma_start3A_410 : memref<1x128xi32, #tpu.memory_space<vmem>> -> memref<128xi32, #tpu.memory_space<vmem>>
          %dma_start3A_412 = arith.constant 0 : i32
          %dma_start3A_413 = tpu.memref_slice %arg15[%dma_start3A_412] : memref<1048832xf32, #tpu.memory_space<vmem_shared>> -> memref<1048832xf32, #tpu.memory_space<vmem_shared>>
          tpu.enqueue_indirect_dma source(%arg13 : memref<128xf32, #tpu.memory_space<vmem>>) target(%dma_start3A_413 : memref<1048832xf32, #tpu.memory_space<vmem_shared>>) offsets(%dma_start3A_411 : memref<128xi32, #tpu.memory_space<vmem>>) semaphore(%arg16 : memref<!tpu.dma_semaphore, #tpu.memory_space<semaphore_mem>>)
        } else {
        }
        %slice3A_234 = vector.extract_strided_slice %get3A_187 {offsets = [7], sizes = [1], strides = [1]} : vector<16xi32> to vector<1xi32>
        %squeeze3A_235 = vector.extract %slice3A_234[0] : i32 from vector<1xi32>
        %ne3A_236 = arith.constant 0 : i32
        %ne3A_237 = arith.cmpi ne, %squeeze3A_235, %ne3A_236 : i32
        %convert_element_type3A_238 = arith.extui %ne3A_237 : i1 to i32
        %cond3A_239 = arith.constant 0 : i32
        %cond3A_240 = arith.cmpi ne, %convert_element_type3A_238, %cond3A_239 : i32
        scf.if %cond3A_240 {
          %dma_start3A = arith.constant 7 : i32
          %dma_start3A_409 = arith.constant 0 : i32
          %dma_start3A_410 = tpu.memref_slice %arg10[%dma_start3A, %dma_start3A_409] : memref<16x128xi32, #tpu.memory_space<vmem>> -> memref<1x128xi32, #tpu.memory_space<vmem>>
          %dma_start3A_411 = tpu.memref_squeeze %dma_start3A_410 : memref<1x128xi32, #tpu.memory_space<vmem>> -> memref<128xi32, #tpu.memory_space<vmem>>
          %dma_start3A_412 = arith.constant 0 : i32
          %dma_start3A_413 = tpu.memref_slice %arg15[%dma_start3A_412] : memref<1048832xf32, #tpu.memory_space<vmem_shared>> -> memref<1048832xf32, #tpu.memory_space<vmem_shared>>
          tpu.enqueue_indirect_dma source(%arg13 : memref<128xf32, #tpu.memory_space<vmem>>) target(%dma_start3A_413 : memref<1048832xf32, #tpu.memory_space<vmem_shared>>) offsets(%dma_start3A_411 : memref<128xi32, #tpu.memory_space<vmem>>) semaphore(%arg16 : memref<!tpu.dma_semaphore, #tpu.memory_space<semaphore_mem>>)
        } else {
        }
        %slice3A_241 = vector.extract_strided_slice %get3A_187 {offsets = [8], sizes = [1], strides = [1]} : vector<16xi32> to vector<1xi32>
        %squeeze3A_242 = vector.extract %slice3A_241[0] : i32 from vector<1xi32>
        %ne3A_243 = arith.constant 0 : i32
        %ne3A_244 = arith.cmpi ne, %squeeze3A_242, %ne3A_243 : i32
        %convert_element_type3A_245 = arith.extui %ne3A_244 : i1 to i32
        %cond3A_246 = arith.constant 0 : i32
        %cond3A_247 = arith.cmpi ne, %convert_element_type3A_245, %cond3A_246 : i32
        scf.if %cond3A_247 {
          %dma_start3A = arith.constant 8 : i32
          %dma_start3A_409 = arith.constant 0 : i32
          %dma_start3A_410 = tpu.memref_slice %arg10[%dma_start3A, %dma_start3A_409] : memref<16x128xi32, #tpu.memory_space<vmem>> -> memref<1x128xi32, #tpu.memory_space<vmem>>
          %dma_start3A_411 = tpu.memref_squeeze %dma_start3A_410 : memref<1x128xi32, #tpu.memory_space<vmem>> -> memref<128xi32, #tpu.memory_space<vmem>>
          %dma_start3A_412 = arith.constant 0 : i32
          %dma_start3A_413 = tpu.memref_slice %arg15[%dma_start3A_412] : memref<1048832xf32, #tpu.memory_space<vmem_shared>> -> memref<1048832xf32, #tpu.memory_space<vmem_shared>>
          tpu.enqueue_indirect_dma source(%arg13 : memref<128xf32, #tpu.memory_space<vmem>>) target(%dma_start3A_413 : memref<1048832xf32, #tpu.memory_space<vmem_shared>>) offsets(%dma_start3A_411 : memref<128xi32, #tpu.memory_space<vmem>>) semaphore(%arg16 : memref<!tpu.dma_semaphore, #tpu.memory_space<semaphore_mem>>)
        } else {
        }
        %slice3A_248 = vector.extract_strided_slice %get3A_187 {offsets = [9], sizes = [1], strides = [1]} : vector<16xi32> to vector<1xi32>
        %squeeze3A_249 = vector.extract %slice3A_248[0] : i32 from vector<1xi32>
        %ne3A_250 = arith.constant 0 : i32
        %ne3A_251 = arith.cmpi ne, %squeeze3A_249, %ne3A_250 : i32
        %convert_element_type3A_252 = arith.extui %ne3A_251 : i1 to i32
        %cond3A_253 = arith.constant 0 : i32
        %cond3A_254 = arith.cmpi ne, %convert_element_type3A_252, %cond3A_253 : i32
        scf.if %cond3A_254 {
          %dma_start3A = arith.constant 9 : i32
          %dma_start3A_409 = arith.constant 0 : i32
          %dma_start3A_410 = tpu.memref_slice %arg10[%dma_start3A, %dma_start3A_409] : memref<16x128xi32, #tpu.memory_space<vmem>> -> memref<1x128xi32, #tpu.memory_space<vmem>>
          %dma_start3A_411 = tpu.memref_squeeze %dma_start3A_410 : memref<1x128xi32, #tpu.memory_space<vmem>> -> memref<128xi32, #tpu.memory_space<vmem>>
          %dma_start3A_412 = arith.constant 0 : i32
          %dma_start3A_413 = tpu.memref_slice %arg15[%dma_start3A_412] : memref<1048832xf32, #tpu.memory_space<vmem_shared>> -> memref<1048832xf32, #tpu.memory_space<vmem_shared>>
          tpu.enqueue_indirect_dma source(%arg13 : memref<128xf32, #tpu.memory_space<vmem>>) target(%dma_start3A_413 : memref<1048832xf32, #tpu.memory_space<vmem_shared>>) offsets(%dma_start3A_411 : memref<128xi32, #tpu.memory_space<vmem>>) semaphore(%arg16 : memref<!tpu.dma_semaphore, #tpu.memory_space<semaphore_mem>>)
        } else {
        }
        %slice3A_255 = vector.extract_strided_slice %get3A_187 {offsets = [10], sizes = [1], strides = [1]} : vector<16xi32> to vector<1xi32>
        %squeeze3A_256 = vector.extract %slice3A_255[0] : i32 from vector<1xi32>
        %ne3A_257 = arith.constant 0 : i32
        %ne3A_258 = arith.cmpi ne, %squeeze3A_256, %ne3A_257 : i32
        %convert_element_type3A_259 = arith.extui %ne3A_258 : i1 to i32
        %cond3A_260 = arith.constant 0 : i32
        %cond3A_261 = arith.cmpi ne, %convert_element_type3A_259, %cond3A_260 : i32
        scf.if %cond3A_261 {
          %dma_start3A = arith.constant 10 : i32
          %dma_start3A_409 = arith.constant 0 : i32
          %dma_start3A_410 = tpu.memref_slice %arg10[%dma_start3A, %dma_start3A_409] : memref<16x128xi32, #tpu.memory_space<vmem>> -> memref<1x128xi32, #tpu.memory_space<vmem>>
          %dma_start3A_411 = tpu.memref_squeeze %dma_start3A_410 : memref<1x128xi32, #tpu.memory_space<vmem>> -> memref<128xi32, #tpu.memory_space<vmem>>
          %dma_start3A_412 = arith.constant 0 : i32
          %dma_start3A_413 = tpu.memref_slice %arg15[%dma_start3A_412] : memref<1048832xf32, #tpu.memory_space<vmem_shared>> -> memref<1048832xf32, #tpu.memory_space<vmem_shared>>
          tpu.enqueue_indirect_dma source(%arg13 : memref<128xf32, #tpu.memory_space<vmem>>) target(%dma_start3A_413 : memref<1048832xf32, #tpu.memory_space<vmem_shared>>) offsets(%dma_start3A_411 : memref<128xi32, #tpu.memory_space<vmem>>) semaphore(%arg16 : memref<!tpu.dma_semaphore, #tpu.memory_space<semaphore_mem>>)
        } else {
        }
        %slice3A_262 = vector.extract_strided_slice %get3A_187 {offsets = [11], sizes = [1], strides = [1]} : vector<16xi32> to vector<1xi32>
        %squeeze3A_263 = vector.extract %slice3A_262[0] : i32 from vector<1xi32>
        %ne3A_264 = arith.constant 0 : i32
        %ne3A_265 = arith.cmpi ne, %squeeze3A_263, %ne3A_264 : i32
        %convert_element_type3A_266 = arith.extui %ne3A_265 : i1 to i32
        %cond3A_267 = arith.constant 0 : i32
        %cond3A_268 = arith.cmpi ne, %convert_element_type3A_266, %cond3A_267 : i32
        scf.if %cond3A_268 {
          %dma_start3A = arith.constant 11 : i32
          %dma_start3A_409 = arith.constant 0 : i32
          %dma_start3A_410 = tpu.memref_slice %arg10[%dma_start3A, %dma_start3A_409] : memref<16x128xi32, #tpu.memory_space<vmem>> -> memref<1x128xi32, #tpu.memory_space<vmem>>
          %dma_start3A_411 = tpu.memref_squeeze %dma_start3A_410 : memref<1x128xi32, #tpu.memory_space<vmem>> -> memref<128xi32, #tpu.memory_space<vmem>>
          %dma_start3A_412 = arith.constant 0 : i32
          %dma_start3A_413 = tpu.memref_slice %arg15[%dma_start3A_412] : memref<1048832xf32, #tpu.memory_space<vmem_shared>> -> memref<1048832xf32, #tpu.memory_space<vmem_shared>>
          tpu.enqueue_indirect_dma source(%arg13 : memref<128xf32, #tpu.memory_space<vmem>>) target(%dma_start3A_413 : memref<1048832xf32, #tpu.memory_space<vmem_shared>>) offsets(%dma_start3A_411 : memref<128xi32, #tpu.memory_space<vmem>>) semaphore(%arg16 : memref<!tpu.dma_semaphore, #tpu.memory_space<semaphore_mem>>)
        } else {
        }
        %slice3A_269 = vector.extract_strided_slice %get3A_187 {offsets = [12], sizes = [1], strides = [1]} : vector<16xi32> to vector<1xi32>
        %squeeze3A_270 = vector.extract %slice3A_269[0] : i32 from vector<1xi32>
        %ne3A_271 = arith.constant 0 : i32
        %ne3A_272 = arith.cmpi ne, %squeeze3A_270, %ne3A_271 : i32
        %convert_element_type3A_273 = arith.extui %ne3A_272 : i1 to i32
        %cond3A_274 = arith.constant 0 : i32
        %cond3A_275 = arith.cmpi ne, %convert_element_type3A_273, %cond3A_274 : i32
        scf.if %cond3A_275 {
          %dma_start3A = arith.constant 12 : i32
          %dma_start3A_409 = arith.constant 0 : i32
          %dma_start3A_410 = tpu.memref_slice %arg10[%dma_start3A, %dma_start3A_409] : memref<16x128xi32, #tpu.memory_space<vmem>> -> memref<1x128xi32, #tpu.memory_space<vmem>>
          %dma_start3A_411 = tpu.memref_squeeze %dma_start3A_410 : memref<1x128xi32, #tpu.memory_space<vmem>> -> memref<128xi32, #tpu.memory_space<vmem>>
          %dma_start3A_412 = arith.constant 0 : i32
          %dma_start3A_413 = tpu.memref_slice %arg15[%dma_start3A_412] : memref<1048832xf32, #tpu.memory_space<vmem_shared>> -> memref<1048832xf32, #tpu.memory_space<vmem_shared>>
          tpu.enqueue_indirect_dma source(%arg13 : memref<128xf32, #tpu.memory_space<vmem>>) target(%dma_start3A_413 : memref<1048832xf32, #tpu.memory_space<vmem_shared>>) offsets(%dma_start3A_411 : memref<128xi32, #tpu.memory_space<vmem>>) semaphore(%arg16 : memref<!tpu.dma_semaphore, #tpu.memory_space<semaphore_mem>>)
        } else {
        }
        %slice3A_276 = vector.extract_strided_slice %get3A_187 {offsets = [13], sizes = [1], strides = [1]} : vector<16xi32> to vector<1xi32>
        %squeeze3A_277 = vector.extract %slice3A_276[0] : i32 from vector<1xi32>
        %ne3A_278 = arith.constant 0 : i32
        %ne3A_279 = arith.cmpi ne, %squeeze3A_277, %ne3A_278 : i32
        %convert_element_type3A_280 = arith.extui %ne3A_279 : i1 to i32
        %cond3A_281 = arith.constant 0 : i32
        %cond3A_282 = arith.cmpi ne, %convert_element_type3A_280, %cond3A_281 : i32
        scf.if %cond3A_282 {
          %dma_start3A = arith.constant 13 : i32
          %dma_start3A_409 = arith.constant 0 : i32
          %dma_start3A_410 = tpu.memref_slice %arg10[%dma_start3A, %dma_start3A_409] : memref<16x128xi32, #tpu.memory_space<vmem>> -> memref<1x128xi32, #tpu.memory_space<vmem>>
          %dma_start3A_411 = tpu.memref_squeeze %dma_start3A_410 : memref<1x128xi32, #tpu.memory_space<vmem>> -> memref<128xi32, #tpu.memory_space<vmem>>
          %dma_start3A_412 = arith.constant 0 : i32
          %dma_start3A_413 = tpu.memref_slice %arg15[%dma_start3A_412] : memref<1048832xf32, #tpu.memory_space<vmem_shared>> -> memref<1048832xf32, #tpu.memory_space<vmem_shared>>
          tpu.enqueue_indirect_dma source(%arg13 : memref<128xf32, #tpu.memory_space<vmem>>) target(%dma_start3A_413 : memref<1048832xf32, #tpu.memory_space<vmem_shared>>) offsets(%dma_start3A_411 : memref<128xi32, #tpu.memory_space<vmem>>) semaphore(%arg16 : memref<!tpu.dma_semaphore, #tpu.memory_space<semaphore_mem>>)
        } else {
        }
        %slice3A_283 = vector.extract_strided_slice %get3A_187 {offsets = [14], sizes = [1], strides = [1]} : vector<16xi32> to vector<1xi32>
        %squeeze3A_284 = vector.extract %slice3A_283[0] : i32 from vector<1xi32>
        %ne3A_285 = arith.constant 0 : i32
        %ne3A_286 = arith.cmpi ne, %squeeze3A_284, %ne3A_285 : i32
        %convert_element_type3A_287 = arith.extui %ne3A_286 : i1 to i32
        %cond3A_288 = arith.constant 0 : i32
        %cond3A_289 = arith.cmpi ne, %convert_element_type3A_287, %cond3A_288 : i32
        scf.if %cond3A_289 {
          %dma_start3A = arith.constant 14 : i32
          %dma_start3A_409 = arith.constant 0 : i32
          %dma_start3A_410 = tpu.memref_slice %arg10[%dma_start3A, %dma_start3A_409] : memref<16x128xi32, #tpu.memory_space<vmem>> -> memref<1x128xi32, #tpu.memory_space<vmem>>
          %dma_start3A_411 = tpu.memref_squeeze %dma_start3A_410 : memref<1x128xi32, #tpu.memory_space<vmem>> -> memref<128xi32, #tpu.memory_space<vmem>>
          %dma_start3A_412 = arith.constant 0 : i32
          %dma_start3A_413 = tpu.memref_slice %arg15[%dma_start3A_412] : memref<1048832xf32, #tpu.memory_space<vmem_shared>> -> memref<1048832xf32, #tpu.memory_space<vmem_shared>>
          tpu.enqueue_indirect_dma source(%arg13 : memref<128xf32, #tpu.memory_space<vmem>>) target(%dma_start3A_413 : memref<1048832xf32, #tpu.memory_space<vmem_shared>>) offsets(%dma_start3A_411 : memref<128xi32, #tpu.memory_space<vmem>>) semaphore(%arg16 : memref<!tpu.dma_semaphore, #tpu.memory_space<semaphore_mem>>)
        } else {
        }
        %slice3A_290 = vector.extract_strided_slice %get3A_187 {offsets = [15], sizes = [1], strides = [1]} : vector<16xi32> to vector<1xi32>
        %squeeze3A_291 = vector.extract %slice3A_290[0] : i32 from vector<1xi32>
        %ne3A_292 = arith.constant 0 : i32
        %ne3A_293 = arith.cmpi ne, %squeeze3A_291, %ne3A_292 : i32
        %convert_element_type3A_294 = arith.extui %ne3A_293 : i1 to i32
        %cond3A_295 = arith.constant 0 : i32
        %cond3A_296 = arith.cmpi ne, %convert_element_type3A_294, %cond3A_295 : i32
        scf.if %cond3A_296 {
          %dma_start3A = arith.constant 15 : i32
          %dma_start3A_409 = arith.constant 0 : i32
          %dma_start3A_410 = tpu.memref_slice %arg10[%dma_start3A, %dma_start3A_409] : memref<16x128xi32, #tpu.memory_space<vmem>> -> memref<1x128xi32, #tpu.memory_space<vmem>>
          %dma_start3A_411 = tpu.memref_squeeze %dma_start3A_410 : memref<1x128xi32, #tpu.memory_space<vmem>> -> memref<128xi32, #tpu.memory_space<vmem>>
          %dma_start3A_412 = arith.constant 0 : i32
          %dma_start3A_413 = tpu.memref_slice %arg15[%dma_start3A_412] : memref<1048832xf32, #tpu.memory_space<vmem_shared>> -> memref<1048832xf32, #tpu.memory_space<vmem_shared>>
          tpu.enqueue_indirect_dma source(%arg13 : memref<128xf32, #tpu.memory_space<vmem>>) target(%dma_start3A_413 : memref<1048832xf32, #tpu.memory_space<vmem_shared>>) offsets(%dma_start3A_411 : memref<128xi32, #tpu.memory_space<vmem>>) semaphore(%arg16 : memref<!tpu.dma_semaphore, #tpu.memory_space<semaphore_mem>>)
        } else {
        }
        %slice3A_297 = vector.extract_strided_slice %get3A_187 {offsets = [0], sizes = [1], strides = [1]} : vector<16xi32> to vector<1xi32>
        %squeeze3A_298 = vector.extract %slice3A_297[0] : i32 from vector<1xi32>
        %ne3A_299 = arith.constant 0 : i32
        %ne3A_300 = arith.cmpi ne, %squeeze3A_298, %ne3A_299 : i32
        %convert_element_type3A_301 = arith.extui %ne3A_300 : i1 to i32
        %cond3A_302 = arith.constant 0 : i32
        %cond3A_303 = arith.cmpi ne, %convert_element_type3A_301, %cond3A_302 : i32
        scf.if %cond3A_303 {
          %dma_wait3A = arith.constant 0 : i32
          %dma_wait3A_409 = arith.constant 0 : i32
          %dma_wait3A_410 = tpu.memref_slice %arg10[%dma_wait3A, %dma_wait3A_409] : memref<16x128xi32, #tpu.memory_space<vmem>> -> memref<1x128xi32, #tpu.memory_space<vmem>>
          %dma_wait3A_411 = tpu.memref_squeeze %dma_wait3A_410 : memref<1x128xi32, #tpu.memory_space<vmem>> -> memref<128xi32, #tpu.memory_space<vmem>>
          %dma_wait3A_412 = arith.constant 0 : i32
          %dma_wait3A_413 = tpu.memref_slice %arg15[%dma_wait3A_412] : memref<1048832xf32, #tpu.memory_space<vmem_shared>> -> memref<1048832xf32, #tpu.memory_space<vmem_shared>>
          tpu.wait_indirect_dma semaphore(%arg16 : memref<!tpu.dma_semaphore, #tpu.memory_space<semaphore_mem>>) src(%arg13 : memref<128xf32, #tpu.memory_space<vmem>>) dst(%dma_wait3A_413 : memref<1048832xf32, #tpu.memory_space<vmem_shared>>)
        } else {
        }
        %slice3A_304 = vector.extract_strided_slice %get3A_187 {offsets = [1], sizes = [1], strides = [1]} : vector<16xi32> to vector<1xi32>
        %squeeze3A_305 = vector.extract %slice3A_304[0] : i32 from vector<1xi32>
        %ne3A_306 = arith.constant 0 : i32
        %ne3A_307 = arith.cmpi ne, %squeeze3A_305, %ne3A_306 : i32
        %convert_element_type3A_308 = arith.extui %ne3A_307 : i1 to i32
        %cond3A_309 = arith.constant 0 : i32
        %cond3A_310 = arith.cmpi ne, %convert_element_type3A_308, %cond3A_309 : i32
        scf.if %cond3A_310 {
          %dma_wait3A = arith.constant 1 : i32
          %dma_wait3A_409 = arith.constant 0 : i32
          %dma_wait3A_410 = tpu.memref_slice %arg10[%dma_wait3A, %dma_wait3A_409] : memref<16x128xi32, #tpu.memory_space<vmem>> -> memref<1x128xi32, #tpu.memory_space<vmem>>
          %dma_wait3A_411 = tpu.memref_squeeze %dma_wait3A_410 : memref<1x128xi32, #tpu.memory_space<vmem>> -> memref<128xi32, #tpu.memory_space<vmem>>
          %dma_wait3A_412 = arith.constant 0 : i32
          %dma_wait3A_413 = tpu.memref_slice %arg15[%dma_wait3A_412] : memref<1048832xf32, #tpu.memory_space<vmem_shared>> -> memref<1048832xf32, #tpu.memory_space<vmem_shared>>
          tpu.wait_indirect_dma semaphore(%arg16 : memref<!tpu.dma_semaphore, #tpu.memory_space<semaphore_mem>>) src(%arg13 : memref<128xf32, #tpu.memory_space<vmem>>) dst(%dma_wait3A_413 : memref<1048832xf32, #tpu.memory_space<vmem_shared>>)
        } else {
        }
        %slice3A_311 = vector.extract_strided_slice %get3A_187 {offsets = [2], sizes = [1], strides = [1]} : vector<16xi32> to vector<1xi32>
        %squeeze3A_312 = vector.extract %slice3A_311[0] : i32 from vector<1xi32>
        %ne3A_313 = arith.constant 0 : i32
        %ne3A_314 = arith.cmpi ne, %squeeze3A_312, %ne3A_313 : i32
        %convert_element_type3A_315 = arith.extui %ne3A_314 : i1 to i32
        %cond3A_316 = arith.constant 0 : i32
        %cond3A_317 = arith.cmpi ne, %convert_element_type3A_315, %cond3A_316 : i32
        scf.if %cond3A_317 {
          %dma_wait3A = arith.constant 2 : i32
          %dma_wait3A_409 = arith.constant 0 : i32
          %dma_wait3A_410 = tpu.memref_slice %arg10[%dma_wait3A, %dma_wait3A_409] : memref<16x128xi32, #tpu.memory_space<vmem>> -> memref<1x128xi32, #tpu.memory_space<vmem>>
          %dma_wait3A_411 = tpu.memref_squeeze %dma_wait3A_410 : memref<1x128xi32, #tpu.memory_space<vmem>> -> memref<128xi32, #tpu.memory_space<vmem>>
          %dma_wait3A_412 = arith.constant 0 : i32
          %dma_wait3A_413 = tpu.memref_slice %arg15[%dma_wait3A_412] : memref<1048832xf32, #tpu.memory_space<vmem_shared>> -> memref<1048832xf32, #tpu.memory_space<vmem_shared>>
          tpu.wait_indirect_dma semaphore(%arg16 : memref<!tpu.dma_semaphore, #tpu.memory_space<semaphore_mem>>) src(%arg13 : memref<128xf32, #tpu.memory_space<vmem>>) dst(%dma_wait3A_413 : memref<1048832xf32, #tpu.memory_space<vmem_shared>>)
        } else {
        }
        %slice3A_318 = vector.extract_strided_slice %get3A_187 {offsets = [3], sizes = [1], strides = [1]} : vector<16xi32> to vector<1xi32>
        %squeeze3A_319 = vector.extract %slice3A_318[0] : i32 from vector<1xi32>
        %ne3A_320 = arith.constant 0 : i32
        %ne3A_321 = arith.cmpi ne, %squeeze3A_319, %ne3A_320 : i32
        %convert_element_type3A_322 = arith.extui %ne3A_321 : i1 to i32
        %cond3A_323 = arith.constant 0 : i32
        %cond3A_324 = arith.cmpi ne, %convert_element_type3A_322, %cond3A_323 : i32
        scf.if %cond3A_324 {
          %dma_wait3A = arith.constant 3 : i32
          %dma_wait3A_409 = arith.constant 0 : i32
          %dma_wait3A_410 = tpu.memref_slice %arg10[%dma_wait3A, %dma_wait3A_409] : memref<16x128xi32, #tpu.memory_space<vmem>> -> memref<1x128xi32, #tpu.memory_space<vmem>>
          %dma_wait3A_411 = tpu.memref_squeeze %dma_wait3A_410 : memref<1x128xi32, #tpu.memory_space<vmem>> -> memref<128xi32, #tpu.memory_space<vmem>>
          %dma_wait3A_412 = arith.constant 0 : i32
          %dma_wait3A_413 = tpu.memref_slice %arg15[%dma_wait3A_412] : memref<1048832xf32, #tpu.memory_space<vmem_shared>> -> memref<1048832xf32, #tpu.memory_space<vmem_shared>>
          tpu.wait_indirect_dma semaphore(%arg16 : memref<!tpu.dma_semaphore, #tpu.memory_space<semaphore_mem>>) src(%arg13 : memref<128xf32, #tpu.memory_space<vmem>>) dst(%dma_wait3A_413 : memref<1048832xf32, #tpu.memory_space<vmem_shared>>)
        } else {
        }
        %slice3A_325 = vector.extract_strided_slice %get3A_187 {offsets = [4], sizes = [1], strides = [1]} : vector<16xi32> to vector<1xi32>
        %squeeze3A_326 = vector.extract %slice3A_325[0] : i32 from vector<1xi32>
        %ne3A_327 = arith.constant 0 : i32
        %ne3A_328 = arith.cmpi ne, %squeeze3A_326, %ne3A_327 : i32
        %convert_element_type3A_329 = arith.extui %ne3A_328 : i1 to i32
        %cond3A_330 = arith.constant 0 : i32
        %cond3A_331 = arith.cmpi ne, %convert_element_type3A_329, %cond3A_330 : i32
        scf.if %cond3A_331 {
          %dma_wait3A = arith.constant 4 : i32
          %dma_wait3A_409 = arith.constant 0 : i32
          %dma_wait3A_410 = tpu.memref_slice %arg10[%dma_wait3A, %dma_wait3A_409] : memref<16x128xi32, #tpu.memory_space<vmem>> -> memref<1x128xi32, #tpu.memory_space<vmem>>
          %dma_wait3A_411 = tpu.memref_squeeze %dma_wait3A_410 : memref<1x128xi32, #tpu.memory_space<vmem>> -> memref<128xi32, #tpu.memory_space<vmem>>
          %dma_wait3A_412 = arith.constant 0 : i32
          %dma_wait3A_413 = tpu.memref_slice %arg15[%dma_wait3A_412] : memref<1048832xf32, #tpu.memory_space<vmem_shared>> -> memref<1048832xf32, #tpu.memory_space<vmem_shared>>
          tpu.wait_indirect_dma semaphore(%arg16 : memref<!tpu.dma_semaphore, #tpu.memory_space<semaphore_mem>>) src(%arg13 : memref<128xf32, #tpu.memory_space<vmem>>) dst(%dma_wait3A_413 : memref<1048832xf32, #tpu.memory_space<vmem_shared>>)
        } else {
        }
        %slice3A_332 = vector.extract_strided_slice %get3A_187 {offsets = [5], sizes = [1], strides = [1]} : vector<16xi32> to vector<1xi32>
        %squeeze3A_333 = vector.extract %slice3A_332[0] : i32 from vector<1xi32>
        %ne3A_334 = arith.constant 0 : i32
        %ne3A_335 = arith.cmpi ne, %squeeze3A_333, %ne3A_334 : i32
        %convert_element_type3A_336 = arith.extui %ne3A_335 : i1 to i32
        %cond3A_337 = arith.constant 0 : i32
        %cond3A_338 = arith.cmpi ne, %convert_element_type3A_336, %cond3A_337 : i32
        scf.if %cond3A_338 {
          %dma_wait3A = arith.constant 5 : i32
          %dma_wait3A_409 = arith.constant 0 : i32
          %dma_wait3A_410 = tpu.memref_slice %arg10[%dma_wait3A, %dma_wait3A_409] : memref<16x128xi32, #tpu.memory_space<vmem>> -> memref<1x128xi32, #tpu.memory_space<vmem>>
          %dma_wait3A_411 = tpu.memref_squeeze %dma_wait3A_410 : memref<1x128xi32, #tpu.memory_space<vmem>> -> memref<128xi32, #tpu.memory_space<vmem>>
          %dma_wait3A_412 = arith.constant 0 : i32
          %dma_wait3A_413 = tpu.memref_slice %arg15[%dma_wait3A_412] : memref<1048832xf32, #tpu.memory_space<vmem_shared>> -> memref<1048832xf32, #tpu.memory_space<vmem_shared>>
          tpu.wait_indirect_dma semaphore(%arg16 : memref<!tpu.dma_semaphore, #tpu.memory_space<semaphore_mem>>) src(%arg13 : memref<128xf32, #tpu.memory_space<vmem>>) dst(%dma_wait3A_413 : memref<1048832xf32, #tpu.memory_space<vmem_shared>>)
        } else {
        }
        %slice3A_339 = vector.extract_strided_slice %get3A_187 {offsets = [6], sizes = [1], strides = [1]} : vector<16xi32> to vector<1xi32>
        %squeeze3A_340 = vector.extract %slice3A_339[0] : i32 from vector<1xi32>
        %ne3A_341 = arith.constant 0 : i32
        %ne3A_342 = arith.cmpi ne, %squeeze3A_340, %ne3A_341 : i32
        %convert_element_type3A_343 = arith.extui %ne3A_342 : i1 to i32
        %cond3A_344 = arith.constant 0 : i32
        %cond3A_345 = arith.cmpi ne, %convert_element_type3A_343, %cond3A_344 : i32
        scf.if %cond3A_345 {
          %dma_wait3A = arith.constant 6 : i32
          %dma_wait3A_409 = arith.constant 0 : i32
          %dma_wait3A_410 = tpu.memref_slice %arg10[%dma_wait3A, %dma_wait3A_409] : memref<16x128xi32, #tpu.memory_space<vmem>> -> memref<1x128xi32, #tpu.memory_space<vmem>>
          %dma_wait3A_411 = tpu.memref_squeeze %dma_wait3A_410 : memref<1x128xi32, #tpu.memory_space<vmem>> -> memref<128xi32, #tpu.memory_space<vmem>>
          %dma_wait3A_412 = arith.constant 0 : i32
          %dma_wait3A_413 = tpu.memref_slice %arg15[%dma_wait3A_412] : memref<1048832xf32, #tpu.memory_space<vmem_shared>> -> memref<1048832xf32, #tpu.memory_space<vmem_shared>>
          tpu.wait_indirect_dma semaphore(%arg16 : memref<!tpu.dma_semaphore, #tpu.memory_space<semaphore_mem>>) src(%arg13 : memref<128xf32, #tpu.memory_space<vmem>>) dst(%dma_wait3A_413 : memref<1048832xf32, #tpu.memory_space<vmem_shared>>)
        } else {
        }
        %slice3A_346 = vector.extract_strided_slice %get3A_187 {offsets = [7], sizes = [1], strides = [1]} : vector<16xi32> to vector<1xi32>
        %squeeze3A_347 = vector.extract %slice3A_346[0] : i32 from vector<1xi32>
        %ne3A_348 = arith.constant 0 : i32
        %ne3A_349 = arith.cmpi ne, %squeeze3A_347, %ne3A_348 : i32
        %convert_element_type3A_350 = arith.extui %ne3A_349 : i1 to i32
        %cond3A_351 = arith.constant 0 : i32
        %cond3A_352 = arith.cmpi ne, %convert_element_type3A_350, %cond3A_351 : i32
        scf.if %cond3A_352 {
          %dma_wait3A = arith.constant 7 : i32
          %dma_wait3A_409 = arith.constant 0 : i32
          %dma_wait3A_410 = tpu.memref_slice %arg10[%dma_wait3A, %dma_wait3A_409] : memref<16x128xi32, #tpu.memory_space<vmem>> -> memref<1x128xi32, #tpu.memory_space<vmem>>
          %dma_wait3A_411 = tpu.memref_squeeze %dma_wait3A_410 : memref<1x128xi32, #tpu.memory_space<vmem>> -> memref<128xi32, #tpu.memory_space<vmem>>
          %dma_wait3A_412 = arith.constant 0 : i32
          %dma_wait3A_413 = tpu.memref_slice %arg15[%dma_wait3A_412] : memref<1048832xf32, #tpu.memory_space<vmem_shared>> -> memref<1048832xf32, #tpu.memory_space<vmem_shared>>
          tpu.wait_indirect_dma semaphore(%arg16 : memref<!tpu.dma_semaphore, #tpu.memory_space<semaphore_mem>>) src(%arg13 : memref<128xf32, #tpu.memory_space<vmem>>) dst(%dma_wait3A_413 : memref<1048832xf32, #tpu.memory_space<vmem_shared>>)
        } else {
        }
        %slice3A_353 = vector.extract_strided_slice %get3A_187 {offsets = [8], sizes = [1], strides = [1]} : vector<16xi32> to vector<1xi32>
        %squeeze3A_354 = vector.extract %slice3A_353[0] : i32 from vector<1xi32>
        %ne3A_355 = arith.constant 0 : i32
        %ne3A_356 = arith.cmpi ne, %squeeze3A_354, %ne3A_355 : i32
        %convert_element_type3A_357 = arith.extui %ne3A_356 : i1 to i32
        %cond3A_358 = arith.constant 0 : i32
        %cond3A_359 = arith.cmpi ne, %convert_element_type3A_357, %cond3A_358 : i32
        scf.if %cond3A_359 {
          %dma_wait3A = arith.constant 8 : i32
          %dma_wait3A_409 = arith.constant 0 : i32
          %dma_wait3A_410 = tpu.memref_slice %arg10[%dma_wait3A, %dma_wait3A_409] : memref<16x128xi32, #tpu.memory_space<vmem>> -> memref<1x128xi32, #tpu.memory_space<vmem>>
          %dma_wait3A_411 = tpu.memref_squeeze %dma_wait3A_410 : memref<1x128xi32, #tpu.memory_space<vmem>> -> memref<128xi32, #tpu.memory_space<vmem>>
          %dma_wait3A_412 = arith.constant 0 : i32
          %dma_wait3A_413 = tpu.memref_slice %arg15[%dma_wait3A_412] : memref<1048832xf32, #tpu.memory_space<vmem_shared>> -> memref<1048832xf32, #tpu.memory_space<vmem_shared>>
          tpu.wait_indirect_dma semaphore(%arg16 : memref<!tpu.dma_semaphore, #tpu.memory_space<semaphore_mem>>) src(%arg13 : memref<128xf32, #tpu.memory_space<vmem>>) dst(%dma_wait3A_413 : memref<1048832xf32, #tpu.memory_space<vmem_shared>>)
        } else {
        }
        %slice3A_360 = vector.extract_strided_slice %get3A_187 {offsets = [9], sizes = [1], strides = [1]} : vector<16xi32> to vector<1xi32>
        %squeeze3A_361 = vector.extract %slice3A_360[0] : i32 from vector<1xi32>
        %ne3A_362 = arith.constant 0 : i32
        %ne3A_363 = arith.cmpi ne, %squeeze3A_361, %ne3A_362 : i32
        %convert_element_type3A_364 = arith.extui %ne3A_363 : i1 to i32
        %cond3A_365 = arith.constant 0 : i32
        %cond3A_366 = arith.cmpi ne, %convert_element_type3A_364, %cond3A_365 : i32
        scf.if %cond3A_366 {
          %dma_wait3A = arith.constant 9 : i32
          %dma_wait3A_409 = arith.constant 0 : i32
          %dma_wait3A_410 = tpu.memref_slice %arg10[%dma_wait3A, %dma_wait3A_409] : memref<16x128xi32, #tpu.memory_space<vmem>> -> memref<1x128xi32, #tpu.memory_space<vmem>>
          %dma_wait3A_411 = tpu.memref_squeeze %dma_wait3A_410 : memref<1x128xi32, #tpu.memory_space<vmem>> -> memref<128xi32, #tpu.memory_space<vmem>>
          %dma_wait3A_412 = arith.constant 0 : i32
          %dma_wait3A_413 = tpu.memref_slice %arg15[%dma_wait3A_412] : memref<1048832xf32, #tpu.memory_space<vmem_shared>> -> memref<1048832xf32, #tpu.memory_space<vmem_shared>>
          tpu.wait_indirect_dma semaphore(%arg16 : memref<!tpu.dma_semaphore, #tpu.memory_space<semaphore_mem>>) src(%arg13 : memref<128xf32, #tpu.memory_space<vmem>>) dst(%dma_wait3A_413 : memref<1048832xf32, #tpu.memory_space<vmem_shared>>)
        } else {
        }
        %slice3A_367 = vector.extract_strided_slice %get3A_187 {offsets = [10], sizes = [1], strides = [1]} : vector<16xi32> to vector<1xi32>
        %squeeze3A_368 = vector.extract %slice3A_367[0] : i32 from vector<1xi32>
        %ne3A_369 = arith.constant 0 : i32
        %ne3A_370 = arith.cmpi ne, %squeeze3A_368, %ne3A_369 : i32
        %convert_element_type3A_371 = arith.extui %ne3A_370 : i1 to i32
        %cond3A_372 = arith.constant 0 : i32
        %cond3A_373 = arith.cmpi ne, %convert_element_type3A_371, %cond3A_372 : i32
        scf.if %cond3A_373 {
          %dma_wait3A = arith.constant 10 : i32
          %dma_wait3A_409 = arith.constant 0 : i32
          %dma_wait3A_410 = tpu.memref_slice %arg10[%dma_wait3A, %dma_wait3A_409] : memref<16x128xi32, #tpu.memory_space<vmem>> -> memref<1x128xi32, #tpu.memory_space<vmem>>
          %dma_wait3A_411 = tpu.memref_squeeze %dma_wait3A_410 : memref<1x128xi32, #tpu.memory_space<vmem>> -> memref<128xi32, #tpu.memory_space<vmem>>
          %dma_wait3A_412 = arith.constant 0 : i32
          %dma_wait3A_413 = tpu.memref_slice %arg15[%dma_wait3A_412] : memref<1048832xf32, #tpu.memory_space<vmem_shared>> -> memref<1048832xf32, #tpu.memory_space<vmem_shared>>
          tpu.wait_indirect_dma semaphore(%arg16 : memref<!tpu.dma_semaphore, #tpu.memory_space<semaphore_mem>>) src(%arg13 : memref<128xf32, #tpu.memory_space<vmem>>) dst(%dma_wait3A_413 : memref<1048832xf32, #tpu.memory_space<vmem_shared>>)
        } else {
        }
        %slice3A_374 = vector.extract_strided_slice %get3A_187 {offsets = [11], sizes = [1], strides = [1]} : vector<16xi32> to vector<1xi32>
        %squeeze3A_375 = vector.extract %slice3A_374[0] : i32 from vector<1xi32>
        %ne3A_376 = arith.constant 0 : i32
        %ne3A_377 = arith.cmpi ne, %squeeze3A_375, %ne3A_376 : i32
        %convert_element_type3A_378 = arith.extui %ne3A_377 : i1 to i32
        %cond3A_379 = arith.constant 0 : i32
        %cond3A_380 = arith.cmpi ne, %convert_element_type3A_378, %cond3A_379 : i32
        scf.if %cond3A_380 {
          %dma_wait3A = arith.constant 11 : i32
          %dma_wait3A_409 = arith.constant 0 : i32
          %dma_wait3A_410 = tpu.memref_slice %arg10[%dma_wait3A, %dma_wait3A_409] : memref<16x128xi32, #tpu.memory_space<vmem>> -> memref<1x128xi32, #tpu.memory_space<vmem>>
          %dma_wait3A_411 = tpu.memref_squeeze %dma_wait3A_410 : memref<1x128xi32, #tpu.memory_space<vmem>> -> memref<128xi32, #tpu.memory_space<vmem>>
          %dma_wait3A_412 = arith.constant 0 : i32
          %dma_wait3A_413 = tpu.memref_slice %arg15[%dma_wait3A_412] : memref<1048832xf32, #tpu.memory_space<vmem_shared>> -> memref<1048832xf32, #tpu.memory_space<vmem_shared>>
          tpu.wait_indirect_dma semaphore(%arg16 : memref<!tpu.dma_semaphore, #tpu.memory_space<semaphore_mem>>) src(%arg13 : memref<128xf32, #tpu.memory_space<vmem>>) dst(%dma_wait3A_413 : memref<1048832xf32, #tpu.memory_space<vmem_shared>>)
        } else {
        }
        %slice3A_381 = vector.extract_strided_slice %get3A_187 {offsets = [12], sizes = [1], strides = [1]} : vector<16xi32> to vector<1xi32>
        %squeeze3A_382 = vector.extract %slice3A_381[0] : i32 from vector<1xi32>
        %ne3A_383 = arith.constant 0 : i32
        %ne3A_384 = arith.cmpi ne, %squeeze3A_382, %ne3A_383 : i32
        %convert_element_type3A_385 = arith.extui %ne3A_384 : i1 to i32
        %cond3A_386 = arith.constant 0 : i32
        %cond3A_387 = arith.cmpi ne, %convert_element_type3A_385, %cond3A_386 : i32
        scf.if %cond3A_387 {
          %dma_wait3A = arith.constant 12 : i32
          %dma_wait3A_409 = arith.constant 0 : i32
          %dma_wait3A_410 = tpu.memref_slice %arg10[%dma_wait3A, %dma_wait3A_409] : memref<16x128xi32, #tpu.memory_space<vmem>> -> memref<1x128xi32, #tpu.memory_space<vmem>>
          %dma_wait3A_411 = tpu.memref_squeeze %dma_wait3A_410 : memref<1x128xi32, #tpu.memory_space<vmem>> -> memref<128xi32, #tpu.memory_space<vmem>>
          %dma_wait3A_412 = arith.constant 0 : i32
          %dma_wait3A_413 = tpu.memref_slice %arg15[%dma_wait3A_412] : memref<1048832xf32, #tpu.memory_space<vmem_shared>> -> memref<1048832xf32, #tpu.memory_space<vmem_shared>>
          tpu.wait_indirect_dma semaphore(%arg16 : memref<!tpu.dma_semaphore, #tpu.memory_space<semaphore_mem>>) src(%arg13 : memref<128xf32, #tpu.memory_space<vmem>>) dst(%dma_wait3A_413 : memref<1048832xf32, #tpu.memory_space<vmem_shared>>)
        } else {
        }
        %slice3A_388 = vector.extract_strided_slice %get3A_187 {offsets = [13], sizes = [1], strides = [1]} : vector<16xi32> to vector<1xi32>
        %squeeze3A_389 = vector.extract %slice3A_388[0] : i32 from vector<1xi32>
        %ne3A_390 = arith.constant 0 : i32
        %ne3A_391 = arith.cmpi ne, %squeeze3A_389, %ne3A_390 : i32
        %convert_element_type3A_392 = arith.extui %ne3A_391 : i1 to i32
        %cond3A_393 = arith.constant 0 : i32
        %cond3A_394 = arith.cmpi ne, %convert_element_type3A_392, %cond3A_393 : i32
        scf.if %cond3A_394 {
          %dma_wait3A = arith.constant 13 : i32
          %dma_wait3A_409 = arith.constant 0 : i32
          %dma_wait3A_410 = tpu.memref_slice %arg10[%dma_wait3A, %dma_wait3A_409] : memref<16x128xi32, #tpu.memory_space<vmem>> -> memref<1x128xi32, #tpu.memory_space<vmem>>
          %dma_wait3A_411 = tpu.memref_squeeze %dma_wait3A_410 : memref<1x128xi32, #tpu.memory_space<vmem>> -> memref<128xi32, #tpu.memory_space<vmem>>
          %dma_wait3A_412 = arith.constant 0 : i32
          %dma_wait3A_413 = tpu.memref_slice %arg15[%dma_wait3A_412] : memref<1048832xf32, #tpu.memory_space<vmem_shared>> -> memref<1048832xf32, #tpu.memory_space<vmem_shared>>
          tpu.wait_indirect_dma semaphore(%arg16 : memref<!tpu.dma_semaphore, #tpu.memory_space<semaphore_mem>>) src(%arg13 : memref<128xf32, #tpu.memory_space<vmem>>) dst(%dma_wait3A_413 : memref<1048832xf32, #tpu.memory_space<vmem_shared>>)
        } else {
        }
        %slice3A_395 = vector.extract_strided_slice %get3A_187 {offsets = [14], sizes = [1], strides = [1]} : vector<16xi32> to vector<1xi32>
        %squeeze3A_396 = vector.extract %slice3A_395[0] : i32 from vector<1xi32>
        %ne3A_397 = arith.constant 0 : i32
        %ne3A_398 = arith.cmpi ne, %squeeze3A_396, %ne3A_397 : i32
        %convert_element_type3A_399 = arith.extui %ne3A_398 : i1 to i32
        %cond3A_400 = arith.constant 0 : i32
        %cond3A_401 = arith.cmpi ne, %convert_element_type3A_399, %cond3A_400 : i32
        scf.if %cond3A_401 {
          %dma_wait3A = arith.constant 14 : i32
          %dma_wait3A_409 = arith.constant 0 : i32
          %dma_wait3A_410 = tpu.memref_slice %arg10[%dma_wait3A, %dma_wait3A_409] : memref<16x128xi32, #tpu.memory_space<vmem>> -> memref<1x128xi32, #tpu.memory_space<vmem>>
          %dma_wait3A_411 = tpu.memref_squeeze %dma_wait3A_410 : memref<1x128xi32, #tpu.memory_space<vmem>> -> memref<128xi32, #tpu.memory_space<vmem>>
          %dma_wait3A_412 = arith.constant 0 : i32
          %dma_wait3A_413 = tpu.memref_slice %arg15[%dma_wait3A_412] : memref<1048832xf32, #tpu.memory_space<vmem_shared>> -> memref<1048832xf32, #tpu.memory_space<vmem_shared>>
          tpu.wait_indirect_dma semaphore(%arg16 : memref<!tpu.dma_semaphore, #tpu.memory_space<semaphore_mem>>) src(%arg13 : memref<128xf32, #tpu.memory_space<vmem>>) dst(%dma_wait3A_413 : memref<1048832xf32, #tpu.memory_space<vmem_shared>>)
        } else {
        }
        %slice3A_402 = vector.extract_strided_slice %get3A_187 {offsets = [15], sizes = [1], strides = [1]} : vector<16xi32> to vector<1xi32>
        %squeeze3A_403 = vector.extract %slice3A_402[0] : i32 from vector<1xi32>
        %ne3A_404 = arith.constant 0 : i32
        %ne3A_405 = arith.cmpi ne, %squeeze3A_403, %ne3A_404 : i32
        %convert_element_type3A_406 = arith.extui %ne3A_405 : i1 to i32
        %cond3A_407 = arith.constant 0 : i32
        %cond3A_408 = arith.cmpi ne, %convert_element_type3A_406, %cond3A_407 : i32
        scf.if %cond3A_408 {
          %dma_wait3A = arith.constant 15 : i32
          %dma_wait3A_409 = arith.constant 0 : i32
          %dma_wait3A_410 = tpu.memref_slice %arg10[%dma_wait3A, %dma_wait3A_409] : memref<16x128xi32, #tpu.memory_space<vmem>> -> memref<1x128xi32, #tpu.memory_space<vmem>>
          %dma_wait3A_411 = tpu.memref_squeeze %dma_wait3A_410 : memref<1x128xi32, #tpu.memory_space<vmem>> -> memref<128xi32, #tpu.memory_space<vmem>>
          %dma_wait3A_412 = arith.constant 0 : i32
          %dma_wait3A_413 = tpu.memref_slice %arg15[%dma_wait3A_412] : memref<1048832xf32, #tpu.memory_space<vmem_shared>> -> memref<1048832xf32, #tpu.memory_space<vmem_shared>>
          tpu.wait_indirect_dma semaphore(%arg16 : memref<!tpu.dma_semaphore, #tpu.memory_space<semaphore_mem>>) src(%arg13 : memref<128xf32, #tpu.memory_space<vmem>>) dst(%dma_wait3A_413 : memref<1048832xf32, #tpu.memory_space<vmem_shared>>)
        } else {
        }
      }
      %scan3A_128 = arith.constant 256 : i32
      %barrier3A_129 = arith.constant 0 : index
      tpu.barrier barrier_id(%barrier3A_129)
      %mul3A_130 = arith.constant 65536 : i32
      %mul3A_131 = arith.muli %arg1, %mul3A_130 : i32
      %add3A_132 = arith.constant 0 : i32
      %add3A_133 = arith.addi %mul3A_131, %add3A_132 : i32
      "tpu.region"() ({
        %run_scoped3A = tpu.sem_alloc : memref<!tpu.dma_semaphore, #tpu.memory_space<semaphore_mem>>
        %dma_start3A = tpu.memref_slice %arg15[%add3A_133] : memref<1048832xf32, #tpu.memory_space<vmem_shared>> -> memref<8192xf32, #tpu.memory_space<vmem_shared>>
        %dma_start3A_181 = tpu.memref_slice %arg15[%add3A_133] : memref<1048832xf32, #tpu.memory_space<vmem_shared>> -> memref<8192xf32, #tpu.memory_space<vmem_shared>>
        tpu.enqueue_dma source(%dma_start3A_181 : memref<8192xf32, #tpu.memory_space<vmem_shared>>) target(%arg14 : memref<8192xf32, #tpu.memory_space<vmem>>) target_semaphore(%run_scoped3A : memref<!tpu.dma_semaphore, #tpu.memory_space<semaphore_mem>>)
        %dma_wait3A = tpu.memref_slice %arg15[%add3A_133] : memref<1048832xf32, #tpu.memory_space<vmem_shared>> -> memref<8192xf32, #tpu.memory_space<vmem_shared>>
        %dma_wait3A_182 = tpu.memref_slice %arg15[%add3A_133] : memref<1048832xf32, #tpu.memory_space<vmem_shared>> -> memref<8192xf32, #tpu.memory_space<vmem_shared>>
        tpu.wait_dma2 semaphore(%run_scoped3A : memref<!tpu.dma_semaphore, #tpu.memory_space<semaphore_mem>>) src(%dma_wait3A_182 : memref<8192xf32, #tpu.memory_space<vmem_shared>>) dst(%arg14 : memref<8192xf32, #tpu.memory_space<vmem>>)
        tpu.yield
      }) : () -> ()
      %add3A_134 = arith.constant 1048576 : i32
      %add3A_135 = arith.addi %add3A_134, %mul3A_131 : i32
      %add3A_136 = arith.constant 0 : i32
      %add3A_137 = arith.addi %add3A_135, %add3A_136 : i32
      "tpu.region"() ({
        %run_scoped3A = tpu.sem_alloc : memref<!tpu.dma_semaphore, #tpu.memory_space<semaphore_mem>>
        %dma_start3A = tpu.memref_slice %arg8[%add3A_137] : memref<2097152xf32, #tpu.memory_space<hbm>> -> memref<8192xf32, #tpu.memory_space<hbm>>
        %dma_start3A_181 = tpu.memref_slice %arg8[%add3A_137] : memref<2097152xf32, #tpu.memory_space<hbm>> -> memref<8192xf32, #tpu.memory_space<hbm>>
        tpu.enqueue_dma source(%arg14 : memref<8192xf32, #tpu.memory_space<vmem>>) target(%dma_start3A_181 : memref<8192xf32, #tpu.memory_space<hbm>>) target_semaphore(%run_scoped3A : memref<!tpu.dma_semaphore, #tpu.memory_space<semaphore_mem>>)
        %dma_wait3A = tpu.memref_slice %arg8[%add3A_137] : memref<2097152xf32, #tpu.memory_space<hbm>> -> memref<8192xf32, #tpu.memory_space<hbm>>
        %dma_wait3A_182 = tpu.memref_slice %arg8[%add3A_137] : memref<2097152xf32, #tpu.memory_space<hbm>> -> memref<8192xf32, #tpu.memory_space<hbm>>
        tpu.wait_dma2 semaphore(%run_scoped3A : memref<!tpu.dma_semaphore, #tpu.memory_space<semaphore_mem>>) src(%arg14 : memref<8192xf32, #tpu.memory_space<vmem>>) dst(%dma_wait3A_182 : memref<8192xf32, #tpu.memory_space<hbm>>)
        tpu.yield
      }) : () -> ()
      %add3A_138 = arith.constant 8192 : i32
      %add3A_139 = arith.addi %mul3A_131, %add3A_138 : i32
      "tpu.region"() ({
        %run_scoped3A = tpu.sem_alloc : memref<!tpu.dma_semaphore, #tpu.memory_space<semaphore_mem>>
        %dma_start3A = tpu.memref_slice %arg15[%add3A_139] : memref<1048832xf32, #tpu.memory_space<vmem_shared>> -> memref<8192xf32, #tpu.memory_space<vmem_shared>>
        %dma_start3A_181 = tpu.memref_slice %arg15[%add3A_139] : memref<1048832xf32, #tpu.memory_space<vmem_shared>> -> memref<8192xf32, #tpu.memory_space<vmem_shared>>
        tpu.enqueue_dma source(%dma_start3A_181 : memref<8192xf32, #tpu.memory_space<vmem_shared>>) target(%arg14 : memref<8192xf32, #tpu.memory_space<vmem>>) target_semaphore(%run_scoped3A : memref<!tpu.dma_semaphore, #tpu.memory_space<semaphore_mem>>)
        %dma_wait3A = tpu.memref_slice %arg15[%add3A_139] : memref<1048832xf32, #tpu.memory_space<vmem_shared>> -> memref<8192xf32, #tpu.memory_space<vmem_shared>>
        %dma_wait3A_182 = tpu.memref_slice %arg15[%add3A_139] : memref<1048832xf32, #tpu.memory_space<vmem_shared>> -> memref<8192xf32, #tpu.memory_space<vmem_shared>>
        tpu.wait_dma2 semaphore(%run_scoped3A : memref<!tpu.dma_semaphore, #tpu.memory_space<semaphore_mem>>) src(%dma_wait3A_182 : memref<8192xf32, #tpu.memory_space<vmem_shared>>) dst(%arg14 : memref<8192xf32, #tpu.memory_space<vmem>>)
        tpu.yield
      }) : () -> ()
      %add3A_140 = arith.constant 1048576 : i32
      %add3A_141 = arith.addi %add3A_140, %mul3A_131 : i32
      %add3A_142 = arith.constant 8192 : i32
      %add3A_143 = arith.addi %add3A_141, %add3A_142 : i32
      "tpu.region"() ({
        %run_scoped3A = tpu.sem_alloc : memref<!tpu.dma_semaphore, #tpu.memory_space<semaphore_mem>>
        %dma_start3A = tpu.memref_slice %arg8[%add3A_143] : memref<2097152xf32, #tpu.memory_space<hbm>> -> memref<8192xf32, #tpu.memory_space<hbm>>
        %dma_start3A_181 = tpu.memref_slice %arg8[%add3A_143] : memref<2097152xf32, #tpu.memory_space<hbm>> -> memref<8192xf32, #tpu.memory_space<hbm>>
        tpu.enqueue_dma source(%arg14 : memref<8192xf32, #tpu.memory_space<vmem>>) target(%dma_start3A_181 : memref<8192xf32, #tpu.memory_space<hbm>>) target_semaphore(%run_scoped3A : memref<!tpu.dma_semaphore, #tpu.memory_space<semaphore_mem>>)
        %dma_wait3A = tpu.memref_slice %arg8[%add3A_143] : memref<2097152xf32, #tpu.memory_space<hbm>> -> memref<8192xf32, #tpu.memory_space<hbm>>
        %dma_wait3A_182 = tpu.memref_slice %arg8[%add3A_143] : memref<2097152xf32, #tpu.memory_space<hbm>> -> memref<8192xf32, #tpu.memory_space<hbm>>
        tpu.wait_dma2 semaphore(%run_scoped3A : memref<!tpu.dma_semaphore, #tpu.memory_space<semaphore_mem>>) src(%arg14 : memref<8192xf32, #tpu.memory_space<vmem>>) dst(%dma_wait3A_182 : memref<8192xf32, #tpu.memory_space<hbm>>)
        tpu.yield
      }) : () -> ()
      %add3A_144 = arith.constant 16384 : i32
      %add3A_145 = arith.addi %mul3A_131, %add3A_144 : i32
      "tpu.region"() ({
        %run_scoped3A = tpu.sem_alloc : memref<!tpu.dma_semaphore, #tpu.memory_space<semaphore_mem>>
        %dma_start3A = tpu.memref_slice %arg15[%add3A_145] : memref<1048832xf32, #tpu.memory_space<vmem_shared>> -> memref<8192xf32, #tpu.memory_space<vmem_shared>>
        %dma_start3A_181 = tpu.memref_slice %arg15[%add3A_145] : memref<1048832xf32, #tpu.memory_space<vmem_shared>> -> memref<8192xf32, #tpu.memory_space<vmem_shared>>
        tpu.enqueue_dma source(%dma_start3A_181 : memref<8192xf32, #tpu.memory_space<vmem_shared>>) target(%arg14 : memref<8192xf32, #tpu.memory_space<vmem>>) target_semaphore(%run_scoped3A : memref<!tpu.dma_semaphore, #tpu.memory_space<semaphore_mem>>)
        %dma_wait3A = tpu.memref_slice %arg15[%add3A_145] : memref<1048832xf32, #tpu.memory_space<vmem_shared>> -> memref<8192xf32, #tpu.memory_space<vmem_shared>>
        %dma_wait3A_182 = tpu.memref_slice %arg15[%add3A_145] : memref<1048832xf32, #tpu.memory_space<vmem_shared>> -> memref<8192xf32, #tpu.memory_space<vmem_shared>>
        tpu.wait_dma2 semaphore(%run_scoped3A : memref<!tpu.dma_semaphore, #tpu.memory_space<semaphore_mem>>) src(%dma_wait3A_182 : memref<8192xf32, #tpu.memory_space<vmem_shared>>) dst(%arg14 : memref<8192xf32, #tpu.memory_space<vmem>>)
        tpu.yield
      }) : () -> ()
      %add3A_146 = arith.constant 1048576 : i32
      %add3A_147 = arith.addi %add3A_146, %mul3A_131 : i32
      %add3A_148 = arith.constant 16384 : i32
      %add3A_149 = arith.addi %add3A_147, %add3A_148 : i32
      "tpu.region"() ({
        %run_scoped3A = tpu.sem_alloc : memref<!tpu.dma_semaphore, #tpu.memory_space<semaphore_mem>>
        %dma_start3A = tpu.memref_slice %arg8[%add3A_149] : memref<2097152xf32, #tpu.memory_space<hbm>> -> memref<8192xf32, #tpu.memory_space<hbm>>
        %dma_start3A_181 = tpu.memref_slice %arg8[%add3A_149] : memref<2097152xf32, #tpu.memory_space<hbm>> -> memref<8192xf32, #tpu.memory_space<hbm>>
        tpu.enqueue_dma source(%arg14 : memref<8192xf32, #tpu.memory_space<vmem>>) target(%dma_start3A_181 : memref<8192xf32, #tpu.memory_space<hbm>>) target_semaphore(%run_scoped3A : memref<!tpu.dma_semaphore, #tpu.memory_space<semaphore_mem>>)
        %dma_wait3A = tpu.memref_slice %arg8[%add3A_149] : memref<2097152xf32, #tpu.memory_space<hbm>> -> memref<8192xf32, #tpu.memory_space<hbm>>
        %dma_wait3A_182 = tpu.memref_slice %arg8[%add3A_149] : memref<2097152xf32, #tpu.memory_space<hbm>> -> memref<8192xf32, #tpu.memory_space<hbm>>
        tpu.wait_dma2 semaphore(%run_scoped3A : memref<!tpu.dma_semaphore, #tpu.memory_space<semaphore_mem>>) src(%arg14 : memref<8192xf32, #tpu.memory_space<vmem>>) dst(%dma_wait3A_182 : memref<8192xf32, #tpu.memory_space<hbm>>)
        tpu.yield
      }) : () -> ()
      %add3A_150 = arith.constant 24576 : i32
      %add3A_151 = arith.addi %mul3A_131, %add3A_150 : i32
      "tpu.region"() ({
        %run_scoped3A = tpu.sem_alloc : memref<!tpu.dma_semaphore, #tpu.memory_space<semaphore_mem>>
        %dma_start3A = tpu.memref_slice %arg15[%add3A_151] : memref<1048832xf32, #tpu.memory_space<vmem_shared>> -> memref<8192xf32, #tpu.memory_space<vmem_shared>>
        %dma_start3A_181 = tpu.memref_slice %arg15[%add3A_151] : memref<1048832xf32, #tpu.memory_space<vmem_shared>> -> memref<8192xf32, #tpu.memory_space<vmem_shared>>
        tpu.enqueue_dma source(%dma_start3A_181 : memref<8192xf32, #tpu.memory_space<vmem_shared>>) target(%arg14 : memref<8192xf32, #tpu.memory_space<vmem>>) target_semaphore(%run_scoped3A : memref<!tpu.dma_semaphore, #tpu.memory_space<semaphore_mem>>)
        %dma_wait3A = tpu.memref_slice %arg15[%add3A_151] : memref<1048832xf32, #tpu.memory_space<vmem_shared>> -> memref<8192xf32, #tpu.memory_space<vmem_shared>>
        %dma_wait3A_182 = tpu.memref_slice %arg15[%add3A_151] : memref<1048832xf32, #tpu.memory_space<vmem_shared>> -> memref<8192xf32, #tpu.memory_space<vmem_shared>>
        tpu.wait_dma2 semaphore(%run_scoped3A : memref<!tpu.dma_semaphore, #tpu.memory_space<semaphore_mem>>) src(%dma_wait3A_182 : memref<8192xf32, #tpu.memory_space<vmem_shared>>) dst(%arg14 : memref<8192xf32, #tpu.memory_space<vmem>>)
        tpu.yield
      }) : () -> ()
      %add3A_152 = arith.constant 1048576 : i32
      %add3A_153 = arith.addi %add3A_152, %mul3A_131 : i32
      %add3A_154 = arith.constant 24576 : i32
      %add3A_155 = arith.addi %add3A_153, %add3A_154 : i32
      "tpu.region"() ({
        %run_scoped3A = tpu.sem_alloc : memref<!tpu.dma_semaphore, #tpu.memory_space<semaphore_mem>>
        %dma_start3A = tpu.memref_slice %arg8[%add3A_155] : memref<2097152xf32, #tpu.memory_space<hbm>> -> memref<8192xf32, #tpu.memory_space<hbm>>
        %dma_start3A_181 = tpu.memref_slice %arg8[%add3A_155] : memref<2097152xf32, #tpu.memory_space<hbm>> -> memref<8192xf32, #tpu.memory_space<hbm>>
        tpu.enqueue_dma source(%arg14 : memref<8192xf32, #tpu.memory_space<vmem>>) target(%dma_start3A_181 : memref<8192xf32, #tpu.memory_space<hbm>>) target_semaphore(%run_scoped3A : memref<!tpu.dma_semaphore, #tpu.memory_space<semaphore_mem>>)
        %dma_wait3A = tpu.memref_slice %arg8[%add3A_155] : memref<2097152xf32, #tpu.memory_space<hbm>> -> memref<8192xf32, #tpu.memory_space<hbm>>
        %dma_wait3A_182 = tpu.memref_slice %arg8[%add3A_155] : memref<2097152xf32, #tpu.memory_space<hbm>> -> memref<8192xf32, #tpu.memory_space<hbm>>
        tpu.wait_dma2 semaphore(%run_scoped3A : memref<!tpu.dma_semaphore, #tpu.memory_space<semaphore_mem>>) src(%arg14 : memref<8192xf32, #tpu.memory_space<vmem>>) dst(%dma_wait3A_182 : memref<8192xf32, #tpu.memory_space<hbm>>)
        tpu.yield
      }) : () -> ()
      %add3A_156 = arith.constant 32768 : i32
      %add3A_157 = arith.addi %mul3A_131, %add3A_156 : i32
      "tpu.region"() ({
        %run_scoped3A = tpu.sem_alloc : memref<!tpu.dma_semaphore, #tpu.memory_space<semaphore_mem>>
        %dma_start3A = tpu.memref_slice %arg15[%add3A_157] : memref<1048832xf32, #tpu.memory_space<vmem_shared>> -> memref<8192xf32, #tpu.memory_space<vmem_shared>>
        %dma_start3A_181 = tpu.memref_slice %arg15[%add3A_157] : memref<1048832xf32, #tpu.memory_space<vmem_shared>> -> memref<8192xf32, #tpu.memory_space<vmem_shared>>
        tpu.enqueue_dma source(%dma_start3A_181 : memref<8192xf32, #tpu.memory_space<vmem_shared>>) target(%arg14 : memref<8192xf32, #tpu.memory_space<vmem>>) target_semaphore(%run_scoped3A : memref<!tpu.dma_semaphore, #tpu.memory_space<semaphore_mem>>)
        %dma_wait3A = tpu.memref_slice %arg15[%add3A_157] : memref<1048832xf32, #tpu.memory_space<vmem_shared>> -> memref<8192xf32, #tpu.memory_space<vmem_shared>>
        %dma_wait3A_182 = tpu.memref_slice %arg15[%add3A_157] : memref<1048832xf32, #tpu.memory_space<vmem_shared>> -> memref<8192xf32, #tpu.memory_space<vmem_shared>>
        tpu.wait_dma2 semaphore(%run_scoped3A : memref<!tpu.dma_semaphore, #tpu.memory_space<semaphore_mem>>) src(%dma_wait3A_182 : memref<8192xf32, #tpu.memory_space<vmem_shared>>) dst(%arg14 : memref<8192xf32, #tpu.memory_space<vmem>>)
        tpu.yield
      }) : () -> ()
      %add3A_158 = arith.constant 1048576 : i32
      %add3A_159 = arith.addi %add3A_158, %mul3A_131 : i32
      %add3A_160 = arith.constant 32768 : i32
      %add3A_161 = arith.addi %add3A_159, %add3A_160 : i32
      "tpu.region"() ({
        %run_scoped3A = tpu.sem_alloc : memref<!tpu.dma_semaphore, #tpu.memory_space<semaphore_mem>>
        %dma_start3A = tpu.memref_slice %arg8[%add3A_161] : memref<2097152xf32, #tpu.memory_space<hbm>> -> memref<8192xf32, #tpu.memory_space<hbm>>
        %dma_start3A_181 = tpu.memref_slice %arg8[%add3A_161] : memref<2097152xf32, #tpu.memory_space<hbm>> -> memref<8192xf32, #tpu.memory_space<hbm>>
        tpu.enqueue_dma source(%arg14 : memref<8192xf32, #tpu.memory_space<vmem>>) target(%dma_start3A_181 : memref<8192xf32, #tpu.memory_space<hbm>>) target_semaphore(%run_scoped3A : memref<!tpu.dma_semaphore, #tpu.memory_space<semaphore_mem>>)
        %dma_wait3A = tpu.memref_slice %arg8[%add3A_161] : memref<2097152xf32, #tpu.memory_space<hbm>> -> memref<8192xf32, #tpu.memory_space<hbm>>
        %dma_wait3A_182 = tpu.memref_slice %arg8[%add3A_161] : memref<2097152xf32, #tpu.memory_space<hbm>> -> memref<8192xf32, #tpu.memory_space<hbm>>
        tpu.wait_dma2 semaphore(%run_scoped3A : memref<!tpu.dma_semaphore, #tpu.memory_space<semaphore_mem>>) src(%arg14 : memref<8192xf32, #tpu.memory_space<vmem>>) dst(%dma_wait3A_182 : memref<8192xf32, #tpu.memory_space<hbm>>)
        tpu.yield
      }) : () -> ()
      %add3A_162 = arith.constant 40960 : i32
      %add3A_163 = arith.addi %mul3A_131, %add3A_162 : i32
      "tpu.region"() ({
        %run_scoped3A = tpu.sem_alloc : memref<!tpu.dma_semaphore, #tpu.memory_space<semaphore_mem>>
        %dma_start3A = tpu.memref_slice %arg15[%add3A_163] : memref<1048832xf32, #tpu.memory_space<vmem_shared>> -> memref<8192xf32, #tpu.memory_space<vmem_shared>>
        %dma_start3A_181 = tpu.memref_slice %arg15[%add3A_163] : memref<1048832xf32, #tpu.memory_space<vmem_shared>> -> memref<8192xf32, #tpu.memory_space<vmem_shared>>
        tpu.enqueue_dma source(%dma_start3A_181 : memref<8192xf32, #tpu.memory_space<vmem_shared>>) target(%arg14 : memref<8192xf32, #tpu.memory_space<vmem>>) target_semaphore(%run_scoped3A : memref<!tpu.dma_semaphore, #tpu.memory_space<semaphore_mem>>)
        %dma_wait3A = tpu.memref_slice %arg15[%add3A_163] : memref<1048832xf32, #tpu.memory_space<vmem_shared>> -> memref<8192xf32, #tpu.memory_space<vmem_shared>>
        %dma_wait3A_182 = tpu.memref_slice %arg15[%add3A_163] : memref<1048832xf32, #tpu.memory_space<vmem_shared>> -> memref<8192xf32, #tpu.memory_space<vmem_shared>>
        tpu.wait_dma2 semaphore(%run_scoped3A : memref<!tpu.dma_semaphore, #tpu.memory_space<semaphore_mem>>) src(%dma_wait3A_182 : memref<8192xf32, #tpu.memory_space<vmem_shared>>) dst(%arg14 : memref<8192xf32, #tpu.memory_space<vmem>>)
        tpu.yield
      }) : () -> ()
      %add3A_164 = arith.constant 1048576 : i32
      %add3A_165 = arith.addi %add3A_164, %mul3A_131 : i32
      %add3A_166 = arith.constant 40960 : i32
      %add3A_167 = arith.addi %add3A_165, %add3A_166 : i32
      "tpu.region"() ({
        %run_scoped3A = tpu.sem_alloc : memref<!tpu.dma_semaphore, #tpu.memory_space<semaphore_mem>>
        %dma_start3A = tpu.memref_slice %arg8[%add3A_167] : memref<2097152xf32, #tpu.memory_space<hbm>> -> memref<8192xf32, #tpu.memory_space<hbm>>
        %dma_start3A_181 = tpu.memref_slice %arg8[%add3A_167] : memref<2097152xf32, #tpu.memory_space<hbm>> -> memref<8192xf32, #tpu.memory_space<hbm>>
        tpu.enqueue_dma source(%arg14 : memref<8192xf32, #tpu.memory_space<vmem>>) target(%dma_start3A_181 : memref<8192xf32, #tpu.memory_space<hbm>>) target_semaphore(%run_scoped3A : memref<!tpu.dma_semaphore, #tpu.memory_space<semaphore_mem>>)
        %dma_wait3A = tpu.memref_slice %arg8[%add3A_167] : memref<2097152xf32, #tpu.memory_space<hbm>> -> memref<8192xf32, #tpu.memory_space<hbm>>
        %dma_wait3A_182 = tpu.memref_slice %arg8[%add3A_167] : memref<2097152xf32, #tpu.memory_space<hbm>> -> memref<8192xf32, #tpu.memory_space<hbm>>
        tpu.wait_dma2 semaphore(%run_scoped3A : memref<!tpu.dma_semaphore, #tpu.memory_space<semaphore_mem>>) src(%arg14 : memref<8192xf32, #tpu.memory_space<vmem>>) dst(%dma_wait3A_182 : memref<8192xf32, #tpu.memory_space<hbm>>)
        tpu.yield
      }) : () -> ()
      %add3A_168 = arith.constant 49152 : i32
      %add3A_169 = arith.addi %mul3A_131, %add3A_168 : i32
      "tpu.region"() ({
        %run_scoped3A = tpu.sem_alloc : memref<!tpu.dma_semaphore, #tpu.memory_space<semaphore_mem>>
        %dma_start3A = tpu.memref_slice %arg15[%add3A_169] : memref<1048832xf32, #tpu.memory_space<vmem_shared>> -> memref<8192xf32, #tpu.memory_space<vmem_shared>>
        %dma_start3A_181 = tpu.memref_slice %arg15[%add3A_169] : memref<1048832xf32, #tpu.memory_space<vmem_shared>> -> memref<8192xf32, #tpu.memory_space<vmem_shared>>
        tpu.enqueue_dma source(%dma_start3A_181 : memref<8192xf32, #tpu.memory_space<vmem_shared>>) target(%arg14 : memref<8192xf32, #tpu.memory_space<vmem>>) target_semaphore(%run_scoped3A : memref<!tpu.dma_semaphore, #tpu.memory_space<semaphore_mem>>)
        %dma_wait3A = tpu.memref_slice %arg15[%add3A_169] : memref<1048832xf32, #tpu.memory_space<vmem_shared>> -> memref<8192xf32, #tpu.memory_space<vmem_shared>>
        %dma_wait3A_182 = tpu.memref_slice %arg15[%add3A_169] : memref<1048832xf32, #tpu.memory_space<vmem_shared>> -> memref<8192xf32, #tpu.memory_space<vmem_shared>>
        tpu.wait_dma2 semaphore(%run_scoped3A : memref<!tpu.dma_semaphore, #tpu.memory_space<semaphore_mem>>) src(%dma_wait3A_182 : memref<8192xf32, #tpu.memory_space<vmem_shared>>) dst(%arg14 : memref<8192xf32, #tpu.memory_space<vmem>>)
        tpu.yield
      }) : () -> ()
      %add3A_170 = arith.constant 1048576 : i32
      %add3A_171 = arith.addi %add3A_170, %mul3A_131 : i32
      %add3A_172 = arith.constant 49152 : i32
      %add3A_173 = arith.addi %add3A_171, %add3A_172 : i32
      "tpu.region"() ({
        %run_scoped3A = tpu.sem_alloc : memref<!tpu.dma_semaphore, #tpu.memory_space<semaphore_mem>>
        %dma_start3A = tpu.memref_slice %arg8[%add3A_173] : memref<2097152xf32, #tpu.memory_space<hbm>> -> memref<8192xf32, #tpu.memory_space<hbm>>
        %dma_start3A_181 = tpu.memref_slice %arg8[%add3A_173] : memref<2097152xf32, #tpu.memory_space<hbm>> -> memref<8192xf32, #tpu.memory_space<hbm>>
        tpu.enqueue_dma source(%arg14 : memref<8192xf32, #tpu.memory_space<vmem>>) target(%dma_start3A_181 : memref<8192xf32, #tpu.memory_space<hbm>>) target_semaphore(%run_scoped3A : memref<!tpu.dma_semaphore, #tpu.memory_space<semaphore_mem>>)
        %dma_wait3A = tpu.memref_slice %arg8[%add3A_173] : memref<2097152xf32, #tpu.memory_space<hbm>> -> memref<8192xf32, #tpu.memory_space<hbm>>
        %dma_wait3A_182 = tpu.memref_slice %arg8[%add3A_173] : memref<2097152xf32, #tpu.memory_space<hbm>> -> memref<8192xf32, #tpu.memory_space<hbm>>
        tpu.wait_dma2 semaphore(%run_scoped3A : memref<!tpu.dma_semaphore, #tpu.memory_space<semaphore_mem>>) src(%arg14 : memref<8192xf32, #tpu.memory_space<vmem>>) dst(%dma_wait3A_182 : memref<8192xf32, #tpu.memory_space<hbm>>)
        tpu.yield
      }) : () -> ()
      %add3A_174 = arith.constant 57344 : i32
      %add3A_175 = arith.addi %mul3A_131, %add3A_174 : i32
      "tpu.region"() ({
        %run_scoped3A = tpu.sem_alloc : memref<!tpu.dma_semaphore, #tpu.memory_space<semaphore_mem>>
        %dma_start3A = tpu.memref_slice %arg15[%add3A_175] : memref<1048832xf32, #tpu.memory_space<vmem_shared>> -> memref<8192xf32, #tpu.memory_space<vmem_shared>>
        %dma_start3A_181 = tpu.memref_slice %arg15[%add3A_175] : memref<1048832xf32, #tpu.memory_space<vmem_shared>> -> memref<8192xf32, #tpu.memory_space<vmem_shared>>
        tpu.enqueue_dma source(%dma_start3A_181 : memref<8192xf32, #tpu.memory_space<vmem_shared>>) target(%arg14 : memref<8192xf32, #tpu.memory_space<vmem>>) target_semaphore(%run_scoped3A : memref<!tpu.dma_semaphore, #tpu.memory_space<semaphore_mem>>)
        %dma_wait3A = tpu.memref_slice %arg15[%add3A_175] : memref<1048832xf32, #tpu.memory_space<vmem_shared>> -> memref<8192xf32, #tpu.memory_space<vmem_shared>>
        %dma_wait3A_182 = tpu.memref_slice %arg15[%add3A_175] : memref<1048832xf32, #tpu.memory_space<vmem_shared>> -> memref<8192xf32, #tpu.memory_space<vmem_shared>>
        tpu.wait_dma2 semaphore(%run_scoped3A : memref<!tpu.dma_semaphore, #tpu.memory_space<semaphore_mem>>) src(%dma_wait3A_182 : memref<8192xf32, #tpu.memory_space<vmem_shared>>) dst(%arg14 : memref<8192xf32, #tpu.memory_space<vmem>>)
        tpu.yield
      }) : () -> ()
      %add3A_176 = arith.constant 1048576 : i32
      %add3A_177 = arith.addi %add3A_176, %mul3A_131 : i32
      %add3A_178 = arith.constant 57344 : i32
      %add3A_179 = arith.addi %add3A_177, %add3A_178 : i32
      "tpu.region"() ({
        %run_scoped3A = tpu.sem_alloc : memref<!tpu.dma_semaphore, #tpu.memory_space<semaphore_mem>>
        %dma_start3A = tpu.memref_slice %arg8[%add3A_179] : memref<2097152xf32, #tpu.memory_space<hbm>> -> memref<8192xf32, #tpu.memory_space<hbm>>
        %dma_start3A_181 = tpu.memref_slice %arg8[%add3A_179] : memref<2097152xf32, #tpu.memory_space<hbm>> -> memref<8192xf32, #tpu.memory_space<hbm>>
        tpu.enqueue_dma source(%arg14 : memref<8192xf32, #tpu.memory_space<vmem>>) target(%dma_start3A_181 : memref<8192xf32, #tpu.memory_space<hbm>>) target_semaphore(%run_scoped3A : memref<!tpu.dma_semaphore, #tpu.memory_space<semaphore_mem>>)
        %dma_wait3A = tpu.memref_slice %arg8[%add3A_179] : memref<2097152xf32, #tpu.memory_space<hbm>> -> memref<8192xf32, #tpu.memory_space<hbm>>
        %dma_wait3A_182 = tpu.memref_slice %arg8[%add3A_179] : memref<2097152xf32, #tpu.memory_space<hbm>> -> memref<8192xf32, #tpu.memory_space<hbm>>
        tpu.wait_dma2 semaphore(%run_scoped3A : memref<!tpu.dma_semaphore, #tpu.memory_space<semaphore_mem>>) src(%arg14 : memref<8192xf32, #tpu.memory_space<vmem>>) dst(%dma_wait3A_182 : memref<8192xf32, #tpu.memory_space<hbm>>)
        tpu.yield
      }) : () -> ()
      %barrier3A_180 = arith.constant 0 : index
      tpu.barrier barrier_id(%barrier3A_180)
    } else {
    }
    %eq3A_41 = arith.constant 1 : i32
    %eq3A_42 = arith.cmpi eq, %arg0, %eq3A_41 : i32
    %convert_element_type3A_43 = arith.extui %eq3A_42 : i1 to i32
    %cond3A_44 = arith.constant 0 : i32
    %cond3A_45 = arith.cmpi ne, %convert_element_type3A_43, %cond3A_44 : i32
    scf.if %cond3A_45 {
      %mul3A = arith.constant 65552 : i32
      %mul3A_46 = arith.muli %arg1, %mul3A : i32
      %scan3A_47 = arith.constant 0 : i32
      %scan3A_48 = arith.constant 0 : i32
      %scan3A_49 = arith.constant 8 : i32
      %scan3A_50 = arith.addi %scan3A_48, %scan3A_49 : i32
      %scan3A_51 = arith.constant 1 : i32
      scf.for %scan3A_181 = %scan3A_48 to %scan3A_50 step %scan3A_51  : i32 {
        %mul3A_182 = arith.constant 8192 : i32
        %mul3A_183 = arith.muli %scan3A_181, %mul3A_182 : i32
        %add3A_184 = arith.addi %mul3A_46, %mul3A_183 : i32
        "tpu.region"() ({
          %run_scoped3A = tpu.sem_alloc : memref<!tpu.dma_semaphore, #tpu.memory_space<semaphore_mem>>
          %dma_start3A = tpu.memref_slice %arg15[%add3A_184] : memref<1048832xf32, #tpu.memory_space<vmem_shared>> -> memref<8192xf32, #tpu.memory_space<vmem_shared>>
          %dma_start3A_185 = tpu.memref_slice %arg15[%add3A_184] : memref<1048832xf32, #tpu.memory_space<vmem_shared>> -> memref<8192xf32, #tpu.memory_space<vmem_shared>>
          tpu.enqueue_dma source(%arg12 : memref<8192xf32, #tpu.memory_space<vmem>>) target(%dma_start3A_185 : memref<8192xf32, #tpu.memory_space<vmem_shared>>) target_semaphore(%run_scoped3A : memref<!tpu.dma_semaphore, #tpu.memory_space<semaphore_mem>>)
          %dma_wait3A = tpu.memref_slice %arg15[%add3A_184] : memref<1048832xf32, #tpu.memory_space<vmem_shared>> -> memref<8192xf32, #tpu.memory_space<vmem_shared>>
          %dma_wait3A_186 = tpu.memref_slice %arg15[%add3A_184] : memref<1048832xf32, #tpu.memory_space<vmem_shared>> -> memref<8192xf32, #tpu.memory_space<vmem_shared>>
          tpu.wait_dma2 semaphore(%run_scoped3A : memref<!tpu.dma_semaphore, #tpu.memory_space<semaphore_mem>>) src(%arg12 : memref<8192xf32, #tpu.memory_space<vmem>>) dst(%dma_wait3A_186 : memref<8192xf32, #tpu.memory_space<vmem_shared>>)
          tpu.yield
        }) : () -> ()
      }
      %scan3A_52 = arith.constant 8 : i32
      %add3A = arith.constant 65536 : i32
      %add3A_53 = arith.addi %mul3A_46, %add3A : i32
      "tpu.region"() ({
        %run_scoped3A = tpu.sem_alloc : memref<!tpu.dma_semaphore, #tpu.memory_space<semaphore_mem>>
        %dma_start3A = arith.constant 0 : i32
        %dma_start3A_181 = tpu.memref_slice %arg12[%dma_start3A] : memref<8192xf32, #tpu.memory_space<vmem>> -> memref<16xf32, #tpu.memory_space<vmem>>
        %dma_start3A_182 = tpu.memref_slice %arg15[%add3A_53] : memref<1048832xf32, #tpu.memory_space<vmem_shared>> -> memref<16xf32, #tpu.memory_space<vmem_shared>>
        %dma_start3A_183 = tpu.memref_slice %arg15[%add3A_53] : memref<1048832xf32, #tpu.memory_space<vmem_shared>> -> memref<16xf32, #tpu.memory_space<vmem_shared>>
        %dma_start3A_184 = arith.constant 0 : i32
        %dma_start3A_185 = tpu.memref_slice %arg12[%dma_start3A_184] : memref<8192xf32, #tpu.memory_space<vmem>> -> memref<16xf32, #tpu.memory_space<vmem>>
        tpu.enqueue_dma source(%dma_start3A_185 : memref<16xf32, #tpu.memory_space<vmem>>) target(%dma_start3A_183 : memref<16xf32, #tpu.memory_space<vmem_shared>>) target_semaphore(%run_scoped3A : memref<!tpu.dma_semaphore, #tpu.memory_space<semaphore_mem>>)
        %dma_wait3A = arith.constant 0 : i32
        %dma_wait3A_186 = tpu.memref_slice %arg12[%dma_wait3A] : memref<8192xf32, #tpu.memory_space<vmem>> -> memref<16xf32, #tpu.memory_space<vmem>>
        %dma_wait3A_187 = tpu.memref_slice %arg15[%add3A_53] : memref<1048832xf32, #tpu.memory_space<vmem_shared>> -> memref<16xf32, #tpu.memory_space<vmem_shared>>
        %dma_wait3A_188 = tpu.memref_slice %arg15[%add3A_53] : memref<1048832xf32, #tpu.memory_space<vmem_shared>> -> memref<16xf32, #tpu.memory_space<vmem_shared>>
        %dma_wait3A_189 = arith.constant 0 : i32
        %dma_wait3A_190 = tpu.memref_slice %arg12[%dma_wait3A_189] : memref<8192xf32, #tpu.memory_space<vmem>> -> memref<16xf32, #tpu.memory_space<vmem>>
        tpu.wait_dma2 semaphore(%run_scoped3A : memref<!tpu.dma_semaphore, #tpu.memory_space<semaphore_mem>>) src(%dma_wait3A_190 : memref<16xf32, #tpu.memory_space<vmem>>) dst(%dma_wait3A_188 : memref<16xf32, #tpu.memory_space<vmem_shared>>)
        tpu.yield
      }) : () -> ()
      %barrier3A = arith.constant 0 : index
      tpu.barrier barrier_id(%barrier3A)
      %scan3A_54 = arith.constant 0 : i32
      %scan3A_55 = arith.constant 0 : i32
      %scan3A_56 = arith.constant 256 : i32
      %scan3A_57 = arith.addi %scan3A_55, %scan3A_56 : i32
      %scan3A_58 = arith.constant 1 : i32
      scf.for %scan3A_181 = %scan3A_55 to %scan3A_57 step %scan3A_58  : i32 {
        %mul3A_182 = arith.constant 16 : i32
        %mul3A_183 = arith.muli %scan3A_181, %mul3A_182 : i32
        "tpu.region"() ({
          %run_scoped3A = tpu.sem_alloc : memref<!tpu.dma_semaphore, #tpu.memory_space<semaphore_mem>>
          %dma_start3A = arith.constant 0 : i32
          %dma_start3A_409 = tpu.memref_slice %arg4[%arg1, %mul3A_183, %dma_start3A] : memref<16x4096x128xi32, #tpu.memory_space<hbm>> -> memref<1x16x128xi32, #tpu.memory_space<hbm>>
          %dma_start3A_410 = tpu.memref_squeeze %dma_start3A_409 : memref<1x16x128xi32, #tpu.memory_space<hbm>> -> memref<16x128xi32, #tpu.memory_space<hbm>>
          %dma_start3A_411 = arith.constant 0 : i32
          %dma_start3A_412 = tpu.memref_slice %arg4[%arg1, %mul3A_183, %dma_start3A_411] : memref<16x4096x128xi32, #tpu.memory_space<hbm>> -> memref<1x16x128xi32, #tpu.memory_space<hbm>>
          %dma_start3A_413 = tpu.memref_squeeze %dma_start3A_412 : memref<1x16x128xi32, #tpu.memory_space<hbm>> -> memref<16x128xi32, #tpu.memory_space<hbm>>
          tpu.enqueue_dma source(%dma_start3A_413 : memref<16x128xi32, #tpu.memory_space<hbm>>) target(%arg10 : memref<16x128xi32, #tpu.memory_space<vmem>>) target_semaphore(%run_scoped3A : memref<!tpu.dma_semaphore, #tpu.memory_space<semaphore_mem>>)
          %dma_wait3A = arith.constant 0 : i32
          %dma_wait3A_414 = tpu.memref_slice %arg4[%arg1, %mul3A_183, %dma_wait3A] : memref<16x4096x128xi32, #tpu.memory_space<hbm>> -> memref<1x16x128xi32, #tpu.memory_space<hbm>>
          %dma_wait3A_415 = tpu.memref_squeeze %dma_wait3A_414 : memref<1x16x128xi32, #tpu.memory_space<hbm>> -> memref<16x128xi32, #tpu.memory_space<hbm>>
          %dma_wait3A_416 = arith.constant 0 : i32
          %dma_wait3A_417 = tpu.memref_slice %arg4[%arg1, %mul3A_183, %dma_wait3A_416] : memref<16x4096x128xi32, #tpu.memory_space<hbm>> -> memref<1x16x128xi32, #tpu.memory_space<hbm>>
          %dma_wait3A_418 = tpu.memref_squeeze %dma_wait3A_417 : memref<1x16x128xi32, #tpu.memory_space<hbm>> -> memref<16x128xi32, #tpu.memory_space<hbm>>
          tpu.wait_dma2 semaphore(%run_scoped3A : memref<!tpu.dma_semaphore, #tpu.memory_space<semaphore_mem>>) src(%dma_wait3A_418 : memref<16x128xi32, #tpu.memory_space<hbm>>) dst(%arg10 : memref<16x128xi32, #tpu.memory_space<vmem>>)
          tpu.yield
        }) : () -> ()
        %mul3A_184 = arith.constant 16 : i32
        %mul3A_185 = arith.muli %scan3A_181, %mul3A_184 : i32
        "tpu.region"() ({
          %run_scoped3A = tpu.sem_alloc : memref<!tpu.dma_semaphore, #tpu.memory_space<semaphore_mem>>
          %dma_start3A = tpu.memref_slice %arg7[%arg1, %mul3A_185] : memref<16x4096xi32, #tpu.memory_space<hbm>> -> memref<1x16xi32, #tpu.memory_space<hbm>>
          %dma_start3A_409 = tpu.memref_squeeze %dma_start3A : memref<1x16xi32, #tpu.memory_space<hbm>> -> memref<16xi32, #tpu.memory_space<hbm>>
          %dma_start3A_410 = tpu.memref_slice %arg7[%arg1, %mul3A_185] : memref<16x4096xi32, #tpu.memory_space<hbm>> -> memref<1x16xi32, #tpu.memory_space<hbm>>
          %dma_start3A_411 = tpu.memref_squeeze %dma_start3A_410 : memref<1x16xi32, #tpu.memory_space<hbm>> -> memref<16xi32, #tpu.memory_space<hbm>>
          tpu.enqueue_dma source(%dma_start3A_411 : memref<16xi32, #tpu.memory_space<hbm>>) target(%arg11 : memref<16xi32, #tpu.memory_space<vmem>>) target_semaphore(%run_scoped3A : memref<!tpu.dma_semaphore, #tpu.memory_space<semaphore_mem>>)
          %dma_wait3A = tpu.memref_slice %arg7[%arg1, %mul3A_185] : memref<16x4096xi32, #tpu.memory_space<hbm>> -> memref<1x16xi32, #tpu.memory_space<hbm>>
          %dma_wait3A_412 = tpu.memref_squeeze %dma_wait3A : memref<1x16xi32, #tpu.memory_space<hbm>> -> memref<16xi32, #tpu.memory_space<hbm>>
          %dma_wait3A_413 = tpu.memref_slice %arg7[%arg1, %mul3A_185] : memref<16x4096xi32, #tpu.memory_space<hbm>> -> memref<1x16xi32, #tpu.memory_space<hbm>>
          %dma_wait3A_414 = tpu.memref_squeeze %dma_wait3A_413 : memref<1x16xi32, #tpu.memory_space<hbm>> -> memref<16xi32, #tpu.memory_space<hbm>>
          tpu.wait_dma2 semaphore(%run_scoped3A : memref<!tpu.dma_semaphore, #tpu.memory_space<semaphore_mem>>) src(%dma_wait3A_414 : memref<16xi32, #tpu.memory_space<hbm>>) dst(%arg11 : memref<16xi32, #tpu.memory_space<vmem>>)
          tpu.yield
        }) : () -> ()
        %get3A = arith.constant 0 : index
        %get3A_186 = tpu.vector_load %arg11[%get3A] {strides = array<i32>} : memref<16xi32, #tpu.memory_space<vmem>>, vector<16xi32>,
        %get3A_187 = vector.shape_cast %get3A_186 : vector<16xi32> to vector<16xi32>
        %slice3A = vector.extract_strided_slice %get3A_187 {offsets = [0], sizes = [1], strides = [1]} : vector<16xi32> to vector<1xi32>
        %squeeze3A = vector.extract %slice3A[0] : i32 from vector<1xi32>
        %ne3A = arith.constant 0 : i32
        %ne3A_188 = arith.cmpi ne, %squeeze3A, %ne3A : i32
        %convert_element_type3A_189 = arith.extui %ne3A_188 : i1 to i32
        %cond3A_190 = arith.constant 0 : i32
        %cond3A_191 = arith.cmpi ne, %convert_element_type3A_189, %cond3A_190 : i32
        scf.if %cond3A_191 {
          %dma_start3A = arith.constant 0 : i32
          %dma_start3A_409 = arith.constant 0 : i32
          %dma_start3A_410 = tpu.memref_slice %arg10[%dma_start3A, %dma_start3A_409] : memref<16x128xi32, #tpu.memory_space<vmem>> -> memref<1x128xi32, #tpu.memory_space<vmem>>
          %dma_start3A_411 = tpu.memref_squeeze %dma_start3A_410 : memref<1x128xi32, #tpu.memory_space<vmem>> -> memref<128xi32, #tpu.memory_space<vmem>>
          %dma_start3A_412 = arith.constant 0 : i32
          %dma_start3A_413 = tpu.memref_slice %arg15[%dma_start3A_412] : memref<1048832xf32, #tpu.memory_space<vmem_shared>> -> memref<1048832xf32, #tpu.memory_space<vmem_shared>>
          tpu.enqueue_indirect_dma source(%arg13 : memref<128xf32, #tpu.memory_space<vmem>>) target(%dma_start3A_413 : memref<1048832xf32, #tpu.memory_space<vmem_shared>>) offsets(%dma_start3A_411 : memref<128xi32, #tpu.memory_space<vmem>>) semaphore(%arg16 : memref<!tpu.dma_semaphore, #tpu.memory_space<semaphore_mem>>)
        } else {
        }
        %slice3A_192 = vector.extract_strided_slice %get3A_187 {offsets = [1], sizes = [1], strides = [1]} : vector<16xi32> to vector<1xi32>
        %squeeze3A_193 = vector.extract %slice3A_192[0] : i32 from vector<1xi32>
        %ne3A_194 = arith.constant 0 : i32
        %ne3A_195 = arith.cmpi ne, %squeeze3A_193, %ne3A_194 : i32
        %convert_element_type3A_196 = arith.extui %ne3A_195 : i1 to i32
        %cond3A_197 = arith.constant 0 : i32
        %cond3A_198 = arith.cmpi ne, %convert_element_type3A_196, %cond3A_197 : i32
        scf.if %cond3A_198 {
          %dma_start3A = arith.constant 1 : i32
          %dma_start3A_409 = arith.constant 0 : i32
          %dma_start3A_410 = tpu.memref_slice %arg10[%dma_start3A, %dma_start3A_409] : memref<16x128xi32, #tpu.memory_space<vmem>> -> memref<1x128xi32, #tpu.memory_space<vmem>>
          %dma_start3A_411 = tpu.memref_squeeze %dma_start3A_410 : memref<1x128xi32, #tpu.memory_space<vmem>> -> memref<128xi32, #tpu.memory_space<vmem>>
          %dma_start3A_412 = arith.constant 0 : i32
          %dma_start3A_413 = tpu.memref_slice %arg15[%dma_start3A_412] : memref<1048832xf32, #tpu.memory_space<vmem_shared>> -> memref<1048832xf32, #tpu.memory_space<vmem_shared>>
          tpu.enqueue_indirect_dma source(%arg13 : memref<128xf32, #tpu.memory_space<vmem>>) target(%dma_start3A_413 : memref<1048832xf32, #tpu.memory_space<vmem_shared>>) offsets(%dma_start3A_411 : memref<128xi32, #tpu.memory_space<vmem>>) semaphore(%arg16 : memref<!tpu.dma_semaphore, #tpu.memory_space<semaphore_mem>>)
        } else {
        }
        %slice3A_199 = vector.extract_strided_slice %get3A_187 {offsets = [2], sizes = [1], strides = [1]} : vector<16xi32> to vector<1xi32>
        %squeeze3A_200 = vector.extract %slice3A_199[0] : i32 from vector<1xi32>
        %ne3A_201 = arith.constant 0 : i32
        %ne3A_202 = arith.cmpi ne, %squeeze3A_200, %ne3A_201 : i32
        %convert_element_type3A_203 = arith.extui %ne3A_202 : i1 to i32
        %cond3A_204 = arith.constant 0 : i32
        %cond3A_205 = arith.cmpi ne, %convert_element_type3A_203, %cond3A_204 : i32
        scf.if %cond3A_205 {
          %dma_start3A = arith.constant 2 : i32
          %dma_start3A_409 = arith.constant 0 : i32
          %dma_start3A_410 = tpu.memref_slice %arg10[%dma_start3A, %dma_start3A_409] : memref<16x128xi32, #tpu.memory_space<vmem>> -> memref<1x128xi32, #tpu.memory_space<vmem>>
          %dma_start3A_411 = tpu.memref_squeeze %dma_start3A_410 : memref<1x128xi32, #tpu.memory_space<vmem>> -> memref<128xi32, #tpu.memory_space<vmem>>
          %dma_start3A_412 = arith.constant 0 : i32
          %dma_start3A_413 = tpu.memref_slice %arg15[%dma_start3A_412] : memref<1048832xf32, #tpu.memory_space<vmem_shared>> -> memref<1048832xf32, #tpu.memory_space<vmem_shared>>
          tpu.enqueue_indirect_dma source(%arg13 : memref<128xf32, #tpu.memory_space<vmem>>) target(%dma_start3A_413 : memref<1048832xf32, #tpu.memory_space<vmem_shared>>) offsets(%dma_start3A_411 : memref<128xi32, #tpu.memory_space<vmem>>) semaphore(%arg16 : memref<!tpu.dma_semaphore, #tpu.memory_space<semaphore_mem>>)
        } else {
        }
        %slice3A_206 = vector.extract_strided_slice %get3A_187 {offsets = [3], sizes = [1], strides = [1]} : vector<16xi32> to vector<1xi32>
        %squeeze3A_207 = vector.extract %slice3A_206[0] : i32 from vector<1xi32>
        %ne3A_208 = arith.constant 0 : i32
        %ne3A_209 = arith.cmpi ne, %squeeze3A_207, %ne3A_208 : i32
        %convert_element_type3A_210 = arith.extui %ne3A_209 : i1 to i32
        %cond3A_211 = arith.constant 0 : i32
        %cond3A_212 = arith.cmpi ne, %convert_element_type3A_210, %cond3A_211 : i32
        scf.if %cond3A_212 {
          %dma_start3A = arith.constant 3 : i32
          %dma_start3A_409 = arith.constant 0 : i32
          %dma_start3A_410 = tpu.memref_slice %arg10[%dma_start3A, %dma_start3A_409] : memref<16x128xi32, #tpu.memory_space<vmem>> -> memref<1x128xi32, #tpu.memory_space<vmem>>
          %dma_start3A_411 = tpu.memref_squeeze %dma_start3A_410 : memref<1x128xi32, #tpu.memory_space<vmem>> -> memref<128xi32, #tpu.memory_space<vmem>>
          %dma_start3A_412 = arith.constant 0 : i32
          %dma_start3A_413 = tpu.memref_slice %arg15[%dma_start3A_412] : memref<1048832xf32, #tpu.memory_space<vmem_shared>> -> memref<1048832xf32, #tpu.memory_space<vmem_shared>>
          tpu.enqueue_indirect_dma source(%arg13 : memref<128xf32, #tpu.memory_space<vmem>>) target(%dma_start3A_413 : memref<1048832xf32, #tpu.memory_space<vmem_shared>>) offsets(%dma_start3A_411 : memref<128xi32, #tpu.memory_space<vmem>>) semaphore(%arg16 : memref<!tpu.dma_semaphore, #tpu.memory_space<semaphore_mem>>)
        } else {
        }
        %slice3A_213 = vector.extract_strided_slice %get3A_187 {offsets = [4], sizes = [1], strides = [1]} : vector<16xi32> to vector<1xi32>
        %squeeze3A_214 = vector.extract %slice3A_213[0] : i32 from vector<1xi32>
        %ne3A_215 = arith.constant 0 : i32
        %ne3A_216 = arith.cmpi ne, %squeeze3A_214, %ne3A_215 : i32
        %convert_element_type3A_217 = arith.extui %ne3A_216 : i1 to i32
        %cond3A_218 = arith.constant 0 : i32
        %cond3A_219 = arith.cmpi ne, %convert_element_type3A_217, %cond3A_218 : i32
        scf.if %cond3A_219 {
          %dma_start3A = arith.constant 4 : i32
          %dma_start3A_409 = arith.constant 0 : i32
          %dma_start3A_410 = tpu.memref_slice %arg10[%dma_start3A, %dma_start3A_409] : memref<16x128xi32, #tpu.memory_space<vmem>> -> memref<1x128xi32, #tpu.memory_space<vmem>>
          %dma_start3A_411 = tpu.memref_squeeze %dma_start3A_410 : memref<1x128xi32, #tpu.memory_space<vmem>> -> memref<128xi32, #tpu.memory_space<vmem>>
          %dma_start3A_412 = arith.constant 0 : i32
          %dma_start3A_413 = tpu.memref_slice %arg15[%dma_start3A_412] : memref<1048832xf32, #tpu.memory_space<vmem_shared>> -> memref<1048832xf32, #tpu.memory_space<vmem_shared>>
          tpu.enqueue_indirect_dma source(%arg13 : memref<128xf32, #tpu.memory_space<vmem>>) target(%dma_start3A_413 : memref<1048832xf32, #tpu.memory_space<vmem_shared>>) offsets(%dma_start3A_411 : memref<128xi32, #tpu.memory_space<vmem>>) semaphore(%arg16 : memref<!tpu.dma_semaphore, #tpu.memory_space<semaphore_mem>>)
        } else {
        }
        %slice3A_220 = vector.extract_strided_slice %get3A_187 {offsets = [5], sizes = [1], strides = [1]} : vector<16xi32> to vector<1xi32>
        %squeeze3A_221 = vector.extract %slice3A_220[0] : i32 from vector<1xi32>
        %ne3A_222 = arith.constant 0 : i32
        %ne3A_223 = arith.cmpi ne, %squeeze3A_221, %ne3A_222 : i32
        %convert_element_type3A_224 = arith.extui %ne3A_223 : i1 to i32
        %cond3A_225 = arith.constant 0 : i32
        %cond3A_226 = arith.cmpi ne, %convert_element_type3A_224, %cond3A_225 : i32
        scf.if %cond3A_226 {
          %dma_start3A = arith.constant 5 : i32
          %dma_start3A_409 = arith.constant 0 : i32
          %dma_start3A_410 = tpu.memref_slice %arg10[%dma_start3A, %dma_start3A_409] : memref<16x128xi32, #tpu.memory_space<vmem>> -> memref<1x128xi32, #tpu.memory_space<vmem>>
          %dma_start3A_411 = tpu.memref_squeeze %dma_start3A_410 : memref<1x128xi32, #tpu.memory_space<vmem>> -> memref<128xi32, #tpu.memory_space<vmem>>
          %dma_start3A_412 = arith.constant 0 : i32
          %dma_start3A_413 = tpu.memref_slice %arg15[%dma_start3A_412] : memref<1048832xf32, #tpu.memory_space<vmem_shared>> -> memref<1048832xf32, #tpu.memory_space<vmem_shared>>
          tpu.enqueue_indirect_dma source(%arg13 : memref<128xf32, #tpu.memory_space<vmem>>) target(%dma_start3A_413 : memref<1048832xf32, #tpu.memory_space<vmem_shared>>) offsets(%dma_start3A_411 : memref<128xi32, #tpu.memory_space<vmem>>) semaphore(%arg16 : memref<!tpu.dma_semaphore, #tpu.memory_space<semaphore_mem>>)
        } else {
        }
        %slice3A_227 = vector.extract_strided_slice %get3A_187 {offsets = [6], sizes = [1], strides = [1]} : vector<16xi32> to vector<1xi32>
        %squeeze3A_228 = vector.extract %slice3A_227[0] : i32 from vector<1xi32>
        %ne3A_229 = arith.constant 0 : i32
        %ne3A_230 = arith.cmpi ne, %squeeze3A_228, %ne3A_229 : i32
        %convert_element_type3A_231 = arith.extui %ne3A_230 : i1 to i32
        %cond3A_232 = arith.constant 0 : i32
        %cond3A_233 = arith.cmpi ne, %convert_element_type3A_231, %cond3A_232 : i32
        scf.if %cond3A_233 {
          %dma_start3A = arith.constant 6 : i32
          %dma_start3A_409 = arith.constant 0 : i32
          %dma_start3A_410 = tpu.memref_slice %arg10[%dma_start3A, %dma_start3A_409] : memref<16x128xi32, #tpu.memory_space<vmem>> -> memref<1x128xi32, #tpu.memory_space<vmem>>
          %dma_start3A_411 = tpu.memref_squeeze %dma_start3A_410 : memref<1x128xi32, #tpu.memory_space<vmem>> -> memref<128xi32, #tpu.memory_space<vmem>>
          %dma_start3A_412 = arith.constant 0 : i32
          %dma_start3A_413 = tpu.memref_slice %arg15[%dma_start3A_412] : memref<1048832xf32, #tpu.memory_space<vmem_shared>> -> memref<1048832xf32, #tpu.memory_space<vmem_shared>>
          tpu.enqueue_indirect_dma source(%arg13 : memref<128xf32, #tpu.memory_space<vmem>>) target(%dma_start3A_413 : memref<1048832xf32, #tpu.memory_space<vmem_shared>>) offsets(%dma_start3A_411 : memref<128xi32, #tpu.memory_space<vmem>>) semaphore(%arg16 : memref<!tpu.dma_semaphore, #tpu.memory_space<semaphore_mem>>)
        } else {
        }
        %slice3A_234 = vector.extract_strided_slice %get3A_187 {offsets = [7], sizes = [1], strides = [1]} : vector<16xi32> to vector<1xi32>
        %squeeze3A_235 = vector.extract %slice3A_234[0] : i32 from vector<1xi32>
        %ne3A_236 = arith.constant 0 : i32
        %ne3A_237 = arith.cmpi ne, %squeeze3A_235, %ne3A_236 : i32
        %convert_element_type3A_238 = arith.extui %ne3A_237 : i1 to i32
        %cond3A_239 = arith.constant 0 : i32
        %cond3A_240 = arith.cmpi ne, %convert_element_type3A_238, %cond3A_239 : i32
        scf.if %cond3A_240 {
          %dma_start3A = arith.constant 7 : i32
          %dma_start3A_409 = arith.constant 0 : i32
          %dma_start3A_410 = tpu.memref_slice %arg10[%dma_start3A, %dma_start3A_409] : memref<16x128xi32, #tpu.memory_space<vmem>> -> memref<1x128xi32, #tpu.memory_space<vmem>>
          %dma_start3A_411 = tpu.memref_squeeze %dma_start3A_410 : memref<1x128xi32, #tpu.memory_space<vmem>> -> memref<128xi32, #tpu.memory_space<vmem>>
          %dma_start3A_412 = arith.constant 0 : i32
          %dma_start3A_413 = tpu.memref_slice %arg15[%dma_start3A_412] : memref<1048832xf32, #tpu.memory_space<vmem_shared>> -> memref<1048832xf32, #tpu.memory_space<vmem_shared>>
          tpu.enqueue_indirect_dma source(%arg13 : memref<128xf32, #tpu.memory_space<vmem>>) target(%dma_start3A_413 : memref<1048832xf32, #tpu.memory_space<vmem_shared>>) offsets(%dma_start3A_411 : memref<128xi32, #tpu.memory_space<vmem>>) semaphore(%arg16 : memref<!tpu.dma_semaphore, #tpu.memory_space<semaphore_mem>>)
        } else {
        }
        %slice3A_241 = vector.extract_strided_slice %get3A_187 {offsets = [8], sizes = [1], strides = [1]} : vector<16xi32> to vector<1xi32>
        %squeeze3A_242 = vector.extract %slice3A_241[0] : i32 from vector<1xi32>
        %ne3A_243 = arith.constant 0 : i32
        %ne3A_244 = arith.cmpi ne, %squeeze3A_242, %ne3A_243 : i32
        %convert_element_type3A_245 = arith.extui %ne3A_244 : i1 to i32
        %cond3A_246 = arith.constant 0 : i32
        %cond3A_247 = arith.cmpi ne, %convert_element_type3A_245, %cond3A_246 : i32
        scf.if %cond3A_247 {
          %dma_start3A = arith.constant 8 : i32
          %dma_start3A_409 = arith.constant 0 : i32
          %dma_start3A_410 = tpu.memref_slice %arg10[%dma_start3A, %dma_start3A_409] : memref<16x128xi32, #tpu.memory_space<vmem>> -> memref<1x128xi32, #tpu.memory_space<vmem>>
          %dma_start3A_411 = tpu.memref_squeeze %dma_start3A_410 : memref<1x128xi32, #tpu.memory_space<vmem>> -> memref<128xi32, #tpu.memory_space<vmem>>
          %dma_start3A_412 = arith.constant 0 : i32
          %dma_start3A_413 = tpu.memref_slice %arg15[%dma_start3A_412] : memref<1048832xf32, #tpu.memory_space<vmem_shared>> -> memref<1048832xf32, #tpu.memory_space<vmem_shared>>
          tpu.enqueue_indirect_dma source(%arg13 : memref<128xf32, #tpu.memory_space<vmem>>) target(%dma_start3A_413 : memref<1048832xf32, #tpu.memory_space<vmem_shared>>) offsets(%dma_start3A_411 : memref<128xi32, #tpu.memory_space<vmem>>) semaphore(%arg16 : memref<!tpu.dma_semaphore, #tpu.memory_space<semaphore_mem>>)
        } else {
        }
        %slice3A_248 = vector.extract_strided_slice %get3A_187 {offsets = [9], sizes = [1], strides = [1]} : vector<16xi32> to vector<1xi32>
        %squeeze3A_249 = vector.extract %slice3A_248[0] : i32 from vector<1xi32>
        %ne3A_250 = arith.constant 0 : i32
        %ne3A_251 = arith.cmpi ne, %squeeze3A_249, %ne3A_250 : i32
        %convert_element_type3A_252 = arith.extui %ne3A_251 : i1 to i32
        %cond3A_253 = arith.constant 0 : i32
        %cond3A_254 = arith.cmpi ne, %convert_element_type3A_252, %cond3A_253 : i32
        scf.if %cond3A_254 {
          %dma_start3A = arith.constant 9 : i32
          %dma_start3A_409 = arith.constant 0 : i32
          %dma_start3A_410 = tpu.memref_slice %arg10[%dma_start3A, %dma_start3A_409] : memref<16x128xi32, #tpu.memory_space<vmem>> -> memref<1x128xi32, #tpu.memory_space<vmem>>
          %dma_start3A_411 = tpu.memref_squeeze %dma_start3A_410 : memref<1x128xi32, #tpu.memory_space<vmem>> -> memref<128xi32, #tpu.memory_space<vmem>>
          %dma_start3A_412 = arith.constant 0 : i32
          %dma_start3A_413 = tpu.memref_slice %arg15[%dma_start3A_412] : memref<1048832xf32, #tpu.memory_space<vmem_shared>> -> memref<1048832xf32, #tpu.memory_space<vmem_shared>>
          tpu.enqueue_indirect_dma source(%arg13 : memref<128xf32, #tpu.memory_space<vmem>>) target(%dma_start3A_413 : memref<1048832xf32, #tpu.memory_space<vmem_shared>>) offsets(%dma_start3A_411 : memref<128xi32, #tpu.memory_space<vmem>>) semaphore(%arg16 : memref<!tpu.dma_semaphore, #tpu.memory_space<semaphore_mem>>)
        } else {
        }
        %slice3A_255 = vector.extract_strided_slice %get3A_187 {offsets = [10], sizes = [1], strides = [1]} : vector<16xi32> to vector<1xi32>
        %squeeze3A_256 = vector.extract %slice3A_255[0] : i32 from vector<1xi32>
        %ne3A_257 = arith.constant 0 : i32
        %ne3A_258 = arith.cmpi ne, %squeeze3A_256, %ne3A_257 : i32
        %convert_element_type3A_259 = arith.extui %ne3A_258 : i1 to i32
        %cond3A_260 = arith.constant 0 : i32
        %cond3A_261 = arith.cmpi ne, %convert_element_type3A_259, %cond3A_260 : i32
        scf.if %cond3A_261 {
          %dma_start3A = arith.constant 10 : i32
          %dma_start3A_409 = arith.constant 0 : i32
          %dma_start3A_410 = tpu.memref_slice %arg10[%dma_start3A, %dma_start3A_409] : memref<16x128xi32, #tpu.memory_space<vmem>> -> memref<1x128xi32, #tpu.memory_space<vmem>>
          %dma_start3A_411 = tpu.memref_squeeze %dma_start3A_410 : memref<1x128xi32, #tpu.memory_space<vmem>> -> memref<128xi32, #tpu.memory_space<vmem>>
          %dma_start3A_412 = arith.constant 0 : i32
          %dma_start3A_413 = tpu.memref_slice %arg15[%dma_start3A_412] : memref<1048832xf32, #tpu.memory_space<vmem_shared>> -> memref<1048832xf32, #tpu.memory_space<vmem_shared>>
          tpu.enqueue_indirect_dma source(%arg13 : memref<128xf32, #tpu.memory_space<vmem>>) target(%dma_start3A_413 : memref<1048832xf32, #tpu.memory_space<vmem_shared>>) offsets(%dma_start3A_411 : memref<128xi32, #tpu.memory_space<vmem>>) semaphore(%arg16 : memref<!tpu.dma_semaphore, #tpu.memory_space<semaphore_mem>>)
        } else {
        }
        %slice3A_262 = vector.extract_strided_slice %get3A_187 {offsets = [11], sizes = [1], strides = [1]} : vector<16xi32> to vector<1xi32>
        %squeeze3A_263 = vector.extract %slice3A_262[0] : i32 from vector<1xi32>
        %ne3A_264 = arith.constant 0 : i32
        %ne3A_265 = arith.cmpi ne, %squeeze3A_263, %ne3A_264 : i32
        %convert_element_type3A_266 = arith.extui %ne3A_265 : i1 to i32
        %cond3A_267 = arith.constant 0 : i32
        %cond3A_268 = arith.cmpi ne, %convert_element_type3A_266, %cond3A_267 : i32
        scf.if %cond3A_268 {
          %dma_start3A = arith.constant 11 : i32
          %dma_start3A_409 = arith.constant 0 : i32
          %dma_start3A_410 = tpu.memref_slice %arg10[%dma_start3A, %dma_start3A_409] : memref<16x128xi32, #tpu.memory_space<vmem>> -> memref<1x128xi32, #tpu.memory_space<vmem>>
          %dma_start3A_411 = tpu.memref_squeeze %dma_start3A_410 : memref<1x128xi32, #tpu.memory_space<vmem>> -> memref<128xi32, #tpu.memory_space<vmem>>
          %dma_start3A_412 = arith.constant 0 : i32
          %dma_start3A_413 = tpu.memref_slice %arg15[%dma_start3A_412] : memref<1048832xf32, #tpu.memory_space<vmem_shared>> -> memref<1048832xf32, #tpu.memory_space<vmem_shared>>
          tpu.enqueue_indirect_dma source(%arg13 : memref<128xf32, #tpu.memory_space<vmem>>) target(%dma_start3A_413 : memref<1048832xf32, #tpu.memory_space<vmem_shared>>) offsets(%dma_start3A_411 : memref<128xi32, #tpu.memory_space<vmem>>) semaphore(%arg16 : memref<!tpu.dma_semaphore, #tpu.memory_space<semaphore_mem>>)
        } else {
        }
        %slice3A_269 = vector.extract_strided_slice %get3A_187 {offsets = [12], sizes = [1], strides = [1]} : vector<16xi32> to vector<1xi32>
        %squeeze3A_270 = vector.extract %slice3A_269[0] : i32 from vector<1xi32>
        %ne3A_271 = arith.constant 0 : i32
        %ne3A_272 = arith.cmpi ne, %squeeze3A_270, %ne3A_271 : i32
        %convert_element_type3A_273 = arith.extui %ne3A_272 : i1 to i32
        %cond3A_274 = arith.constant 0 : i32
        %cond3A_275 = arith.cmpi ne, %convert_element_type3A_273, %cond3A_274 : i32
        scf.if %cond3A_275 {
          %dma_start3A = arith.constant 12 : i32
          %dma_start3A_409 = arith.constant 0 : i32
          %dma_start3A_410 = tpu.memref_slice %arg10[%dma_start3A, %dma_start3A_409] : memref<16x128xi32, #tpu.memory_space<vmem>> -> memref<1x128xi32, #tpu.memory_space<vmem>>
          %dma_start3A_411 = tpu.memref_squeeze %dma_start3A_410 : memref<1x128xi32, #tpu.memory_space<vmem>> -> memref<128xi32, #tpu.memory_space<vmem>>
          %dma_start3A_412 = arith.constant 0 : i32
          %dma_start3A_413 = tpu.memref_slice %arg15[%dma_start3A_412] : memref<1048832xf32, #tpu.memory_space<vmem_shared>> -> memref<1048832xf32, #tpu.memory_space<vmem_shared>>
          tpu.enqueue_indirect_dma source(%arg13 : memref<128xf32, #tpu.memory_space<vmem>>) target(%dma_start3A_413 : memref<1048832xf32, #tpu.memory_space<vmem_shared>>) offsets(%dma_start3A_411 : memref<128xi32, #tpu.memory_space<vmem>>) semaphore(%arg16 : memref<!tpu.dma_semaphore, #tpu.memory_space<semaphore_mem>>)
        } else {
        }
        %slice3A_276 = vector.extract_strided_slice %get3A_187 {offsets = [13], sizes = [1], strides = [1]} : vector<16xi32> to vector<1xi32>
        %squeeze3A_277 = vector.extract %slice3A_276[0] : i32 from vector<1xi32>
        %ne3A_278 = arith.constant 0 : i32
        %ne3A_279 = arith.cmpi ne, %squeeze3A_277, %ne3A_278 : i32
        %convert_element_type3A_280 = arith.extui %ne3A_279 : i1 to i32
        %cond3A_281 = arith.constant 0 : i32
        %cond3A_282 = arith.cmpi ne, %convert_element_type3A_280, %cond3A_281 : i32
        scf.if %cond3A_282 {
          %dma_start3A = arith.constant 13 : i32
          %dma_start3A_409 = arith.constant 0 : i32
          %dma_start3A_410 = tpu.memref_slice %arg10[%dma_start3A, %dma_start3A_409] : memref<16x128xi32, #tpu.memory_space<vmem>> -> memref<1x128xi32, #tpu.memory_space<vmem>>
          %dma_start3A_411 = tpu.memref_squeeze %dma_start3A_410 : memref<1x128xi32, #tpu.memory_space<vmem>> -> memref<128xi32, #tpu.memory_space<vmem>>
          %dma_start3A_412 = arith.constant 0 : i32
          %dma_start3A_413 = tpu.memref_slice %arg15[%dma_start3A_412] : memref<1048832xf32, #tpu.memory_space<vmem_shared>> -> memref<1048832xf32, #tpu.memory_space<vmem_shared>>
          tpu.enqueue_indirect_dma source(%arg13 : memref<128xf32, #tpu.memory_space<vmem>>) target(%dma_start3A_413 : memref<1048832xf32, #tpu.memory_space<vmem_shared>>) offsets(%dma_start3A_411 : memref<128xi32, #tpu.memory_space<vmem>>) semaphore(%arg16 : memref<!tpu.dma_semaphore, #tpu.memory_space<semaphore_mem>>)
        } else {
        }
        %slice3A_283 = vector.extract_strided_slice %get3A_187 {offsets = [14], sizes = [1], strides = [1]} : vector<16xi32> to vector<1xi32>
        %squeeze3A_284 = vector.extract %slice3A_283[0] : i32 from vector<1xi32>
        %ne3A_285 = arith.constant 0 : i32
        %ne3A_286 = arith.cmpi ne, %squeeze3A_284, %ne3A_285 : i32
        %convert_element_type3A_287 = arith.extui %ne3A_286 : i1 to i32
        %cond3A_288 = arith.constant 0 : i32
        %cond3A_289 = arith.cmpi ne, %convert_element_type3A_287, %cond3A_288 : i32
        scf.if %cond3A_289 {
          %dma_start3A = arith.constant 14 : i32
          %dma_start3A_409 = arith.constant 0 : i32
          %dma_start3A_410 = tpu.memref_slice %arg10[%dma_start3A, %dma_start3A_409] : memref<16x128xi32, #tpu.memory_space<vmem>> -> memref<1x128xi32, #tpu.memory_space<vmem>>
          %dma_start3A_411 = tpu.memref_squeeze %dma_start3A_410 : memref<1x128xi32, #tpu.memory_space<vmem>> -> memref<128xi32, #tpu.memory_space<vmem>>
          %dma_start3A_412 = arith.constant 0 : i32
          %dma_start3A_413 = tpu.memref_slice %arg15[%dma_start3A_412] : memref<1048832xf32, #tpu.memory_space<vmem_shared>> -> memref<1048832xf32, #tpu.memory_space<vmem_shared>>
          tpu.enqueue_indirect_dma source(%arg13 : memref<128xf32, #tpu.memory_space<vmem>>) target(%dma_start3A_413 : memref<1048832xf32, #tpu.memory_space<vmem_shared>>) offsets(%dma_start3A_411 : memref<128xi32, #tpu.memory_space<vmem>>) semaphore(%arg16 : memref<!tpu.dma_semaphore, #tpu.memory_space<semaphore_mem>>)
        } else {
        }
        %slice3A_290 = vector.extract_strided_slice %get3A_187 {offsets = [15], sizes = [1], strides = [1]} : vector<16xi32> to vector<1xi32>
        %squeeze3A_291 = vector.extract %slice3A_290[0] : i32 from vector<1xi32>
        %ne3A_292 = arith.constant 0 : i32
        %ne3A_293 = arith.cmpi ne, %squeeze3A_291, %ne3A_292 : i32
        %convert_element_type3A_294 = arith.extui %ne3A_293 : i1 to i32
        %cond3A_295 = arith.constant 0 : i32
        %cond3A_296 = arith.cmpi ne, %convert_element_type3A_294, %cond3A_295 : i32
        scf.if %cond3A_296 {
          %dma_start3A = arith.constant 15 : i32
          %dma_start3A_409 = arith.constant 0 : i32
          %dma_start3A_410 = tpu.memref_slice %arg10[%dma_start3A, %dma_start3A_409] : memref<16x128xi32, #tpu.memory_space<vmem>> -> memref<1x128xi32, #tpu.memory_space<vmem>>
          %dma_start3A_411 = tpu.memref_squeeze %dma_start3A_410 : memref<1x128xi32, #tpu.memory_space<vmem>> -> memref<128xi32, #tpu.memory_space<vmem>>
          %dma_start3A_412 = arith.constant 0 : i32
          %dma_start3A_413 = tpu.memref_slice %arg15[%dma_start3A_412] : memref<1048832xf32, #tpu.memory_space<vmem_shared>> -> memref<1048832xf32, #tpu.memory_space<vmem_shared>>
          tpu.enqueue_indirect_dma source(%arg13 : memref<128xf32, #tpu.memory_space<vmem>>) target(%dma_start3A_413 : memref<1048832xf32, #tpu.memory_space<vmem_shared>>) offsets(%dma_start3A_411 : memref<128xi32, #tpu.memory_space<vmem>>) semaphore(%arg16 : memref<!tpu.dma_semaphore, #tpu.memory_space<semaphore_mem>>)
        } else {
        }
        %slice3A_297 = vector.extract_strided_slice %get3A_187 {offsets = [0], sizes = [1], strides = [1]} : vector<16xi32> to vector<1xi32>
        %squeeze3A_298 = vector.extract %slice3A_297[0] : i32 from vector<1xi32>
        %ne3A_299 = arith.constant 0 : i32
        %ne3A_300 = arith.cmpi ne, %squeeze3A_298, %ne3A_299 : i32
        %convert_element_type3A_301 = arith.extui %ne3A_300 : i1 to i32
        %cond3A_302 = arith.constant 0 : i32
        %cond3A_303 = arith.cmpi ne, %convert_element_type3A_301, %cond3A_302 : i32
        scf.if %cond3A_303 {
          %dma_wait3A = arith.constant 0 : i32
          %dma_wait3A_409 = arith.constant 0 : i32
          %dma_wait3A_410 = tpu.memref_slice %arg10[%dma_wait3A, %dma_wait3A_409] : memref<16x128xi32, #tpu.memory_space<vmem>> -> memref<1x128xi32, #tpu.memory_space<vmem>>
          %dma_wait3A_411 = tpu.memref_squeeze %dma_wait3A_410 : memref<1x128xi32, #tpu.memory_space<vmem>> -> memref<128xi32, #tpu.memory_space<vmem>>
          %dma_wait3A_412 = arith.constant 0 : i32
          %dma_wait3A_413 = tpu.memref_slice %arg15[%dma_wait3A_412] : memref<1048832xf32, #tpu.memory_space<vmem_shared>> -> memref<1048832xf32, #tpu.memory_space<vmem_shared>>
          tpu.wait_indirect_dma semaphore(%arg16 : memref<!tpu.dma_semaphore, #tpu.memory_space<semaphore_mem>>) src(%arg13 : memref<128xf32, #tpu.memory_space<vmem>>) dst(%dma_wait3A_413 : memref<1048832xf32, #tpu.memory_space<vmem_shared>>)
        } else {
        }
        %slice3A_304 = vector.extract_strided_slice %get3A_187 {offsets = [1], sizes = [1], strides = [1]} : vector<16xi32> to vector<1xi32>
        %squeeze3A_305 = vector.extract %slice3A_304[0] : i32 from vector<1xi32>
        %ne3A_306 = arith.constant 0 : i32
        %ne3A_307 = arith.cmpi ne, %squeeze3A_305, %ne3A_306 : i32
        %convert_element_type3A_308 = arith.extui %ne3A_307 : i1 to i32
        %cond3A_309 = arith.constant 0 : i32
        %cond3A_310 = arith.cmpi ne, %convert_element_type3A_308, %cond3A_309 : i32
        scf.if %cond3A_310 {
          %dma_wait3A = arith.constant 1 : i32
          %dma_wait3A_409 = arith.constant 0 : i32
          %dma_wait3A_410 = tpu.memref_slice %arg10[%dma_wait3A, %dma_wait3A_409] : memref<16x128xi32, #tpu.memory_space<vmem>> -> memref<1x128xi32, #tpu.memory_space<vmem>>
          %dma_wait3A_411 = tpu.memref_squeeze %dma_wait3A_410 : memref<1x128xi32, #tpu.memory_space<vmem>> -> memref<128xi32, #tpu.memory_space<vmem>>
          %dma_wait3A_412 = arith.constant 0 : i32
          %dma_wait3A_413 = tpu.memref_slice %arg15[%dma_wait3A_412] : memref<1048832xf32, #tpu.memory_space<vmem_shared>> -> memref<1048832xf32, #tpu.memory_space<vmem_shared>>
          tpu.wait_indirect_dma semaphore(%arg16 : memref<!tpu.dma_semaphore, #tpu.memory_space<semaphore_mem>>) src(%arg13 : memref<128xf32, #tpu.memory_space<vmem>>) dst(%dma_wait3A_413 : memref<1048832xf32, #tpu.memory_space<vmem_shared>>)
        } else {
        }
        %slice3A_311 = vector.extract_strided_slice %get3A_187 {offsets = [2], sizes = [1], strides = [1]} : vector<16xi32> to vector<1xi32>
        %squeeze3A_312 = vector.extract %slice3A_311[0] : i32 from vector<1xi32>
        %ne3A_313 = arith.constant 0 : i32
        %ne3A_314 = arith.cmpi ne, %squeeze3A_312, %ne3A_313 : i32
        %convert_element_type3A_315 = arith.extui %ne3A_314 : i1 to i32
        %cond3A_316 = arith.constant 0 : i32
        %cond3A_317 = arith.cmpi ne, %convert_element_type3A_315, %cond3A_316 : i32
        scf.if %cond3A_317 {
          %dma_wait3A = arith.constant 2 : i32
          %dma_wait3A_409 = arith.constant 0 : i32
          %dma_wait3A_410 = tpu.memref_slice %arg10[%dma_wait3A, %dma_wait3A_409] : memref<16x128xi32, #tpu.memory_space<vmem>> -> memref<1x128xi32, #tpu.memory_space<vmem>>
          %dma_wait3A_411 = tpu.memref_squeeze %dma_wait3A_410 : memref<1x128xi32, #tpu.memory_space<vmem>> -> memref<128xi32, #tpu.memory_space<vmem>>
          %dma_wait3A_412 = arith.constant 0 : i32
          %dma_wait3A_413 = tpu.memref_slice %arg15[%dma_wait3A_412] : memref<1048832xf32, #tpu.memory_space<vmem_shared>> -> memref<1048832xf32, #tpu.memory_space<vmem_shared>>
          tpu.wait_indirect_dma semaphore(%arg16 : memref<!tpu.dma_semaphore, #tpu.memory_space<semaphore_mem>>) src(%arg13 : memref<128xf32, #tpu.memory_space<vmem>>) dst(%dma_wait3A_413 : memref<1048832xf32, #tpu.memory_space<vmem_shared>>)
        } else {
        }
        %slice3A_318 = vector.extract_strided_slice %get3A_187 {offsets = [3], sizes = [1], strides = [1]} : vector<16xi32> to vector<1xi32>
        %squeeze3A_319 = vector.extract %slice3A_318[0] : i32 from vector<1xi32>
        %ne3A_320 = arith.constant 0 : i32
        %ne3A_321 = arith.cmpi ne, %squeeze3A_319, %ne3A_320 : i32
        %convert_element_type3A_322 = arith.extui %ne3A_321 : i1 to i32
        %cond3A_323 = arith.constant 0 : i32
        %cond3A_324 = arith.cmpi ne, %convert_element_type3A_322, %cond3A_323 : i32
        scf.if %cond3A_324 {
          %dma_wait3A = arith.constant 3 : i32
          %dma_wait3A_409 = arith.constant 0 : i32
          %dma_wait3A_410 = tpu.memref_slice %arg10[%dma_wait3A, %dma_wait3A_409] : memref<16x128xi32, #tpu.memory_space<vmem>> -> memref<1x128xi32, #tpu.memory_space<vmem>>
          %dma_wait3A_411 = tpu.memref_squeeze %dma_wait3A_410 : memref<1x128xi32, #tpu.memory_space<vmem>> -> memref<128xi32, #tpu.memory_space<vmem>>
          %dma_wait3A_412 = arith.constant 0 : i32
          %dma_wait3A_413 = tpu.memref_slice %arg15[%dma_wait3A_412] : memref<1048832xf32, #tpu.memory_space<vmem_shared>> -> memref<1048832xf32, #tpu.memory_space<vmem_shared>>
          tpu.wait_indirect_dma semaphore(%arg16 : memref<!tpu.dma_semaphore, #tpu.memory_space<semaphore_mem>>) src(%arg13 : memref<128xf32, #tpu.memory_space<vmem>>) dst(%dma_wait3A_413 : memref<1048832xf32, #tpu.memory_space<vmem_shared>>)
        } else {
        }
        %slice3A_325 = vector.extract_strided_slice %get3A_187 {offsets = [4], sizes = [1], strides = [1]} : vector<16xi32> to vector<1xi32>
        %squeeze3A_326 = vector.extract %slice3A_325[0] : i32 from vector<1xi32>
        %ne3A_327 = arith.constant 0 : i32
        %ne3A_328 = arith.cmpi ne, %squeeze3A_326, %ne3A_327 : i32
        %convert_element_type3A_329 = arith.extui %ne3A_328 : i1 to i32
        %cond3A_330 = arith.constant 0 : i32
        %cond3A_331 = arith.cmpi ne, %convert_element_type3A_329, %cond3A_330 : i32
        scf.if %cond3A_331 {
          %dma_wait3A = arith.constant 4 : i32
          %dma_wait3A_409 = arith.constant 0 : i32
          %dma_wait3A_410 = tpu.memref_slice %arg10[%dma_wait3A, %dma_wait3A_409] : memref<16x128xi32, #tpu.memory_space<vmem>> -> memref<1x128xi32, #tpu.memory_space<vmem>>
          %dma_wait3A_411 = tpu.memref_squeeze %dma_wait3A_410 : memref<1x128xi32, #tpu.memory_space<vmem>> -> memref<128xi32, #tpu.memory_space<vmem>>
          %dma_wait3A_412 = arith.constant 0 : i32
          %dma_wait3A_413 = tpu.memref_slice %arg15[%dma_wait3A_412] : memref<1048832xf32, #tpu.memory_space<vmem_shared>> -> memref<1048832xf32, #tpu.memory_space<vmem_shared>>
          tpu.wait_indirect_dma semaphore(%arg16 : memref<!tpu.dma_semaphore, #tpu.memory_space<semaphore_mem>>) src(%arg13 : memref<128xf32, #tpu.memory_space<vmem>>) dst(%dma_wait3A_413 : memref<1048832xf32, #tpu.memory_space<vmem_shared>>)
        } else {
        }
        %slice3A_332 = vector.extract_strided_slice %get3A_187 {offsets = [5], sizes = [1], strides = [1]} : vector<16xi32> to vector<1xi32>
        %squeeze3A_333 = vector.extract %slice3A_332[0] : i32 from vector<1xi32>
        %ne3A_334 = arith.constant 0 : i32
        %ne3A_335 = arith.cmpi ne, %squeeze3A_333, %ne3A_334 : i32
        %convert_element_type3A_336 = arith.extui %ne3A_335 : i1 to i32
        %cond3A_337 = arith.constant 0 : i32
        %cond3A_338 = arith.cmpi ne, %convert_element_type3A_336, %cond3A_337 : i32
        scf.if %cond3A_338 {
          %dma_wait3A = arith.constant 5 : i32
          %dma_wait3A_409 = arith.constant 0 : i32
          %dma_wait3A_410 = tpu.memref_slice %arg10[%dma_wait3A, %dma_wait3A_409] : memref<16x128xi32, #tpu.memory_space<vmem>> -> memref<1x128xi32, #tpu.memory_space<vmem>>
          %dma_wait3A_411 = tpu.memref_squeeze %dma_wait3A_410 : memref<1x128xi32, #tpu.memory_space<vmem>> -> memref<128xi32, #tpu.memory_space<vmem>>
          %dma_wait3A_412 = arith.constant 0 : i32
          %dma_wait3A_413 = tpu.memref_slice %arg15[%dma_wait3A_412] : memref<1048832xf32, #tpu.memory_space<vmem_shared>> -> memref<1048832xf32, #tpu.memory_space<vmem_shared>>
          tpu.wait_indirect_dma semaphore(%arg16 : memref<!tpu.dma_semaphore, #tpu.memory_space<semaphore_mem>>) src(%arg13 : memref<128xf32, #tpu.memory_space<vmem>>) dst(%dma_wait3A_413 : memref<1048832xf32, #tpu.memory_space<vmem_shared>>)
        } else {
        }
        %slice3A_339 = vector.extract_strided_slice %get3A_187 {offsets = [6], sizes = [1], strides = [1]} : vector<16xi32> to vector<1xi32>
        %squeeze3A_340 = vector.extract %slice3A_339[0] : i32 from vector<1xi32>
        %ne3A_341 = arith.constant 0 : i32
        %ne3A_342 = arith.cmpi ne, %squeeze3A_340, %ne3A_341 : i32
        %convert_element_type3A_343 = arith.extui %ne3A_342 : i1 to i32
        %cond3A_344 = arith.constant 0 : i32
        %cond3A_345 = arith.cmpi ne, %convert_element_type3A_343, %cond3A_344 : i32
        scf.if %cond3A_345 {
          %dma_wait3A = arith.constant 6 : i32
          %dma_wait3A_409 = arith.constant 0 : i32
          %dma_wait3A_410 = tpu.memref_slice %arg10[%dma_wait3A, %dma_wait3A_409] : memref<16x128xi32, #tpu.memory_space<vmem>> -> memref<1x128xi32, #tpu.memory_space<vmem>>
          %dma_wait3A_411 = tpu.memref_squeeze %dma_wait3A_410 : memref<1x128xi32, #tpu.memory_space<vmem>> -> memref<128xi32, #tpu.memory_space<vmem>>
          %dma_wait3A_412 = arith.constant 0 : i32
          %dma_wait3A_413 = tpu.memref_slice %arg15[%dma_wait3A_412] : memref<1048832xf32, #tpu.memory_space<vmem_shared>> -> memref<1048832xf32, #tpu.memory_space<vmem_shared>>
          tpu.wait_indirect_dma semaphore(%arg16 : memref<!tpu.dma_semaphore, #tpu.memory_space<semaphore_mem>>) src(%arg13 : memref<128xf32, #tpu.memory_space<vmem>>) dst(%dma_wait3A_413 : memref<1048832xf32, #tpu.memory_space<vmem_shared>>)
        } else {
        }
        %slice3A_346 = vector.extract_strided_slice %get3A_187 {offsets = [7], sizes = [1], strides = [1]} : vector<16xi32> to vector<1xi32>
        %squeeze3A_347 = vector.extract %slice3A_346[0] : i32 from vector<1xi32>
        %ne3A_348 = arith.constant 0 : i32
        %ne3A_349 = arith.cmpi ne, %squeeze3A_347, %ne3A_348 : i32
        %convert_element_type3A_350 = arith.extui %ne3A_349 : i1 to i32
        %cond3A_351 = arith.constant 0 : i32
        %cond3A_352 = arith.cmpi ne, %convert_element_type3A_350, %cond3A_351 : i32
        scf.if %cond3A_352 {
          %dma_wait3A = arith.constant 7 : i32
          %dma_wait3A_409 = arith.constant 0 : i32
          %dma_wait3A_410 = tpu.memref_slice %arg10[%dma_wait3A, %dma_wait3A_409] : memref<16x128xi32, #tpu.memory_space<vmem>> -> memref<1x128xi32, #tpu.memory_space<vmem>>
          %dma_wait3A_411 = tpu.memref_squeeze %dma_wait3A_410 : memref<1x128xi32, #tpu.memory_space<vmem>> -> memref<128xi32, #tpu.memory_space<vmem>>
          %dma_wait3A_412 = arith.constant 0 : i32
          %dma_wait3A_413 = tpu.memref_slice %arg15[%dma_wait3A_412] : memref<1048832xf32, #tpu.memory_space<vmem_shared>> -> memref<1048832xf32, #tpu.memory_space<vmem_shared>>
          tpu.wait_indirect_dma semaphore(%arg16 : memref<!tpu.dma_semaphore, #tpu.memory_space<semaphore_mem>>) src(%arg13 : memref<128xf32, #tpu.memory_space<vmem>>) dst(%dma_wait3A_413 : memref<1048832xf32, #tpu.memory_space<vmem_shared>>)
        } else {
        }
        %slice3A_353 = vector.extract_strided_slice %get3A_187 {offsets = [8], sizes = [1], strides = [1]} : vector<16xi32> to vector<1xi32>
        %squeeze3A_354 = vector.extract %slice3A_353[0] : i32 from vector<1xi32>
        %ne3A_355 = arith.constant 0 : i32
        %ne3A_356 = arith.cmpi ne, %squeeze3A_354, %ne3A_355 : i32
        %convert_element_type3A_357 = arith.extui %ne3A_356 : i1 to i32
        %cond3A_358 = arith.constant 0 : i32
        %cond3A_359 = arith.cmpi ne, %convert_element_type3A_357, %cond3A_358 : i32
        scf.if %cond3A_359 {
          %dma_wait3A = arith.constant 8 : i32
          %dma_wait3A_409 = arith.constant 0 : i32
          %dma_wait3A_410 = tpu.memref_slice %arg10[%dma_wait3A, %dma_wait3A_409] : memref<16x128xi32, #tpu.memory_space<vmem>> -> memref<1x128xi32, #tpu.memory_space<vmem>>
          %dma_wait3A_411 = tpu.memref_squeeze %dma_wait3A_410 : memref<1x128xi32, #tpu.memory_space<vmem>> -> memref<128xi32, #tpu.memory_space<vmem>>
          %dma_wait3A_412 = arith.constant 0 : i32
          %dma_wait3A_413 = tpu.memref_slice %arg15[%dma_wait3A_412] : memref<1048832xf32, #tpu.memory_space<vmem_shared>> -> memref<1048832xf32, #tpu.memory_space<vmem_shared>>
          tpu.wait_indirect_dma semaphore(%arg16 : memref<!tpu.dma_semaphore, #tpu.memory_space<semaphore_mem>>) src(%arg13 : memref<128xf32, #tpu.memory_space<vmem>>) dst(%dma_wait3A_413 : memref<1048832xf32, #tpu.memory_space<vmem_shared>>)
        } else {
        }
        %slice3A_360 = vector.extract_strided_slice %get3A_187 {offsets = [9], sizes = [1], strides = [1]} : vector<16xi32> to vector<1xi32>
        %squeeze3A_361 = vector.extract %slice3A_360[0] : i32 from vector<1xi32>
        %ne3A_362 = arith.constant 0 : i32
        %ne3A_363 = arith.cmpi ne, %squeeze3A_361, %ne3A_362 : i32
        %convert_element_type3A_364 = arith.extui %ne3A_363 : i1 to i32
        %cond3A_365 = arith.constant 0 : i32
        %cond3A_366 = arith.cmpi ne, %convert_element_type3A_364, %cond3A_365 : i32
        scf.if %cond3A_366 {
          %dma_wait3A = arith.constant 9 : i32
          %dma_wait3A_409 = arith.constant 0 : i32
          %dma_wait3A_410 = tpu.memref_slice %arg10[%dma_wait3A, %dma_wait3A_409] : memref<16x128xi32, #tpu.memory_space<vmem>> -> memref<1x128xi32, #tpu.memory_space<vmem>>
          %dma_wait3A_411 = tpu.memref_squeeze %dma_wait3A_410 : memref<1x128xi32, #tpu.memory_space<vmem>> -> memref<128xi32, #tpu.memory_space<vmem>>
          %dma_wait3A_412 = arith.constant 0 : i32
          %dma_wait3A_413 = tpu.memref_slice %arg15[%dma_wait3A_412] : memref<1048832xf32, #tpu.memory_space<vmem_shared>> -> memref<1048832xf32, #tpu.memory_space<vmem_shared>>
          tpu.wait_indirect_dma semaphore(%arg16 : memref<!tpu.dma_semaphore, #tpu.memory_space<semaphore_mem>>) src(%arg13 : memref<128xf32, #tpu.memory_space<vmem>>) dst(%dma_wait3A_413 : memref<1048832xf32, #tpu.memory_space<vmem_shared>>)
        } else {
        }
        %slice3A_367 = vector.extract_strided_slice %get3A_187 {offsets = [10], sizes = [1], strides = [1]} : vector<16xi32> to vector<1xi32>
        %squeeze3A_368 = vector.extract %slice3A_367[0] : i32 from vector<1xi32>
        %ne3A_369 = arith.constant 0 : i32
        %ne3A_370 = arith.cmpi ne, %squeeze3A_368, %ne3A_369 : i32
        %convert_element_type3A_371 = arith.extui %ne3A_370 : i1 to i32
        %cond3A_372 = arith.constant 0 : i32
        %cond3A_373 = arith.cmpi ne, %convert_element_type3A_371, %cond3A_372 : i32
        scf.if %cond3A_373 {
          %dma_wait3A = arith.constant 10 : i32
          %dma_wait3A_409 = arith.constant 0 : i32
          %dma_wait3A_410 = tpu.memref_slice %arg10[%dma_wait3A, %dma_wait3A_409] : memref<16x128xi32, #tpu.memory_space<vmem>> -> memref<1x128xi32, #tpu.memory_space<vmem>>
          %dma_wait3A_411 = tpu.memref_squeeze %dma_wait3A_410 : memref<1x128xi32, #tpu.memory_space<vmem>> -> memref<128xi32, #tpu.memory_space<vmem>>
          %dma_wait3A_412 = arith.constant 0 : i32
          %dma_wait3A_413 = tpu.memref_slice %arg15[%dma_wait3A_412] : memref<1048832xf32, #tpu.memory_space<vmem_shared>> -> memref<1048832xf32, #tpu.memory_space<vmem_shared>>
          tpu.wait_indirect_dma semaphore(%arg16 : memref<!tpu.dma_semaphore, #tpu.memory_space<semaphore_mem>>) src(%arg13 : memref<128xf32, #tpu.memory_space<vmem>>) dst(%dma_wait3A_413 : memref<1048832xf32, #tpu.memory_space<vmem_shared>>)
        } else {
        }
        %slice3A_374 = vector.extract_strided_slice %get3A_187 {offsets = [11], sizes = [1], strides = [1]} : vector<16xi32> to vector<1xi32>
        %squeeze3A_375 = vector.extract %slice3A_374[0] : i32 from vector<1xi32>
        %ne3A_376 = arith.constant 0 : i32
        %ne3A_377 = arith.cmpi ne, %squeeze3A_375, %ne3A_376 : i32
        %convert_element_type3A_378 = arith.extui %ne3A_377 : i1 to i32
        %cond3A_379 = arith.constant 0 : i32
        %cond3A_380 = arith.cmpi ne, %convert_element_type3A_378, %cond3A_379 : i32
        scf.if %cond3A_380 {
          %dma_wait3A = arith.constant 11 : i32
          %dma_wait3A_409 = arith.constant 0 : i32
          %dma_wait3A_410 = tpu.memref_slice %arg10[%dma_wait3A, %dma_wait3A_409] : memref<16x128xi32, #tpu.memory_space<vmem>> -> memref<1x128xi32, #tpu.memory_space<vmem>>
          %dma_wait3A_411 = tpu.memref_squeeze %dma_wait3A_410 : memref<1x128xi32, #tpu.memory_space<vmem>> -> memref<128xi32, #tpu.memory_space<vmem>>
          %dma_wait3A_412 = arith.constant 0 : i32
          %dma_wait3A_413 = tpu.memref_slice %arg15[%dma_wait3A_412] : memref<1048832xf32, #tpu.memory_space<vmem_shared>> -> memref<1048832xf32, #tpu.memory_space<vmem_shared>>
          tpu.wait_indirect_dma semaphore(%arg16 : memref<!tpu.dma_semaphore, #tpu.memory_space<semaphore_mem>>) src(%arg13 : memref<128xf32, #tpu.memory_space<vmem>>) dst(%dma_wait3A_413 : memref<1048832xf32, #tpu.memory_space<vmem_shared>>)
        } else {
        }
        %slice3A_381 = vector.extract_strided_slice %get3A_187 {offsets = [12], sizes = [1], strides = [1]} : vector<16xi32> to vector<1xi32>
        %squeeze3A_382 = vector.extract %slice3A_381[0] : i32 from vector<1xi32>
        %ne3A_383 = arith.constant 0 : i32
        %ne3A_384 = arith.cmpi ne, %squeeze3A_382, %ne3A_383 : i32
        %convert_element_type3A_385 = arith.extui %ne3A_384 : i1 to i32
        %cond3A_386 = arith.constant 0 : i32
        %cond3A_387 = arith.cmpi ne, %convert_element_type3A_385, %cond3A_386 : i32
        scf.if %cond3A_387 {
          %dma_wait3A = arith.constant 12 : i32
          %dma_wait3A_409 = arith.constant 0 : i32
          %dma_wait3A_410 = tpu.memref_slice %arg10[%dma_wait3A, %dma_wait3A_409] : memref<16x128xi32, #tpu.memory_space<vmem>> -> memref<1x128xi32, #tpu.memory_space<vmem>>
          %dma_wait3A_411 = tpu.memref_squeeze %dma_wait3A_410 : memref<1x128xi32, #tpu.memory_space<vmem>> -> memref<128xi32, #tpu.memory_space<vmem>>
          %dma_wait3A_412 = arith.constant 0 : i32
          %dma_wait3A_413 = tpu.memref_slice %arg15[%dma_wait3A_412] : memref<1048832xf32, #tpu.memory_space<vmem_shared>> -> memref<1048832xf32, #tpu.memory_space<vmem_shared>>
          tpu.wait_indirect_dma semaphore(%arg16 : memref<!tpu.dma_semaphore, #tpu.memory_space<semaphore_mem>>) src(%arg13 : memref<128xf32, #tpu.memory_space<vmem>>) dst(%dma_wait3A_413 : memref<1048832xf32, #tpu.memory_space<vmem_shared>>)
        } else {
        }
        %slice3A_388 = vector.extract_strided_slice %get3A_187 {offsets = [13], sizes = [1], strides = [1]} : vector<16xi32> to vector<1xi32>
        %squeeze3A_389 = vector.extract %slice3A_388[0] : i32 from vector<1xi32>
        %ne3A_390 = arith.constant 0 : i32
        %ne3A_391 = arith.cmpi ne, %squeeze3A_389, %ne3A_390 : i32
        %convert_element_type3A_392 = arith.extui %ne3A_391 : i1 to i32
        %cond3A_393 = arith.constant 0 : i32
        %cond3A_394 = arith.cmpi ne, %convert_element_type3A_392, %cond3A_393 : i32
        scf.if %cond3A_394 {
          %dma_wait3A = arith.constant 13 : i32
          %dma_wait3A_409 = arith.constant 0 : i32
          %dma_wait3A_410 = tpu.memref_slice %arg10[%dma_wait3A, %dma_wait3A_409] : memref<16x128xi32, #tpu.memory_space<vmem>> -> memref<1x128xi32, #tpu.memory_space<vmem>>
          %dma_wait3A_411 = tpu.memref_squeeze %dma_wait3A_410 : memref<1x128xi32, #tpu.memory_space<vmem>> -> memref<128xi32, #tpu.memory_space<vmem>>
          %dma_wait3A_412 = arith.constant 0 : i32
          %dma_wait3A_413 = tpu.memref_slice %arg15[%dma_wait3A_412] : memref<1048832xf32, #tpu.memory_space<vmem_shared>> -> memref<1048832xf32, #tpu.memory_space<vmem_shared>>
          tpu.wait_indirect_dma semaphore(%arg16 : memref<!tpu.dma_semaphore, #tpu.memory_space<semaphore_mem>>) src(%arg13 : memref<128xf32, #tpu.memory_space<vmem>>) dst(%dma_wait3A_413 : memref<1048832xf32, #tpu.memory_space<vmem_shared>>)
        } else {
        }
        %slice3A_395 = vector.extract_strided_slice %get3A_187 {offsets = [14], sizes = [1], strides = [1]} : vector<16xi32> to vector<1xi32>
        %squeeze3A_396 = vector.extract %slice3A_395[0] : i32 from vector<1xi32>
        %ne3A_397 = arith.constant 0 : i32
        %ne3A_398 = arith.cmpi ne, %squeeze3A_396, %ne3A_397 : i32
        %convert_element_type3A_399 = arith.extui %ne3A_398 : i1 to i32
        %cond3A_400 = arith.constant 0 : i32
        %cond3A_401 = arith.cmpi ne, %convert_element_type3A_399, %cond3A_400 : i32
        scf.if %cond3A_401 {
          %dma_wait3A = arith.constant 14 : i32
          %dma_wait3A_409 = arith.constant 0 : i32
          %dma_wait3A_410 = tpu.memref_slice %arg10[%dma_wait3A, %dma_wait3A_409] : memref<16x128xi32, #tpu.memory_space<vmem>> -> memref<1x128xi32, #tpu.memory_space<vmem>>
          %dma_wait3A_411 = tpu.memref_squeeze %dma_wait3A_410 : memref<1x128xi32, #tpu.memory_space<vmem>> -> memref<128xi32, #tpu.memory_space<vmem>>
          %dma_wait3A_412 = arith.constant 0 : i32
          %dma_wait3A_413 = tpu.memref_slice %arg15[%dma_wait3A_412] : memref<1048832xf32, #tpu.memory_space<vmem_shared>> -> memref<1048832xf32, #tpu.memory_space<vmem_shared>>
          tpu.wait_indirect_dma semaphore(%arg16 : memref<!tpu.dma_semaphore, #tpu.memory_space<semaphore_mem>>) src(%arg13 : memref<128xf32, #tpu.memory_space<vmem>>) dst(%dma_wait3A_413 : memref<1048832xf32, #tpu.memory_space<vmem_shared>>)
        } else {
        }
        %slice3A_402 = vector.extract_strided_slice %get3A_187 {offsets = [15], sizes = [1], strides = [1]} : vector<16xi32> to vector<1xi32>
        %squeeze3A_403 = vector.extract %slice3A_402[0] : i32 from vector<1xi32>
        %ne3A_404 = arith.constant 0 : i32
        %ne3A_405 = arith.cmpi ne, %squeeze3A_403, %ne3A_404 : i32
        %convert_element_type3A_406 = arith.extui %ne3A_405 : i1 to i32
        %cond3A_407 = arith.constant 0 : i32
        %cond3A_408 = arith.cmpi ne, %convert_element_type3A_406, %cond3A_407 : i32
        scf.if %cond3A_408 {
          %dma_wait3A = arith.constant 15 : i32
          %dma_wait3A_409 = arith.constant 0 : i32
          %dma_wait3A_410 = tpu.memref_slice %arg10[%dma_wait3A, %dma_wait3A_409] : memref<16x128xi32, #tpu.memory_space<vmem>> -> memref<1x128xi32, #tpu.memory_space<vmem>>
          %dma_wait3A_411 = tpu.memref_squeeze %dma_wait3A_410 : memref<1x128xi32, #tpu.memory_space<vmem>> -> memref<128xi32, #tpu.memory_space<vmem>>
          %dma_wait3A_412 = arith.constant 0 : i32
          %dma_wait3A_413 = tpu.memref_slice %arg15[%dma_wait3A_412] : memref<1048832xf32, #tpu.memory_space<vmem_shared>> -> memref<1048832xf32, #tpu.memory_space<vmem_shared>>
          tpu.wait_indirect_dma semaphore(%arg16 : memref<!tpu.dma_semaphore, #tpu.memory_space<semaphore_mem>>) src(%arg13 : memref<128xf32, #tpu.memory_space<vmem>>) dst(%dma_wait3A_413 : memref<1048832xf32, #tpu.memory_space<vmem_shared>>)
        } else {
        }
      }
      %scan3A_59 = arith.constant 256 : i32
      %barrier3A_60 = arith.constant 0 : index
      tpu.barrier barrier_id(%barrier3A_60)
      %mul3A_61 = arith.constant 65536 : i32
      %mul3A_62 = arith.muli %arg1, %mul3A_61 : i32
      %add3A_63 = arith.constant 0 : i32
      %add3A_64 = arith.addi %mul3A_62, %add3A_63 : i32
      "tpu.region"() ({
        %run_scoped3A = tpu.sem_alloc : memref<!tpu.dma_semaphore, #tpu.memory_space<semaphore_mem>>
        %dma_start3A = tpu.memref_slice %arg15[%add3A_64] : memref<1048832xf32, #tpu.memory_space<vmem_shared>> -> memref<8192xf32, #tpu.memory_space<vmem_shared>>
        %dma_start3A_181 = tpu.memref_slice %arg15[%add3A_64] : memref<1048832xf32, #tpu.memory_space<vmem_shared>> -> memref<8192xf32, #tpu.memory_space<vmem_shared>>
        tpu.enqueue_dma source(%dma_start3A_181 : memref<8192xf32, #tpu.memory_space<vmem_shared>>) target(%arg14 : memref<8192xf32, #tpu.memory_space<vmem>>) target_semaphore(%run_scoped3A : memref<!tpu.dma_semaphore, #tpu.memory_space<semaphore_mem>>)
        %dma_wait3A = tpu.memref_slice %arg15[%add3A_64] : memref<1048832xf32, #tpu.memory_space<vmem_shared>> -> memref<8192xf32, #tpu.memory_space<vmem_shared>>
        %dma_wait3A_182 = tpu.memref_slice %arg15[%add3A_64] : memref<1048832xf32, #tpu.memory_space<vmem_shared>> -> memref<8192xf32, #tpu.memory_space<vmem_shared>>
        tpu.wait_dma2 semaphore(%run_scoped3A : memref<!tpu.dma_semaphore, #tpu.memory_space<semaphore_mem>>) src(%dma_wait3A_182 : memref<8192xf32, #tpu.memory_space<vmem_shared>>) dst(%arg14 : memref<8192xf32, #tpu.memory_space<vmem>>)
        tpu.yield
      }) : () -> ()
      %add3A_65 = arith.constant 0 : i32
      %add3A_66 = arith.addi %add3A_65, %mul3A_62 : i32
      %add3A_67 = arith.constant 0 : i32
      %add3A_68 = arith.addi %add3A_66, %add3A_67 : i32
      "tpu.region"() ({
        %run_scoped3A = tpu.sem_alloc : memref<!tpu.dma_semaphore, #tpu.memory_space<semaphore_mem>>
        %dma_start3A = tpu.memref_slice %arg9[%add3A_68] : memref<2097152xf32, #tpu.memory_space<hbm>> -> memref<8192xf32, #tpu.memory_space<hbm>>
        %dma_start3A_181 = tpu.memref_slice %arg9[%add3A_68] : memref<2097152xf32, #tpu.memory_space<hbm>> -> memref<8192xf32, #tpu.memory_space<hbm>>
        tpu.enqueue_dma source(%arg14 : memref<8192xf32, #tpu.memory_space<vmem>>) target(%dma_start3A_181 : memref<8192xf32, #tpu.memory_space<hbm>>) target_semaphore(%run_scoped3A : memref<!tpu.dma_semaphore, #tpu.memory_space<semaphore_mem>>)
        %dma_wait3A = tpu.memref_slice %arg9[%add3A_68] : memref<2097152xf32, #tpu.memory_space<hbm>> -> memref<8192xf32, #tpu.memory_space<hbm>>
        %dma_wait3A_182 = tpu.memref_slice %arg9[%add3A_68] : memref<2097152xf32, #tpu.memory_space<hbm>> -> memref<8192xf32, #tpu.memory_space<hbm>>
        tpu.wait_dma2 semaphore(%run_scoped3A : memref<!tpu.dma_semaphore, #tpu.memory_space<semaphore_mem>>) src(%arg14 : memref<8192xf32, #tpu.memory_space<vmem>>) dst(%dma_wait3A_182 : memref<8192xf32, #tpu.memory_space<hbm>>)
        tpu.yield
      }) : () -> ()
      %add3A_69 = arith.constant 8192 : i32
      %add3A_70 = arith.addi %mul3A_62, %add3A_69 : i32
      "tpu.region"() ({
        %run_scoped3A = tpu.sem_alloc : memref<!tpu.dma_semaphore, #tpu.memory_space<semaphore_mem>>
        %dma_start3A = tpu.memref_slice %arg15[%add3A_70] : memref<1048832xf32, #tpu.memory_space<vmem_shared>> -> memref<8192xf32, #tpu.memory_space<vmem_shared>>
        %dma_start3A_181 = tpu.memref_slice %arg15[%add3A_70] : memref<1048832xf32, #tpu.memory_space<vmem_shared>> -> memref<8192xf32, #tpu.memory_space<vmem_shared>>
        tpu.enqueue_dma source(%dma_start3A_181 : memref<8192xf32, #tpu.memory_space<vmem_shared>>) target(%arg14 : memref<8192xf32, #tpu.memory_space<vmem>>) target_semaphore(%run_scoped3A : memref<!tpu.dma_semaphore, #tpu.memory_space<semaphore_mem>>)
        %dma_wait3A = tpu.memref_slice %arg15[%add3A_70] : memref<1048832xf32, #tpu.memory_space<vmem_shared>> -> memref<8192xf32, #tpu.memory_space<vmem_shared>>
        %dma_wait3A_182 = tpu.memref_slice %arg15[%add3A_70] : memref<1048832xf32, #tpu.memory_space<vmem_shared>> -> memref<8192xf32, #tpu.memory_space<vmem_shared>>
        tpu.wait_dma2 semaphore(%run_scoped3A : memref<!tpu.dma_semaphore, #tpu.memory_space<semaphore_mem>>) src(%dma_wait3A_182 : memref<8192xf32, #tpu.memory_space<vmem_shared>>) dst(%arg14 : memref<8192xf32, #tpu.memory_space<vmem>>)
        tpu.yield
      }) : () -> ()
      %add3A_71 = arith.constant 0 : i32
      %add3A_72 = arith.addi %add3A_71, %mul3A_62 : i32
      %add3A_73 = arith.constant 8192 : i32
      %add3A_74 = arith.addi %add3A_72, %add3A_73 : i32
      "tpu.region"() ({
        %run_scoped3A = tpu.sem_alloc : memref<!tpu.dma_semaphore, #tpu.memory_space<semaphore_mem>>
        %dma_start3A = tpu.memref_slice %arg9[%add3A_74] : memref<2097152xf32, #tpu.memory_space<hbm>> -> memref<8192xf32, #tpu.memory_space<hbm>>
        %dma_start3A_181 = tpu.memref_slice %arg9[%add3A_74] : memref<2097152xf32, #tpu.memory_space<hbm>> -> memref<8192xf32, #tpu.memory_space<hbm>>
        tpu.enqueue_dma source(%arg14 : memref<8192xf32, #tpu.memory_space<vmem>>) target(%dma_start3A_181 : memref<8192xf32, #tpu.memory_space<hbm>>) target_semaphore(%run_scoped3A : memref<!tpu.dma_semaphore, #tpu.memory_space<semaphore_mem>>)
        %dma_wait3A = tpu.memref_slice %arg9[%add3A_74] : memref<2097152xf32, #tpu.memory_space<hbm>> -> memref<8192xf32, #tpu.memory_space<hbm>>
        %dma_wait3A_182 = tpu.memref_slice %arg9[%add3A_74] : memref<2097152xf32, #tpu.memory_space<hbm>> -> memref<8192xf32, #tpu.memory_space<hbm>>
        tpu.wait_dma2 semaphore(%run_scoped3A : memref<!tpu.dma_semaphore, #tpu.memory_space<semaphore_mem>>) src(%arg14 : memref<8192xf32, #tpu.memory_space<vmem>>) dst(%dma_wait3A_182 : memref<8192xf32, #tpu.memory_space<hbm>>)
        tpu.yield
      }) : () -> ()
      %add3A_75 = arith.constant 16384 : i32
      %add3A_76 = arith.addi %mul3A_62, %add3A_75 : i32
      "tpu.region"() ({
        %run_scoped3A = tpu.sem_alloc : memref<!tpu.dma_semaphore, #tpu.memory_space<semaphore_mem>>
        %dma_start3A = tpu.memref_slice %arg15[%add3A_76] : memref<1048832xf32, #tpu.memory_space<vmem_shared>> -> memref<8192xf32, #tpu.memory_space<vmem_shared>>
        %dma_start3A_181 = tpu.memref_slice %arg15[%add3A_76] : memref<1048832xf32, #tpu.memory_space<vmem_shared>> -> memref<8192xf32, #tpu.memory_space<vmem_shared>>
        tpu.enqueue_dma source(%dma_start3A_181 : memref<8192xf32, #tpu.memory_space<vmem_shared>>) target(%arg14 : memref<8192xf32, #tpu.memory_space<vmem>>) target_semaphore(%run_scoped3A : memref<!tpu.dma_semaphore, #tpu.memory_space<semaphore_mem>>)
        %dma_wait3A = tpu.memref_slice %arg15[%add3A_76] : memref<1048832xf32, #tpu.memory_space<vmem_shared>> -> memref<8192xf32, #tpu.memory_space<vmem_shared>>
        %dma_wait3A_182 = tpu.memref_slice %arg15[%add3A_76] : memref<1048832xf32, #tpu.memory_space<vmem_shared>> -> memref<8192xf32, #tpu.memory_space<vmem_shared>>
        tpu.wait_dma2 semaphore(%run_scoped3A : memref<!tpu.dma_semaphore, #tpu.memory_space<semaphore_mem>>) src(%dma_wait3A_182 : memref<8192xf32, #tpu.memory_space<vmem_shared>>) dst(%arg14 : memref<8192xf32, #tpu.memory_space<vmem>>)
        tpu.yield
      }) : () -> ()
      %add3A_77 = arith.constant 0 : i32
      %add3A_78 = arith.addi %add3A_77, %mul3A_62 : i32
      %add3A_79 = arith.constant 16384 : i32
      %add3A_80 = arith.addi %add3A_78, %add3A_79 : i32
      "tpu.region"() ({
        %run_scoped3A = tpu.sem_alloc : memref<!tpu.dma_semaphore, #tpu.memory_space<semaphore_mem>>
        %dma_start3A = tpu.memref_slice %arg9[%add3A_80] : memref<2097152xf32, #tpu.memory_space<hbm>> -> memref<8192xf32, #tpu.memory_space<hbm>>
        %dma_start3A_181 = tpu.memref_slice %arg9[%add3A_80] : memref<2097152xf32, #tpu.memory_space<hbm>> -> memref<8192xf32, #tpu.memory_space<hbm>>
        tpu.enqueue_dma source(%arg14 : memref<8192xf32, #tpu.memory_space<vmem>>) target(%dma_start3A_181 : memref<8192xf32, #tpu.memory_space<hbm>>) target_semaphore(%run_scoped3A : memref<!tpu.dma_semaphore, #tpu.memory_space<semaphore_mem>>)
        %dma_wait3A = tpu.memref_slice %arg9[%add3A_80] : memref<2097152xf32, #tpu.memory_space<hbm>> -> memref<8192xf32, #tpu.memory_space<hbm>>
        %dma_wait3A_182 = tpu.memref_slice %arg9[%add3A_80] : memref<2097152xf32, #tpu.memory_space<hbm>> -> memref<8192xf32, #tpu.memory_space<hbm>>
        tpu.wait_dma2 semaphore(%run_scoped3A : memref<!tpu.dma_semaphore, #tpu.memory_space<semaphore_mem>>) src(%arg14 : memref<8192xf32, #tpu.memory_space<vmem>>) dst(%dma_wait3A_182 : memref<8192xf32, #tpu.memory_space<hbm>>)
        tpu.yield
      }) : () -> ()
      %add3A_81 = arith.constant 24576 : i32
      %add3A_82 = arith.addi %mul3A_62, %add3A_81 : i32
      "tpu.region"() ({
        %run_scoped3A = tpu.sem_alloc : memref<!tpu.dma_semaphore, #tpu.memory_space<semaphore_mem>>
        %dma_start3A = tpu.memref_slice %arg15[%add3A_82] : memref<1048832xf32, #tpu.memory_space<vmem_shared>> -> memref<8192xf32, #tpu.memory_space<vmem_shared>>
        %dma_start3A_181 = tpu.memref_slice %arg15[%add3A_82] : memref<1048832xf32, #tpu.memory_space<vmem_shared>> -> memref<8192xf32, #tpu.memory_space<vmem_shared>>
        tpu.enqueue_dma source(%dma_start3A_181 : memref<8192xf32, #tpu.memory_space<vmem_shared>>) target(%arg14 : memref<8192xf32, #tpu.memory_space<vmem>>) target_semaphore(%run_scoped3A : memref<!tpu.dma_semaphore, #tpu.memory_space<semaphore_mem>>)
        %dma_wait3A = tpu.memref_slice %arg15[%add3A_82] : memref<1048832xf32, #tpu.memory_space<vmem_shared>> -> memref<8192xf32, #tpu.memory_space<vmem_shared>>
        %dma_wait3A_182 = tpu.memref_slice %arg15[%add3A_82] : memref<1048832xf32, #tpu.memory_space<vmem_shared>> -> memref<8192xf32, #tpu.memory_space<vmem_shared>>
        tpu.wait_dma2 semaphore(%run_scoped3A : memref<!tpu.dma_semaphore, #tpu.memory_space<semaphore_mem>>) src(%dma_wait3A_182 : memref<8192xf32, #tpu.memory_space<vmem_shared>>) dst(%arg14 : memref<8192xf32, #tpu.memory_space<vmem>>)
        tpu.yield
      }) : () -> ()
      %add3A_83 = arith.constant 0 : i32
      %add3A_84 = arith.addi %add3A_83, %mul3A_62 : i32
      %add3A_85 = arith.constant 24576 : i32
      %add3A_86 = arith.addi %add3A_84, %add3A_85 : i32
      "tpu.region"() ({
        %run_scoped3A = tpu.sem_alloc : memref<!tpu.dma_semaphore, #tpu.memory_space<semaphore_mem>>
        %dma_start3A = tpu.memref_slice %arg9[%add3A_86] : memref<2097152xf32, #tpu.memory_space<hbm>> -> memref<8192xf32, #tpu.memory_space<hbm>>
        %dma_start3A_181 = tpu.memref_slice %arg9[%add3A_86] : memref<2097152xf32, #tpu.memory_space<hbm>> -> memref<8192xf32, #tpu.memory_space<hbm>>
        tpu.enqueue_dma source(%arg14 : memref<8192xf32, #tpu.memory_space<vmem>>) target(%dma_start3A_181 : memref<8192xf32, #tpu.memory_space<hbm>>) target_semaphore(%run_scoped3A : memref<!tpu.dma_semaphore, #tpu.memory_space<semaphore_mem>>)
        %dma_wait3A = tpu.memref_slice %arg9[%add3A_86] : memref<2097152xf32, #tpu.memory_space<hbm>> -> memref<8192xf32, #tpu.memory_space<hbm>>
        %dma_wait3A_182 = tpu.memref_slice %arg9[%add3A_86] : memref<2097152xf32, #tpu.memory_space<hbm>> -> memref<8192xf32, #tpu.memory_space<hbm>>
        tpu.wait_dma2 semaphore(%run_scoped3A : memref<!tpu.dma_semaphore, #tpu.memory_space<semaphore_mem>>) src(%arg14 : memref<8192xf32, #tpu.memory_space<vmem>>) dst(%dma_wait3A_182 : memref<8192xf32, #tpu.memory_space<hbm>>)
        tpu.yield
      }) : () -> ()
      %add3A_87 = arith.constant 32768 : i32
      %add3A_88 = arith.addi %mul3A_62, %add3A_87 : i32
      "tpu.region"() ({
        %run_scoped3A = tpu.sem_alloc : memref<!tpu.dma_semaphore, #tpu.memory_space<semaphore_mem>>
        %dma_start3A = tpu.memref_slice %arg15[%add3A_88] : memref<1048832xf32, #tpu.memory_space<vmem_shared>> -> memref<8192xf32, #tpu.memory_space<vmem_shared>>
        %dma_start3A_181 = tpu.memref_slice %arg15[%add3A_88] : memref<1048832xf32, #tpu.memory_space<vmem_shared>> -> memref<8192xf32, #tpu.memory_space<vmem_shared>>
        tpu.enqueue_dma source(%dma_start3A_181 : memref<8192xf32, #tpu.memory_space<vmem_shared>>) target(%arg14 : memref<8192xf32, #tpu.memory_space<vmem>>) target_semaphore(%run_scoped3A : memref<!tpu.dma_semaphore, #tpu.memory_space<semaphore_mem>>)
        %dma_wait3A = tpu.memref_slice %arg15[%add3A_88] : memref<1048832xf32, #tpu.memory_space<vmem_shared>> -> memref<8192xf32, #tpu.memory_space<vmem_shared>>
        %dma_wait3A_182 = tpu.memref_slice %arg15[%add3A_88] : memref<1048832xf32, #tpu.memory_space<vmem_shared>> -> memref<8192xf32, #tpu.memory_space<vmem_shared>>
        tpu.wait_dma2 semaphore(%run_scoped3A : memref<!tpu.dma_semaphore, #tpu.memory_space<semaphore_mem>>) src(%dma_wait3A_182 : memref<8192xf32, #tpu.memory_space<vmem_shared>>) dst(%arg14 : memref<8192xf32, #tpu.memory_space<vmem>>)
        tpu.yield
      }) : () -> ()
      %add3A_89 = arith.constant 0 : i32
      %add3A_90 = arith.addi %add3A_89, %mul3A_62 : i32
      %add3A_91 = arith.constant 32768 : i32
      %add3A_92 = arith.addi %add3A_90, %add3A_91 : i32
      "tpu.region"() ({
        %run_scoped3A = tpu.sem_alloc : memref<!tpu.dma_semaphore, #tpu.memory_space<semaphore_mem>>
        %dma_start3A = tpu.memref_slice %arg9[%add3A_92] : memref<2097152xf32, #tpu.memory_space<hbm>> -> memref<8192xf32, #tpu.memory_space<hbm>>
        %dma_start3A_181 = tpu.memref_slice %arg9[%add3A_92] : memref<2097152xf32, #tpu.memory_space<hbm>> -> memref<8192xf32, #tpu.memory_space<hbm>>
        tpu.enqueue_dma source(%arg14 : memref<8192xf32, #tpu.memory_space<vmem>>) target(%dma_start3A_181 : memref<8192xf32, #tpu.memory_space<hbm>>) target_semaphore(%run_scoped3A : memref<!tpu.dma_semaphore, #tpu.memory_space<semaphore_mem>>)
        %dma_wait3A = tpu.memref_slice %arg9[%add3A_92] : memref<2097152xf32, #tpu.memory_space<hbm>> -> memref<8192xf32, #tpu.memory_space<hbm>>
        %dma_wait3A_182 = tpu.memref_slice %arg9[%add3A_92] : memref<2097152xf32, #tpu.memory_space<hbm>> -> memref<8192xf32, #tpu.memory_space<hbm>>
        tpu.wait_dma2 semaphore(%run_scoped3A : memref<!tpu.dma_semaphore, #tpu.memory_space<semaphore_mem>>) src(%arg14 : memref<8192xf32, #tpu.memory_space<vmem>>) dst(%dma_wait3A_182 : memref<8192xf32, #tpu.memory_space<hbm>>)
        tpu.yield
      }) : () -> ()
      %add3A_93 = arith.constant 40960 : i32
      %add3A_94 = arith.addi %mul3A_62, %add3A_93 : i32
      "tpu.region"() ({
        %run_scoped3A = tpu.sem_alloc : memref<!tpu.dma_semaphore, #tpu.memory_space<semaphore_mem>>
        %dma_start3A = tpu.memref_slice %arg15[%add3A_94] : memref<1048832xf32, #tpu.memory_space<vmem_shared>> -> memref<8192xf32, #tpu.memory_space<vmem_shared>>
        %dma_start3A_181 = tpu.memref_slice %arg15[%add3A_94] : memref<1048832xf32, #tpu.memory_space<vmem_shared>> -> memref<8192xf32, #tpu.memory_space<vmem_shared>>
        tpu.enqueue_dma source(%dma_start3A_181 : memref<8192xf32, #tpu.memory_space<vmem_shared>>) target(%arg14 : memref<8192xf32, #tpu.memory_space<vmem>>) target_semaphore(%run_scoped3A : memref<!tpu.dma_semaphore, #tpu.memory_space<semaphore_mem>>)
        %dma_wait3A = tpu.memref_slice %arg15[%add3A_94] : memref<1048832xf32, #tpu.memory_space<vmem_shared>> -> memref<8192xf32, #tpu.memory_space<vmem_shared>>
        %dma_wait3A_182 = tpu.memref_slice %arg15[%add3A_94] : memref<1048832xf32, #tpu.memory_space<vmem_shared>> -> memref<8192xf32, #tpu.memory_space<vmem_shared>>
        tpu.wait_dma2 semaphore(%run_scoped3A : memref<!tpu.dma_semaphore, #tpu.memory_space<semaphore_mem>>) src(%dma_wait3A_182 : memref<8192xf32, #tpu.memory_space<vmem_shared>>) dst(%arg14 : memref<8192xf32, #tpu.memory_space<vmem>>)
        tpu.yield
      }) : () -> ()
      %add3A_95 = arith.constant 0 : i32
      %add3A_96 = arith.addi %add3A_95, %mul3A_62 : i32
      %add3A_97 = arith.constant 40960 : i32
      %add3A_98 = arith.addi %add3A_96, %add3A_97 : i32
      "tpu.region"() ({
        %run_scoped3A = tpu.sem_alloc : memref<!tpu.dma_semaphore, #tpu.memory_space<semaphore_mem>>
        %dma_start3A = tpu.memref_slice %arg9[%add3A_98] : memref<2097152xf32, #tpu.memory_space<hbm>> -> memref<8192xf32, #tpu.memory_space<hbm>>
        %dma_start3A_181 = tpu.memref_slice %arg9[%add3A_98] : memref<2097152xf32, #tpu.memory_space<hbm>> -> memref<8192xf32, #tpu.memory_space<hbm>>
        tpu.enqueue_dma source(%arg14 : memref<8192xf32, #tpu.memory_space<vmem>>) target(%dma_start3A_181 : memref<8192xf32, #tpu.memory_space<hbm>>) target_semaphore(%run_scoped3A : memref<!tpu.dma_semaphore, #tpu.memory_space<semaphore_mem>>)
        %dma_wait3A = tpu.memref_slice %arg9[%add3A_98] : memref<2097152xf32, #tpu.memory_space<hbm>> -> memref<8192xf32, #tpu.memory_space<hbm>>
        %dma_wait3A_182 = tpu.memref_slice %arg9[%add3A_98] : memref<2097152xf32, #tpu.memory_space<hbm>> -> memref<8192xf32, #tpu.memory_space<hbm>>
        tpu.wait_dma2 semaphore(%run_scoped3A : memref<!tpu.dma_semaphore, #tpu.memory_space<semaphore_mem>>) src(%arg14 : memref<8192xf32, #tpu.memory_space<vmem>>) dst(%dma_wait3A_182 : memref<8192xf32, #tpu.memory_space<hbm>>)
        tpu.yield
      }) : () -> ()
      %add3A_99 = arith.constant 49152 : i32
      %add3A_100 = arith.addi %mul3A_62, %add3A_99 : i32
      "tpu.region"() ({
        %run_scoped3A = tpu.sem_alloc : memref<!tpu.dma_semaphore, #tpu.memory_space<semaphore_mem>>
        %dma_start3A = tpu.memref_slice %arg15[%add3A_100] : memref<1048832xf32, #tpu.memory_space<vmem_shared>> -> memref<8192xf32, #tpu.memory_space<vmem_shared>>
        %dma_start3A_181 = tpu.memref_slice %arg15[%add3A_100] : memref<1048832xf32, #tpu.memory_space<vmem_shared>> -> memref<8192xf32, #tpu.memory_space<vmem_shared>>
        tpu.enqueue_dma source(%dma_start3A_181 : memref<8192xf32, #tpu.memory_space<vmem_shared>>) target(%arg14 : memref<8192xf32, #tpu.memory_space<vmem>>) target_semaphore(%run_scoped3A : memref<!tpu.dma_semaphore, #tpu.memory_space<semaphore_mem>>)
        %dma_wait3A = tpu.memref_slice %arg15[%add3A_100] : memref<1048832xf32, #tpu.memory_space<vmem_shared>> -> memref<8192xf32, #tpu.memory_space<vmem_shared>>
        %dma_wait3A_182 = tpu.memref_slice %arg15[%add3A_100] : memref<1048832xf32, #tpu.memory_space<vmem_shared>> -> memref<8192xf32, #tpu.memory_space<vmem_shared>>
        tpu.wait_dma2 semaphore(%run_scoped3A : memref<!tpu.dma_semaphore, #tpu.memory_space<semaphore_mem>>) src(%dma_wait3A_182 : memref<8192xf32, #tpu.memory_space<vmem_shared>>) dst(%arg14 : memref<8192xf32, #tpu.memory_space<vmem>>)
        tpu.yield
      }) : () -> ()
      %add3A_101 = arith.constant 0 : i32
      %add3A_102 = arith.addi %add3A_101, %mul3A_62 : i32
      %add3A_103 = arith.constant 49152 : i32
      %add3A_104 = arith.addi %add3A_102, %add3A_103 : i32
      "tpu.region"() ({
        %run_scoped3A = tpu.sem_alloc : memref<!tpu.dma_semaphore, #tpu.memory_space<semaphore_mem>>
        %dma_start3A = tpu.memref_slice %arg9[%add3A_104] : memref<2097152xf32, #tpu.memory_space<hbm>> -> memref<8192xf32, #tpu.memory_space<hbm>>
        %dma_start3A_181 = tpu.memref_slice %arg9[%add3A_104] : memref<2097152xf32, #tpu.memory_space<hbm>> -> memref<8192xf32, #tpu.memory_space<hbm>>
        tpu.enqueue_dma source(%arg14 : memref<8192xf32, #tpu.memory_space<vmem>>) target(%dma_start3A_181 : memref<8192xf32, #tpu.memory_space<hbm>>) target_semaphore(%run_scoped3A : memref<!tpu.dma_semaphore, #tpu.memory_space<semaphore_mem>>)
        %dma_wait3A = tpu.memref_slice %arg9[%add3A_104] : memref<2097152xf32, #tpu.memory_space<hbm>> -> memref<8192xf32, #tpu.memory_space<hbm>>
        %dma_wait3A_182 = tpu.memref_slice %arg9[%add3A_104] : memref<2097152xf32, #tpu.memory_space<hbm>> -> memref<8192xf32, #tpu.memory_space<hbm>>
        tpu.wait_dma2 semaphore(%run_scoped3A : memref<!tpu.dma_semaphore, #tpu.memory_space<semaphore_mem>>) src(%arg14 : memref<8192xf32, #tpu.memory_space<vmem>>) dst(%dma_wait3A_182 : memref<8192xf32, #tpu.memory_space<hbm>>)
        tpu.yield
      }) : () -> ()
      %add3A_105 = arith.constant 57344 : i32
      %add3A_106 = arith.addi %mul3A_62, %add3A_105 : i32
      "tpu.region"() ({
        %run_scoped3A = tpu.sem_alloc : memref<!tpu.dma_semaphore, #tpu.memory_space<semaphore_mem>>
        %dma_start3A = tpu.memref_slice %arg15[%add3A_106] : memref<1048832xf32, #tpu.memory_space<vmem_shared>> -> memref<8192xf32, #tpu.memory_space<vmem_shared>>
        %dma_start3A_181 = tpu.memref_slice %arg15[%add3A_106] : memref<1048832xf32, #tpu.memory_space<vmem_shared>> -> memref<8192xf32, #tpu.memory_space<vmem_shared>>
        tpu.enqueue_dma source(%dma_start3A_181 : memref<8192xf32, #tpu.memory_space<vmem_shared>>) target(%arg14 : memref<8192xf32, #tpu.memory_space<vmem>>) target_semaphore(%run_scoped3A : memref<!tpu.dma_semaphore, #tpu.memory_space<semaphore_mem>>)
        %dma_wait3A = tpu.memref_slice %arg15[%add3A_106] : memref<1048832xf32, #tpu.memory_space<vmem_shared>> -> memref<8192xf32, #tpu.memory_space<vmem_shared>>
        %dma_wait3A_182 = tpu.memref_slice %arg15[%add3A_106] : memref<1048832xf32, #tpu.memory_space<vmem_shared>> -> memref<8192xf32, #tpu.memory_space<vmem_shared>>
        tpu.wait_dma2 semaphore(%run_scoped3A : memref<!tpu.dma_semaphore, #tpu.memory_space<semaphore_mem>>) src(%dma_wait3A_182 : memref<8192xf32, #tpu.memory_space<vmem_shared>>) dst(%arg14 : memref<8192xf32, #tpu.memory_space<vmem>>)
        tpu.yield
      }) : () -> ()
      %add3A_107 = arith.constant 0 : i32
      %add3A_108 = arith.addi %add3A_107, %mul3A_62 : i32
      %add3A_109 = arith.constant 57344 : i32
      %add3A_110 = arith.addi %add3A_108, %add3A_109 : i32
      "tpu.region"() ({
        %run_scoped3A = tpu.sem_alloc : memref<!tpu.dma_semaphore, #tpu.memory_space<semaphore_mem>>
        %dma_start3A = tpu.memref_slice %arg9[%add3A_110] : memref<2097152xf32, #tpu.memory_space<hbm>> -> memref<8192xf32, #tpu.memory_space<hbm>>
        %dma_start3A_181 = tpu.memref_slice %arg9[%add3A_110] : memref<2097152xf32, #tpu.memory_space<hbm>> -> memref<8192xf32, #tpu.memory_space<hbm>>
        tpu.enqueue_dma source(%arg14 : memref<8192xf32, #tpu.memory_space<vmem>>) target(%dma_start3A_181 : memref<8192xf32, #tpu.memory_space<hbm>>) target_semaphore(%run_scoped3A : memref<!tpu.dma_semaphore, #tpu.memory_space<semaphore_mem>>)
        %dma_wait3A = tpu.memref_slice %arg9[%add3A_110] : memref<2097152xf32, #tpu.memory_space<hbm>> -> memref<8192xf32, #tpu.memory_space<hbm>>
        %dma_wait3A_182 = tpu.memref_slice %arg9[%add3A_110] : memref<2097152xf32, #tpu.memory_space<hbm>> -> memref<8192xf32, #tpu.memory_space<hbm>>
        tpu.wait_dma2 semaphore(%run_scoped3A : memref<!tpu.dma_semaphore, #tpu.memory_space<semaphore_mem>>) src(%arg14 : memref<8192xf32, #tpu.memory_space<vmem>>) dst(%dma_wait3A_182 : memref<8192xf32, #tpu.memory_space<hbm>>)
        tpu.yield
      }) : () -> ()
      %barrier3A_111 = arith.constant 0 : index
      tpu.barrier barrier_id(%barrier3A_111)
      %mul3A_112 = arith.constant 65552 : i32
      %mul3A_113 = arith.muli %arg1, %mul3A_112 : i32
      %scan3A_114 = arith.constant 0 : i32
      %scan3A_115 = arith.constant 0 : i32
      %scan3A_116 = arith.constant 8 : i32
      %scan3A_117 = arith.addi %scan3A_115, %scan3A_116 : i32
      %scan3A_118 = arith.constant 1 : i32
      scf.for %scan3A_181 = %scan3A_115 to %scan3A_117 step %scan3A_118  : i32 {
        %mul3A_182 = arith.constant 8192 : i32
        %mul3A_183 = arith.muli %scan3A_181, %mul3A_182 : i32
        %add3A_184 = arith.addi %mul3A_113, %mul3A_183 : i32
        "tpu.region"() ({
          %run_scoped3A = tpu.sem_alloc : memref<!tpu.dma_semaphore, #tpu.memory_space<semaphore_mem>>
          %dma_start3A = tpu.memref_slice %arg15[%add3A_184] : memref<1048832xf32, #tpu.memory_space<vmem_shared>> -> memref<8192xf32, #tpu.memory_space<vmem_shared>>
          %dma_start3A_185 = tpu.memref_slice %arg15[%add3A_184] : memref<1048832xf32, #tpu.memory_space<vmem_shared>> -> memref<8192xf32, #tpu.memory_space<vmem_shared>>
          tpu.enqueue_dma source(%arg12 : memref<8192xf32, #tpu.memory_space<vmem>>) target(%dma_start3A_185 : memref<8192xf32, #tpu.memory_space<vmem_shared>>) target_semaphore(%run_scoped3A : memref<!tpu.dma_semaphore, #tpu.memory_space<semaphore_mem>>)
          %dma_wait3A = tpu.memref_slice %arg15[%add3A_184] : memref<1048832xf32, #tpu.memory_space<vmem_shared>> -> memref<8192xf32, #tpu.memory_space<vmem_shared>>
          %dma_wait3A_186 = tpu.memref_slice %arg15[%add3A_184] : memref<1048832xf32, #tpu.memory_space<vmem_shared>> -> memref<8192xf32, #tpu.memory_space<vmem_shared>>
          tpu.wait_dma2 semaphore(%run_scoped3A : memref<!tpu.dma_semaphore, #tpu.memory_space<semaphore_mem>>) src(%arg12 : memref<8192xf32, #tpu.memory_space<vmem>>) dst(%dma_wait3A_186 : memref<8192xf32, #tpu.memory_space<vmem_shared>>)
          tpu.yield
        }) : () -> ()
      }
      %scan3A_119 = arith.constant 8 : i32
      %add3A_120 = arith.constant 65536 : i32
      %add3A_121 = arith.addi %mul3A_113, %add3A_120 : i32
      "tpu.region"() ({
        %run_scoped3A = tpu.sem_alloc : memref<!tpu.dma_semaphore, #tpu.memory_space<semaphore_mem>>
        %dma_start3A = arith.constant 0 : i32
        %dma_start3A_181 = tpu.memref_slice %arg12[%dma_start3A] : memref<8192xf32, #tpu.memory_space<vmem>> -> memref<16xf32, #tpu.memory_space<vmem>>
        %dma_start3A_182 = tpu.memref_slice %arg15[%add3A_121] : memref<1048832xf32, #tpu.memory_space<vmem_shared>> -> memref<16xf32, #tpu.memory_space<vmem_shared>>
        %dma_start3A_183 = tpu.memref_slice %arg15[%add3A_121] : memref<1048832xf32, #tpu.memory_space<vmem_shared>> -> memref<16xf32, #tpu.memory_space<vmem_shared>>
        %dma_start3A_184 = arith.constant 0 : i32
        %dma_start3A_185 = tpu.memref_slice %arg12[%dma_start3A_184] : memref<8192xf32, #tpu.memory_space<vmem>> -> memref<16xf32, #tpu.memory_space<vmem>>
        tpu.enqueue_dma source(%dma_start3A_185 : memref<16xf32, #tpu.memory_space<vmem>>) target(%dma_start3A_183 : memref<16xf32, #tpu.memory_space<vmem_shared>>) target_semaphore(%run_scoped3A : memref<!tpu.dma_semaphore, #tpu.memory_space<semaphore_mem>>)
        %dma_wait3A = arith.constant 0 : i32
        %dma_wait3A_186 = tpu.memref_slice %arg12[%dma_wait3A] : memref<8192xf32, #tpu.memory_space<vmem>> -> memref<16xf32, #tpu.memory_space<vmem>>
        %dma_wait3A_187 = tpu.memref_slice %arg15[%add3A_121] : memref<1048832xf32, #tpu.memory_space<vmem_shared>> -> memref<16xf32, #tpu.memory_space<vmem_shared>>
        %dma_wait3A_188 = tpu.memref_slice %arg15[%add3A_121] : memref<1048832xf32, #tpu.memory_space<vmem_shared>> -> memref<16xf32, #tpu.memory_space<vmem_shared>>
        %dma_wait3A_189 = arith.constant 0 : i32
        %dma_wait3A_190 = tpu.memref_slice %arg12[%dma_wait3A_189] : memref<8192xf32, #tpu.memory_space<vmem>> -> memref<16xf32, #tpu.memory_space<vmem>>
        tpu.wait_dma2 semaphore(%run_scoped3A : memref<!tpu.dma_semaphore, #tpu.memory_space<semaphore_mem>>) src(%dma_wait3A_190 : memref<16xf32, #tpu.memory_space<vmem>>) dst(%dma_wait3A_188 : memref<16xf32, #tpu.memory_space<vmem_shared>>)
        tpu.yield
      }) : () -> ()
      %barrier3A_122 = arith.constant 0 : index
      tpu.barrier barrier_id(%barrier3A_122)
      %scan3A_123 = arith.constant 0 : i32
      %scan3A_124 = arith.constant 0 : i32
      %scan3A_125 = arith.constant 256 : i32
      %scan3A_126 = arith.addi %scan3A_124, %scan3A_125 : i32
      %scan3A_127 = arith.constant 1 : i32
      scf.for %scan3A_181 = %scan3A_124 to %scan3A_126 step %scan3A_127  : i32 {
        %mul3A_182 = arith.constant 16 : i32
        %mul3A_183 = arith.muli %scan3A_181, %mul3A_182 : i32
        "tpu.region"() ({
          %run_scoped3A = tpu.sem_alloc : memref<!tpu.dma_semaphore, #tpu.memory_space<semaphore_mem>>
          %dma_start3A = arith.constant 0 : i32
          %dma_start3A_409 = tpu.memref_slice %arg5[%arg1, %mul3A_183, %dma_start3A] : memref<16x4096x128xi32, #tpu.memory_space<hbm>> -> memref<1x16x128xi32, #tpu.memory_space<hbm>>
          %dma_start3A_410 = tpu.memref_squeeze %dma_start3A_409 : memref<1x16x128xi32, #tpu.memory_space<hbm>> -> memref<16x128xi32, #tpu.memory_space<hbm>>
          %dma_start3A_411 = arith.constant 0 : i32
          %dma_start3A_412 = tpu.memref_slice %arg5[%arg1, %mul3A_183, %dma_start3A_411] : memref<16x4096x128xi32, #tpu.memory_space<hbm>> -> memref<1x16x128xi32, #tpu.memory_space<hbm>>
          %dma_start3A_413 = tpu.memref_squeeze %dma_start3A_412 : memref<1x16x128xi32, #tpu.memory_space<hbm>> -> memref<16x128xi32, #tpu.memory_space<hbm>>
          tpu.enqueue_dma source(%dma_start3A_413 : memref<16x128xi32, #tpu.memory_space<hbm>>) target(%arg10 : memref<16x128xi32, #tpu.memory_space<vmem>>) target_semaphore(%run_scoped3A : memref<!tpu.dma_semaphore, #tpu.memory_space<semaphore_mem>>)
          %dma_wait3A = arith.constant 0 : i32
          %dma_wait3A_414 = tpu.memref_slice %arg5[%arg1, %mul3A_183, %dma_wait3A] : memref<16x4096x128xi32, #tpu.memory_space<hbm>> -> memref<1x16x128xi32, #tpu.memory_space<hbm>>
          %dma_wait3A_415 = tpu.memref_squeeze %dma_wait3A_414 : memref<1x16x128xi32, #tpu.memory_space<hbm>> -> memref<16x128xi32, #tpu.memory_space<hbm>>
          %dma_wait3A_416 = arith.constant 0 : i32
          %dma_wait3A_417 = tpu.memref_slice %arg5[%arg1, %mul3A_183, %dma_wait3A_416] : memref<16x4096x128xi32, #tpu.memory_space<hbm>> -> memref<1x16x128xi32, #tpu.memory_space<hbm>>
          %dma_wait3A_418 = tpu.memref_squeeze %dma_wait3A_417 : memref<1x16x128xi32, #tpu.memory_space<hbm>> -> memref<16x128xi32, #tpu.memory_space<hbm>>
          tpu.wait_dma2 semaphore(%run_scoped3A : memref<!tpu.dma_semaphore, #tpu.memory_space<semaphore_mem>>) src(%dma_wait3A_418 : memref<16x128xi32, #tpu.memory_space<hbm>>) dst(%arg10 : memref<16x128xi32, #tpu.memory_space<vmem>>)
          tpu.yield
        }) : () -> ()
        %mul3A_184 = arith.constant 16 : i32
        %mul3A_185 = arith.muli %scan3A_181, %mul3A_184 : i32
        "tpu.region"() ({
          %run_scoped3A = tpu.sem_alloc : memref<!tpu.dma_semaphore, #tpu.memory_space<semaphore_mem>>
          %dma_start3A = tpu.memref_slice %arg7[%arg1, %mul3A_185] : memref<16x4096xi32, #tpu.memory_space<hbm>> -> memref<1x16xi32, #tpu.memory_space<hbm>>
          %dma_start3A_409 = tpu.memref_squeeze %dma_start3A : memref<1x16xi32, #tpu.memory_space<hbm>> -> memref<16xi32, #tpu.memory_space<hbm>>
          %dma_start3A_410 = tpu.memref_slice %arg7[%arg1, %mul3A_185] : memref<16x4096xi32, #tpu.memory_space<hbm>> -> memref<1x16xi32, #tpu.memory_space<hbm>>
          %dma_start3A_411 = tpu.memref_squeeze %dma_start3A_410 : memref<1x16xi32, #tpu.memory_space<hbm>> -> memref<16xi32, #tpu.memory_space<hbm>>
          tpu.enqueue_dma source(%dma_start3A_411 : memref<16xi32, #tpu.memory_space<hbm>>) target(%arg11 : memref<16xi32, #tpu.memory_space<vmem>>) target_semaphore(%run_scoped3A : memref<!tpu.dma_semaphore, #tpu.memory_space<semaphore_mem>>)
          %dma_wait3A = tpu.memref_slice %arg7[%arg1, %mul3A_185] : memref<16x4096xi32, #tpu.memory_space<hbm>> -> memref<1x16xi32, #tpu.memory_space<hbm>>
          %dma_wait3A_412 = tpu.memref_squeeze %dma_wait3A : memref<1x16xi32, #tpu.memory_space<hbm>> -> memref<16xi32, #tpu.memory_space<hbm>>
          %dma_wait3A_413 = tpu.memref_slice %arg7[%arg1, %mul3A_185] : memref<16x4096xi32, #tpu.memory_space<hbm>> -> memref<1x16xi32, #tpu.memory_space<hbm>>
          %dma_wait3A_414 = tpu.memref_squeeze %dma_wait3A_413 : memref<1x16xi32, #tpu.memory_space<hbm>> -> memref<16xi32, #tpu.memory_space<hbm>>
          tpu.wait_dma2 semaphore(%run_scoped3A : memref<!tpu.dma_semaphore, #tpu.memory_space<semaphore_mem>>) src(%dma_wait3A_414 : memref<16xi32, #tpu.memory_space<hbm>>) dst(%arg11 : memref<16xi32, #tpu.memory_space<vmem>>)
          tpu.yield
        }) : () -> ()
        %get3A = arith.constant 0 : index
        %get3A_186 = tpu.vector_load %arg11[%get3A] {strides = array<i32>} : memref<16xi32, #tpu.memory_space<vmem>>, vector<16xi32>,
        %get3A_187 = vector.shape_cast %get3A_186 : vector<16xi32> to vector<16xi32>
        %slice3A = vector.extract_strided_slice %get3A_187 {offsets = [0], sizes = [1], strides = [1]} : vector<16xi32> to vector<1xi32>
        %squeeze3A = vector.extract %slice3A[0] : i32 from vector<1xi32>
        %ne3A = arith.constant 0 : i32
        %ne3A_188 = arith.cmpi ne, %squeeze3A, %ne3A : i32
        %convert_element_type3A_189 = arith.extui %ne3A_188 : i1 to i32
        %cond3A_190 = arith.constant 0 : i32
        %cond3A_191 = arith.cmpi ne, %convert_element_type3A_189, %cond3A_190 : i32
        scf.if %cond3A_191 {
          %dma_start3A = arith.constant 0 : i32
          %dma_start3A_409 = arith.constant 0 : i32
          %dma_start3A_410 = tpu.memref_slice %arg10[%dma_start3A, %dma_start3A_409] : memref<16x128xi32, #tpu.memory_space<vmem>> -> memref<1x128xi32, #tpu.memory_space<vmem>>
          %dma_start3A_411 = tpu.memref_squeeze %dma_start3A_410 : memref<1x128xi32, #tpu.memory_space<vmem>> -> memref<128xi32, #tpu.memory_space<vmem>>
          %dma_start3A_412 = arith.constant 0 : i32
          %dma_start3A_413 = tpu.memref_slice %arg15[%dma_start3A_412] : memref<1048832xf32, #tpu.memory_space<vmem_shared>> -> memref<1048832xf32, #tpu.memory_space<vmem_shared>>
          tpu.enqueue_indirect_dma source(%arg13 : memref<128xf32, #tpu.memory_space<vmem>>) target(%dma_start3A_413 : memref<1048832xf32, #tpu.memory_space<vmem_shared>>) offsets(%dma_start3A_411 : memref<128xi32, #tpu.memory_space<vmem>>) semaphore(%arg16 : memref<!tpu.dma_semaphore, #tpu.memory_space<semaphore_mem>>)
        } else {
        }
        %slice3A_192 = vector.extract_strided_slice %get3A_187 {offsets = [1], sizes = [1], strides = [1]} : vector<16xi32> to vector<1xi32>
        %squeeze3A_193 = vector.extract %slice3A_192[0] : i32 from vector<1xi32>
        %ne3A_194 = arith.constant 0 : i32
        %ne3A_195 = arith.cmpi ne, %squeeze3A_193, %ne3A_194 : i32
        %convert_element_type3A_196 = arith.extui %ne3A_195 : i1 to i32
        %cond3A_197 = arith.constant 0 : i32
        %cond3A_198 = arith.cmpi ne, %convert_element_type3A_196, %cond3A_197 : i32
        scf.if %cond3A_198 {
          %dma_start3A = arith.constant 1 : i32
          %dma_start3A_409 = arith.constant 0 : i32
          %dma_start3A_410 = tpu.memref_slice %arg10[%dma_start3A, %dma_start3A_409] : memref<16x128xi32, #tpu.memory_space<vmem>> -> memref<1x128xi32, #tpu.memory_space<vmem>>
          %dma_start3A_411 = tpu.memref_squeeze %dma_start3A_410 : memref<1x128xi32, #tpu.memory_space<vmem>> -> memref<128xi32, #tpu.memory_space<vmem>>
          %dma_start3A_412 = arith.constant 0 : i32
          %dma_start3A_413 = tpu.memref_slice %arg15[%dma_start3A_412] : memref<1048832xf32, #tpu.memory_space<vmem_shared>> -> memref<1048832xf32, #tpu.memory_space<vmem_shared>>
          tpu.enqueue_indirect_dma source(%arg13 : memref<128xf32, #tpu.memory_space<vmem>>) target(%dma_start3A_413 : memref<1048832xf32, #tpu.memory_space<vmem_shared>>) offsets(%dma_start3A_411 : memref<128xi32, #tpu.memory_space<vmem>>) semaphore(%arg16 : memref<!tpu.dma_semaphore, #tpu.memory_space<semaphore_mem>>)
        } else {
        }
        %slice3A_199 = vector.extract_strided_slice %get3A_187 {offsets = [2], sizes = [1], strides = [1]} : vector<16xi32> to vector<1xi32>
        %squeeze3A_200 = vector.extract %slice3A_199[0] : i32 from vector<1xi32>
        %ne3A_201 = arith.constant 0 : i32
        %ne3A_202 = arith.cmpi ne, %squeeze3A_200, %ne3A_201 : i32
        %convert_element_type3A_203 = arith.extui %ne3A_202 : i1 to i32
        %cond3A_204 = arith.constant 0 : i32
        %cond3A_205 = arith.cmpi ne, %convert_element_type3A_203, %cond3A_204 : i32
        scf.if %cond3A_205 {
          %dma_start3A = arith.constant 2 : i32
          %dma_start3A_409 = arith.constant 0 : i32
          %dma_start3A_410 = tpu.memref_slice %arg10[%dma_start3A, %dma_start3A_409] : memref<16x128xi32, #tpu.memory_space<vmem>> -> memref<1x128xi32, #tpu.memory_space<vmem>>
          %dma_start3A_411 = tpu.memref_squeeze %dma_start3A_410 : memref<1x128xi32, #tpu.memory_space<vmem>> -> memref<128xi32, #tpu.memory_space<vmem>>
          %dma_start3A_412 = arith.constant 0 : i32
          %dma_start3A_413 = tpu.memref_slice %arg15[%dma_start3A_412] : memref<1048832xf32, #tpu.memory_space<vmem_shared>> -> memref<1048832xf32, #tpu.memory_space<vmem_shared>>
          tpu.enqueue_indirect_dma source(%arg13 : memref<128xf32, #tpu.memory_space<vmem>>) target(%dma_start3A_413 : memref<1048832xf32, #tpu.memory_space<vmem_shared>>) offsets(%dma_start3A_411 : memref<128xi32, #tpu.memory_space<vmem>>) semaphore(%arg16 : memref<!tpu.dma_semaphore, #tpu.memory_space<semaphore_mem>>)
        } else {
        }
        %slice3A_206 = vector.extract_strided_slice %get3A_187 {offsets = [3], sizes = [1], strides = [1]} : vector<16xi32> to vector<1xi32>
        %squeeze3A_207 = vector.extract %slice3A_206[0] : i32 from vector<1xi32>
        %ne3A_208 = arith.constant 0 : i32
        %ne3A_209 = arith.cmpi ne, %squeeze3A_207, %ne3A_208 : i32
        %convert_element_type3A_210 = arith.extui %ne3A_209 : i1 to i32
        %cond3A_211 = arith.constant 0 : i32
        %cond3A_212 = arith.cmpi ne, %convert_element_type3A_210, %cond3A_211 : i32
        scf.if %cond3A_212 {
          %dma_start3A = arith.constant 3 : i32
          %dma_start3A_409 = arith.constant 0 : i32
          %dma_start3A_410 = tpu.memref_slice %arg10[%dma_start3A, %dma_start3A_409] : memref<16x128xi32, #tpu.memory_space<vmem>> -> memref<1x128xi32, #tpu.memory_space<vmem>>
          %dma_start3A_411 = tpu.memref_squeeze %dma_start3A_410 : memref<1x128xi32, #tpu.memory_space<vmem>> -> memref<128xi32, #tpu.memory_space<vmem>>
          %dma_start3A_412 = arith.constant 0 : i32
          %dma_start3A_413 = tpu.memref_slice %arg15[%dma_start3A_412] : memref<1048832xf32, #tpu.memory_space<vmem_shared>> -> memref<1048832xf32, #tpu.memory_space<vmem_shared>>
          tpu.enqueue_indirect_dma source(%arg13 : memref<128xf32, #tpu.memory_space<vmem>>) target(%dma_start3A_413 : memref<1048832xf32, #tpu.memory_space<vmem_shared>>) offsets(%dma_start3A_411 : memref<128xi32, #tpu.memory_space<vmem>>) semaphore(%arg16 : memref<!tpu.dma_semaphore, #tpu.memory_space<semaphore_mem>>)
        } else {
        }
        %slice3A_213 = vector.extract_strided_slice %get3A_187 {offsets = [4], sizes = [1], strides = [1]} : vector<16xi32> to vector<1xi32>
        %squeeze3A_214 = vector.extract %slice3A_213[0] : i32 from vector<1xi32>
        %ne3A_215 = arith.constant 0 : i32
        %ne3A_216 = arith.cmpi ne, %squeeze3A_214, %ne3A_215 : i32
        %convert_element_type3A_217 = arith.extui %ne3A_216 : i1 to i32
        %cond3A_218 = arith.constant 0 : i32
        %cond3A_219 = arith.cmpi ne, %convert_element_type3A_217, %cond3A_218 : i32
        scf.if %cond3A_219 {
          %dma_start3A = arith.constant 4 : i32
          %dma_start3A_409 = arith.constant 0 : i32
          %dma_start3A_410 = tpu.memref_slice %arg10[%dma_start3A, %dma_start3A_409] : memref<16x128xi32, #tpu.memory_space<vmem>> -> memref<1x128xi32, #tpu.memory_space<vmem>>
          %dma_start3A_411 = tpu.memref_squeeze %dma_start3A_410 : memref<1x128xi32, #tpu.memory_space<vmem>> -> memref<128xi32, #tpu.memory_space<vmem>>
          %dma_start3A_412 = arith.constant 0 : i32
          %dma_start3A_413 = tpu.memref_slice %arg15[%dma_start3A_412] : memref<1048832xf32, #tpu.memory_space<vmem_shared>> -> memref<1048832xf32, #tpu.memory_space<vmem_shared>>
          tpu.enqueue_indirect_dma source(%arg13 : memref<128xf32, #tpu.memory_space<vmem>>) target(%dma_start3A_413 : memref<1048832xf32, #tpu.memory_space<vmem_shared>>) offsets(%dma_start3A_411 : memref<128xi32, #tpu.memory_space<vmem>>) semaphore(%arg16 : memref<!tpu.dma_semaphore, #tpu.memory_space<semaphore_mem>>)
        } else {
        }
        %slice3A_220 = vector.extract_strided_slice %get3A_187 {offsets = [5], sizes = [1], strides = [1]} : vector<16xi32> to vector<1xi32>
        %squeeze3A_221 = vector.extract %slice3A_220[0] : i32 from vector<1xi32>
        %ne3A_222 = arith.constant 0 : i32
        %ne3A_223 = arith.cmpi ne, %squeeze3A_221, %ne3A_222 : i32
        %convert_element_type3A_224 = arith.extui %ne3A_223 : i1 to i32
        %cond3A_225 = arith.constant 0 : i32
        %cond3A_226 = arith.cmpi ne, %convert_element_type3A_224, %cond3A_225 : i32
        scf.if %cond3A_226 {
          %dma_start3A = arith.constant 5 : i32
          %dma_start3A_409 = arith.constant 0 : i32
          %dma_start3A_410 = tpu.memref_slice %arg10[%dma_start3A, %dma_start3A_409] : memref<16x128xi32, #tpu.memory_space<vmem>> -> memref<1x128xi32, #tpu.memory_space<vmem>>
          %dma_start3A_411 = tpu.memref_squeeze %dma_start3A_410 : memref<1x128xi32, #tpu.memory_space<vmem>> -> memref<128xi32, #tpu.memory_space<vmem>>
          %dma_start3A_412 = arith.constant 0 : i32
          %dma_start3A_413 = tpu.memref_slice %arg15[%dma_start3A_412] : memref<1048832xf32, #tpu.memory_space<vmem_shared>> -> memref<1048832xf32, #tpu.memory_space<vmem_shared>>
          tpu.enqueue_indirect_dma source(%arg13 : memref<128xf32, #tpu.memory_space<vmem>>) target(%dma_start3A_413 : memref<1048832xf32, #tpu.memory_space<vmem_shared>>) offsets(%dma_start3A_411 : memref<128xi32, #tpu.memory_space<vmem>>) semaphore(%arg16 : memref<!tpu.dma_semaphore, #tpu.memory_space<semaphore_mem>>)
        } else {
        }
        %slice3A_227 = vector.extract_strided_slice %get3A_187 {offsets = [6], sizes = [1], strides = [1]} : vector<16xi32> to vector<1xi32>
        %squeeze3A_228 = vector.extract %slice3A_227[0] : i32 from vector<1xi32>
        %ne3A_229 = arith.constant 0 : i32
        %ne3A_230 = arith.cmpi ne, %squeeze3A_228, %ne3A_229 : i32
        %convert_element_type3A_231 = arith.extui %ne3A_230 : i1 to i32
        %cond3A_232 = arith.constant 0 : i32
        %cond3A_233 = arith.cmpi ne, %convert_element_type3A_231, %cond3A_232 : i32
        scf.if %cond3A_233 {
          %dma_start3A = arith.constant 6 : i32
          %dma_start3A_409 = arith.constant 0 : i32
          %dma_start3A_410 = tpu.memref_slice %arg10[%dma_start3A, %dma_start3A_409] : memref<16x128xi32, #tpu.memory_space<vmem>> -> memref<1x128xi32, #tpu.memory_space<vmem>>
          %dma_start3A_411 = tpu.memref_squeeze %dma_start3A_410 : memref<1x128xi32, #tpu.memory_space<vmem>> -> memref<128xi32, #tpu.memory_space<vmem>>
          %dma_start3A_412 = arith.constant 0 : i32
          %dma_start3A_413 = tpu.memref_slice %arg15[%dma_start3A_412] : memref<1048832xf32, #tpu.memory_space<vmem_shared>> -> memref<1048832xf32, #tpu.memory_space<vmem_shared>>
          tpu.enqueue_indirect_dma source(%arg13 : memref<128xf32, #tpu.memory_space<vmem>>) target(%dma_start3A_413 : memref<1048832xf32, #tpu.memory_space<vmem_shared>>) offsets(%dma_start3A_411 : memref<128xi32, #tpu.memory_space<vmem>>) semaphore(%arg16 : memref<!tpu.dma_semaphore, #tpu.memory_space<semaphore_mem>>)
        } else {
        }
        %slice3A_234 = vector.extract_strided_slice %get3A_187 {offsets = [7], sizes = [1], strides = [1]} : vector<16xi32> to vector<1xi32>
        %squeeze3A_235 = vector.extract %slice3A_234[0] : i32 from vector<1xi32>
        %ne3A_236 = arith.constant 0 : i32
        %ne3A_237 = arith.cmpi ne, %squeeze3A_235, %ne3A_236 : i32
        %convert_element_type3A_238 = arith.extui %ne3A_237 : i1 to i32
        %cond3A_239 = arith.constant 0 : i32
        %cond3A_240 = arith.cmpi ne, %convert_element_type3A_238, %cond3A_239 : i32
        scf.if %cond3A_240 {
          %dma_start3A = arith.constant 7 : i32
          %dma_start3A_409 = arith.constant 0 : i32
          %dma_start3A_410 = tpu.memref_slice %arg10[%dma_start3A, %dma_start3A_409] : memref<16x128xi32, #tpu.memory_space<vmem>> -> memref<1x128xi32, #tpu.memory_space<vmem>>
          %dma_start3A_411 = tpu.memref_squeeze %dma_start3A_410 : memref<1x128xi32, #tpu.memory_space<vmem>> -> memref<128xi32, #tpu.memory_space<vmem>>
          %dma_start3A_412 = arith.constant 0 : i32
          %dma_start3A_413 = tpu.memref_slice %arg15[%dma_start3A_412] : memref<1048832xf32, #tpu.memory_space<vmem_shared>> -> memref<1048832xf32, #tpu.memory_space<vmem_shared>>
          tpu.enqueue_indirect_dma source(%arg13 : memref<128xf32, #tpu.memory_space<vmem>>) target(%dma_start3A_413 : memref<1048832xf32, #tpu.memory_space<vmem_shared>>) offsets(%dma_start3A_411 : memref<128xi32, #tpu.memory_space<vmem>>) semaphore(%arg16 : memref<!tpu.dma_semaphore, #tpu.memory_space<semaphore_mem>>)
        } else {
        }
        %slice3A_241 = vector.extract_strided_slice %get3A_187 {offsets = [8], sizes = [1], strides = [1]} : vector<16xi32> to vector<1xi32>
        %squeeze3A_242 = vector.extract %slice3A_241[0] : i32 from vector<1xi32>
        %ne3A_243 = arith.constant 0 : i32
        %ne3A_244 = arith.cmpi ne, %squeeze3A_242, %ne3A_243 : i32
        %convert_element_type3A_245 = arith.extui %ne3A_244 : i1 to i32
        %cond3A_246 = arith.constant 0 : i32
        %cond3A_247 = arith.cmpi ne, %convert_element_type3A_245, %cond3A_246 : i32
        scf.if %cond3A_247 {
          %dma_start3A = arith.constant 8 : i32
          %dma_start3A_409 = arith.constant 0 : i32
          %dma_start3A_410 = tpu.memref_slice %arg10[%dma_start3A, %dma_start3A_409] : memref<16x128xi32, #tpu.memory_space<vmem>> -> memref<1x128xi32, #tpu.memory_space<vmem>>
          %dma_start3A_411 = tpu.memref_squeeze %dma_start3A_410 : memref<1x128xi32, #tpu.memory_space<vmem>> -> memref<128xi32, #tpu.memory_space<vmem>>
          %dma_start3A_412 = arith.constant 0 : i32
          %dma_start3A_413 = tpu.memref_slice %arg15[%dma_start3A_412] : memref<1048832xf32, #tpu.memory_space<vmem_shared>> -> memref<1048832xf32, #tpu.memory_space<vmem_shared>>
          tpu.enqueue_indirect_dma source(%arg13 : memref<128xf32, #tpu.memory_space<vmem>>) target(%dma_start3A_413 : memref<1048832xf32, #tpu.memory_space<vmem_shared>>) offsets(%dma_start3A_411 : memref<128xi32, #tpu.memory_space<vmem>>) semaphore(%arg16 : memref<!tpu.dma_semaphore, #tpu.memory_space<semaphore_mem>>)
        } else {
        }
        %slice3A_248 = vector.extract_strided_slice %get3A_187 {offsets = [9], sizes = [1], strides = [1]} : vector<16xi32> to vector<1xi32>
        %squeeze3A_249 = vector.extract %slice3A_248[0] : i32 from vector<1xi32>
        %ne3A_250 = arith.constant 0 : i32
        %ne3A_251 = arith.cmpi ne, %squeeze3A_249, %ne3A_250 : i32
        %convert_element_type3A_252 = arith.extui %ne3A_251 : i1 to i32
        %cond3A_253 = arith.constant 0 : i32
        %cond3A_254 = arith.cmpi ne, %convert_element_type3A_252, %cond3A_253 : i32
        scf.if %cond3A_254 {
          %dma_start3A = arith.constant 9 : i32
          %dma_start3A_409 = arith.constant 0 : i32
          %dma_start3A_410 = tpu.memref_slice %arg10[%dma_start3A, %dma_start3A_409] : memref<16x128xi32, #tpu.memory_space<vmem>> -> memref<1x128xi32, #tpu.memory_space<vmem>>
          %dma_start3A_411 = tpu.memref_squeeze %dma_start3A_410 : memref<1x128xi32, #tpu.memory_space<vmem>> -> memref<128xi32, #tpu.memory_space<vmem>>
          %dma_start3A_412 = arith.constant 0 : i32
          %dma_start3A_413 = tpu.memref_slice %arg15[%dma_start3A_412] : memref<1048832xf32, #tpu.memory_space<vmem_shared>> -> memref<1048832xf32, #tpu.memory_space<vmem_shared>>
          tpu.enqueue_indirect_dma source(%arg13 : memref<128xf32, #tpu.memory_space<vmem>>) target(%dma_start3A_413 : memref<1048832xf32, #tpu.memory_space<vmem_shared>>) offsets(%dma_start3A_411 : memref<128xi32, #tpu.memory_space<vmem>>) semaphore(%arg16 : memref<!tpu.dma_semaphore, #tpu.memory_space<semaphore_mem>>)
        } else {
        }
        %slice3A_255 = vector.extract_strided_slice %get3A_187 {offsets = [10], sizes = [1], strides = [1]} : vector<16xi32> to vector<1xi32>
        %squeeze3A_256 = vector.extract %slice3A_255[0] : i32 from vector<1xi32>
        %ne3A_257 = arith.constant 0 : i32
        %ne3A_258 = arith.cmpi ne, %squeeze3A_256, %ne3A_257 : i32
        %convert_element_type3A_259 = arith.extui %ne3A_258 : i1 to i32
        %cond3A_260 = arith.constant 0 : i32
        %cond3A_261 = arith.cmpi ne, %convert_element_type3A_259, %cond3A_260 : i32
        scf.if %cond3A_261 {
          %dma_start3A = arith.constant 10 : i32
          %dma_start3A_409 = arith.constant 0 : i32
          %dma_start3A_410 = tpu.memref_slice %arg10[%dma_start3A, %dma_start3A_409] : memref<16x128xi32, #tpu.memory_space<vmem>> -> memref<1x128xi32, #tpu.memory_space<vmem>>
          %dma_start3A_411 = tpu.memref_squeeze %dma_start3A_410 : memref<1x128xi32, #tpu.memory_space<vmem>> -> memref<128xi32, #tpu.memory_space<vmem>>
          %dma_start3A_412 = arith.constant 0 : i32
          %dma_start3A_413 = tpu.memref_slice %arg15[%dma_start3A_412] : memref<1048832xf32, #tpu.memory_space<vmem_shared>> -> memref<1048832xf32, #tpu.memory_space<vmem_shared>>
          tpu.enqueue_indirect_dma source(%arg13 : memref<128xf32, #tpu.memory_space<vmem>>) target(%dma_start3A_413 : memref<1048832xf32, #tpu.memory_space<vmem_shared>>) offsets(%dma_start3A_411 : memref<128xi32, #tpu.memory_space<vmem>>) semaphore(%arg16 : memref<!tpu.dma_semaphore, #tpu.memory_space<semaphore_mem>>)
        } else {
        }
        %slice3A_262 = vector.extract_strided_slice %get3A_187 {offsets = [11], sizes = [1], strides = [1]} : vector<16xi32> to vector<1xi32>
        %squeeze3A_263 = vector.extract %slice3A_262[0] : i32 from vector<1xi32>
        %ne3A_264 = arith.constant 0 : i32
        %ne3A_265 = arith.cmpi ne, %squeeze3A_263, %ne3A_264 : i32
        %convert_element_type3A_266 = arith.extui %ne3A_265 : i1 to i32
        %cond3A_267 = arith.constant 0 : i32
        %cond3A_268 = arith.cmpi ne, %convert_element_type3A_266, %cond3A_267 : i32
        scf.if %cond3A_268 {
          %dma_start3A = arith.constant 11 : i32
          %dma_start3A_409 = arith.constant 0 : i32
          %dma_start3A_410 = tpu.memref_slice %arg10[%dma_start3A, %dma_start3A_409] : memref<16x128xi32, #tpu.memory_space<vmem>> -> memref<1x128xi32, #tpu.memory_space<vmem>>
          %dma_start3A_411 = tpu.memref_squeeze %dma_start3A_410 : memref<1x128xi32, #tpu.memory_space<vmem>> -> memref<128xi32, #tpu.memory_space<vmem>>
          %dma_start3A_412 = arith.constant 0 : i32
          %dma_start3A_413 = tpu.memref_slice %arg15[%dma_start3A_412] : memref<1048832xf32, #tpu.memory_space<vmem_shared>> -> memref<1048832xf32, #tpu.memory_space<vmem_shared>>
          tpu.enqueue_indirect_dma source(%arg13 : memref<128xf32, #tpu.memory_space<vmem>>) target(%dma_start3A_413 : memref<1048832xf32, #tpu.memory_space<vmem_shared>>) offsets(%dma_start3A_411 : memref<128xi32, #tpu.memory_space<vmem>>) semaphore(%arg16 : memref<!tpu.dma_semaphore, #tpu.memory_space<semaphore_mem>>)
        } else {
        }
        %slice3A_269 = vector.extract_strided_slice %get3A_187 {offsets = [12], sizes = [1], strides = [1]} : vector<16xi32> to vector<1xi32>
        %squeeze3A_270 = vector.extract %slice3A_269[0] : i32 from vector<1xi32>
        %ne3A_271 = arith.constant 0 : i32
        %ne3A_272 = arith.cmpi ne, %squeeze3A_270, %ne3A_271 : i32
        %convert_element_type3A_273 = arith.extui %ne3A_272 : i1 to i32
        %cond3A_274 = arith.constant 0 : i32
        %cond3A_275 = arith.cmpi ne, %convert_element_type3A_273, %cond3A_274 : i32
        scf.if %cond3A_275 {
          %dma_start3A = arith.constant 12 : i32
          %dma_start3A_409 = arith.constant 0 : i32
          %dma_start3A_410 = tpu.memref_slice %arg10[%dma_start3A, %dma_start3A_409] : memref<16x128xi32, #tpu.memory_space<vmem>> -> memref<1x128xi32, #tpu.memory_space<vmem>>
          %dma_start3A_411 = tpu.memref_squeeze %dma_start3A_410 : memref<1x128xi32, #tpu.memory_space<vmem>> -> memref<128xi32, #tpu.memory_space<vmem>>
          %dma_start3A_412 = arith.constant 0 : i32
          %dma_start3A_413 = tpu.memref_slice %arg15[%dma_start3A_412] : memref<1048832xf32, #tpu.memory_space<vmem_shared>> -> memref<1048832xf32, #tpu.memory_space<vmem_shared>>
          tpu.enqueue_indirect_dma source(%arg13 : memref<128xf32, #tpu.memory_space<vmem>>) target(%dma_start3A_413 : memref<1048832xf32, #tpu.memory_space<vmem_shared>>) offsets(%dma_start3A_411 : memref<128xi32, #tpu.memory_space<vmem>>) semaphore(%arg16 : memref<!tpu.dma_semaphore, #tpu.memory_space<semaphore_mem>>)
        } else {
        }
        %slice3A_276 = vector.extract_strided_slice %get3A_187 {offsets = [13], sizes = [1], strides = [1]} : vector<16xi32> to vector<1xi32>
        %squeeze3A_277 = vector.extract %slice3A_276[0] : i32 from vector<1xi32>
        %ne3A_278 = arith.constant 0 : i32
        %ne3A_279 = arith.cmpi ne, %squeeze3A_277, %ne3A_278 : i32
        %convert_element_type3A_280 = arith.extui %ne3A_279 : i1 to i32
        %cond3A_281 = arith.constant 0 : i32
        %cond3A_282 = arith.cmpi ne, %convert_element_type3A_280, %cond3A_281 : i32
        scf.if %cond3A_282 {
          %dma_start3A = arith.constant 13 : i32
          %dma_start3A_409 = arith.constant 0 : i32
          %dma_start3A_410 = tpu.memref_slice %arg10[%dma_start3A, %dma_start3A_409] : memref<16x128xi32, #tpu.memory_space<vmem>> -> memref<1x128xi32, #tpu.memory_space<vmem>>
          %dma_start3A_411 = tpu.memref_squeeze %dma_start3A_410 : memref<1x128xi32, #tpu.memory_space<vmem>> -> memref<128xi32, #tpu.memory_space<vmem>>
          %dma_start3A_412 = arith.constant 0 : i32
          %dma_start3A_413 = tpu.memref_slice %arg15[%dma_start3A_412] : memref<1048832xf32, #tpu.memory_space<vmem_shared>> -> memref<1048832xf32, #tpu.memory_space<vmem_shared>>
          tpu.enqueue_indirect_dma source(%arg13 : memref<128xf32, #tpu.memory_space<vmem>>) target(%dma_start3A_413 : memref<1048832xf32, #tpu.memory_space<vmem_shared>>) offsets(%dma_start3A_411 : memref<128xi32, #tpu.memory_space<vmem>>) semaphore(%arg16 : memref<!tpu.dma_semaphore, #tpu.memory_space<semaphore_mem>>)
        } else {
        }
        %slice3A_283 = vector.extract_strided_slice %get3A_187 {offsets = [14], sizes = [1], strides = [1]} : vector<16xi32> to vector<1xi32>
        %squeeze3A_284 = vector.extract %slice3A_283[0] : i32 from vector<1xi32>
        %ne3A_285 = arith.constant 0 : i32
        %ne3A_286 = arith.cmpi ne, %squeeze3A_284, %ne3A_285 : i32
        %convert_element_type3A_287 = arith.extui %ne3A_286 : i1 to i32
        %cond3A_288 = arith.constant 0 : i32
        %cond3A_289 = arith.cmpi ne, %convert_element_type3A_287, %cond3A_288 : i32
        scf.if %cond3A_289 {
          %dma_start3A = arith.constant 14 : i32
          %dma_start3A_409 = arith.constant 0 : i32
          %dma_start3A_410 = tpu.memref_slice %arg10[%dma_start3A, %dma_start3A_409] : memref<16x128xi32, #tpu.memory_space<vmem>> -> memref<1x128xi32, #tpu.memory_space<vmem>>
          %dma_start3A_411 = tpu.memref_squeeze %dma_start3A_410 : memref<1x128xi32, #tpu.memory_space<vmem>> -> memref<128xi32, #tpu.memory_space<vmem>>
          %dma_start3A_412 = arith.constant 0 : i32
          %dma_start3A_413 = tpu.memref_slice %arg15[%dma_start3A_412] : memref<1048832xf32, #tpu.memory_space<vmem_shared>> -> memref<1048832xf32, #tpu.memory_space<vmem_shared>>
          tpu.enqueue_indirect_dma source(%arg13 : memref<128xf32, #tpu.memory_space<vmem>>) target(%dma_start3A_413 : memref<1048832xf32, #tpu.memory_space<vmem_shared>>) offsets(%dma_start3A_411 : memref<128xi32, #tpu.memory_space<vmem>>) semaphore(%arg16 : memref<!tpu.dma_semaphore, #tpu.memory_space<semaphore_mem>>)
        } else {
        }
        %slice3A_290 = vector.extract_strided_slice %get3A_187 {offsets = [15], sizes = [1], strides = [1]} : vector<16xi32> to vector<1xi32>
        %squeeze3A_291 = vector.extract %slice3A_290[0] : i32 from vector<1xi32>
        %ne3A_292 = arith.constant 0 : i32
        %ne3A_293 = arith.cmpi ne, %squeeze3A_291, %ne3A_292 : i32
        %convert_element_type3A_294 = arith.extui %ne3A_293 : i1 to i32
        %cond3A_295 = arith.constant 0 : i32
        %cond3A_296 = arith.cmpi ne, %convert_element_type3A_294, %cond3A_295 : i32
        scf.if %cond3A_296 {
          %dma_start3A = arith.constant 15 : i32
          %dma_start3A_409 = arith.constant 0 : i32
          %dma_start3A_410 = tpu.memref_slice %arg10[%dma_start3A, %dma_start3A_409] : memref<16x128xi32, #tpu.memory_space<vmem>> -> memref<1x128xi32, #tpu.memory_space<vmem>>
          %dma_start3A_411 = tpu.memref_squeeze %dma_start3A_410 : memref<1x128xi32, #tpu.memory_space<vmem>> -> memref<128xi32, #tpu.memory_space<vmem>>
          %dma_start3A_412 = arith.constant 0 : i32
          %dma_start3A_413 = tpu.memref_slice %arg15[%dma_start3A_412] : memref<1048832xf32, #tpu.memory_space<vmem_shared>> -> memref<1048832xf32, #tpu.memory_space<vmem_shared>>
          tpu.enqueue_indirect_dma source(%arg13 : memref<128xf32, #tpu.memory_space<vmem>>) target(%dma_start3A_413 : memref<1048832xf32, #tpu.memory_space<vmem_shared>>) offsets(%dma_start3A_411 : memref<128xi32, #tpu.memory_space<vmem>>) semaphore(%arg16 : memref<!tpu.dma_semaphore, #tpu.memory_space<semaphore_mem>>)
        } else {
        }
        %slice3A_297 = vector.extract_strided_slice %get3A_187 {offsets = [0], sizes = [1], strides = [1]} : vector<16xi32> to vector<1xi32>
        %squeeze3A_298 = vector.extract %slice3A_297[0] : i32 from vector<1xi32>
        %ne3A_299 = arith.constant 0 : i32
        %ne3A_300 = arith.cmpi ne, %squeeze3A_298, %ne3A_299 : i32
        %convert_element_type3A_301 = arith.extui %ne3A_300 : i1 to i32
        %cond3A_302 = arith.constant 0 : i32
        %cond3A_303 = arith.cmpi ne, %convert_element_type3A_301, %cond3A_302 : i32
        scf.if %cond3A_303 {
          %dma_wait3A = arith.constant 0 : i32
          %dma_wait3A_409 = arith.constant 0 : i32
          %dma_wait3A_410 = tpu.memref_slice %arg10[%dma_wait3A, %dma_wait3A_409] : memref<16x128xi32, #tpu.memory_space<vmem>> -> memref<1x128xi32, #tpu.memory_space<vmem>>
          %dma_wait3A_411 = tpu.memref_squeeze %dma_wait3A_410 : memref<1x128xi32, #tpu.memory_space<vmem>> -> memref<128xi32, #tpu.memory_space<vmem>>
          %dma_wait3A_412 = arith.constant 0 : i32
          %dma_wait3A_413 = tpu.memref_slice %arg15[%dma_wait3A_412] : memref<1048832xf32, #tpu.memory_space<vmem_shared>> -> memref<1048832xf32, #tpu.memory_space<vmem_shared>>
          tpu.wait_indirect_dma semaphore(%arg16 : memref<!tpu.dma_semaphore, #tpu.memory_space<semaphore_mem>>) src(%arg13 : memref<128xf32, #tpu.memory_space<vmem>>) dst(%dma_wait3A_413 : memref<1048832xf32, #tpu.memory_space<vmem_shared>>)
        } else {
        }
        %slice3A_304 = vector.extract_strided_slice %get3A_187 {offsets = [1], sizes = [1], strides = [1]} : vector<16xi32> to vector<1xi32>
        %squeeze3A_305 = vector.extract %slice3A_304[0] : i32 from vector<1xi32>
        %ne3A_306 = arith.constant 0 : i32
        %ne3A_307 = arith.cmpi ne, %squeeze3A_305, %ne3A_306 : i32
        %convert_element_type3A_308 = arith.extui %ne3A_307 : i1 to i32
        %cond3A_309 = arith.constant 0 : i32
        %cond3A_310 = arith.cmpi ne, %convert_element_type3A_308, %cond3A_309 : i32
        scf.if %cond3A_310 {
          %dma_wait3A = arith.constant 1 : i32
          %dma_wait3A_409 = arith.constant 0 : i32
          %dma_wait3A_410 = tpu.memref_slice %arg10[%dma_wait3A, %dma_wait3A_409] : memref<16x128xi32, #tpu.memory_space<vmem>> -> memref<1x128xi32, #tpu.memory_space<vmem>>
          %dma_wait3A_411 = tpu.memref_squeeze %dma_wait3A_410 : memref<1x128xi32, #tpu.memory_space<vmem>> -> memref<128xi32, #tpu.memory_space<vmem>>
          %dma_wait3A_412 = arith.constant 0 : i32
          %dma_wait3A_413 = tpu.memref_slice %arg15[%dma_wait3A_412] : memref<1048832xf32, #tpu.memory_space<vmem_shared>> -> memref<1048832xf32, #tpu.memory_space<vmem_shared>>
          tpu.wait_indirect_dma semaphore(%arg16 : memref<!tpu.dma_semaphore, #tpu.memory_space<semaphore_mem>>) src(%arg13 : memref<128xf32, #tpu.memory_space<vmem>>) dst(%dma_wait3A_413 : memref<1048832xf32, #tpu.memory_space<vmem_shared>>)
        } else {
        }
        %slice3A_311 = vector.extract_strided_slice %get3A_187 {offsets = [2], sizes = [1], strides = [1]} : vector<16xi32> to vector<1xi32>
        %squeeze3A_312 = vector.extract %slice3A_311[0] : i32 from vector<1xi32>
        %ne3A_313 = arith.constant 0 : i32
        %ne3A_314 = arith.cmpi ne, %squeeze3A_312, %ne3A_313 : i32
        %convert_element_type3A_315 = arith.extui %ne3A_314 : i1 to i32
        %cond3A_316 = arith.constant 0 : i32
        %cond3A_317 = arith.cmpi ne, %convert_element_type3A_315, %cond3A_316 : i32
        scf.if %cond3A_317 {
          %dma_wait3A = arith.constant 2 : i32
          %dma_wait3A_409 = arith.constant 0 : i32
          %dma_wait3A_410 = tpu.memref_slice %arg10[%dma_wait3A, %dma_wait3A_409] : memref<16x128xi32, #tpu.memory_space<vmem>> -> memref<1x128xi32, #tpu.memory_space<vmem>>
          %dma_wait3A_411 = tpu.memref_squeeze %dma_wait3A_410 : memref<1x128xi32, #tpu.memory_space<vmem>> -> memref<128xi32, #tpu.memory_space<vmem>>
          %dma_wait3A_412 = arith.constant 0 : i32
          %dma_wait3A_413 = tpu.memref_slice %arg15[%dma_wait3A_412] : memref<1048832xf32, #tpu.memory_space<vmem_shared>> -> memref<1048832xf32, #tpu.memory_space<vmem_shared>>
          tpu.wait_indirect_dma semaphore(%arg16 : memref<!tpu.dma_semaphore, #tpu.memory_space<semaphore_mem>>) src(%arg13 : memref<128xf32, #tpu.memory_space<vmem>>) dst(%dma_wait3A_413 : memref<1048832xf32, #tpu.memory_space<vmem_shared>>)
        } else {
        }
        %slice3A_318 = vector.extract_strided_slice %get3A_187 {offsets = [3], sizes = [1], strides = [1]} : vector<16xi32> to vector<1xi32>
        %squeeze3A_319 = vector.extract %slice3A_318[0] : i32 from vector<1xi32>
        %ne3A_320 = arith.constant 0 : i32
        %ne3A_321 = arith.cmpi ne, %squeeze3A_319, %ne3A_320 : i32
        %convert_element_type3A_322 = arith.extui %ne3A_321 : i1 to i32
        %cond3A_323 = arith.constant 0 : i32
        %cond3A_324 = arith.cmpi ne, %convert_element_type3A_322, %cond3A_323 : i32
        scf.if %cond3A_324 {
          %dma_wait3A = arith.constant 3 : i32
          %dma_wait3A_409 = arith.constant 0 : i32
          %dma_wait3A_410 = tpu.memref_slice %arg10[%dma_wait3A, %dma_wait3A_409] : memref<16x128xi32, #tpu.memory_space<vmem>> -> memref<1x128xi32, #tpu.memory_space<vmem>>
          %dma_wait3A_411 = tpu.memref_squeeze %dma_wait3A_410 : memref<1x128xi32, #tpu.memory_space<vmem>> -> memref<128xi32, #tpu.memory_space<vmem>>
          %dma_wait3A_412 = arith.constant 0 : i32
          %dma_wait3A_413 = tpu.memref_slice %arg15[%dma_wait3A_412] : memref<1048832xf32, #tpu.memory_space<vmem_shared>> -> memref<1048832xf32, #tpu.memory_space<vmem_shared>>
          tpu.wait_indirect_dma semaphore(%arg16 : memref<!tpu.dma_semaphore, #tpu.memory_space<semaphore_mem>>) src(%arg13 : memref<128xf32, #tpu.memory_space<vmem>>) dst(%dma_wait3A_413 : memref<1048832xf32, #tpu.memory_space<vmem_shared>>)
        } else {
        }
        %slice3A_325 = vector.extract_strided_slice %get3A_187 {offsets = [4], sizes = [1], strides = [1]} : vector<16xi32> to vector<1xi32>
        %squeeze3A_326 = vector.extract %slice3A_325[0] : i32 from vector<1xi32>
        %ne3A_327 = arith.constant 0 : i32
        %ne3A_328 = arith.cmpi ne, %squeeze3A_326, %ne3A_327 : i32
        %convert_element_type3A_329 = arith.extui %ne3A_328 : i1 to i32
        %cond3A_330 = arith.constant 0 : i32
        %cond3A_331 = arith.cmpi ne, %convert_element_type3A_329, %cond3A_330 : i32
        scf.if %cond3A_331 {
          %dma_wait3A = arith.constant 4 : i32
          %dma_wait3A_409 = arith.constant 0 : i32
          %dma_wait3A_410 = tpu.memref_slice %arg10[%dma_wait3A, %dma_wait3A_409] : memref<16x128xi32, #tpu.memory_space<vmem>> -> memref<1x128xi32, #tpu.memory_space<vmem>>
          %dma_wait3A_411 = tpu.memref_squeeze %dma_wait3A_410 : memref<1x128xi32, #tpu.memory_space<vmem>> -> memref<128xi32, #tpu.memory_space<vmem>>
          %dma_wait3A_412 = arith.constant 0 : i32
          %dma_wait3A_413 = tpu.memref_slice %arg15[%dma_wait3A_412] : memref<1048832xf32, #tpu.memory_space<vmem_shared>> -> memref<1048832xf32, #tpu.memory_space<vmem_shared>>
          tpu.wait_indirect_dma semaphore(%arg16 : memref<!tpu.dma_semaphore, #tpu.memory_space<semaphore_mem>>) src(%arg13 : memref<128xf32, #tpu.memory_space<vmem>>) dst(%dma_wait3A_413 : memref<1048832xf32, #tpu.memory_space<vmem_shared>>)
        } else {
        }
        %slice3A_332 = vector.extract_strided_slice %get3A_187 {offsets = [5], sizes = [1], strides = [1]} : vector<16xi32> to vector<1xi32>
        %squeeze3A_333 = vector.extract %slice3A_332[0] : i32 from vector<1xi32>
        %ne3A_334 = arith.constant 0 : i32
        %ne3A_335 = arith.cmpi ne, %squeeze3A_333, %ne3A_334 : i32
        %convert_element_type3A_336 = arith.extui %ne3A_335 : i1 to i32
        %cond3A_337 = arith.constant 0 : i32
        %cond3A_338 = arith.cmpi ne, %convert_element_type3A_336, %cond3A_337 : i32
        scf.if %cond3A_338 {
          %dma_wait3A = arith.constant 5 : i32
          %dma_wait3A_409 = arith.constant 0 : i32
          %dma_wait3A_410 = tpu.memref_slice %arg10[%dma_wait3A, %dma_wait3A_409] : memref<16x128xi32, #tpu.memory_space<vmem>> -> memref<1x128xi32, #tpu.memory_space<vmem>>
          %dma_wait3A_411 = tpu.memref_squeeze %dma_wait3A_410 : memref<1x128xi32, #tpu.memory_space<vmem>> -> memref<128xi32, #tpu.memory_space<vmem>>
          %dma_wait3A_412 = arith.constant 0 : i32
          %dma_wait3A_413 = tpu.memref_slice %arg15[%dma_wait3A_412] : memref<1048832xf32, #tpu.memory_space<vmem_shared>> -> memref<1048832xf32, #tpu.memory_space<vmem_shared>>
          tpu.wait_indirect_dma semaphore(%arg16 : memref<!tpu.dma_semaphore, #tpu.memory_space<semaphore_mem>>) src(%arg13 : memref<128xf32, #tpu.memory_space<vmem>>) dst(%dma_wait3A_413 : memref<1048832xf32, #tpu.memory_space<vmem_shared>>)
        } else {
        }
        %slice3A_339 = vector.extract_strided_slice %get3A_187 {offsets = [6], sizes = [1], strides = [1]} : vector<16xi32> to vector<1xi32>
        %squeeze3A_340 = vector.extract %slice3A_339[0] : i32 from vector<1xi32>
        %ne3A_341 = arith.constant 0 : i32
        %ne3A_342 = arith.cmpi ne, %squeeze3A_340, %ne3A_341 : i32
        %convert_element_type3A_343 = arith.extui %ne3A_342 : i1 to i32
        %cond3A_344 = arith.constant 0 : i32
        %cond3A_345 = arith.cmpi ne, %convert_element_type3A_343, %cond3A_344 : i32
        scf.if %cond3A_345 {
          %dma_wait3A = arith.constant 6 : i32
          %dma_wait3A_409 = arith.constant 0 : i32
          %dma_wait3A_410 = tpu.memref_slice %arg10[%dma_wait3A, %dma_wait3A_409] : memref<16x128xi32, #tpu.memory_space<vmem>> -> memref<1x128xi32, #tpu.memory_space<vmem>>
          %dma_wait3A_411 = tpu.memref_squeeze %dma_wait3A_410 : memref<1x128xi32, #tpu.memory_space<vmem>> -> memref<128xi32, #tpu.memory_space<vmem>>
          %dma_wait3A_412 = arith.constant 0 : i32
          %dma_wait3A_413 = tpu.memref_slice %arg15[%dma_wait3A_412] : memref<1048832xf32, #tpu.memory_space<vmem_shared>> -> memref<1048832xf32, #tpu.memory_space<vmem_shared>>
          tpu.wait_indirect_dma semaphore(%arg16 : memref<!tpu.dma_semaphore, #tpu.memory_space<semaphore_mem>>) src(%arg13 : memref<128xf32, #tpu.memory_space<vmem>>) dst(%dma_wait3A_413 : memref<1048832xf32, #tpu.memory_space<vmem_shared>>)
        } else {
        }
        %slice3A_346 = vector.extract_strided_slice %get3A_187 {offsets = [7], sizes = [1], strides = [1]} : vector<16xi32> to vector<1xi32>
        %squeeze3A_347 = vector.extract %slice3A_346[0] : i32 from vector<1xi32>
        %ne3A_348 = arith.constant 0 : i32
        %ne3A_349 = arith.cmpi ne, %squeeze3A_347, %ne3A_348 : i32
        %convert_element_type3A_350 = arith.extui %ne3A_349 : i1 to i32
        %cond3A_351 = arith.constant 0 : i32
        %cond3A_352 = arith.cmpi ne, %convert_element_type3A_350, %cond3A_351 : i32
        scf.if %cond3A_352 {
          %dma_wait3A = arith.constant 7 : i32
          %dma_wait3A_409 = arith.constant 0 : i32
          %dma_wait3A_410 = tpu.memref_slice %arg10[%dma_wait3A, %dma_wait3A_409] : memref<16x128xi32, #tpu.memory_space<vmem>> -> memref<1x128xi32, #tpu.memory_space<vmem>>
          %dma_wait3A_411 = tpu.memref_squeeze %dma_wait3A_410 : memref<1x128xi32, #tpu.memory_space<vmem>> -> memref<128xi32, #tpu.memory_space<vmem>>
          %dma_wait3A_412 = arith.constant 0 : i32
          %dma_wait3A_413 = tpu.memref_slice %arg15[%dma_wait3A_412] : memref<1048832xf32, #tpu.memory_space<vmem_shared>> -> memref<1048832xf32, #tpu.memory_space<vmem_shared>>
          tpu.wait_indirect_dma semaphore(%arg16 : memref<!tpu.dma_semaphore, #tpu.memory_space<semaphore_mem>>) src(%arg13 : memref<128xf32, #tpu.memory_space<vmem>>) dst(%dma_wait3A_413 : memref<1048832xf32, #tpu.memory_space<vmem_shared>>)
        } else {
        }
        %slice3A_353 = vector.extract_strided_slice %get3A_187 {offsets = [8], sizes = [1], strides = [1]} : vector<16xi32> to vector<1xi32>
        %squeeze3A_354 = vector.extract %slice3A_353[0] : i32 from vector<1xi32>
        %ne3A_355 = arith.constant 0 : i32
        %ne3A_356 = arith.cmpi ne, %squeeze3A_354, %ne3A_355 : i32
        %convert_element_type3A_357 = arith.extui %ne3A_356 : i1 to i32
        %cond3A_358 = arith.constant 0 : i32
        %cond3A_359 = arith.cmpi ne, %convert_element_type3A_357, %cond3A_358 : i32
        scf.if %cond3A_359 {
          %dma_wait3A = arith.constant 8 : i32
          %dma_wait3A_409 = arith.constant 0 : i32
          %dma_wait3A_410 = tpu.memref_slice %arg10[%dma_wait3A, %dma_wait3A_409] : memref<16x128xi32, #tpu.memory_space<vmem>> -> memref<1x128xi32, #tpu.memory_space<vmem>>
          %dma_wait3A_411 = tpu.memref_squeeze %dma_wait3A_410 : memref<1x128xi32, #tpu.memory_space<vmem>> -> memref<128xi32, #tpu.memory_space<vmem>>
          %dma_wait3A_412 = arith.constant 0 : i32
          %dma_wait3A_413 = tpu.memref_slice %arg15[%dma_wait3A_412] : memref<1048832xf32, #tpu.memory_space<vmem_shared>> -> memref<1048832xf32, #tpu.memory_space<vmem_shared>>
          tpu.wait_indirect_dma semaphore(%arg16 : memref<!tpu.dma_semaphore, #tpu.memory_space<semaphore_mem>>) src(%arg13 : memref<128xf32, #tpu.memory_space<vmem>>) dst(%dma_wait3A_413 : memref<1048832xf32, #tpu.memory_space<vmem_shared>>)
        } else {
        }
        %slice3A_360 = vector.extract_strided_slice %get3A_187 {offsets = [9], sizes = [1], strides = [1]} : vector<16xi32> to vector<1xi32>
        %squeeze3A_361 = vector.extract %slice3A_360[0] : i32 from vector<1xi32>
        %ne3A_362 = arith.constant 0 : i32
        %ne3A_363 = arith.cmpi ne, %squeeze3A_361, %ne3A_362 : i32
        %convert_element_type3A_364 = arith.extui %ne3A_363 : i1 to i32
        %cond3A_365 = arith.constant 0 : i32
        %cond3A_366 = arith.cmpi ne, %convert_element_type3A_364, %cond3A_365 : i32
        scf.if %cond3A_366 {
          %dma_wait3A = arith.constant 9 : i32
          %dma_wait3A_409 = arith.constant 0 : i32
          %dma_wait3A_410 = tpu.memref_slice %arg10[%dma_wait3A, %dma_wait3A_409] : memref<16x128xi32, #tpu.memory_space<vmem>> -> memref<1x128xi32, #tpu.memory_space<vmem>>
          %dma_wait3A_411 = tpu.memref_squeeze %dma_wait3A_410 : memref<1x128xi32, #tpu.memory_space<vmem>> -> memref<128xi32, #tpu.memory_space<vmem>>
          %dma_wait3A_412 = arith.constant 0 : i32
          %dma_wait3A_413 = tpu.memref_slice %arg15[%dma_wait3A_412] : memref<1048832xf32, #tpu.memory_space<vmem_shared>> -> memref<1048832xf32, #tpu.memory_space<vmem_shared>>
          tpu.wait_indirect_dma semaphore(%arg16 : memref<!tpu.dma_semaphore, #tpu.memory_space<semaphore_mem>>) src(%arg13 : memref<128xf32, #tpu.memory_space<vmem>>) dst(%dma_wait3A_413 : memref<1048832xf32, #tpu.memory_space<vmem_shared>>)
        } else {
        }
        %slice3A_367 = vector.extract_strided_slice %get3A_187 {offsets = [10], sizes = [1], strides = [1]} : vector<16xi32> to vector<1xi32>
        %squeeze3A_368 = vector.extract %slice3A_367[0] : i32 from vector<1xi32>
        %ne3A_369 = arith.constant 0 : i32
        %ne3A_370 = arith.cmpi ne, %squeeze3A_368, %ne3A_369 : i32
        %convert_element_type3A_371 = arith.extui %ne3A_370 : i1 to i32
        %cond3A_372 = arith.constant 0 : i32
        %cond3A_373 = arith.cmpi ne, %convert_element_type3A_371, %cond3A_372 : i32
        scf.if %cond3A_373 {
          %dma_wait3A = arith.constant 10 : i32
          %dma_wait3A_409 = arith.constant 0 : i32
          %dma_wait3A_410 = tpu.memref_slice %arg10[%dma_wait3A, %dma_wait3A_409] : memref<16x128xi32, #tpu.memory_space<vmem>> -> memref<1x128xi32, #tpu.memory_space<vmem>>
          %dma_wait3A_411 = tpu.memref_squeeze %dma_wait3A_410 : memref<1x128xi32, #tpu.memory_space<vmem>> -> memref<128xi32, #tpu.memory_space<vmem>>
          %dma_wait3A_412 = arith.constant 0 : i32
          %dma_wait3A_413 = tpu.memref_slice %arg15[%dma_wait3A_412] : memref<1048832xf32, #tpu.memory_space<vmem_shared>> -> memref<1048832xf32, #tpu.memory_space<vmem_shared>>
          tpu.wait_indirect_dma semaphore(%arg16 : memref<!tpu.dma_semaphore, #tpu.memory_space<semaphore_mem>>) src(%arg13 : memref<128xf32, #tpu.memory_space<vmem>>) dst(%dma_wait3A_413 : memref<1048832xf32, #tpu.memory_space<vmem_shared>>)
        } else {
        }
        %slice3A_374 = vector.extract_strided_slice %get3A_187 {offsets = [11], sizes = [1], strides = [1]} : vector<16xi32> to vector<1xi32>
        %squeeze3A_375 = vector.extract %slice3A_374[0] : i32 from vector<1xi32>
        %ne3A_376 = arith.constant 0 : i32
        %ne3A_377 = arith.cmpi ne, %squeeze3A_375, %ne3A_376 : i32
        %convert_element_type3A_378 = arith.extui %ne3A_377 : i1 to i32
        %cond3A_379 = arith.constant 0 : i32
        %cond3A_380 = arith.cmpi ne, %convert_element_type3A_378, %cond3A_379 : i32
        scf.if %cond3A_380 {
          %dma_wait3A = arith.constant 11 : i32
          %dma_wait3A_409 = arith.constant 0 : i32
          %dma_wait3A_410 = tpu.memref_slice %arg10[%dma_wait3A, %dma_wait3A_409] : memref<16x128xi32, #tpu.memory_space<vmem>> -> memref<1x128xi32, #tpu.memory_space<vmem>>
          %dma_wait3A_411 = tpu.memref_squeeze %dma_wait3A_410 : memref<1x128xi32, #tpu.memory_space<vmem>> -> memref<128xi32, #tpu.memory_space<vmem>>
          %dma_wait3A_412 = arith.constant 0 : i32
          %dma_wait3A_413 = tpu.memref_slice %arg15[%dma_wait3A_412] : memref<1048832xf32, #tpu.memory_space<vmem_shared>> -> memref<1048832xf32, #tpu.memory_space<vmem_shared>>
          tpu.wait_indirect_dma semaphore(%arg16 : memref<!tpu.dma_semaphore, #tpu.memory_space<semaphore_mem>>) src(%arg13 : memref<128xf32, #tpu.memory_space<vmem>>) dst(%dma_wait3A_413 : memref<1048832xf32, #tpu.memory_space<vmem_shared>>)
        } else {
        }
        %slice3A_381 = vector.extract_strided_slice %get3A_187 {offsets = [12], sizes = [1], strides = [1]} : vector<16xi32> to vector<1xi32>
        %squeeze3A_382 = vector.extract %slice3A_381[0] : i32 from vector<1xi32>
        %ne3A_383 = arith.constant 0 : i32
        %ne3A_384 = arith.cmpi ne, %squeeze3A_382, %ne3A_383 : i32
        %convert_element_type3A_385 = arith.extui %ne3A_384 : i1 to i32
        %cond3A_386 = arith.constant 0 : i32
        %cond3A_387 = arith.cmpi ne, %convert_element_type3A_385, %cond3A_386 : i32
        scf.if %cond3A_387 {
          %dma_wait3A = arith.constant 12 : i32
          %dma_wait3A_409 = arith.constant 0 : i32
          %dma_wait3A_410 = tpu.memref_slice %arg10[%dma_wait3A, %dma_wait3A_409] : memref<16x128xi32, #tpu.memory_space<vmem>> -> memref<1x128xi32, #tpu.memory_space<vmem>>
          %dma_wait3A_411 = tpu.memref_squeeze %dma_wait3A_410 : memref<1x128xi32, #tpu.memory_space<vmem>> -> memref<128xi32, #tpu.memory_space<vmem>>
          %dma_wait3A_412 = arith.constant 0 : i32
          %dma_wait3A_413 = tpu.memref_slice %arg15[%dma_wait3A_412] : memref<1048832xf32, #tpu.memory_space<vmem_shared>> -> memref<1048832xf32, #tpu.memory_space<vmem_shared>>
          tpu.wait_indirect_dma semaphore(%arg16 : memref<!tpu.dma_semaphore, #tpu.memory_space<semaphore_mem>>) src(%arg13 : memref<128xf32, #tpu.memory_space<vmem>>) dst(%dma_wait3A_413 : memref<1048832xf32, #tpu.memory_space<vmem_shared>>)
        } else {
        }
        %slice3A_388 = vector.extract_strided_slice %get3A_187 {offsets = [13], sizes = [1], strides = [1]} : vector<16xi32> to vector<1xi32>
        %squeeze3A_389 = vector.extract %slice3A_388[0] : i32 from vector<1xi32>
        %ne3A_390 = arith.constant 0 : i32
        %ne3A_391 = arith.cmpi ne, %squeeze3A_389, %ne3A_390 : i32
        %convert_element_type3A_392 = arith.extui %ne3A_391 : i1 to i32
        %cond3A_393 = arith.constant 0 : i32
        %cond3A_394 = arith.cmpi ne, %convert_element_type3A_392, %cond3A_393 : i32
        scf.if %cond3A_394 {
          %dma_wait3A = arith.constant 13 : i32
          %dma_wait3A_409 = arith.constant 0 : i32
          %dma_wait3A_410 = tpu.memref_slice %arg10[%dma_wait3A, %dma_wait3A_409] : memref<16x128xi32, #tpu.memory_space<vmem>> -> memref<1x128xi32, #tpu.memory_space<vmem>>
          %dma_wait3A_411 = tpu.memref_squeeze %dma_wait3A_410 : memref<1x128xi32, #tpu.memory_space<vmem>> -> memref<128xi32, #tpu.memory_space<vmem>>
          %dma_wait3A_412 = arith.constant 0 : i32
          %dma_wait3A_413 = tpu.memref_slice %arg15[%dma_wait3A_412] : memref<1048832xf32, #tpu.memory_space<vmem_shared>> -> memref<1048832xf32, #tpu.memory_space<vmem_shared>>
          tpu.wait_indirect_dma semaphore(%arg16 : memref<!tpu.dma_semaphore, #tpu.memory_space<semaphore_mem>>) src(%arg13 : memref<128xf32, #tpu.memory_space<vmem>>) dst(%dma_wait3A_413 : memref<1048832xf32, #tpu.memory_space<vmem_shared>>)
        } else {
        }
        %slice3A_395 = vector.extract_strided_slice %get3A_187 {offsets = [14], sizes = [1], strides = [1]} : vector<16xi32> to vector<1xi32>
        %squeeze3A_396 = vector.extract %slice3A_395[0] : i32 from vector<1xi32>
        %ne3A_397 = arith.constant 0 : i32
        %ne3A_398 = arith.cmpi ne, %squeeze3A_396, %ne3A_397 : i32
        %convert_element_type3A_399 = arith.extui %ne3A_398 : i1 to i32
        %cond3A_400 = arith.constant 0 : i32
        %cond3A_401 = arith.cmpi ne, %convert_element_type3A_399, %cond3A_400 : i32
        scf.if %cond3A_401 {
          %dma_wait3A = arith.constant 14 : i32
          %dma_wait3A_409 = arith.constant 0 : i32
          %dma_wait3A_410 = tpu.memref_slice %arg10[%dma_wait3A, %dma_wait3A_409] : memref<16x128xi32, #tpu.memory_space<vmem>> -> memref<1x128xi32, #tpu.memory_space<vmem>>
          %dma_wait3A_411 = tpu.memref_squeeze %dma_wait3A_410 : memref<1x128xi32, #tpu.memory_space<vmem>> -> memref<128xi32, #tpu.memory_space<vmem>>
          %dma_wait3A_412 = arith.constant 0 : i32
          %dma_wait3A_413 = tpu.memref_slice %arg15[%dma_wait3A_412] : memref<1048832xf32, #tpu.memory_space<vmem_shared>> -> memref<1048832xf32, #tpu.memory_space<vmem_shared>>
          tpu.wait_indirect_dma semaphore(%arg16 : memref<!tpu.dma_semaphore, #tpu.memory_space<semaphore_mem>>) src(%arg13 : memref<128xf32, #tpu.memory_space<vmem>>) dst(%dma_wait3A_413 : memref<1048832xf32, #tpu.memory_space<vmem_shared>>)
        } else {
        }
        %slice3A_402 = vector.extract_strided_slice %get3A_187 {offsets = [15], sizes = [1], strides = [1]} : vector<16xi32> to vector<1xi32>
        %squeeze3A_403 = vector.extract %slice3A_402[0] : i32 from vector<1xi32>
        %ne3A_404 = arith.constant 0 : i32
        %ne3A_405 = arith.cmpi ne, %squeeze3A_403, %ne3A_404 : i32
        %convert_element_type3A_406 = arith.extui %ne3A_405 : i1 to i32
        %cond3A_407 = arith.constant 0 : i32
        %cond3A_408 = arith.cmpi ne, %convert_element_type3A_406, %cond3A_407 : i32
        scf.if %cond3A_408 {
          %dma_wait3A = arith.constant 15 : i32
          %dma_wait3A_409 = arith.constant 0 : i32
          %dma_wait3A_410 = tpu.memref_slice %arg10[%dma_wait3A, %dma_wait3A_409] : memref<16x128xi32, #tpu.memory_space<vmem>> -> memref<1x128xi32, #tpu.memory_space<vmem>>
          %dma_wait3A_411 = tpu.memref_squeeze %dma_wait3A_410 : memref<1x128xi32, #tpu.memory_space<vmem>> -> memref<128xi32, #tpu.memory_space<vmem>>
          %dma_wait3A_412 = arith.constant 0 : i32
          %dma_wait3A_413 = tpu.memref_slice %arg15[%dma_wait3A_412] : memref<1048832xf32, #tpu.memory_space<vmem_shared>> -> memref<1048832xf32, #tpu.memory_space<vmem_shared>>
          tpu.wait_indirect_dma semaphore(%arg16 : memref<!tpu.dma_semaphore, #tpu.memory_space<semaphore_mem>>) src(%arg13 : memref<128xf32, #tpu.memory_space<vmem>>) dst(%dma_wait3A_413 : memref<1048832xf32, #tpu.memory_space<vmem_shared>>)
        } else {
        }
      }
      %scan3A_128 = arith.constant 256 : i32
      %barrier3A_129 = arith.constant 0 : index
      tpu.barrier barrier_id(%barrier3A_129)
      %mul3A_130 = arith.constant 65536 : i32
      %mul3A_131 = arith.muli %arg1, %mul3A_130 : i32
      %add3A_132 = arith.constant 0 : i32
      %add3A_133 = arith.addi %mul3A_131, %add3A_132 : i32
      "tpu.region"() ({
        %run_scoped3A = tpu.sem_alloc : memref<!tpu.dma_semaphore, #tpu.memory_space<semaphore_mem>>
        %dma_start3A = tpu.memref_slice %arg15[%add3A_133] : memref<1048832xf32, #tpu.memory_space<vmem_shared>> -> memref<8192xf32, #tpu.memory_space<vmem_shared>>
        %dma_start3A_181 = tpu.memref_slice %arg15[%add3A_133] : memref<1048832xf32, #tpu.memory_space<vmem_shared>> -> memref<8192xf32, #tpu.memory_space<vmem_shared>>
        tpu.enqueue_dma source(%dma_start3A_181 : memref<8192xf32, #tpu.memory_space<vmem_shared>>) target(%arg14 : memref<8192xf32, #tpu.memory_space<vmem>>) target_semaphore(%run_scoped3A : memref<!tpu.dma_semaphore, #tpu.memory_space<semaphore_mem>>)
        %dma_wait3A = tpu.memref_slice %arg15[%add3A_133] : memref<1048832xf32, #tpu.memory_space<vmem_shared>> -> memref<8192xf32, #tpu.memory_space<vmem_shared>>
        %dma_wait3A_182 = tpu.memref_slice %arg15[%add3A_133] : memref<1048832xf32, #tpu.memory_space<vmem_shared>> -> memref<8192xf32, #tpu.memory_space<vmem_shared>>
        tpu.wait_dma2 semaphore(%run_scoped3A : memref<!tpu.dma_semaphore, #tpu.memory_space<semaphore_mem>>) src(%dma_wait3A_182 : memref<8192xf32, #tpu.memory_space<vmem_shared>>) dst(%arg14 : memref<8192xf32, #tpu.memory_space<vmem>>)
        tpu.yield
      }) : () -> ()
      %add3A_134 = arith.constant 1048576 : i32
      %add3A_135 = arith.addi %add3A_134, %mul3A_131 : i32
      %add3A_136 = arith.constant 0 : i32
      %add3A_137 = arith.addi %add3A_135, %add3A_136 : i32
      "tpu.region"() ({
        %run_scoped3A = tpu.sem_alloc : memref<!tpu.dma_semaphore, #tpu.memory_space<semaphore_mem>>
        %dma_start3A = tpu.memref_slice %arg9[%add3A_137] : memref<2097152xf32, #tpu.memory_space<hbm>> -> memref<8192xf32, #tpu.memory_space<hbm>>
        %dma_start3A_181 = tpu.memref_slice %arg9[%add3A_137] : memref<2097152xf32, #tpu.memory_space<hbm>> -> memref<8192xf32, #tpu.memory_space<hbm>>
        tpu.enqueue_dma source(%arg14 : memref<8192xf32, #tpu.memory_space<vmem>>) target(%dma_start3A_181 : memref<8192xf32, #tpu.memory_space<hbm>>) target_semaphore(%run_scoped3A : memref<!tpu.dma_semaphore, #tpu.memory_space<semaphore_mem>>)
        %dma_wait3A = tpu.memref_slice %arg9[%add3A_137] : memref<2097152xf32, #tpu.memory_space<hbm>> -> memref<8192xf32, #tpu.memory_space<hbm>>
        %dma_wait3A_182 = tpu.memref_slice %arg9[%add3A_137] : memref<2097152xf32, #tpu.memory_space<hbm>> -> memref<8192xf32, #tpu.memory_space<hbm>>
        tpu.wait_dma2 semaphore(%run_scoped3A : memref<!tpu.dma_semaphore, #tpu.memory_space<semaphore_mem>>) src(%arg14 : memref<8192xf32, #tpu.memory_space<vmem>>) dst(%dma_wait3A_182 : memref<8192xf32, #tpu.memory_space<hbm>>)
        tpu.yield
      }) : () -> ()
      %add3A_138 = arith.constant 8192 : i32
      %add3A_139 = arith.addi %mul3A_131, %add3A_138 : i32
      "tpu.region"() ({
        %run_scoped3A = tpu.sem_alloc : memref<!tpu.dma_semaphore, #tpu.memory_space<semaphore_mem>>
        %dma_start3A = tpu.memref_slice %arg15[%add3A_139] : memref<1048832xf32, #tpu.memory_space<vmem_shared>> -> memref<8192xf32, #tpu.memory_space<vmem_shared>>
        %dma_start3A_181 = tpu.memref_slice %arg15[%add3A_139] : memref<1048832xf32, #tpu.memory_space<vmem_shared>> -> memref<8192xf32, #tpu.memory_space<vmem_shared>>
        tpu.enqueue_dma source(%dma_start3A_181 : memref<8192xf32, #tpu.memory_space<vmem_shared>>) target(%arg14 : memref<8192xf32, #tpu.memory_space<vmem>>) target_semaphore(%run_scoped3A : memref<!tpu.dma_semaphore, #tpu.memory_space<semaphore_mem>>)
        %dma_wait3A = tpu.memref_slice %arg15[%add3A_139] : memref<1048832xf32, #tpu.memory_space<vmem_shared>> -> memref<8192xf32, #tpu.memory_space<vmem_shared>>
        %dma_wait3A_182 = tpu.memref_slice %arg15[%add3A_139] : memref<1048832xf32, #tpu.memory_space<vmem_shared>> -> memref<8192xf32, #tpu.memory_space<vmem_shared>>
        tpu.wait_dma2 semaphore(%run_scoped3A : memref<!tpu.dma_semaphore, #tpu.memory_space<semaphore_mem>>) src(%dma_wait3A_182 : memref<8192xf32, #tpu.memory_space<vmem_shared>>) dst(%arg14 : memref<8192xf32, #tpu.memory_space<vmem>>)
        tpu.yield
      }) : () -> ()
      %add3A_140 = arith.constant 1048576 : i32
      %add3A_141 = arith.addi %add3A_140, %mul3A_131 : i32
      %add3A_142 = arith.constant 8192 : i32
      %add3A_143 = arith.addi %add3A_141, %add3A_142 : i32
      "tpu.region"() ({
        %run_scoped3A = tpu.sem_alloc : memref<!tpu.dma_semaphore, #tpu.memory_space<semaphore_mem>>
        %dma_start3A = tpu.memref_slice %arg9[%add3A_143] : memref<2097152xf32, #tpu.memory_space<hbm>> -> memref<8192xf32, #tpu.memory_space<hbm>>
        %dma_start3A_181 = tpu.memref_slice %arg9[%add3A_143] : memref<2097152xf32, #tpu.memory_space<hbm>> -> memref<8192xf32, #tpu.memory_space<hbm>>
        tpu.enqueue_dma source(%arg14 : memref<8192xf32, #tpu.memory_space<vmem>>) target(%dma_start3A_181 : memref<8192xf32, #tpu.memory_space<hbm>>) target_semaphore(%run_scoped3A : memref<!tpu.dma_semaphore, #tpu.memory_space<semaphore_mem>>)
        %dma_wait3A = tpu.memref_slice %arg9[%add3A_143] : memref<2097152xf32, #tpu.memory_space<hbm>> -> memref<8192xf32, #tpu.memory_space<hbm>>
        %dma_wait3A_182 = tpu.memref_slice %arg9[%add3A_143] : memref<2097152xf32, #tpu.memory_space<hbm>> -> memref<8192xf32, #tpu.memory_space<hbm>>
        tpu.wait_dma2 semaphore(%run_scoped3A : memref<!tpu.dma_semaphore, #tpu.memory_space<semaphore_mem>>) src(%arg14 : memref<8192xf32, #tpu.memory_space<vmem>>) dst(%dma_wait3A_182 : memref<8192xf32, #tpu.memory_space<hbm>>)
        tpu.yield
      }) : () -> ()
      %add3A_144 = arith.constant 16384 : i32
      %add3A_145 = arith.addi %mul3A_131, %add3A_144 : i32
      "tpu.region"() ({
        %run_scoped3A = tpu.sem_alloc : memref<!tpu.dma_semaphore, #tpu.memory_space<semaphore_mem>>
        %dma_start3A = tpu.memref_slice %arg15[%add3A_145] : memref<1048832xf32, #tpu.memory_space<vmem_shared>> -> memref<8192xf32, #tpu.memory_space<vmem_shared>>
        %dma_start3A_181 = tpu.memref_slice %arg15[%add3A_145] : memref<1048832xf32, #tpu.memory_space<vmem_shared>> -> memref<8192xf32, #tpu.memory_space<vmem_shared>>
        tpu.enqueue_dma source(%dma_start3A_181 : memref<8192xf32, #tpu.memory_space<vmem_shared>>) target(%arg14 : memref<8192xf32, #tpu.memory_space<vmem>>) target_semaphore(%run_scoped3A : memref<!tpu.dma_semaphore, #tpu.memory_space<semaphore_mem>>)
        %dma_wait3A = tpu.memref_slice %arg15[%add3A_145] : memref<1048832xf32, #tpu.memory_space<vmem_shared>> -> memref<8192xf32, #tpu.memory_space<vmem_shared>>
        %dma_wait3A_182 = tpu.memref_slice %arg15[%add3A_145] : memref<1048832xf32, #tpu.memory_space<vmem_shared>> -> memref<8192xf32, #tpu.memory_space<vmem_shared>>
        tpu.wait_dma2 semaphore(%run_scoped3A : memref<!tpu.dma_semaphore, #tpu.memory_space<semaphore_mem>>) src(%dma_wait3A_182 : memref<8192xf32, #tpu.memory_space<vmem_shared>>) dst(%arg14 : memref<8192xf32, #tpu.memory_space<vmem>>)
        tpu.yield
      }) : () -> ()
      %add3A_146 = arith.constant 1048576 : i32
      %add3A_147 = arith.addi %add3A_146, %mul3A_131 : i32
      %add3A_148 = arith.constant 16384 : i32
      %add3A_149 = arith.addi %add3A_147, %add3A_148 : i32
      "tpu.region"() ({
        %run_scoped3A = tpu.sem_alloc : memref<!tpu.dma_semaphore, #tpu.memory_space<semaphore_mem>>
        %dma_start3A = tpu.memref_slice %arg9[%add3A_149] : memref<2097152xf32, #tpu.memory_space<hbm>> -> memref<8192xf32, #tpu.memory_space<hbm>>
        %dma_start3A_181 = tpu.memref_slice %arg9[%add3A_149] : memref<2097152xf32, #tpu.memory_space<hbm>> -> memref<8192xf32, #tpu.memory_space<hbm>>
        tpu.enqueue_dma source(%arg14 : memref<8192xf32, #tpu.memory_space<vmem>>) target(%dma_start3A_181 : memref<8192xf32, #tpu.memory_space<hbm>>) target_semaphore(%run_scoped3A : memref<!tpu.dma_semaphore, #tpu.memory_space<semaphore_mem>>)
        %dma_wait3A = tpu.memref_slice %arg9[%add3A_149] : memref<2097152xf32, #tpu.memory_space<hbm>> -> memref<8192xf32, #tpu.memory_space<hbm>>
        %dma_wait3A_182 = tpu.memref_slice %arg9[%add3A_149] : memref<2097152xf32, #tpu.memory_space<hbm>> -> memref<8192xf32, #tpu.memory_space<hbm>>
        tpu.wait_dma2 semaphore(%run_scoped3A : memref<!tpu.dma_semaphore, #tpu.memory_space<semaphore_mem>>) src(%arg14 : memref<8192xf32, #tpu.memory_space<vmem>>) dst(%dma_wait3A_182 : memref<8192xf32, #tpu.memory_space<hbm>>)
        tpu.yield
      }) : () -> ()
      %add3A_150 = arith.constant 24576 : i32
      %add3A_151 = arith.addi %mul3A_131, %add3A_150 : i32
      "tpu.region"() ({
        %run_scoped3A = tpu.sem_alloc : memref<!tpu.dma_semaphore, #tpu.memory_space<semaphore_mem>>
        %dma_start3A = tpu.memref_slice %arg15[%add3A_151] : memref<1048832xf32, #tpu.memory_space<vmem_shared>> -> memref<8192xf32, #tpu.memory_space<vmem_shared>>
        %dma_start3A_181 = tpu.memref_slice %arg15[%add3A_151] : memref<1048832xf32, #tpu.memory_space<vmem_shared>> -> memref<8192xf32, #tpu.memory_space<vmem_shared>>
        tpu.enqueue_dma source(%dma_start3A_181 : memref<8192xf32, #tpu.memory_space<vmem_shared>>) target(%arg14 : memref<8192xf32, #tpu.memory_space<vmem>>) target_semaphore(%run_scoped3A : memref<!tpu.dma_semaphore, #tpu.memory_space<semaphore_mem>>)
        %dma_wait3A = tpu.memref_slice %arg15[%add3A_151] : memref<1048832xf32, #tpu.memory_space<vmem_shared>> -> memref<8192xf32, #tpu.memory_space<vmem_shared>>
        %dma_wait3A_182 = tpu.memref_slice %arg15[%add3A_151] : memref<1048832xf32, #tpu.memory_space<vmem_shared>> -> memref<8192xf32, #tpu.memory_space<vmem_shared>>
        tpu.wait_dma2 semaphore(%run_scoped3A : memref<!tpu.dma_semaphore, #tpu.memory_space<semaphore_mem>>) src(%dma_wait3A_182 : memref<8192xf32, #tpu.memory_space<vmem_shared>>) dst(%arg14 : memref<8192xf32, #tpu.memory_space<vmem>>)
        tpu.yield
      }) : () -> ()
      %add3A_152 = arith.constant 1048576 : i32
      %add3A_153 = arith.addi %add3A_152, %mul3A_131 : i32
      %add3A_154 = arith.constant 24576 : i32
      %add3A_155 = arith.addi %add3A_153, %add3A_154 : i32
      "tpu.region"() ({
        %run_scoped3A = tpu.sem_alloc : memref<!tpu.dma_semaphore, #tpu.memory_space<semaphore_mem>>
        %dma_start3A = tpu.memref_slice %arg9[%add3A_155] : memref<2097152xf32, #tpu.memory_space<hbm>> -> memref<8192xf32, #tpu.memory_space<hbm>>
        %dma_start3A_181 = tpu.memref_slice %arg9[%add3A_155] : memref<2097152xf32, #tpu.memory_space<hbm>> -> memref<8192xf32, #tpu.memory_space<hbm>>
        tpu.enqueue_dma source(%arg14 : memref<8192xf32, #tpu.memory_space<vmem>>) target(%dma_start3A_181 : memref<8192xf32, #tpu.memory_space<hbm>>) target_semaphore(%run_scoped3A : memref<!tpu.dma_semaphore, #tpu.memory_space<semaphore_mem>>)
        %dma_wait3A = tpu.memref_slice %arg9[%add3A_155] : memref<2097152xf32, #tpu.memory_space<hbm>> -> memref<8192xf32, #tpu.memory_space<hbm>>
        %dma_wait3A_182 = tpu.memref_slice %arg9[%add3A_155] : memref<2097152xf32, #tpu.memory_space<hbm>> -> memref<8192xf32, #tpu.memory_space<hbm>>
        tpu.wait_dma2 semaphore(%run_scoped3A : memref<!tpu.dma_semaphore, #tpu.memory_space<semaphore_mem>>) src(%arg14 : memref<8192xf32, #tpu.memory_space<vmem>>) dst(%dma_wait3A_182 : memref<8192xf32, #tpu.memory_space<hbm>>)
        tpu.yield
      }) : () -> ()
      %add3A_156 = arith.constant 32768 : i32
      %add3A_157 = arith.addi %mul3A_131, %add3A_156 : i32
      "tpu.region"() ({
        %run_scoped3A = tpu.sem_alloc : memref<!tpu.dma_semaphore, #tpu.memory_space<semaphore_mem>>
        %dma_start3A = tpu.memref_slice %arg15[%add3A_157] : memref<1048832xf32, #tpu.memory_space<vmem_shared>> -> memref<8192xf32, #tpu.memory_space<vmem_shared>>
        %dma_start3A_181 = tpu.memref_slice %arg15[%add3A_157] : memref<1048832xf32, #tpu.memory_space<vmem_shared>> -> memref<8192xf32, #tpu.memory_space<vmem_shared>>
        tpu.enqueue_dma source(%dma_start3A_181 : memref<8192xf32, #tpu.memory_space<vmem_shared>>) target(%arg14 : memref<8192xf32, #tpu.memory_space<vmem>>) target_semaphore(%run_scoped3A : memref<!tpu.dma_semaphore, #tpu.memory_space<semaphore_mem>>)
        %dma_wait3A = tpu.memref_slice %arg15[%add3A_157] : memref<1048832xf32, #tpu.memory_space<vmem_shared>> -> memref<8192xf32, #tpu.memory_space<vmem_shared>>
        %dma_wait3A_182 = tpu.memref_slice %arg15[%add3A_157] : memref<1048832xf32, #tpu.memory_space<vmem_shared>> -> memref<8192xf32, #tpu.memory_space<vmem_shared>>
        tpu.wait_dma2 semaphore(%run_scoped3A : memref<!tpu.dma_semaphore, #tpu.memory_space<semaphore_mem>>) src(%dma_wait3A_182 : memref<8192xf32, #tpu.memory_space<vmem_shared>>) dst(%arg14 : memref<8192xf32, #tpu.memory_space<vmem>>)
        tpu.yield
      }) : () -> ()
      %add3A_158 = arith.constant 1048576 : i32
      %add3A_159 = arith.addi %add3A_158, %mul3A_131 : i32
      %add3A_160 = arith.constant 32768 : i32
      %add3A_161 = arith.addi %add3A_159, %add3A_160 : i32
      "tpu.region"() ({
        %run_scoped3A = tpu.sem_alloc : memref<!tpu.dma_semaphore, #tpu.memory_space<semaphore_mem>>
        %dma_start3A = tpu.memref_slice %arg9[%add3A_161] : memref<2097152xf32, #tpu.memory_space<hbm>> -> memref<8192xf32, #tpu.memory_space<hbm>>
        %dma_start3A_181 = tpu.memref_slice %arg9[%add3A_161] : memref<2097152xf32, #tpu.memory_space<hbm>> -> memref<8192xf32, #tpu.memory_space<hbm>>
        tpu.enqueue_dma source(%arg14 : memref<8192xf32, #tpu.memory_space<vmem>>) target(%dma_start3A_181 : memref<8192xf32, #tpu.memory_space<hbm>>) target_semaphore(%run_scoped3A : memref<!tpu.dma_semaphore, #tpu.memory_space<semaphore_mem>>)
        %dma_wait3A = tpu.memref_slice %arg9[%add3A_161] : memref<2097152xf32, #tpu.memory_space<hbm>> -> memref<8192xf32, #tpu.memory_space<hbm>>
        %dma_wait3A_182 = tpu.memref_slice %arg9[%add3A_161] : memref<2097152xf32, #tpu.memory_space<hbm>> -> memref<8192xf32, #tpu.memory_space<hbm>>
        tpu.wait_dma2 semaphore(%run_scoped3A : memref<!tpu.dma_semaphore, #tpu.memory_space<semaphore_mem>>) src(%arg14 : memref<8192xf32, #tpu.memory_space<vmem>>) dst(%dma_wait3A_182 : memref<8192xf32, #tpu.memory_space<hbm>>)
        tpu.yield
      }) : () -> ()
      %add3A_162 = arith.constant 40960 : i32
      %add3A_163 = arith.addi %mul3A_131, %add3A_162 : i32
      "tpu.region"() ({
        %run_scoped3A = tpu.sem_alloc : memref<!tpu.dma_semaphore, #tpu.memory_space<semaphore_mem>>
        %dma_start3A = tpu.memref_slice %arg15[%add3A_163] : memref<1048832xf32, #tpu.memory_space<vmem_shared>> -> memref<8192xf32, #tpu.memory_space<vmem_shared>>
        %dma_start3A_181 = tpu.memref_slice %arg15[%add3A_163] : memref<1048832xf32, #tpu.memory_space<vmem_shared>> -> memref<8192xf32, #tpu.memory_space<vmem_shared>>
        tpu.enqueue_dma source(%dma_start3A_181 : memref<8192xf32, #tpu.memory_space<vmem_shared>>) target(%arg14 : memref<8192xf32, #tpu.memory_space<vmem>>) target_semaphore(%run_scoped3A : memref<!tpu.dma_semaphore, #tpu.memory_space<semaphore_mem>>)
        %dma_wait3A = tpu.memref_slice %arg15[%add3A_163] : memref<1048832xf32, #tpu.memory_space<vmem_shared>> -> memref<8192xf32, #tpu.memory_space<vmem_shared>>
        %dma_wait3A_182 = tpu.memref_slice %arg15[%add3A_163] : memref<1048832xf32, #tpu.memory_space<vmem_shared>> -> memref<8192xf32, #tpu.memory_space<vmem_shared>>
        tpu.wait_dma2 semaphore(%run_scoped3A : memref<!tpu.dma_semaphore, #tpu.memory_space<semaphore_mem>>) src(%dma_wait3A_182 : memref<8192xf32, #tpu.memory_space<vmem_shared>>) dst(%arg14 : memref<8192xf32, #tpu.memory_space<vmem>>)
        tpu.yield
      }) : () -> ()
      %add3A_164 = arith.constant 1048576 : i32
      %add3A_165 = arith.addi %add3A_164, %mul3A_131 : i32
      %add3A_166 = arith.constant 40960 : i32
      %add3A_167 = arith.addi %add3A_165, %add3A_166 : i32
      "tpu.region"() ({
        %run_scoped3A = tpu.sem_alloc : memref<!tpu.dma_semaphore, #tpu.memory_space<semaphore_mem>>
        %dma_start3A = tpu.memref_slice %arg9[%add3A_167] : memref<2097152xf32, #tpu.memory_space<hbm>> -> memref<8192xf32, #tpu.memory_space<hbm>>
        %dma_start3A_181 = tpu.memref_slice %arg9[%add3A_167] : memref<2097152xf32, #tpu.memory_space<hbm>> -> memref<8192xf32, #tpu.memory_space<hbm>>
        tpu.enqueue_dma source(%arg14 : memref<8192xf32, #tpu.memory_space<vmem>>) target(%dma_start3A_181 : memref<8192xf32, #tpu.memory_space<hbm>>) target_semaphore(%run_scoped3A : memref<!tpu.dma_semaphore, #tpu.memory_space<semaphore_mem>>)
        %dma_wait3A = tpu.memref_slice %arg9[%add3A_167] : memref<2097152xf32, #tpu.memory_space<hbm>> -> memref<8192xf32, #tpu.memory_space<hbm>>
        %dma_wait3A_182 = tpu.memref_slice %arg9[%add3A_167] : memref<2097152xf32, #tpu.memory_space<hbm>> -> memref<8192xf32, #tpu.memory_space<hbm>>
        tpu.wait_dma2 semaphore(%run_scoped3A : memref<!tpu.dma_semaphore, #tpu.memory_space<semaphore_mem>>) src(%arg14 : memref<8192xf32, #tpu.memory_space<vmem>>) dst(%dma_wait3A_182 : memref<8192xf32, #tpu.memory_space<hbm>>)
        tpu.yield
      }) : () -> ()
      %add3A_168 = arith.constant 49152 : i32
      %add3A_169 = arith.addi %mul3A_131, %add3A_168 : i32
      "tpu.region"() ({
        %run_scoped3A = tpu.sem_alloc : memref<!tpu.dma_semaphore, #tpu.memory_space<semaphore_mem>>
        %dma_start3A = tpu.memref_slice %arg15[%add3A_169] : memref<1048832xf32, #tpu.memory_space<vmem_shared>> -> memref<8192xf32, #tpu.memory_space<vmem_shared>>
        %dma_start3A_181 = tpu.memref_slice %arg15[%add3A_169] : memref<1048832xf32, #tpu.memory_space<vmem_shared>> -> memref<8192xf32, #tpu.memory_space<vmem_shared>>
        tpu.enqueue_dma source(%dma_start3A_181 : memref<8192xf32, #tpu.memory_space<vmem_shared>>) target(%arg14 : memref<8192xf32, #tpu.memory_space<vmem>>) target_semaphore(%run_scoped3A : memref<!tpu.dma_semaphore, #tpu.memory_space<semaphore_mem>>)
        %dma_wait3A = tpu.memref_slice %arg15[%add3A_169] : memref<1048832xf32, #tpu.memory_space<vmem_shared>> -> memref<8192xf32, #tpu.memory_space<vmem_shared>>
        %dma_wait3A_182 = tpu.memref_slice %arg15[%add3A_169] : memref<1048832xf32, #tpu.memory_space<vmem_shared>> -> memref<8192xf32, #tpu.memory_space<vmem_shared>>
        tpu.wait_dma2 semaphore(%run_scoped3A : memref<!tpu.dma_semaphore, #tpu.memory_space<semaphore_mem>>) src(%dma_wait3A_182 : memref<8192xf32, #tpu.memory_space<vmem_shared>>) dst(%arg14 : memref<8192xf32, #tpu.memory_space<vmem>>)
        tpu.yield
      }) : () -> ()
      %add3A_170 = arith.constant 1048576 : i32
      %add3A_171 = arith.addi %add3A_170, %mul3A_131 : i32
      %add3A_172 = arith.constant 49152 : i32
      %add3A_173 = arith.addi %add3A_171, %add3A_172 : i32
      "tpu.region"() ({
        %run_scoped3A = tpu.sem_alloc : memref<!tpu.dma_semaphore, #tpu.memory_space<semaphore_mem>>
        %dma_start3A = tpu.memref_slice %arg9[%add3A_173] : memref<2097152xf32, #tpu.memory_space<hbm>> -> memref<8192xf32, #tpu.memory_space<hbm>>
        %dma_start3A_181 = tpu.memref_slice %arg9[%add3A_173] : memref<2097152xf32, #tpu.memory_space<hbm>> -> memref<8192xf32, #tpu.memory_space<hbm>>
        tpu.enqueue_dma source(%arg14 : memref<8192xf32, #tpu.memory_space<vmem>>) target(%dma_start3A_181 : memref<8192xf32, #tpu.memory_space<hbm>>) target_semaphore(%run_scoped3A : memref<!tpu.dma_semaphore, #tpu.memory_space<semaphore_mem>>)
        %dma_wait3A = tpu.memref_slice %arg9[%add3A_173] : memref<2097152xf32, #tpu.memory_space<hbm>> -> memref<8192xf32, #tpu.memory_space<hbm>>
        %dma_wait3A_182 = tpu.memref_slice %arg9[%add3A_173] : memref<2097152xf32, #tpu.memory_space<hbm>> -> memref<8192xf32, #tpu.memory_space<hbm>>
        tpu.wait_dma2 semaphore(%run_scoped3A : memref<!tpu.dma_semaphore, #tpu.memory_space<semaphore_mem>>) src(%arg14 : memref<8192xf32, #tpu.memory_space<vmem>>) dst(%dma_wait3A_182 : memref<8192xf32, #tpu.memory_space<hbm>>)
        tpu.yield
      }) : () -> ()
      %add3A_174 = arith.constant 57344 : i32
      %add3A_175 = arith.addi %mul3A_131, %add3A_174 : i32
      "tpu.region"() ({
        %run_scoped3A = tpu.sem_alloc : memref<!tpu.dma_semaphore, #tpu.memory_space<semaphore_mem>>
        %dma_start3A = tpu.memref_slice %arg15[%add3A_175] : memref<1048832xf32, #tpu.memory_space<vmem_shared>> -> memref<8192xf32, #tpu.memory_space<vmem_shared>>
        %dma_start3A_181 = tpu.memref_slice %arg15[%add3A_175] : memref<1048832xf32, #tpu.memory_space<vmem_shared>> -> memref<8192xf32, #tpu.memory_space<vmem_shared>>
        tpu.enqueue_dma source(%dma_start3A_181 : memref<8192xf32, #tpu.memory_space<vmem_shared>>) target(%arg14 : memref<8192xf32, #tpu.memory_space<vmem>>) target_semaphore(%run_scoped3A : memref<!tpu.dma_semaphore, #tpu.memory_space<semaphore_mem>>)
        %dma_wait3A = tpu.memref_slice %arg15[%add3A_175] : memref<1048832xf32, #tpu.memory_space<vmem_shared>> -> memref<8192xf32, #tpu.memory_space<vmem_shared>>
        %dma_wait3A_182 = tpu.memref_slice %arg15[%add3A_175] : memref<1048832xf32, #tpu.memory_space<vmem_shared>> -> memref<8192xf32, #tpu.memory_space<vmem_shared>>
        tpu.wait_dma2 semaphore(%run_scoped3A : memref<!tpu.dma_semaphore, #tpu.memory_space<semaphore_mem>>) src(%dma_wait3A_182 : memref<8192xf32, #tpu.memory_space<vmem_shared>>) dst(%arg14 : memref<8192xf32, #tpu.memory_space<vmem>>)
        tpu.yield
      }) : () -> ()
      %add3A_176 = arith.constant 1048576 : i32
      %add3A_177 = arith.addi %add3A_176, %mul3A_131 : i32
      %add3A_178 = arith.constant 57344 : i32
      %add3A_179 = arith.addi %add3A_177, %add3A_178 : i32
      "tpu.region"() ({
        %run_scoped3A = tpu.sem_alloc : memref<!tpu.dma_semaphore, #tpu.memory_space<semaphore_mem>>
        %dma_start3A = tpu.memref_slice %arg9[%add3A_179] : memref<2097152xf32, #tpu.memory_space<hbm>> -> memref<8192xf32, #tpu.memory_space<hbm>>
        %dma_start3A_181 = tpu.memref_slice %arg9[%add3A_179] : memref<2097152xf32, #tpu.memory_space<hbm>> -> memref<8192xf32, #tpu.memory_space<hbm>>
        tpu.enqueue_dma source(%arg14 : memref<8192xf32, #tpu.memory_space<vmem>>) target(%dma_start3A_181 : memref<8192xf32, #tpu.memory_space<hbm>>) target_semaphore(%run_scoped3A : memref<!tpu.dma_semaphore, #tpu.memory_space<semaphore_mem>>)
        %dma_wait3A = tpu.memref_slice %arg9[%add3A_179] : memref<2097152xf32, #tpu.memory_space<hbm>> -> memref<8192xf32, #tpu.memory_space<hbm>>
        %dma_wait3A_182 = tpu.memref_slice %arg9[%add3A_179] : memref<2097152xf32, #tpu.memory_space<hbm>> -> memref<8192xf32, #tpu.memory_space<hbm>>
        tpu.wait_dma2 semaphore(%run_scoped3A : memref<!tpu.dma_semaphore, #tpu.memory_space<semaphore_mem>>) src(%arg14 : memref<8192xf32, #tpu.memory_space<vmem>>) dst(%dma_wait3A_182 : memref<8192xf32, #tpu.memory_space<hbm>>)
        tpu.yield
      }) : () -> ()
      %barrier3A_180 = arith.constant 0 : index
      tpu.barrier barrier_id(%barrier3A_180)
    } else {
    }
    return
  }
}

module attributes {stable_mosaic.version = 14 : i64} {
  func.func @_bce_body(%arg0: i32, %arg1: memref<1024x128xf32, #tpu.memory_space<vmem>>, %arg2: memref<1024x128xf32, #tpu.memory_space<vmem>>, %arg3: memref<1024x128xf32, #tpu.memory_space<vmem>>, %arg4: memref<1x1xf32, #tpu.memory_space<smem>>, %arg5: memref<1xf32, #tpu.memory_space<smem>>) attributes {dimension_semantics = [#tpu.dimension_semantics<arbitrary>], iteration_bounds = array<i64: 16>, scalar_prefetch = 0 : i64, scratch_operands = 1 : i64, tpu.core_type = #tpu.core_type<tc>, window_params = [{transform_indices = @transform_0, window_bounds = array<i64: 1024, 128>}, {transform_indices = @transform_1, window_bounds = array<i64: 1024, 128>}, {transform_indices = @transform_2, window_bounds = array<i64: 1024, 128>}, {transform_indices = @transform_3, window_bounds = array<i64: 1, 1>}]} {
    %eq3A = arith.constant 0 : i32
    %eq3A_0 = arith.cmpi eq, %arg0, %eq3A : i32
    %convert_element_type3A = arith.extui %eq3A_0 : i1 to i32
    %cond3A = arith.constant 0 : i32
    %cond3A_1 = arith.cmpi ne, %convert_element_type3A, %cond3A : i32
    scf.if %cond3A_1 {
      %swap3A_38 = arith.constant 0.000000e+00 : f32
      %swap3A_39 = arith.constant 0 : index
      %swap3A_40 = memref.load %arg5[%swap3A_39] : memref<1xf32, #tpu.memory_space<smem>>
      memref.store %swap3A_38, %arg5[%swap3A_39] : memref<1xf32, #tpu.memory_space<smem>>
    } else {
    }
    %get3A = arith.constant 0 : index
    %get3A_2 = arith.constant 0 : index
    %get3A_3 = vector.load %arg1[%get3A, %get3A_2] : memref<1024x128xf32, #tpu.memory_space<vmem>>, vector<1024x128xf32>
    %get3A_4 = arith.constant 0 : index
    %get3A_5 = arith.constant 0 : index
    %get3A_6 = vector.load %arg2[%get3A_4, %get3A_5] : memref<1024x128xf32, #tpu.memory_space<vmem>>, vector<1024x128xf32>
    %add3A = arith.addf %get3A_3, %get3A_6 : vector<1024x128xf32>
    %neg3A = arith.constant 0.000000e+00 : f32
    %neg3A_7 = vector.broadcast %neg3A : f32 to vector<1024x128xf32>
    %neg3A_8 = arith.subf %neg3A_7, %add3A : vector<1024x128xf32>
    %exp3A = math.exp %neg3A_8 : vector<1024x128xf32>
    %add3A_9 = arith.constant 1.000000e+00 : f32
    %add3A_10 = vector.broadcast %add3A_9 : f32 to vector<1024x128xf32>
    %add3A_11 = arith.addf %add3A_10, %exp3A : vector<1024x128xf32>
    %div3A = arith.constant 1.000000e+00 : f32
    %div3A_12 = vector.broadcast %div3A : f32 to vector<1024x128xf32>
    %div3A_13 = arith.divf %div3A_12, %add3A_11 : vector<1024x128xf32>
    %get3A_14 = arith.constant 0 : index
    %get3A_15 = arith.constant 0 : index
    %get3A_16 = vector.load %arg3[%get3A_14, %get3A_15] : memref<1024x128xf32, #tpu.memory_space<vmem>>, vector<1024x128xf32>
    %log3A = math.log %div3A_13 : vector<1024x128xf32>
    %mul3A = arith.mulf %get3A_16, %log3A : vector<1024x128xf32>
    %sub3A = arith.constant 1.000000e+00 : f32
    %sub3A_17 = vector.broadcast %sub3A : f32 to vector<1024x128xf32>
    %sub3A_18 = arith.subf %sub3A_17, %get3A_16 : vector<1024x128xf32>
    %sub3A_19 = arith.constant 1.000000e+00 : f32
    %sub3A_20 = vector.broadcast %sub3A_19 : f32 to vector<1024x128xf32>
    %sub3A_21 = arith.subf %sub3A_20, %div3A_13 : vector<1024x128xf32>
    %log3A_22 = math.log %sub3A_21 : vector<1024x128xf32>
    %mul3A_23 = arith.mulf %sub3A_18, %log3A_22 : vector<1024x128xf32>
    %add3A_24 = arith.addf %mul3A, %mul3A_23 : vector<1024x128xf32>
    %get3A_25 = arith.constant 0 : index
    %get3A_26 = memref.load %arg5[%get3A_25] : memref<1xf32, #tpu.memory_space<smem>>
    %reduce_sum3A = vector.shape_cast %add3A_24 : vector<1024x128xf32> to vector<1x1024x128xf32>
    %reduce_sum3A_27 = arith.constant dense<0.000000e+00> : vector<1xf32>
    %reduce_sum3A_28 = vector.multi_reduction <add>, %reduce_sum3A, %reduce_sum3A_27 [1, 2] : vector<1x1024x128xf32> to vector<1xf32>
    %reduce_sum3A_29 = vector.shape_cast %reduce_sum3A_28 : vector<1xf32> to vector<1x1x1xf32>
    %reduce_sum3A_30 = vector.extract %reduce_sum3A_29[0, 0, 0] : f32 from vector<1x1x1xf32>
    %add3A_31 = arith.addf %get3A_26, %reduce_sum3A_30 : f32
    %swap3A = arith.constant 0 : index
    %swap3A_32 = memref.load %arg5[%swap3A] : memref<1xf32, #tpu.memory_space<smem>>
    memref.store %add3A_31, %arg5[%swap3A] : memref<1xf32, #tpu.memory_space<smem>>
    %eq3A_33 = arith.constant 15 : i32
    %eq3A_34 = arith.cmpi eq, %arg0, %eq3A_33 : i32
    %convert_element_type3A_35 = arith.extui %eq3A_34 : i1 to i32
    %cond3A_36 = arith.constant 0 : i32
    %cond3A_37 = arith.cmpi ne, %convert_element_type3A_35, %cond3A_36 : i32
    scf.if %cond3A_37 {
      %get3A_38 = arith.constant 0 : index
      %get3A_39 = memref.load %arg5[%get3A_38] : memref<1xf32, #tpu.memory_space<smem>>
      %mul3A_40 = arith.constant -4.76837158E-7 : f32
      %mul3A_41 = arith.mulf %get3A_39, %mul3A_40 : f32
      %swap3A_42 = arith.constant 0 : index
      %swap3A_43 = arith.constant 0 : index
      %swap3A_44 = memref.load %arg4[%swap3A_42, %swap3A_43] : memref<1x1xf32, #tpu.memory_space<smem>>
      memref.store %mul3A_41, %arg4[%swap3A_42, %swap3A_43] : memref<1x1xf32, #tpu.memory_space<smem>>
    } else {
    }
    return
  }
  func.func @transform_0(%arg0: i32) -> (i32, i32) {
    %c0_i32 = arith.constant 0 : i32
    %c0_i32_0 = arith.constant 0 : i32
    return %arg0, %c0_i32 : i32, i32
  }
  func.func @transform_1(%arg0: i32) -> (i32, i32) {
    %c0_i32 = arith.constant 0 : i32
    %c0_i32_0 = arith.constant 0 : i32
    return %arg0, %c0_i32 : i32, i32
  }
  func.func @transform_2(%arg0: i32) -> (i32, i32) {
    %c0_i32 = arith.constant 0 : i32
    %c0_i32_0 = arith.constant 0 : i32
    return %arg0, %c0_i32 : i32, i32
  }
  func.func @transform_3(%arg0: i32) -> (i32, i32) {
    %c0_i32 = arith.constant 0 : i32
    %c0_i32_0 = arith.constant 0 : i32
    %c0_i32_1 = arith.constant 0 : i32
    return %c0_i32, %c0_i32_0 : i32, i32
  }
}

module attributes {stable_mosaic.version = 14 : i64} {
  func.func @_idx_body(%arg0: i32, %arg1: memref<1x3xf32, #tpu.memory_space<smem>>, %arg2: memref<1x3xf32, #tpu.memory_space<smem>>, %arg3: memref<3x3xf32, #tpu.memory_space<smem>>, %arg4: memref<1x3xf32, #tpu.memory_space<smem>>, %arg5: memref<1x128x1xf32, #tpu.memory_space<vmem>>, %arg6: memref<1x128x1xf32, #tpu.memory_space<vmem>>, %arg7: memref<1x128x1xf32, #tpu.memory_space<vmem>>, %arg8: memref<1x128x1xf32, #tpu.memory_space<vmem>>, %arg9: memref<1x128x1xf32, #tpu.memory_space<vmem>>, %arg10: memref<1x128x1xf32, #tpu.memory_space<vmem>>, %arg11: memref<1x128x1xf32, #tpu.memory_space<vmem>>, %arg12: memref<1x128x1xf32, #tpu.memory_space<vmem>>, %arg13: memref<128x512xi32, #tpu.memory_space<vmem>>, %arg14: memref<128x512xi32, #tpu.memory_space<vmem>>, %arg15: memref<128x512xi32, #tpu.memory_space<vmem>>, %arg16: memref<128x512xi32, #tpu.memory_space<vmem>>, %arg17: memref<128x4xi32, #tpu.memory_space<vmem>>, %arg18: memref<128x4xi32, #tpu.memory_space<vmem>>) attributes {dimension_semantics = [#tpu.dimension_semantics<arbitrary>], iteration_bounds = array<i64: 128>, scalar_prefetch = 0 : i64, scratch_operands = 0 : i64, tpu.core_type = #tpu.core_type<tc>, window_params = [{transform_indices = @transform_0, window_bounds = array<i64: 1, 3>}, {transform_indices = @transform_1, window_bounds = array<i64: 1, 3>}, {transform_indices = @transform_2, window_bounds = array<i64: 3, 3>}, {transform_indices = @transform_3, window_bounds = array<i64: 1, 3>}, {transform_indices = @transform_4, window_bounds = array<i64: 1, 128, 1>}, {transform_indices = @transform_5, window_bounds = array<i64: 1, 128, 1>}, {transform_indices = @transform_6, window_bounds = array<i64: 1, 128, 1>}, {transform_indices = @transform_7, window_bounds = array<i64: 1, 128, 1>}, {transform_indices = @transform_8, window_bounds = array<i64: 1, 128, 1>}, {transform_indices = @transform_9, window_bounds = array<i64: 1, 128, 1>}, {transform_indices = @transform_10, window_bounds = array<i64: 1, 128, 1>}, {transform_indices = @transform_11, window_bounds = array<i64: 1, 128, 1>}, {transform_indices = @transform_12, window_bounds = array<i64: 128, 512>}, {transform_indices = @transform_13, window_bounds = array<i64: 128, 512>}, {transform_indices = @transform_14, window_bounds = array<i64: 128, 512>}, {transform_indices = @transform_15, window_bounds = array<i64: 128, 512>}, {transform_indices = @transform_16, window_bounds = array<i64: 128, 4>}, {transform_indices = @transform_17, window_bounds = array<i64: 128, 4>}]} {
    %iota3A = tpu.iota {dimensions = array<i32: 1>} : vector<128x512xi32>
    %convert_element_type3A = arith.sitofp %iota3A : vector<128x512xi32> to vector<128x512xf32>
    %iota3A_0 = tpu.iota {dimensions = array<i32: 0>} : vector<128x512xi32>
    %mul3A = arith.constant 0.00200400804 : f32
    %mul3A_1 = vector.broadcast %mul3A : f32 to vector<128x512xf32>
    %mul3A_2 = arith.mulf %convert_element_type3A, %mul3A_1 : vector<128x512xf32>
    %add3A = arith.addi %iota3A, %iota3A_0 : vector<128x512xi32>
    %and3A = arith.constant 255 : i32
    %and3A_3 = vector.broadcast %and3A : i32 to vector<128x512xi32>
    %and3A_4 = arith.andi %add3A, %and3A_3 : vector<128x512xi32>
    %add3A_5 = arith.constant 1048576 : i32
    %add3A_6 = vector.broadcast %add3A_5 : i32 to vector<128x512xi32>
    %add3A_7 = arith.addi %add3A_6, %and3A_4 : vector<128x512xi32>
    %get3A = arith.constant 0 : index
    %get3A_8 = arith.constant 0 : index
    %get3A_9 = memref.load %arg3[%get3A, %get3A_8] : memref<3x3xf32, #tpu.memory_space<smem>>
    %get3A_10 = arith.constant 0 : index
    %get3A_11 = arith.constant 1 : index
    %get3A_12 = memref.load %arg3[%get3A_10, %get3A_11] : memref<3x3xf32, #tpu.memory_space<smem>>
    %get3A_13 = arith.constant 0 : index
    %get3A_14 = arith.constant 2 : index
    %get3A_15 = memref.load %arg3[%get3A_13, %get3A_14] : memref<3x3xf32, #tpu.memory_space<smem>>
    %get3A_16 = arith.constant 1 : index
    %get3A_17 = arith.constant 0 : index
    %get3A_18 = memref.load %arg3[%get3A_16, %get3A_17] : memref<3x3xf32, #tpu.memory_space<smem>>
    %get3A_19 = arith.constant 1 : index
    %get3A_20 = arith.constant 1 : index
    %get3A_21 = memref.load %arg3[%get3A_19, %get3A_20] : memref<3x3xf32, #tpu.memory_space<smem>>
    %get3A_22 = arith.constant 1 : index
    %get3A_23 = arith.constant 2 : index
    %get3A_24 = memref.load %arg3[%get3A_22, %get3A_23] : memref<3x3xf32, #tpu.memory_space<smem>>
    %get3A_25 = arith.constant 2 : index
    %get3A_26 = arith.constant 0 : index
    %get3A_27 = memref.load %arg3[%get3A_25, %get3A_26] : memref<3x3xf32, #tpu.memory_space<smem>>
    %get3A_28 = arith.constant 2 : index
    %get3A_29 = arith.constant 1 : index
    %get3A_30 = memref.load %arg3[%get3A_28, %get3A_29] : memref<3x3xf32, #tpu.memory_space<smem>>
    %get3A_31 = arith.constant 2 : index
    %get3A_32 = arith.constant 2 : index
    %get3A_33 = memref.load %arg3[%get3A_31, %get3A_32] : memref<3x3xf32, #tpu.memory_space<smem>>
    %get3A_34 = arith.constant 0 : index
    %get3A_35 = arith.constant 0 : index
    %get3A_36 = memref.load %arg4[%get3A_34, %get3A_35] : memref<1x3xf32, #tpu.memory_space<smem>>
    %get3A_37 = arith.constant 0 : index
    %get3A_38 = arith.constant 1 : index
    %get3A_39 = memref.load %arg4[%get3A_37, %get3A_38] : memref<1x3xf32, #tpu.memory_space<smem>>
    %get3A_40 = arith.constant 0 : index
    %get3A_41 = arith.constant 2 : index
    %get3A_42 = memref.load %arg4[%get3A_40, %get3A_41] : memref<1x3xf32, #tpu.memory_space<smem>>
    %get3A_43 = arith.constant 0 : index
    %get3A_44 = arith.constant 0 : index
    %get3A_45 = memref.load %arg1[%get3A_43, %get3A_44] : memref<1x3xf32, #tpu.memory_space<smem>>
    %get3A_46 = arith.constant 0 : index
    %get3A_47 = arith.constant 1 : index
    %get3A_48 = memref.load %arg1[%get3A_46, %get3A_47] : memref<1x3xf32, #tpu.memory_space<smem>>
    %get3A_49 = arith.constant 0 : index
    %get3A_50 = arith.constant 2 : index
    %get3A_51 = memref.load %arg1[%get3A_49, %get3A_50] : memref<1x3xf32, #tpu.memory_space<smem>>
    %get3A_52 = arith.constant 0 : index
    %get3A_53 = arith.constant 0 : index
    %get3A_54 = arith.constant 0 : index
    %get3A_55 = vector.load %arg6[%get3A_52, %get3A_53, %get3A_54] : memref<1x128x1xf32, #tpu.memory_space<vmem>>, vector<1x128x1xf32>
    %get3A_56 = vector.shape_cast %get3A_55 : vector<1x128x1xf32> to vector<128x1xf32>
    %sub3A = vector.broadcast %get3A_45 : f32 to vector<128x1xf32>
    %sub3A_57 = arith.subf %get3A_56, %sub3A : vector<128x1xf32>
    %get3A_58 = arith.constant 0 : index
    %get3A_59 = arith.constant 0 : index
    %get3A_60 = arith.constant 0 : index
    %get3A_61 = vector.load %arg7[%get3A_58, %get3A_59, %get3A_60] : memref<1x128x1xf32, #tpu.memory_space<vmem>>, vector<1x128x1xf32>
    %get3A_62 = vector.shape_cast %get3A_61 : vector<1x128x1xf32> to vector<128x1xf32>
    %sub3A_63 = vector.broadcast %get3A_48 : f32 to vector<128x1xf32>
    %sub3A_64 = arith.subf %get3A_62, %sub3A_63 : vector<128x1xf32>
    %get3A_65 = arith.constant 0 : index
    %get3A_66 = arith.constant 0 : index
    %get3A_67 = arith.constant 0 : index
    %get3A_68 = vector.load %arg8[%get3A_65, %get3A_66, %get3A_67] : memref<1x128x1xf32, #tpu.memory_space<vmem>>, vector<1x128x1xf32>
    %get3A_69 = vector.shape_cast %get3A_68 : vector<1x128x1xf32> to vector<128x1xf32>
    %sub3A_70 = vector.broadcast %get3A_51 : f32 to vector<128x1xf32>
    %sub3A_71 = arith.subf %get3A_69, %sub3A_70 : vector<128x1xf32>
    %mul3A_72 = arith.mulf %sub3A_57, %sub3A_57 : vector<128x1xf32>
    %mul3A_73 = arith.mulf %sub3A_64, %sub3A_64 : vector<128x1xf32>
    %add3A_74 = arith.addf %mul3A_72, %mul3A_73 : vector<128x1xf32>
    %mul3A_75 = arith.mulf %sub3A_71, %sub3A_71 : vector<128x1xf32>
    %add3A_76 = arith.addf %add3A_74, %mul3A_75 : vector<128x1xf32>
    %sqrt3A = math.sqrt %add3A_76 : vector<128x1xf32>
    %add3A_77 = arith.constant 9.99999993E-9 : f32
    %add3A_78 = vector.broadcast %add3A_77 : f32 to vector<128x1xf32>
    %add3A_79 = arith.addf %sqrt3A, %add3A_78 : vector<128x1xf32>
    %div3A = arith.divf %sub3A_57, %add3A_79 : vector<128x1xf32>
    %div3A_80 = arith.divf %sub3A_64, %add3A_79 : vector<128x1xf32>
    %div3A_81 = arith.divf %sub3A_71, %add3A_79 : vector<128x1xf32>
    %mul3A_82 = arith.constant 2.500000e+00 : f32
    %mul3A_83 = vector.broadcast %mul3A_82 : f32 to vector<128x1xf32>
    %mul3A_84 = arith.mulf %sqrt3A, %mul3A_83 : vector<128x1xf32>
    %mul3A_85 = vector.broadcast %mul3A_84 : vector<128x1xf32> to vector<128x512xf32>
    %mul3A_86 = arith.mulf %mul3A_2, %mul3A_85 : vector<128x512xf32>
    %mul3A_87 = vector.broadcast %div3A : vector<128x1xf32> to vector<128x512xf32>
    %mul3A_88 = arith.mulf %mul3A_87, %mul3A_86 : vector<128x512xf32>
    %add3A_89 = vector.broadcast %get3A_45 : f32 to vector<128x512xf32>
    %add3A_90 = arith.addf %add3A_89, %mul3A_88 : vector<128x512xf32>
    %mul3A_91 = vector.broadcast %div3A_80 : vector<128x1xf32> to vector<128x512xf32>
    %mul3A_92 = arith.mulf %mul3A_91, %mul3A_86 : vector<128x512xf32>
    %add3A_93 = vector.broadcast %get3A_48 : f32 to vector<128x512xf32>
    %add3A_94 = arith.addf %add3A_93, %mul3A_92 : vector<128x512xf32>
    %mul3A_95 = vector.broadcast %div3A_81 : vector<128x1xf32> to vector<128x512xf32>
    %mul3A_96 = arith.mulf %mul3A_95, %mul3A_86 : vector<128x512xf32>
    %add3A_97 = vector.broadcast %get3A_51 : f32 to vector<128x512xf32>
    %add3A_98 = arith.addf %add3A_97, %mul3A_96 : vector<128x512xf32>
    %mul3A_99 = vector.broadcast %get3A_9 : f32 to vector<128x512xf32>
    %mul3A_100 = arith.mulf %add3A_90, %mul3A_99 : vector<128x512xf32>
    %mul3A_101 = vector.broadcast %get3A_12 : f32 to vector<128x512xf32>
    %mul3A_102 = arith.mulf %add3A_94, %mul3A_101 : vector<128x512xf32>
    %add3A_103 = arith.addf %mul3A_100, %mul3A_102 : vector<128x512xf32>
    %mul3A_104 = vector.broadcast %get3A_15 : f32 to vector<128x512xf32>
    %mul3A_105 = arith.mulf %add3A_98, %mul3A_104 : vector<128x512xf32>
    %add3A_106 = arith.addf %add3A_103, %mul3A_105 : vector<128x512xf32>
    %add3A_107 = vector.broadcast %get3A_36 : f32 to vector<128x512xf32>
    %add3A_108 = arith.addf %add3A_106, %add3A_107 : vector<128x512xf32>
    %mul3A_109 = vector.broadcast %get3A_18 : f32 to vector<128x512xf32>
    %mul3A_110 = arith.mulf %add3A_90, %mul3A_109 : vector<128x512xf32>
    %mul3A_111 = vector.broadcast %get3A_21 : f32 to vector<128x512xf32>
    %mul3A_112 = arith.mulf %add3A_94, %mul3A_111 : vector<128x512xf32>
    %add3A_113 = arith.addf %mul3A_110, %mul3A_112 : vector<128x512xf32>
    %mul3A_114 = vector.broadcast %get3A_24 : f32 to vector<128x512xf32>
    %mul3A_115 = arith.mulf %add3A_98, %mul3A_114 : vector<128x512xf32>
    %add3A_116 = arith.addf %add3A_113, %mul3A_115 : vector<128x512xf32>
    %add3A_117 = vector.broadcast %get3A_39 : f32 to vector<128x512xf32>
    %add3A_118 = arith.addf %add3A_116, %add3A_117 : vector<128x512xf32>
    %mul3A_119 = vector.broadcast %get3A_27 : f32 to vector<128x512xf32>
    %mul3A_120 = arith.mulf %add3A_90, %mul3A_119 : vector<128x512xf32>
    %mul3A_121 = vector.broadcast %get3A_30 : f32 to vector<128x512xf32>
    %mul3A_122 = arith.mulf %add3A_94, %mul3A_121 : vector<128x512xf32>
    %add3A_123 = arith.addf %mul3A_120, %mul3A_122 : vector<128x512xf32>
    %mul3A_124 = vector.broadcast %get3A_33 : f32 to vector<128x512xf32>
    %mul3A_125 = arith.mulf %add3A_98, %mul3A_124 : vector<128x512xf32>
    %add3A_126 = arith.addf %add3A_123, %mul3A_125 : vector<128x512xf32>
    %add3A_127 = vector.broadcast %get3A_42 : f32 to vector<128x512xf32>
    %add3A_128 = arith.addf %add3A_126, %add3A_127 : vector<128x512xf32>
    %round3A = math.roundeven %add3A_108 : vector<128x512xf32>
    %convert_element_type3A_129 = arith.fptosi %round3A : vector<128x512xf32> to vector<128x512xi32>
    %round3A_130 = math.roundeven %add3A_118 : vector<128x512xf32>
    %convert_element_type3A_131 = arith.fptosi %round3A_130 : vector<128x512xf32> to vector<128x512xi32>
    %round3A_132 = math.roundeven %add3A_128 : vector<128x512xf32>
    %convert_element_type3A_133 = arith.fptosi %round3A_132 : vector<128x512xf32> to vector<128x512xi32>
    %get3A_134 = arith.constant 0 : index
    %get3A_135 = arith.constant 0 : index
    %get3A_136 = arith.constant 0 : index
    %get3A_137 = vector.load %arg5[%get3A_134, %get3A_135, %get3A_136] : memref<1x128x1xf32, #tpu.memory_space<vmem>>, vector<1x128x1xf32>
    %get3A_138 = vector.shape_cast %get3A_137 : vector<1x128x1xf32> to vector<128x1xf32>
    %gt3A = arith.constant 5.000000e-01 : f32
    %gt3A_139 = vector.broadcast %gt3A : f32 to vector<128x1xf32>
    %gt3A_140 = arith.cmpf ogt, %get3A_138, %gt3A_139 : vector<128x1xf32>
    %ge3A = arith.constant 0 : i32
    %ge3A_141 = vector.broadcast %ge3A : i32 to vector<128x512xi32>
    %ge3A_142 = arith.cmpi sge, %convert_element_type3A_129, %ge3A_141 : vector<128x512xi32>
    %and3A_143 = vector.broadcast %gt3A_140 : vector<128x1xi1> to vector<128x512xi1>
    %and3A_144 = arith.andi %and3A_143, %ge3A_142 : vector<128x512xi1>
    %lt3A = arith.constant 128 : i32
    %lt3A_145 = vector.broadcast %lt3A : i32 to vector<128x512xi32>
    %lt3A_146 = arith.cmpi slt, %convert_element_type3A_129, %lt3A_145 : vector<128x512xi32>
    %and3A_147 = arith.andi %and3A_144, %lt3A_146 : vector<128x512xi1>
    %ge3A_148 = arith.constant 0 : i32
    %ge3A_149 = vector.broadcast %ge3A_148 : i32 to vector<128x512xi32>
    %ge3A_150 = arith.cmpi sge, %convert_element_type3A_131, %ge3A_149 : vector<128x512xi32>
    %and3A_151 = arith.andi %and3A_147, %ge3A_150 : vector<128x512xi1>
    %lt3A_152 = arith.constant 128 : i32
    %lt3A_153 = vector.broadcast %lt3A_152 : i32 to vector<128x512xi32>
    %lt3A_154 = arith.cmpi slt, %convert_element_type3A_131, %lt3A_153 : vector<128x512xi32>
    %and3A_155 = arith.andi %and3A_151, %lt3A_154 : vector<128x512xi1>
    %ge3A_156 = arith.constant 0 : i32
    %ge3A_157 = vector.broadcast %ge3A_156 : i32 to vector<128x512xi32>
    %ge3A_158 = arith.cmpi sge, %convert_element_type3A_133, %ge3A_157 : vector<128x512xi32>
    %and3A_159 = arith.andi %and3A_155, %ge3A_158 : vector<128x512xi1>
    %lt3A_160 = arith.constant 128 : i32
    %lt3A_161 = vector.broadcast %lt3A_160 : i32 to vector<128x512xi32>
    %lt3A_162 = arith.cmpi slt, %convert_element_type3A_133, %lt3A_161 : vector<128x512xi32>
    %and3A_163 = arith.andi %and3A_159, %lt3A_162 : vector<128x512xi1>
    %lt3A_164 = arith.constant 500 : i32
    %lt3A_165 = vector.broadcast %lt3A_164 : i32 to vector<128x512xi32>
    %lt3A_166 = arith.cmpi slt, %iota3A, %lt3A_165 : vector<128x512xi32>
    %and3A_167 = arith.andi %and3A_163, %lt3A_166 : vector<128x512xi1>
    %mul3A_168 = arith.constant 128 : i32
    %mul3A_169 = vector.broadcast %mul3A_168 : i32 to vector<128x512xi32>
    %mul3A_170 = arith.muli %convert_element_type3A_129, %mul3A_169 : vector<128x512xi32>
    %add3A_171 = arith.addi %mul3A_170, %convert_element_type3A_131 : vector<128x512xi32>
    %mul3A_172 = arith.constant 128 : i32
    %mul3A_173 = vector.broadcast %mul3A_172 : i32 to vector<128x512xi32>
    %mul3A_174 = arith.muli %add3A_171, %mul3A_173 : vector<128x512xi32>
    %add3A_175 = arith.addi %mul3A_174, %convert_element_type3A_133 : vector<128x512xi32>
    %lt3A_176 = arith.constant 1048576 : i32
    %lt3A_177 = vector.broadcast %lt3A_176 : i32 to vector<128x512xi32>
    %lt3A_178 = arith.cmpi slt, %add3A_175, %lt3A_177 : vector<128x512xi32>
    %and3A_179 = arith.andi %and3A_167, %lt3A_178 : vector<128x512xi1>
    %select_n3A = arith.select %and3A_179, %add3A_175, %add3A_7 : vector<128x512xi1>, vector<128x512xi32>
    %swap3A = arith.constant 0 : index
    %swap3A_180 = arith.constant 0 : index
    %swap3A_181 = vector.load %arg13[%swap3A, %swap3A_180] : memref<128x512xi32, #tpu.memory_space<vmem>>, vector<128x512xi32>
    tpu.vector_store %arg13[%swap3A, %swap3A_180], %select_n3A {strides = array<i32>} : memref<128x512xi32, #tpu.memory_space<vmem>>, vector<128x512xi32>,
    %ge3A_182 = arith.constant 1048576 : i32
    %ge3A_183 = vector.broadcast %ge3A_182 : i32 to vector<128x512xi32>
    %ge3A_184 = arith.cmpi sge, %add3A_175, %ge3A_183 : vector<128x512xi32>
    %and3A_185 = arith.andi %and3A_167, %ge3A_184 : vector<128x512xi1>
    %sub3A_186 = arith.constant 1048576 : i32
    %sub3A_187 = vector.broadcast %sub3A_186 : i32 to vector<128x512xi32>
    %sub3A_188 = arith.subi %add3A_175, %sub3A_187 : vector<128x512xi32>
    %select_n3A_189 = arith.select %and3A_185, %sub3A_188, %add3A_7 : vector<128x512xi1>, vector<128x512xi32>
    %swap3A_190 = arith.constant 0 : index
    %swap3A_191 = arith.constant 0 : index
    %swap3A_192 = vector.load %arg14[%swap3A_190, %swap3A_191] : memref<128x512xi32, #tpu.memory_space<vmem>>, vector<128x512xi32>
    tpu.vector_store %arg14[%swap3A_190, %swap3A_191], %select_n3A_189 {strides = array<i32>} : memref<128x512xi32, #tpu.memory_space<vmem>>, vector<128x512xi32>,
    %jit3A = arith.constant 1 : i32
    %jit3A_193 = arith.constant 0 : i32
    %broadcast_in_dim3A = vector.broadcast %jit3A : i32 to vector<128x1xi32>
    %broadcast_in_dim3A_194 = vector.broadcast %jit3A_193 : i32 to vector<128x1xi32>
    %select_n3A_195 = arith.select %gt3A_140, %broadcast_in_dim3A, %broadcast_in_dim3A_194 : vector<128x1xi1>, vector<128x1xi32>
    %broadcast_in_dim3A_196 = vector.shape_cast %select_n3A_195 : vector<128x1xi32> to vector<128x1xi32>
    %broadcast_in_dim3A_197 = vector.broadcast %broadcast_in_dim3A_196 : vector<128x1xi32> to vector<128x4xi32>
    %swap3A_198 = arith.constant 0 : index
    %swap3A_199 = arith.constant 0 : index
    %swap3A_200 = vector.load %arg17[%swap3A_198, %swap3A_199] : memref<128x4xi32, #tpu.memory_space<vmem>>, vector<128x4xi32>
    tpu.vector_store %arg17[%swap3A_198, %swap3A_199], %broadcast_in_dim3A_197 {strides = array<i32>} : memref<128x4xi32, #tpu.memory_space<vmem>>, vector<128x4xi32>,
    %get3A_201 = arith.constant 0 : index
    %get3A_202 = arith.constant 0 : index
    %get3A_203 = memref.load %arg2[%get3A_201, %get3A_202] : memref<1x3xf32, #tpu.memory_space<smem>>
    %get3A_204 = arith.constant 0 : index
    %get3A_205 = arith.constant 1 : index
    %get3A_206 = memref.load %arg2[%get3A_204, %get3A_205] : memref<1x3xf32, #tpu.memory_space<smem>>
    %get3A_207 = arith.constant 0 : index
    %get3A_208 = arith.constant 2 : index
    %get3A_209 = memref.load %arg2[%get3A_207, %get3A_208] : memref<1x3xf32, #tpu.memory_space<smem>>
    %get3A_210 = arith.constant 0 : index
    %get3A_211 = arith.constant 0 : index
    %get3A_212 = arith.constant 0 : index
    %get3A_213 = vector.load %arg10[%get3A_210, %get3A_211, %get3A_212] : memref<1x128x1xf32, #tpu.memory_space<vmem>>, vector<1x128x1xf32>
    %get3A_214 = vector.shape_cast %get3A_213 : vector<1x128x1xf32> to vector<128x1xf32>
    %sub3A_215 = vector.broadcast %get3A_203 : f32 to vector<128x1xf32>
    %sub3A_216 = arith.subf %get3A_214, %sub3A_215 : vector<128x1xf32>
    %get3A_217 = arith.constant 0 : index
    %get3A_218 = arith.constant 0 : index
    %get3A_219 = arith.constant 0 : index
    %get3A_220 = vector.load %arg11[%get3A_217, %get3A_218, %get3A_219] : memref<1x128x1xf32, #tpu.memory_space<vmem>>, vector<1x128x1xf32>
    %get3A_221 = vector.shape_cast %get3A_220 : vector<1x128x1xf32> to vector<128x1xf32>
    %sub3A_222 = vector.broadcast %get3A_206 : f32 to vector<128x1xf32>
    %sub3A_223 = arith.subf %get3A_221, %sub3A_222 : vector<128x1xf32>
    %get3A_224 = arith.constant 0 : index
    %get3A_225 = arith.constant 0 : index
    %get3A_226 = arith.constant 0 : index
    %get3A_227 = vector.load %arg12[%get3A_224, %get3A_225, %get3A_226] : memref<1x128x1xf32, #tpu.memory_space<vmem>>, vector<1x128x1xf32>
    %get3A_228 = vector.shape_cast %get3A_227 : vector<1x128x1xf32> to vector<128x1xf32>
    %sub3A_229 = vector.broadcast %get3A_209 : f32 to vector<128x1xf32>
    %sub3A_230 = arith.subf %get3A_228, %sub3A_229 : vector<128x1xf32>
    %mul3A_231 = arith.mulf %sub3A_216, %sub3A_216 : vector<128x1xf32>
    %mul3A_232 = arith.mulf %sub3A_223, %sub3A_223 : vector<128x1xf32>
    %add3A_233 = arith.addf %mul3A_231, %mul3A_232 : vector<128x1xf32>
    %mul3A_234 = arith.mulf %sub3A_230, %sub3A_230 : vector<128x1xf32>
    %add3A_235 = arith.addf %add3A_233, %mul3A_234 : vector<128x1xf32>
    %sqrt3A_236 = math.sqrt %add3A_235 : vector<128x1xf32>
    %add3A_237 = arith.constant 9.99999993E-9 : f32
    %add3A_238 = vector.broadcast %add3A_237 : f32 to vector<128x1xf32>
    %add3A_239 = arith.addf %sqrt3A_236, %add3A_238 : vector<128x1xf32>
    %div3A_240 = arith.divf %sub3A_216, %add3A_239 : vector<128x1xf32>
    %div3A_241 = arith.divf %sub3A_223, %add3A_239 : vector<128x1xf32>
    %div3A_242 = arith.divf %sub3A_230, %add3A_239 : vector<128x1xf32>
    %mul3A_243 = arith.constant 2.500000e+00 : f32
    %mul3A_244 = vector.broadcast %mul3A_243 : f32 to vector<128x1xf32>
    %mul3A_245 = arith.mulf %sqrt3A_236, %mul3A_244 : vector<128x1xf32>
    %mul3A_246 = vector.broadcast %mul3A_245 : vector<128x1xf32> to vector<128x512xf32>
    %mul3A_247 = arith.mulf %mul3A_2, %mul3A_246 : vector<128x512xf32>
    %mul3A_248 = vector.broadcast %div3A_240 : vector<128x1xf32> to vector<128x512xf32>
    %mul3A_249 = arith.mulf %mul3A_248, %mul3A_247 : vector<128x512xf32>
    %add3A_250 = vector.broadcast %get3A_203 : f32 to vector<128x512xf32>
    %add3A_251 = arith.addf %add3A_250, %mul3A_249 : vector<128x512xf32>
    %mul3A_252 = vector.broadcast %div3A_241 : vector<128x1xf32> to vector<128x512xf32>
    %mul3A_253 = arith.mulf %mul3A_252, %mul3A_247 : vector<128x512xf32>
    %add3A_254 = vector.broadcast %get3A_206 : f32 to vector<128x512xf32>
    %add3A_255 = arith.addf %add3A_254, %mul3A_253 : vector<128x512xf32>
    %mul3A_256 = vector.broadcast %div3A_242 : vector<128x1xf32> to vector<128x512xf32>
    %mul3A_257 = arith.mulf %mul3A_256, %mul3A_247 : vector<128x512xf32>
    %add3A_258 = vector.broadcast %get3A_209 : f32 to vector<128x512xf32>
    %add3A_259 = arith.addf %add3A_258, %mul3A_257 : vector<128x512xf32>
    %mul3A_260 = vector.broadcast %get3A_9 : f32 to vector<128x512xf32>
    %mul3A_261 = arith.mulf %add3A_251, %mul3A_260 : vector<128x512xf32>
    %mul3A_262 = vector.broadcast %get3A_12 : f32 to vector<128x512xf32>
    %mul3A_263 = arith.mulf %add3A_255, %mul3A_262 : vector<128x512xf32>
    %add3A_264 = arith.addf %mul3A_261, %mul3A_263 : vector<128x512xf32>
    %mul3A_265 = vector.broadcast %get3A_15 : f32 to vector<128x512xf32>
    %mul3A_266 = arith.mulf %add3A_259, %mul3A_265 : vector<128x512xf32>
    %add3A_267 = arith.addf %add3A_264, %mul3A_266 : vector<128x512xf32>
    %add3A_268 = vector.broadcast %get3A_36 : f32 to vector<128x512xf32>
    %add3A_269 = arith.addf %add3A_267, %add3A_268 : vector<128x512xf32>
    %mul3A_270 = vector.broadcast %get3A_18 : f32 to vector<128x512xf32>
    %mul3A_271 = arith.mulf %add3A_251, %mul3A_270 : vector<128x512xf32>
    %mul3A_272 = vector.broadcast %get3A_21 : f32 to vector<128x512xf32>
    %mul3A_273 = arith.mulf %add3A_255, %mul3A_272 : vector<128x512xf32>
    %add3A_274 = arith.addf %mul3A_271, %mul3A_273 : vector<128x512xf32>
    %mul3A_275 = vector.broadcast %get3A_24 : f32 to vector<128x512xf32>
    %mul3A_276 = arith.mulf %add3A_259, %mul3A_275 : vector<128x512xf32>
    %add3A_277 = arith.addf %add3A_274, %mul3A_276 : vector<128x512xf32>
    %add3A_278 = vector.broadcast %get3A_39 : f32 to vector<128x512xf32>
    %add3A_279 = arith.addf %add3A_277, %add3A_278 : vector<128x512xf32>
    %mul3A_280 = vector.broadcast %get3A_27 : f32 to vector<128x512xf32>
    %mul3A_281 = arith.mulf %add3A_251, %mul3A_280 : vector<128x512xf32>
    %mul3A_282 = vector.broadcast %get3A_30 : f32 to vector<128x512xf32>
    %mul3A_283 = arith.mulf %add3A_255, %mul3A_282 : vector<128x512xf32>
    %add3A_284 = arith.addf %mul3A_281, %mul3A_283 : vector<128x512xf32>
    %mul3A_285 = vector.broadcast %get3A_33 : f32 to vector<128x512xf32>
    %mul3A_286 = arith.mulf %add3A_259, %mul3A_285 : vector<128x512xf32>
    %add3A_287 = arith.addf %add3A_284, %mul3A_286 : vector<128x512xf32>
    %add3A_288 = vector.broadcast %get3A_42 : f32 to vector<128x512xf32>
    %add3A_289 = arith.addf %add3A_287, %add3A_288 : vector<128x512xf32>
    %round3A_290 = math.roundeven %add3A_269 : vector<128x512xf32>
    %convert_element_type3A_291 = arith.fptosi %round3A_290 : vector<128x512xf32> to vector<128x512xi32>
    %round3A_292 = math.roundeven %add3A_279 : vector<128x512xf32>
    %convert_element_type3A_293 = arith.fptosi %round3A_292 : vector<128x512xf32> to vector<128x512xi32>
    %round3A_294 = math.roundeven %add3A_289 : vector<128x512xf32>
    %convert_element_type3A_295 = arith.fptosi %round3A_294 : vector<128x512xf32> to vector<128x512xi32>
    %get3A_296 = arith.constant 0 : index
    %get3A_297 = arith.constant 0 : index
    %get3A_298 = arith.constant 0 : index
    %get3A_299 = vector.load %arg9[%get3A_296, %get3A_297, %get3A_298] : memref<1x128x1xf32, #tpu.memory_space<vmem>>, vector<1x128x1xf32>
    %get3A_300 = vector.shape_cast %get3A_299 : vector<1x128x1xf32> to vector<128x1xf32>
    %gt3A_301 = arith.constant 5.000000e-01 : f32
    %gt3A_302 = vector.broadcast %gt3A_301 : f32 to vector<128x1xf32>
    %gt3A_303 = arith.cmpf ogt, %get3A_300, %gt3A_302 : vector<128x1xf32>
    %ge3A_304 = arith.constant 0 : i32
    %ge3A_305 = vector.broadcast %ge3A_304 : i32 to vector<128x512xi32>
    %ge3A_306 = arith.cmpi sge, %convert_element_type3A_291, %ge3A_305 : vector<128x512xi32>
    %and3A_307 = vector.broadcast %gt3A_303 : vector<128x1xi1> to vector<128x512xi1>
    %and3A_308 = arith.andi %and3A_307, %ge3A_306 : vector<128x512xi1>
    %lt3A_309 = arith.constant 128 : i32
    %lt3A_310 = vector.broadcast %lt3A_309 : i32 to vector<128x512xi32>
    %lt3A_311 = arith.cmpi slt, %convert_element_type3A_291, %lt3A_310 : vector<128x512xi32>
    %and3A_312 = arith.andi %and3A_308, %lt3A_311 : vector<128x512xi1>
    %ge3A_313 = arith.constant 0 : i32
    %ge3A_314 = vector.broadcast %ge3A_313 : i32 to vector<128x512xi32>
    %ge3A_315 = arith.cmpi sge, %convert_element_type3A_293, %ge3A_314 : vector<128x512xi32>
    %and3A_316 = arith.andi %and3A_312, %ge3A_315 : vector<128x512xi1>
    %lt3A_317 = arith.constant 128 : i32
    %lt3A_318 = vector.broadcast %lt3A_317 : i32 to vector<128x512xi32>
    %lt3A_319 = arith.cmpi slt, %convert_element_type3A_293, %lt3A_318 : vector<128x512xi32>
    %and3A_320 = arith.andi %and3A_316, %lt3A_319 : vector<128x512xi1>
    %ge3A_321 = arith.constant 0 : i32
    %ge3A_322 = vector.broadcast %ge3A_321 : i32 to vector<128x512xi32>
    %ge3A_323 = arith.cmpi sge, %convert_element_type3A_295, %ge3A_322 : vector<128x512xi32>
    %and3A_324 = arith.andi %and3A_320, %ge3A_323 : vector<128x512xi1>
    %lt3A_325 = arith.constant 128 : i32
    %lt3A_326 = vector.broadcast %lt3A_325 : i32 to vector<128x512xi32>
    %lt3A_327 = arith.cmpi slt, %convert_element_type3A_295, %lt3A_326 : vector<128x512xi32>
    %and3A_328 = arith.andi %and3A_324, %lt3A_327 : vector<128x512xi1>
    %lt3A_329 = arith.constant 500 : i32
    %lt3A_330 = vector.broadcast %lt3A_329 : i32 to vector<128x512xi32>
    %lt3A_331 = arith.cmpi slt, %iota3A, %lt3A_330 : vector<128x512xi32>
    %and3A_332 = arith.andi %and3A_328, %lt3A_331 : vector<128x512xi1>
    %mul3A_333 = arith.constant 128 : i32
    %mul3A_334 = vector.broadcast %mul3A_333 : i32 to vector<128x512xi32>
    %mul3A_335 = arith.muli %convert_element_type3A_291, %mul3A_334 : vector<128x512xi32>
    %add3A_336 = arith.addi %mul3A_335, %convert_element_type3A_293 : vector<128x512xi32>
    %mul3A_337 = arith.constant 128 : i32
    %mul3A_338 = vector.broadcast %mul3A_337 : i32 to vector<128x512xi32>
    %mul3A_339 = arith.muli %add3A_336, %mul3A_338 : vector<128x512xi32>
    %add3A_340 = arith.addi %mul3A_339, %convert_element_type3A_295 : vector<128x512xi32>
    %lt3A_341 = arith.constant 1048576 : i32
    %lt3A_342 = vector.broadcast %lt3A_341 : i32 to vector<128x512xi32>
    %lt3A_343 = arith.cmpi slt, %add3A_340, %lt3A_342 : vector<128x512xi32>
    %and3A_344 = arith.andi %and3A_332, %lt3A_343 : vector<128x512xi1>
    %select_n3A_345 = arith.select %and3A_344, %add3A_340, %add3A_7 : vector<128x512xi1>, vector<128x512xi32>
    %swap3A_346 = arith.constant 0 : index
    %swap3A_347 = arith.constant 0 : index
    %swap3A_348 = vector.load %arg15[%swap3A_346, %swap3A_347] : memref<128x512xi32, #tpu.memory_space<vmem>>, vector<128x512xi32>
    tpu.vector_store %arg15[%swap3A_346, %swap3A_347], %select_n3A_345 {strides = array<i32>} : memref<128x512xi32, #tpu.memory_space<vmem>>, vector<128x512xi32>,
    %ge3A_349 = arith.constant 1048576 : i32
    %ge3A_350 = vector.broadcast %ge3A_349 : i32 to vector<128x512xi32>
    %ge3A_351 = arith.cmpi sge, %add3A_340, %ge3A_350 : vector<128x512xi32>
    %and3A_352 = arith.andi %and3A_332, %ge3A_351 : vector<128x512xi1>
    %sub3A_353 = arith.constant 1048576 : i32
    %sub3A_354 = vector.broadcast %sub3A_353 : i32 to vector<128x512xi32>
    %sub3A_355 = arith.subi %add3A_340, %sub3A_354 : vector<128x512xi32>
    %select_n3A_356 = arith.select %and3A_352, %sub3A_355, %add3A_7 : vector<128x512xi1>, vector<128x512xi32>
    %swap3A_357 = arith.constant 0 : index
    %swap3A_358 = arith.constant 0 : index
    %swap3A_359 = vector.load %arg16[%swap3A_357, %swap3A_358] : memref<128x512xi32, #tpu.memory_space<vmem>>, vector<128x512xi32>
    tpu.vector_store %arg16[%swap3A_357, %swap3A_358], %select_n3A_356 {strides = array<i32>} : memref<128x512xi32, #tpu.memory_space<vmem>>, vector<128x512xi32>,
    %jit3A_360 = arith.constant 1 : i32
    %jit3A_361 = arith.constant 0 : i32
    %broadcast_in_dim3A_362 = vector.broadcast %jit3A_360 : i32 to vector<128x1xi32>
    %broadcast_in_dim3A_363 = vector.broadcast %jit3A_361 : i32 to vector<128x1xi32>
    %select_n3A_364 = arith.select %gt3A_303, %broadcast_in_dim3A_362, %broadcast_in_dim3A_363 : vector<128x1xi1>, vector<128x1xi32>
    %broadcast_in_dim3A_365 = vector.shape_cast %select_n3A_364 : vector<128x1xi32> to vector<128x1xi32>
    %broadcast_in_dim3A_366 = vector.broadcast %broadcast_in_dim3A_365 : vector<128x1xi32> to vector<128x4xi32>
    %swap3A_367 = arith.constant 0 : index
    %swap3A_368 = arith.constant 0 : index
    %swap3A_369 = vector.load %arg18[%swap3A_367, %swap3A_368] : memref<128x4xi32, #tpu.memory_space<vmem>>, vector<128x4xi32>
    tpu.vector_store %arg18[%swap3A_367, %swap3A_368], %broadcast_in_dim3A_366 {strides = array<i32>} : memref<128x4xi32, #tpu.memory_space<vmem>>, vector<128x4xi32>,
    return
  }
  func.func @transform_0(%arg0: i32) -> (i32, i32) {
    %c0_i32 = arith.constant 0 : i32
    %c0_i32_0 = arith.constant 0 : i32
    %c0_i32_1 = arith.constant 0 : i32
    return %c0_i32, %c0_i32_0 : i32, i32
  }
  func.func @transform_1(%arg0: i32) -> (i32, i32) {
    %c0_i32 = arith.constant 0 : i32
    %c0_i32_0 = arith.constant 0 : i32
    %c0_i32_1 = arith.constant 0 : i32
    return %c0_i32, %c0_i32_0 : i32, i32
  }
  func.func @transform_2(%arg0: i32) -> (i32, i32) {
    %c0_i32 = arith.constant 0 : i32
    %c0_i32_0 = arith.constant 0 : i32
    %c0_i32_1 = arith.constant 0 : i32
    return %c0_i32, %c0_i32_0 : i32, i32
  }
  func.func @transform_3(%arg0: i32) -> (i32, i32) {
    %c0_i32 = arith.constant 0 : i32
    %c0_i32_0 = arith.constant 0 : i32
    %c0_i32_1 = arith.constant 0 : i32
    return %c0_i32, %c0_i32_0 : i32, i32
  }
  func.func @transform_4(%arg0: i32) -> (i32, i32, i32) {
    %c0_i32 = arith.constant 0 : i32
    %c0_i32_0 = arith.constant 0 : i32
    %c0_i32_1 = arith.constant 0 : i32
    return %arg0, %c0_i32, %c0_i32_0 : i32, i32, i32
  }
  func.func @transform_5(%arg0: i32) -> (i32, i32, i32) {
    %c0_i32 = arith.constant 0 : i32
    %c0_i32_0 = arith.constant 0 : i32
    %c0_i32_1 = arith.constant 0 : i32
    return %arg0, %c0_i32, %c0_i32_0 : i32, i32, i32
  }
  func.func @transform_6(%arg0: i32) -> (i32, i32, i32) {
    %c0_i32 = arith.constant 0 : i32
    %c0_i32_0 = arith.constant 0 : i32
    %c0_i32_1 = arith.constant 0 : i32
    return %arg0, %c0_i32, %c0_i32_0 : i32, i32, i32
  }
  func.func @transform_7(%arg0: i32) -> (i32, i32, i32) {
    %c0_i32 = arith.constant 0 : i32
    %c0_i32_0 = arith.constant 0 : i32
    %c0_i32_1 = arith.constant 0 : i32
    return %arg0, %c0_i32, %c0_i32_0 : i32, i32, i32
  }
  func.func @transform_8(%arg0: i32) -> (i32, i32, i32) {
    %c0_i32 = arith.constant 0 : i32
    %c0_i32_0 = arith.constant 0 : i32
    %c0_i32_1 = arith.constant 0 : i32
    return %arg0, %c0_i32, %c0_i32_0 : i32, i32, i32
  }
  func.func @transform_9(%arg0: i32) -> (i32, i32, i32) {
    %c0_i32 = arith.constant 0 : i32
    %c0_i32_0 = arith.constant 0 : i32
    %c0_i32_1 = arith.constant 0 : i32
    return %arg0, %c0_i32, %c0_i32_0 : i32, i32, i32
  }
  func.func @transform_10(%arg0: i32) -> (i32, i32, i32) {
    %c0_i32 = arith.constant 0 : i32
    %c0_i32_0 = arith.constant 0 : i32
    %c0_i32_1 = arith.constant 0 : i32
    return %arg0, %c0_i32, %c0_i32_0 : i32, i32, i32
  }
  func.func @transform_11(%arg0: i32) -> (i32, i32, i32) {
    %c0_i32 = arith.constant 0 : i32
    %c0_i32_0 = arith.constant 0 : i32
    %c0_i32_1 = arith.constant 0 : i32
    return %arg0, %c0_i32, %c0_i32_0 : i32, i32, i32
  }
  func.func @transform_12(%arg0: i32) -> (i32, i32) {
    %c0_i32 = arith.constant 0 : i32
    %c0_i32_0 = arith.constant 0 : i32
    return %arg0, %c0_i32 : i32, i32
  }
  func.func @transform_13(%arg0: i32) -> (i32, i32) {
    %c0_i32 = arith.constant 0 : i32
    %c0_i32_0 = arith.constant 0 : i32
    return %arg0, %c0_i32 : i32, i32
  }
  func.func @transform_14(%arg0: i32) -> (i32, i32) {
    %c0_i32 = arith.constant 0 : i32
    %c0_i32_0 = arith.constant 0 : i32
    return %arg0, %c0_i32 : i32, i32
  }
  func.func @transform_15(%arg0: i32) -> (i32, i32) {
    %c0_i32 = arith.constant 0 : i32
    %c0_i32_0 = arith.constant 0 : i32
    return %arg0, %c0_i32 : i32, i32
  }
  func.func @transform_16(%arg0: i32) -> (i32, i32) {
    %c0_i32 = arith.constant 0 : i32
    %c0_i32_0 = arith.constant 0 : i32
    return %arg0, %c0_i32 : i32, i32
  }
  func.func @transform_17(%arg0: i32) -> (i32, i32) {
    %c0_i32 = arith.constant 0 : i32
    %c0_i32_0 = arith.constant 0 : i32
    return %arg0, %c0_i32 : i32, i32
  }
}

</mosaic_0001>

<sc_bundles>
// kernel: kernel.5.cloned.1.call-start
scs
__scs_entry_jumppad:
0x0: {  	(pc) =	sbr.rel $0x88, $3  }
0x1: {  	(tag) =	ssettag $0x0;
	lr =	simm.s32 $0x1  }
0x2: {  	[smem:$0x3F98] =	sst lr;
	_ =	strace $0xD0000000  }
0x3: {  	_ = 	snop  }
0x4: {  	_ = 	snop  }
0x5: {  	_ = 	snop  }
0x6: {  	_ = 	snop  }
0x7: {  	_ = 	snop  }
__scs_overlays_trampoline_lowered:
0x8: {  	[smem:$0x3FA7] =	sst s0  }
0x9: {  	[smem:$0x3FA8] =	sst s1  }
0xa: {  	[smem:$0x3FA9] =	sst s2  }
0xb: {  	[smem:$0x3FAA] =	sst s3  }
0xc: {  	[smem:$0x3FAB] =	sst s4  }
0xd: {  	[smem:$0x3FAC] =	sst s5  }
0xe: {  	[smem:$0x3FAD] =	sst s6  }
0xf: {  	[smem:$0x3FAE] =	sst s7  }
0x10: {  	[smem:$0x3FAF] =	sst s8  }
0x11: {  	[smem:$0x3FB0] =	sst s9;
	s0 =	simm.s32 @!p0 $0x0  }
0x12: {  	s1 =	sld [smem:$0x3F96];
	s0 =	simm.s32 @p0 $0x1  }
0x13: {  	[smem:$0x3FB1] =	sst s0;
	s0 =	simm.s32 @!p1 $0x0  }
0x14: {  	s2 =	sld [smem:$0x3F95];
	s0 =	simm.s32 @p1 $0x1  }
0x15: {  	[smem:$0x3FB2] =	sst s0;
	s0 =	simm.s32 @!p2 $0x0  }
0x16: {  	s3 =	sld [smem:$0x3FDB];
	s0 =	simm.s32 @p2 $0x1  }
0x17: {  	s4 =	simm.s32 $0x1BF5;
	[smem:$0x3FB4] =	sst s0  }
0x18: {  	s0 =	sld [smem:$0x3F97];
	_ =	swait.ge [sflag:s4], $0x0  }
0x19: {  	s7 =	sld [smem:$0x3F98]  }
0x1a: {  	s8 =	sadd.s32 $0xFFFFE003, lr  }
0x1b: {  	s9 =	sadd.s32 $0xFFFFFEF7, lr;
	s5 =	simm.s32 $0xFFFFFFFF;
	p2 =	slt.u32 s8, $0xFFFFF086  }
0x1c: {  	p1 =	slt.u32 s9, $0xF7A;
	s5 =	simm.s32 @!p2 $0x0  }
0x1d: {  	s5 =	simm.s32 @p1 $0x1;
	p0 =	seq.s32 s7, s2  }
0x1e: {  	s7 =	smul.u32 @!p0 $0xF7A, s2;
	p2 =	seq.s32 @!p0 s5, $0x0  }
0x1f: {  	s9 =	smul.u32 $0xF7A, s1;
	s8 =	simm.s32 @!p0 $0x1BF5;
	p2 =	por !p2, p0  }
0x20: {  	[sflag:s8] =	ssyncset.s32 @!p0 $0xFFFFF086;
	s6 =	sadd.s32 @!p0 s3, s7;
	s7 =	simm.s32 @!p0 $0x108  }
0x21: {  	s3 =	sadd.s32 s3, s9;
	s6 =	sadd.s32 @!p0 $0x88, s6;
	s7 =	simm.s32 @p2 $0x1082  }
0x22: {  	[simem:s7], [sflag:s8] =	dma.local @!p0 [hbm:s6], $0xF7A  }
0x23: {  	s9 =	sor.u32 $0xD0000000, s2;
	s6 =	simm.s32 $0x108;
	_ =	swait.ge @!p0 [sflag:s8], $0x0  }
0x24: {  	s3 =	sadd.s32 $0x88, s3;
	s6 =	simm.s32 @!p1 $0x1082;
	[sflag:s4] =	ssyncset.s32 $0xFFFFF086  }
0x25: {  	[simem:s6], [sflag:s4] =	dma.local [hbm:s3], $0xF7A  }
0x26: {  	[smem:$0x3F98] =	sst s1;
	(tag) =	ssettag s2;
	_ =	strace s9  }
0x27: {  	s1 =	sld [smem:$0x3FA8]  }
0x28: {  	s2 =	sld [smem:$0x3FA9]  }
0x29: {  	s4 =	sld [smem:$0x3FAB]  }
0x2a: {  	p0 =	seq.s32 s5, $0x0;
	s5 =	sld [smem:$0x3FAC]  }
0x2b: {  	s6 =	sld [smem:$0x3FAD]  }
0x2c: {  	s7 =	sld [smem:$0x3FAE]  }
0x2d: {  	s3 =	simm.s32 $0x108;
	s8 =	sld [smem:$0x3FAF]  }
0x2e: {  	s3 =	simm.s32 @!p0 $0x1082;
	s9 =	sld [smem:$0x3FB0]  }
0x2f: {  	lr =	sadd.s32 s0, s3;
	s0 =	sld [smem:$0x3FA7]  }
0x30: {  	s3 =	sld [smem:$0x3FAA]  }
0x31: {  	[smem:$0x3FB3] =	sst s10  }
0x32: {  	s10 =	sld [smem:$0x3FB1];
	_ =	sdelay $0x3  }
0x33: {  	p0 =	seq.s32 s10, $0x1;
	s10 =	sld [smem:$0x3FB3];
	_ =	sdelay $0x3  }
0x34: {  	[smem:$0x3FB3] =	sst s10  }
0x35: {  	s10 =	sld [smem:$0x3FB2];
	_ =	sdelay $0x3  }
0x36: {  	p1 =	seq.s32 s10, $0x1;
	s10 =	sld [smem:$0x3FB3];
	_ =	sdelay $0x3  }
0x37: {  	[smem:$0x3FB3] =	sst s10  }
0x38: {  	s10 =	sld [smem:$0x3FB4]  }
0x39: {  	_ = 	snop;
	(pc) =	sbr.ind lr, $3  }
0x3a: {  	_ = 	snop  }
0x3b: {  	_ = 	snop  }
0x3c: {  	p2 =	seq.s32 s10, $0x1;
	s10 =	sld [smem:$0x3FB3]  }
0x3d: {  	_ =	shalt  }
0x3e: {  	_ =	shalt  }
0x3f: {  	_ =	shalt  }
0x40: {  	_ =	shalt  }
0x41: {  	_ =	shalt  }
0x42: {  	_ =	shalt  }
0x43: {  	_ =	shalt  }
0x44: {  	_ =	shalt  }
0x45: {  	_ =	shalt  }
0x46: {  	_ =	shalt  }
0x47: {  	_ =	shalt  }
0x48: {  	_ =	shalt  }
0x49: {  	_ =	shalt  }
0x4a: {  	_ =	shalt  }
0x4b: {  	_ =	shalt  }
0x4c: {  	_ =	shalt  }
0x4d: {  	_ =	shalt  }
0x4e: {  	_ =	shalt  }
0x4f: {  	_ =	shalt  }
0x50: {  	_ =	shalt  }
0x51: {  	_ =	shalt  }
0x52: {  	_ =	shalt  }
0x53: {  	_ =	shalt  }
0x54: {  	_ =	shalt  }
0x55: {  	_ =	shalt  }
0x56: {  	_ =	shalt  }
0x57: {  	_ =	shalt  }
0x58: {  	_ =	shalt  }
0x59: {  	_ =	shalt  }
0x5a: {  	_ =	shalt  }
0x5b: {  	_ =	shalt  }
0x5c: {  	_ =	shalt  }
0x5d: {  	_ =	shalt  }
0x5e: {  	_ =	shalt  }
0x5f: {  	_ =	shalt  }
0x60: {  	_ =	shalt  }
0x61: {  	_ =	shalt  }
0x62: {  	_ =	shalt  }
0x63: {  	_ =	shalt  }
0x64: {  	_ =	shalt  }
0x65: {  	_ =	shalt  }
0x66: {  	_ =	shalt  }
0x67: {  	_ =	shalt  }
0x68: {  	_ =	shalt  }
0x69: {  	_ =	shalt  }
0x6a: {  	_ =	shalt  }
0x6b: {  	_ =	shalt  }
0x6c: {  	_ =	shalt  }
0x6d: {  	_ =	shalt  }
0x6e: {  	_ =	shalt  }
0x6f: {  	_ =	shalt  }
0x70: {  	_ =	shalt  }
0x71: {  	_ =	shalt  }
0x72: {  	_ =	shalt  }
0x73: {  	_ =	shalt  }
0x74: {  	_ =	shalt  }
0x75: {  	_ =	shalt  }
0x76: {  	_ =	shalt  }
0x77: {  	_ =	shalt  }
0x78: {  	_ =	shalt  }
0x79: {  	_ =	shalt  }
0x7a: {  	_ =	shalt  }
0x7b: {  	_ =	shalt  }
0x7c: {  	_ =	shalt  }
0x7d: {  	_ =	shalt  }
0x7e: {  	_ =	shalt  }
0x7f: {  	_ =	shalt  }
0x80: {  	_ =	shalt  }
0x81: {  	_ =	shalt  }
0x82: {  	_ =	shalt  }
0x83: {  	_ =	shalt  }
0x84: {  	_ =	shalt  }
0x85: {  	_ =	shalt  }
0x86: {  	_ =	shalt  }
0x87: {  	_ =	shalt  }
.Lfunc_end0:
.L_simem_size_0:
called_computation_lowered:
.L_overlay_start_0:
0x88: {  	s2 =	sld [smem:$0x3FD9]  }
0x89: {  	s3 =	sld [smem:$0x3FFE];
	_ =	sdelay $0x1  }
0x8a: {  	s1 =	srdreg.scid  }
0x8b: {  	s0 =	sand.u32 $0x1, s1  }
0x8c: {  	s16 =	sshll.u32 s0, $0xA;
	s2 =	sadd.s32 s3, s2  }
0x8d: {  	s2 =	sadd.s32 s2, s16  }
0x8e: {  	[smem:$0x3FBF] =	sst s2  }
0x8f: {  	_ = 	snop  }
0x90: {  	(tm) =	ssettm $0x1  }
0x91: {  	s17 =	sld [smem:$0x3FFB];
	_ =	sdelay $0x3  }
0x92: {  	_ =	strace s17  }
0x93: {  	s2 =	sld [smem:$0x3FFC];
	_ =	sdelay $0x3  }
0x94: {  	_ =	strace s2  }
0x95: {  	s2 =	sld [smem:$0x3FFD];
	_ =	sdelay $0x3  }
0x96: {  	_ =	strace s2  }
0x97: {  	_ =	strace $0x8FFFFFFF  }
0x98: {  	s18 =	sld [smem:$0x3FDB];
	_ =	sdelay $0x1  }
0x99: {  	s19 =	simm.s32 $_scs_section_size  }
0x9a: {  	s4 =	simm.s32 $_size__tile_overlayer_lowered;
	s5 =	simm.s32 $_tile_overlayer_lowered  }
0x9b: {  	s22 =	simm.s32 $0x1BFF;
	s21 =	sshll.u32 s5, $0x1;
	s2 =	sadd.s32 s19, s18  }
0x9c: {  	s6 =	simm.s32 $0x0;
	s20 =	sshll.u32 s4, $0x1;
	s4 =	sadd.s32 s21, s2  }
0x9d: {  	[timem:s6], [sflag:s22] =	dma.local [hbm:s4], s20  }
0x9e: {  	_ =	swait.ge [sflag:s22], s20  }
0x9f: {  	s3 =	ssub.s32 $0x0, s20;
	[sflag:s22] =	ssyncset.done $0x0  }
0xa0: {  	[sflag:s22] =	ssyncadd.s32 s3;
	_ =	sdelay $0x1  }
0xa1: {  	s23 =	simm.s32 $0x1B8B  }
0xa2: {  	_ =	swait.ge [sflag:s23], $0x1  }
0xa3: {  	[sflag:s23] =	ssyncset.done $0x0  }
0xa4: {  	s25 =	simm.s32 $0x1B8E;
	s24 =	sld [smem:$0x3FFE];
	[sflag:s23] =	ssyncadd.s32 $0xFFFFFFFF  }
0xa5: {  	s26 =	simm.s32 $execute0_lowered;
	[smem:$0x3FD2] =	sst s25  }
0xa6: {  	s4 =	sshll.u32 s26, $0x1;
	_ =	strace $0x80000046;
	[dreg:$0x1] =	wrdreg $0xFFFFFFFF  }
0xa7: {  	s28 =	simm.s32 $_size_execute0_lowered;
	s2 =	sadd.s32 s2, s4;
	[dreg:$0x0] =	wrdreg $0x0  }
0xa8: {  	s4 =	sshll.u32 s28, $0x1;
	[dreg:$0x2] =	wrdreg s2  }
0xa9: {  	[dreg:$0x3] =	wrdreg s4  }
0xaa: {  	[dreg:$0x4] =	wrdreg $0xC0  }
0xab: {  	_ =	task [dreg:s6], $0x5FFFF  }
0xac: {  	[dreg:$0x1] =	wrdreg $0xFFFFFFFF  }
0xad: {  	[dreg:$0x0] =	wrdreg $0x60  }
0xae: {  	[dreg:$0x2] =	wrdreg s24  }
0xaf: {  	[dreg:$0x3] =	wrdreg $0x49000  }
0xb0: {  	[dreg:$0x4] =	wrdreg $0x9  }
0xb1: {  	_ =	task.clear_ibuf [dreg:s6], $0x5FFFF;
	_ =	strace $0x90000046  }
0xb2: {  	s29 =	simm.s32 $0x9;
	_ =	strace $0x80000048  }
0xb3: {  	_ =	swait.ge [sflag:s29], $0x1  }
0xb4: {  	[sflag:s29] =	ssyncadd.s32 $0xFFFFFFFF  }
0xb5: {  	_ =	strace $0x90000048  }
0xb6: {  	_ =	sfence  }
0xb7: {  	s30 =	sld [smem:$0x0];
	_ =	sdelay $0x2  }
0xb8: {  	s31 =	sshll.u32 s1, $0xD;
	s1 =	sshrl.u32 s1, $0x2  }
0xb9: {  	s3 =	sand.u32 $0x4000, s31;
	s1 =	sadd.s32 s1, s30  }
0xba: {  	s0 =	sor.u32 s3, s0;
	s1 =	sshll.u32 s1, $0x11  }
0xbb: {  	s0 =	sor.u32 s1, s0  }
0xbc: {  	s0 =	sadd.s32 $0x8F2B, s0  }
0xbd: {  	[sflag:s0] =	ssyncadd.remote.s32 $0x1  }
0xbe: {  	_ =	sfence.sel $0xFFFF  }
0xbf: {  	[dreg:$0x0] =	wrdreg $0xFFFFFFFF;
	(pc) =	sbr.abs _section_cstart, $3  }
0xc0: {  	[dreg:$0x1] =	wrdreg $0xFFFFFFFF  }
0xc1: {  	_ =	task.clear_ibuf [dreg:s6], $0x2FFFF;
	_ =	strace $0x9FFFFFFF  }
0xc2: {  	(tm) =	ssettm $0x7FFFFFFF  }
0xc3: {  	_ =	shalt  }
tec
execute0_lowered:
.L_overlay_start_1:
0x0: {  	(tag) =	ssettag $0x1  }
0x1: {  	s1 =	rddreg [dreg:$0x0]  }
0x2: {  	s2 =	rddreg [dreg:$0x1];
	s3 =	simm.s32 $0x0;
	s10 =	stileid.u32  }
0x3: {  	s4 =	srdreg.scid;
	[smem:$0x7FF] =	sst s3  }
0x4: {  	s0 =	sshll.u32 s10, $0x9;
	s5 =	sshll.u32 s10, $0x10;
	s22 =	sadd.s32 $0x405E00, s1  }
0x5: {  	s4 =	sand.u32 $0x1, s4;
	s9 =	smul.u32 $0x40040, s10;
	s23 =	sadd.s32 $0x445E00, s1  }
0x6: {  	s13 =	sshll.u32 s10, $0x4;
	_ =	strace $0x80000047;
	s6 =	sand.u32 $0x1000, s0  }
0x7: {  	s0 =	sadd.s32 s5, s1;
	s12 =	ssub.s32 $0x2, s4;
	p0 =	seq.s32 s4, $0x1  }
0x8: {  	s15 =	sand.u32 $0x70, s13;
	s24 =	sor.u32 $0x2000, s5;
	s25 =	sadd.s32 s5, s2  }
0x9: {  	s11 =	sor.u32 $0x4000, s5;
	s13 =	sor.u32 $0x8000, s5;
	[dreg:$0x3] =	wrdreg s22  }
0xa: {  	[dreg:$0x4] =	wrdreg s23;
	s7 =	sadd.s32 s6, s1;
	s8 =	sshrl.u32 s12, $0x1  }
0xb: {  	s4 =	simm.s32 @!p0 $0x0;
	s14 =	sshrl.u32 s9, $0x2;
	[dreg:$0x5] =	wrdreg s25  }
0xc: {  	s26 =	sadd.s32 s24, s2;
	s28 =	sadd.s32 s11, s2;
	s17 =	sshrl.u32 s11, $0x3  }
0xd: {  	s30 =	sadd.s32 s13, s2;
	s19 =	sshrl.u32 s13, $0x3;
	[dreg:$0x6] =	wrdreg s26  }
0xe: {  	s1 =	ssub.s32 s12, s8;
	s4 =	simm.s32 @p0 $0x1;
	[dreg:$0x7] =	wrdreg s28  }
0xf: {  	s6 =	sadd.s32 s14, s2;
	s16 =	sadd.s32 s15, s7;
	[dreg:$0x9] =	wrdreg s30  }
0x10: {  	s8 =	sshrl.u32 s24, $0x3;
	s24 =	sadd.s32 s23, s17;
	[smem:$0x7EE] =	sst s4  }
0x11: {  	s12 =	sor.u32 $0x6000, s5;
	s28 =	sadd.s32 s22, s19;
	[dreg:$0x10] =	wrdreg s24  }
0x12: {  	s14 =	sor.u32 $0xA000, s5;
	s29 =	sadd.s32 s12, s2;
	[dreg:$0x13] =	wrdreg s28  }
0x13: {  	s15 =	sor.u32 $0xC000, s5;
	s31 =	sadd.s32 s14, s2;
	[dreg:$0x8] =	wrdreg s29  }
0x14: {  	s5 =	sor.u32 $0xE000, s5;
	s11 =	sadd.s32 s15, s2;
	[dreg:$0xa] =	wrdreg s31  }
0x15: {  	s18 =	sshrl.u32 s12, $0x3;
	s12 =	sadd.s32 s5, s2;
	[dreg:$0xb] =	wrdreg s11  }
0x16: {  	s13 =	sadd.s32 s22, s8;
	[dreg:$0xc] =	wrdreg s12  }
0x17: {  	s20 =	sshrl.u32 s14, $0x3;
	s14 =	sadd.s32 s23, s8;
	[dreg:$0xd] =	wrdreg s13  }
0x18: {  	s21 =	sshrl.u32 s15, $0x3;
	s15 =	sadd.s32 s22, s17;
	[dreg:$0xe] =	wrdreg s14  }
0x19: {  	s1 =	smax.u32 s1, $0x1;
	[dreg:$0xf] =	wrdreg s15  }
0x1a: {  	s24 =	sadd.s32 $0x205E00, s0;
	[smem:$0x7F4] =	sst s1  }
0x1b: {  	s28 =	sadd.s32 $0x2000, s6;
	[smem:$0x7F6] =	sst s24  }
0x1c: {  	s25 =	sadd.s32 s22, s18;
	[smem:$0x7FA] =	sst s28  }
0x1d: {  	s26 =	sadd.s32 s23, s18;
	[dreg:$0x11] =	wrdreg s25  }
0x1e: {  	s29 =	sadd.s32 s23, s19;
	[dreg:$0x12] =	wrdreg s26  }
0x1f: {  	s30 =	sadd.s32 s22, s20;
	[dreg:$0x14] =	wrdreg s29  }
0x20: {  	s31 =	sadd.s32 s23, s20;
	[dreg:$0x15] =	wrdreg s30  }
0x21: {  	s8 =	sadd.s32 s22, s21;
	[dreg:$0x16] =	wrdreg s31  }
0x22: {  	s5 =	sshrl.u32 s5, $0x3;
	s9 =	sadd.s32 s23, s21;
	[dreg:$0x17] =	wrdreg s8  }
0x23: {  	s12 =	sadd.s32 s22, s5;
	[dreg:$0x18] =	wrdreg s9  }
0x24: {  	s11 =	sshll.u32 s10, $0xD;
	s5 =	sadd.s32 s23, s5;
	[dreg:$0x19] =	wrdreg s12  }
0x25: {  	[dreg:$0x1a] =	wrdreg s5;
	s13 =	sadd.s32 s22, s11  }
0x26: {  	s14 =	sadd.s32 s23, s11;
	[dreg:$0x1b] =	wrdreg s13  }
0x27: {  	s15 =	sor.u32 $0x21C00, s11;
	[dreg:$0x1c] =	wrdreg s14  }
0x28: {  	s17 =	sor.u32 $0x21800, s11;
	[dreg:$0x1d] =	wrdreg s15  }
0x29: {  	s18 =	sor.u32 $0x21400, s11;
	[dreg:$0x1e] =	wrdreg s17  }
0x2a: {  	s19 =	sor.u32 $0x21000, s11;
	[dreg:$0x1f] =	wrdreg s18  }
0x2b: {  	s20 =	sor.u32 $0x20C00, s11;
	[smem:$0x7EF] =	sst s19  }
0x2c: {  	s21 =	sor.u32 $0x20800, s11;
	[smem:$0x7F0] =	sst s20  }
0x2d: {  	s22 =	sor.u32 $0x20400, s11;
	[smem:$0x7F1] =	sst s21  }
0x2e: {  	s4 =	sor.u32 $0x20000, s11;
	[smem:$0x7F2] =	sst s22  }
0x2f: {  	s23 =	sadd.s32 $0x105E00, s0;
	[smem:$0x7F3] =	sst s4  }
0x30: {  	s25 =	sadd.s32 $0x1E00, s0;
	[smem:$0x7F5] =	sst s23  }
0x31: {  	s0 =	sadd.s32 $0x305E00, s0;
	[smem:$0x7F7] =	sst s25  }
0x32: {  	s26 =	sadd.s32 $0x10000, s6;
	[smem:$0x7F8] =	sst s0  }
0x33: {  	s7 =	sadd.s32 $0x101E00, s16;
	s29 =	sadd.s32 $0x4000, s6;
	[smem:$0x7F9] =	sst s26  }
.Ltmp0:
0x34: {  	s30 =	sadd.s32 $0x6000, s6;
	[smem:$0x7FB] =	sst s29;
	(pc) =	sbr.rel .LBB2_1-.Ltmp0, $4  }
0x35: {  	s16 =	sadd.s32 $0x103E00, s16;
	s31 =	sadd.s32 $0x8000, s6;
	[smem:$0x7FC] =	sst s30  }
0x36: {  	s24 =	simm.s32 $0x0;
	[smem:$0x7FD] =	sst s31;
	s17 =	sadd.s32 $0xA000, s6  }
0x37: {  	s18 =	sadd.s32 $0xC000, s6;
	s19 =	sadd.s32 $0xE000, s6;
	s20 =	simm.s32 $0x880  }
0x38: {  	v0 =	vimm.f32 $0.0e+00;
	v1 =	vimm.f32 $1.000000000e+00;
	s21 =	simm.s32 $0x2;
	s22 =	simm.s32 $0x800;
	s23 =	simm.s32 $0x2900  }
.LBB2_8:
0x39: {  	_ =	swait.ge @!p1 [sflag:s8], $0x80  }
0x3a: {  	s0 =	sld [smem:$0x7D8];
	_ =	sdelay $0x2  }
0x3b: {  	[sflag:s8] =	ssyncset.done @!p1 $0x0;
	p0 =	seq.s32 s0, $0x1  }
0x3c: {  	[sflag:s8] =	ssyncadd.s32 @!p1 $0xFFFFFF80;
	s0 =	simm.s32 @!p0 $0x1  }
0x3d: {  	_ =	swait.ge @!p0 [sflag:s0], $0x80  }
0x3e: {  	s14 =	sld [smem:$0x7D9];
	_ =	sdelay $0x1  }
0x3f: {  	[sflag:s0] =	ssyncset.done @!p0 $0x0  }
0x40: {  	[sflag:s0] =	ssyncadd.s32 @!p0 $0xFFFFFF80;
	p0 =	seq.s32 s14, $0x1  }
0x41: {  	s0 =	simm.s32 @!p0 $0x1  }
0x42: {  	_ =	swait.ge @!p0 [sflag:s0], $0x80  }
0x43: {  	s15 =	sld [smem:$0x7DA];
	_ =	sdelay $0x1  }
0x44: {  	[sflag:s0] =	ssyncset.done @!p0 $0x0  }
0x45: {  	[sflag:s0] =	ssyncadd.s32 @!p0 $0xFFFFFF80;
	p0 =	seq.s32 s15, $0x1  }
0x46: {  	s0 =	simm.s32 @!p0 $0x1  }
0x47: {  	_ =	swait.ge @!p0 [sflag:s0], $0x80  }
0x48: {  	s25 =	sld [smem:$0x7DB];
	_ =	sdelay $0x1  }
0x49: {  	[sflag:s0] =	ssyncset.done @!p0 $0x0  }
0x4a: {  	[sflag:s0] =	ssyncadd.s32 @!p0 $0xFFFFFF80;
	p0 =	seq.s32 s25, $0x1  }
0x4b: {  	s0 =	simm.s32 @!p0 $0x1  }
0x4c: {  	_ =	swait.ge @!p0 [sflag:s0], $0x80  }
0x4d: {  	s26 =	sld [smem:$0x7DC];
	_ =	sdelay $0x1  }
0x4e: {  	[sflag:s0] =	ssyncset.done @!p0 $0x0  }
0x4f: {  	[sflag:s0] =	ssyncadd.s32 @!p0 $0xFFFFFF80;
	p0 =	seq.s32 s26, $0x1  }
0x50: {  	s0 =	simm.s32 @!p0 $0x1  }
0x51: {  	_ =	swait.ge @!p0 [sflag:s0], $0x80  }
0x52: {  	s28 =	sld [smem:$0x7DD];
	_ =	sdelay $0x1  }
0x53: {  	[sflag:s0] =	ssyncset.done @!p0 $0x0  }
0x54: {  	[sflag:s0] =	ssyncadd.s32 @!p0 $0xFFFFFF80;
	p0 =	seq.s32 s28, $0x1  }
0x55: {  	s0 =	simm.s32 @!p0 $0x1  }
0x56: {  	_ =	swait.ge @!p0 [sflag:s0], $0x80  }
0x57: {  	s29 =	sld [smem:$0x7DE];
	_ =	sdelay $0x1  }
0x58: {  	[sflag:s0] =	ssyncset.done @!p0 $0x0  }
0x59: {  	[sflag:s0] =	ssyncadd.s32 @!p0 $0xFFFFFF80;
	p0 =	seq.s32 s29, $0x1  }
0x5a: {  	s0 =	simm.s32 @!p0 $0x1  }
0x5b: {  	_ =	swait.ge @!p0 [sflag:s0], $0x80  }
0x5c: {  	s30 =	sld [smem:$0x7DF];
	_ =	sdelay $0x1  }
0x5d: {  	[sflag:s0] =	ssyncset.done @!p0 $0x0  }
0x5e: {  	[sflag:s0] =	ssyncadd.s32 @!p0 $0xFFFFFF80;
	p0 =	seq.s32 s30, $0x1  }
0x5f: {  	s0 =	simm.s32 @!p0 $0x1  }
0x60: {  	_ =	swait.ge @!p0 [sflag:s0], $0x80  }
0x61: {  	[sflag:s0] =	ssyncset.done @!p0 $0x0  }
0x62: {  	[sflag:s0] =	ssyncadd.s32 @!p0 $0xFFFFFF80;
	s0 =	simm.s32 @!p5 $0x1  }
0x63: {  	_ =	swait.ge @!p5 [sflag:s0], $0x80  }
0x64: {  	s31 =	sld [smem:$0x7E0];
	_ =	sdelay $0x2  }
0x65: {  	[sflag:s0] =	ssyncset.done @!p5 $0x0;
	p0 =	seq.s32 s31, $0x1  }
0x66: {  	[sflag:s0] =	ssyncadd.s32 @!p5 $0xFFFFFF80;
	s0 =	simm.s32 @!p0 $0x1  }
0x67: {  	_ =	swait.ge @!p0 [sflag:s0], $0x80  }
0x68: {  	[sflag:s0] =	ssyncset.done @!p0 $0x0  }
0x69: {  	[sflag:s0] =	ssyncadd.s32 @!p0 $0xFFFFFF80;
	s0 =	simm.s32 @!p6 $0x1  }
0x6a: {  	_ =	swait.ge @!p6 [sflag:s0], $0x80  }
0x6b: {  	[sflag:s0] =	ssyncset.done @!p6 $0x0  }
0x6c: {  	s25 =	rddreg [dreg:$0x3];
	[sflag:s0] =	ssyncadd.s32 @!p6 $0xFFFFFF80  }
.LBB2_14:
0x6d: {  	[bflag:$0x0] =	sbarrier.arrive $0xFFFF  }
0x6e: {  	s0 =	rddreg [dreg:$0x5]  }
0x6f: {  	[tilespmem:s23], [sflag:$0x2] =	stream.linear.gather [spmem:s0], $0x2000, $0x38;
	[tilespmem:$0x14910] =	vst v63  }
0x70: {  	_ =	swait.ge [sflag:s21], $0x2000  }
0x71: {  	s1 =	sld [smem:$0x7F3];
	_ =	sdelay $0x1  }
0x72: {  	[sflag:s21] =	ssyncset.done $0x0  }
0x73: {  	[sflag:s21] =	ssyncadd.s32 $0xFFFFE000;
	s0 =	sadd.s32 s1, s25  }
0x74: {  	[hbm4b:s0+s3] =	stream.linear.scatter [tilespmem:s23], [sflag:$0x2], $0x2000, $0x38;
	[tilespmem:$0x14910] =	vst v63  }
0x75: {  	_ =	swait.ge [sflag:s21], $0x2000  }
0x76: {  	[sflag:s21] =	ssyncset.done $0x0  }
0x77: {  	s4 =	rddreg [dreg:$0x6];
	[sflag:s21] =	ssyncadd.s32 $0xFFFFE000  }
0x78: {  	[tilespmem:s23], [sflag:$0x2] =	stream.linear.gather [spmem:s4], $0x2000, $0x38;
	[tilespmem:$0x14910] =	vst v63  }
0x79: {  	_ =	swait.ge [sflag:s21], $0x2000  }
0x7a: {  	s5 =	sld [smem:$0x7F2];
	_ =	sdelay $0x1  }
0x7b: {  	[sflag:s21] =	ssyncset.done $0x0  }
0x7c: {  	[sflag:s21] =	ssyncadd.s32 $0xFFFFE000;
	s0 =	sadd.s32 s5, s25  }
0x7d: {  	[hbm4b:s0+s3] =	stream.linear.scatter [tilespmem:s23], [sflag:$0x2], $0x2000, $0x38;
	[tilespmem:$0x14910] =	vst v63  }
0x7e: {  	_ =	swait.ge [sflag:s21], $0x2000  }
0x7f: {  	[sflag:s21] =	ssyncset.done $0x0  }
0x80: {  	s8 =	rddreg [dreg:$0x7];
	[sflag:s21] =	ssyncadd.s32 $0xFFFFE000  }
0x81: {  	[tilespmem:s23], [sflag:$0x2] =	stream.linear.gather [spmem:s8], $0x2000, $0x38;
	[tilespmem:$0x14910] =	vst v63  }
0x82: {  	_ =	swait.ge [sflag:s21], $0x2000  }
0x83: {  	s9 =	sld [smem:$0x7F1];
	_ =	sdelay $0x1  }
0x84: {  	[sflag:s21] =	ssyncset.done $0x0  }
0x85: {  	[sflag:s21] =	ssyncadd.s32 $0xFFFFE000;
	s0 =	sadd.s32 s9, s25  }
0x86: {  	[hbm4b:s0+s3] =	stream.linear.scatter [tilespmem:s23], [sflag:$0x2], $0x2000, $0x38;
	[tilespmem:$0x14910] =	vst v63  }
0x87: {  	_ =	swait.ge [sflag:s21], $0x2000  }
0x88: {  	[sflag:s21] =	ssyncset.done $0x0  }
0x89: {  	s10 =	rddreg [dreg:$0x8];
	[sflag:s21] =	ssyncadd.s32 $0xFFFFE000  }
0x8a: {  	[tilespmem:s23], [sflag:$0x2] =	stream.linear.gather [spmem:s10], $0x2000, $0x38;
	[tilespmem:$0x14910] =	vst v63  }
0x8b: {  	_ =	swait.ge [sflag:s21], $0x2000  }
0x8c: {  	s11 =	sld [smem:$0x7F0];
	_ =	sdelay $0x1  }
0x8d: {  	[sflag:s21] =	ssyncset.done $0x0  }
0x8e: {  	[sflag:s21] =	ssyncadd.s32 $0xFFFFE000;
	s0 =	sadd.s32 s11, s25  }
0x8f: {  	[hbm4b:s0+s3] =	stream.linear.scatter [tilespmem:s23], [sflag:$0x2], $0x2000, $0x38;
	[tilespmem:$0x14910] =	vst v63  }
0x90: {  	_ =	swait.ge [sflag:s21], $0x2000  }
0x91: {  	[sflag:s21] =	ssyncset.done $0x0  }
0x92: {  	s12 =	rddreg [dreg:$0x9];
	[sflag:s21] =	ssyncadd.s32 $0xFFFFE000  }
0x93: {  	[tilespmem:s23], [sflag:$0x2] =	stream.linear.gather [spmem:s12], $0x2000, $0x38;
	[tilespmem:$0x14910] =	vst v63  }
0x94: {  	_ =	swait.ge [sflag:s21], $0x2000  }
0x95: {  	s13 =	sld [smem:$0x7EF];
	_ =	sdelay $0x1  }
0x96: {  	[sflag:s21] =	ssyncset.done $0x0  }
0x97: {  	[sflag:s21] =	ssyncadd.s32 $0xFFFFE000;
	s0 =	sadd.s32 s13, s25  }
0x98: {  	[hbm4b:s0+s3] =	stream.linear.scatter [tilespmem:s23], [sflag:$0x2], $0x2000, $0x38;
	[tilespmem:$0x14910] =	vst v63  }
0x99: {  	_ =	swait.ge [sflag:s21], $0x2000  }
0x9a: {  	[sflag:s21] =	ssyncset.done $0x0  }
0x9b: {  	s14 =	rddreg [dreg:$0xa];
	[sflag:s21] =	ssyncadd.s32 $0xFFFFE000  }
0x9c: {  	[tilespmem:s23], [sflag:$0x2] =	stream.linear.gather [spmem:s14], $0x2000, $0x38;
	[tilespmem:$0x14910] =	vst v63  }
0x9d: {  	_ =	swait.ge [sflag:s21], $0x2000  }
0x9e: {  	[sflag:s21] =	ssyncset.done $0x0;
	s15 =	rddreg [dreg:$0x1f]  }
0x9f: {  	s0 =	sadd.s32 s15, s25;
	[sflag:s21] =	ssyncadd.s32 $0xFFFFE000  }
0xa0: {  	[hbm4b:s0+s3] =	stream.linear.scatter [tilespmem:s23], [sflag:$0x2], $0x2000, $0x38;
	[tilespmem:$0x14910] =	vst v63  }
0xa1: {  	_ =	swait.ge [sflag:s21], $0x2000  }
0xa2: {  	[sflag:s21] =	ssyncset.done $0x0  }
0xa3: {  	s26 =	rddreg [dreg:$0xb];
	[sflag:s21] =	ssyncadd.s32 $0xFFFFE000  }
0xa4: {  	[tilespmem:s23], [sflag:$0x2] =	stream.linear.gather [spmem:s26], $0x2000, $0x38;
	[tilespmem:$0x14910] =	vst v63  }
0xa5: {  	_ =	swait.ge [sflag:s21], $0x2000  }
0xa6: {  	[sflag:s21] =	ssyncset.done $0x0;
	s28 =	rddreg [dreg:$0x1e]  }
0xa7: {  	s0 =	sadd.s32 s28, s25;
	[sflag:s21] =	ssyncadd.s32 $0xFFFFE000  }
0xa8: {  	[hbm4b:s0+s3] =	stream.linear.scatter [tilespmem:s23], [sflag:$0x2], $0x2000, $0x38;
	[tilespmem:$0x14910] =	vst v63  }
0xa9: {  	_ =	swait.ge [sflag:s21], $0x2000  }
0xaa: {  	[sflag:s21] =	ssyncset.done $0x0  }
0xab: {  	s29 =	rddreg [dreg:$0xc];
	[sflag:s21] =	ssyncadd.s32 $0xFFFFE000  }
0xac: {  	[tilespmem:s23], [sflag:$0x2] =	stream.linear.gather [spmem:s29], $0x2000, $0x38;
	[tilespmem:$0x14910] =	vst v63  }
0xad: {  	_ =	swait.ge [sflag:s21], $0x2000  }
0xae: {  	[sflag:s21] =	ssyncset.done $0x0;
	s30 =	rddreg [dreg:$0x1d]  }
0xaf: {  	s0 =	sadd.s32 s30, s25;
	[sflag:s21] =	ssyncadd.s32 $0xFFFFE000  }
0xb0: {  	[hbm4b:s0+s3] =	stream.linear.scatter [tilespmem:s23], [sflag:$0x2], $0x2000, $0x38;
	[tilespmem:$0x14910] =	vst v63  }
0xb1: {  	_ =	swait.ge [sflag:s21], $0x2000  }
0xb2: {  	s31 =	sld [smem:$0x7F4];
	_ =	sdelay $0x1  }
0xb3: {  	s24 =	sadd.s32 $0x1, s24  }
0xb4: {  	p0 =	sne.s32 s24, s31  }
.Ltmp1:
0xb5: {  	_ = 	snop;
	(pc) =	sbr.rel @!p0 .LBB2_15-.Ltmp1, $3  }
0xb6: {  	[sflag:s21] =	ssyncset.done $0x0  }
0xb7: {  	[sflag:s21] =	ssyncadd.s32 $0xFFFFE000  }
0xb8: {  	[bflag:$0x0] =	sbarrier.arrive $0xFFFF;
	_ =	sdelay $0x1  }
.LBB2_1:
0xb9: {  	s8 =	simm.s32 $0x40;
	s25 =	simm.s32 $0x0  }
.LBB2_2:
0xba: {  	p0 =	sne.s32 s8, $0x7FC0;
	[tilespmem:s25+$0x880] =	vst v0;
	s25 =	smov.u32 s8;
	s8 =	sadd.s32 $0x40, s8  }
.Ltmp2:
0xbb: {  	(pc) =	sbr.rel @p0 .LBB2_2-.Ltmp2, $2  }
0xbc: {  	_ =	sdelay $0x2  }
0xbd: {  	s25 =	sshra.s32 s25, $0x2  }
0xbe: {  	[tilespmem:s25+$0x880] =	vst v0  }
0xbf: {  	[tilespmem:$0x2880] =	vst v1  }
0xc0: {  	[tilespmem:$0x2890] =	vst v1  }
0xc1: {  	[tilespmem:$0x28A0] =	vst v1  }
0xc2: {  	[tilespmem:$0x28B0] =	vst v1  }
0xc3: {  	[tilespmem:$0x28C0] =	vst v1  }
0xc4: {  	[tilespmem:$0x28D0] =	vst v1  }
0xc5: {  	[tilespmem:$0x28E0] =	vst v1  }
0xc6: {  	[tilespmem:$0x28F0] =	vst v1  }
0xc7: {  	[spmem:s6] =	stream.linear.scatter [tilespmem:s20], [sflag:$0x2], $0x2000, $0x38;
	[tilespmem:$0x14910] =	vst v63  }
0xc8: {  	_ =	swait.ge [sflag:s21], $0x2000  }
0xc9: {  	s0 =	sld [smem:$0x7EE];
	_ =	sdelay $0x2  }
0xca: {  	p0 =	seq.s32 s0, $0x1  }
.Ltmp3:
0xcb: {  	_ = 	snop;
	(pc) =	sbr.rel @!p0 .LBB2_4-.Ltmp3, $3  }
0xcc: {  	_ =	sdelay $0x1  }
0xcd: {  	[sflag:s21] =	ssyncset.done $0x0  }
0xce: {  	[sflag:s21] =	ssyncadd.s32 $0xFFFFE000  }
0xcf: {  	s0 =	sld [smem:$0x7FA];
	_ =	sdelay $0x2  }
0xd0: {  	[spmem:s0] =	stream.linear.scatter [tilespmem:s20], [sflag:$0x2], $0x2000, $0x38;
	[tilespmem:$0x14910] =	vst v63  }
0xd1: {  	_ =	swait.ge [sflag:s21], $0x2000  }
0xd2: {  	s1 =	sld [smem:$0x7FB]  }
0xd3: {  	[sflag:s21] =	ssyncset.done $0x0  }
0xd4: {  	[sflag:s21] =	ssyncadd.s32 $0xFFFFE000  }
0xd5: {  	[spmem:s1] =	stream.linear.scatter [tilespmem:s20], [sflag:$0x2], $0x2000, $0x38;
	[tilespmem:$0x14910] =	vst v63  }
0xd6: {  	_ =	swait.ge [sflag:s21], $0x2000  }
0xd7: {  	s4 =	sld [smem:$0x7FC]  }
0xd8: {  	[sflag:s21] =	ssyncset.done $0x0  }
0xd9: {  	[sflag:s21] =	ssyncadd.s32 $0xFFFFE000  }
0xda: {  	[spmem:s4] =	stream.linear.scatter [tilespmem:s20], [sflag:$0x2], $0x2000, $0x38;
	[tilespmem:$0x14910] =	vst v63  }
0xdb: {  	_ =	swait.ge [sflag:s21], $0x2000  }
0xdc: {  	s5 =	sld [smem:$0x7FD]  }
0xdd: {  	[sflag:s21] =	ssyncset.done $0x0  }
0xde: {  	[sflag:s21] =	ssyncadd.s32 $0xFFFFE000  }
0xdf: {  	[spmem:s5] =	stream.linear.scatter [tilespmem:s20], [sflag:$0x2], $0x2000, $0x38;
	[tilespmem:$0x14910] =	vst v63  }
0xe0: {  	_ =	swait.ge [sflag:s21], $0x2000  }
0xe1: {  	[sflag:s21] =	ssyncset.done $0x0  }
0xe2: {  	[sflag:s21] =	ssyncadd.s32 $0xFFFFE000  }
0xe3: {  	[spmem:s17] =	stream.linear.scatter [tilespmem:s20], [sflag:$0x2], $0x2000, $0x38;
	[tilespmem:$0x14910] =	vst v63  }
0xe4: {  	_ =	swait.ge [sflag:s21], $0x2000  }
0xe5: {  	[sflag:s21] =	ssyncset.done $0x0  }
0xe6: {  	[sflag:s21] =	ssyncadd.s32 $0xFFFFE000  }
0xe7: {  	[spmem:s18] =	stream.linear.scatter [tilespmem:s20], [sflag:$0x2], $0x2000, $0x38;
	[tilespmem:$0x14910] =	vst v63  }
0xe8: {  	_ =	swait.ge [sflag:s21], $0x2000  }
0xe9: {  	[sflag:s21] =	ssyncset.done $0x0  }
0xea: {  	[sflag:s21] =	ssyncadd.s32 $0xFFFFE000  }
0xeb: {  	[spmem:s19] =	stream.linear.scatter [tilespmem:s20], [sflag:$0x2], $0x2000, $0x38;
	[tilespmem:$0x14910] =	vst v63  }
0xec: {  	_ =	swait.ge [sflag:s21], $0x2000  }
0xed: {  	s8 =	sld [smem:$0x7F9]  }
0xee: {  	[sflag:s21] =	ssyncset.done $0x0  }
0xef: {  	[sflag:s21] =	ssyncadd.s32 $0xFFFFE000  }
0xf0: {  	[spmem:s8] =	stream.linear.scatter [tilespmem:s20], [sflag:$0x2], $0x10, $0x38;
	[tilespmem:$0x14910] =	vst v63  }
0xf1: {  	_ =	swait.ge [sflag:s21], $0x10  }
0xf2: {  	[sflag:s21] =	ssyncset.done $0x0  }
0xf3: {  	[sflag:s21] =	ssyncadd.s32 $0xFFFFFFF0  }
0xf4: {  	[bflag:$0x0] =	sbarrier.arrive $0xFFFF  }
0xf5: {  	s11 =	sld [smem:$0x7F6];
	_ =	sdelay $0x1  }
0xf6: {  	s25 =	simm.s32 $0x0  }
0xf7: {  	[tilespmem:s3], [sflag:$0x2] =	stream.linear.gather [hbm4b:s11+s3], $0x800, $0x38;
	[tilespmem:$0x14910] =	vst v63  }
0xf8: {  	s9 =	sand.u32 $0xF80, s25;
	_ =	swait.ge [sflag:s21], $0x800  }
0xf9: {  	s0 =	sadd.s32 s9, s16;
	s1 =	sand.u32 $0xE, s25;
	[sflag:s21] =	ssyncset.done $0x0  }
0xfa: {  	s0 =	sadd.s32 s1, s0;
	[sflag:s21] =	ssyncadd.s32 $0xFFFFF800  }
0xfb: {  	[tilespmem:s22], [sflag:$0x2] =	stream.linear.gather [hbm4b:s0+s3], $0x10, $0x38;
	[tilespmem:$0x14910] =	vst v63  }
0xfc: {  	_ =	swait.ge [sflag:s21], $0x10  }
0xfd: {  	[sflag:s21] =	ssyncset.done $0x0  }
0xfe: {  	[sflag:s21] =	ssyncadd.s32 $0xFFFFFFF0  }
0xff: {  	v2 =	vld [tilespmem:$0x800];
	_ =	sdelay $0x4  }
0x100: {  	(v2sf) =	vpush v2, $0x0;
	_ =	sdelay $0x1  }
0x101: {  	(v2sf) =	vpush v2, $0x2  }
0x102: {  	(v2sf) =	vpush v2, $0x5  }
0x103: {  	(v2sf) =	vpush v2, $0x3;
	_ =	sdelay $0x1  }
0x104: {  	(v2sf) =	vpush v2, $0x1  }
0x105: {  	(v2sf) =	vpush v2, $0x7  }
0x106: {  	(v2sf) =	vpush v2, $0x8;
	_ =	sdelay $0x1  }
0x107: {  	(v2sf) =	vpush v2, $0xC  }
0x108: {  	(v2sf) =	vpush v2, $0x6;
	_ =	sdelay $0x1  }
0x109: {  	(v2sf) =	vpush v2, $0xD;
	_ =	sdelay $0x1  }
0x10a: {  	s10 =	spop (v2sf);
	(v2sf) =	vpush v2, $0x4;
	_ =	sdelay $0x1  }
0x10b: {  	s12 =	spop (v2sf);
	p2 =	seq.s32 s10, $0x0  }
0x10c: {  	s4 =	spop (v2sf);
	s5 =	simm.s32 @!p2 $0x2880;
	p0 =	seq.s32 s12, $0x0  }
0x10d: {  	s8 =	simm.s32 @!p2 $0x0;
	s1 =	simm.s32 @!p2 $0x80;
	s13 =	spop (v2sf)  }
0x10e: {  	[spmem:s2] =	stream.indirect.scatter @!p2 [tilespmem:s5], [sflag:$0x1], $0x1, s8, s1, $0xb8;
	[tilespmem:$0x14910] =	vst v63  }
0x10f: {  	s9 =	simm.s32 @!p0 $0x80;
	s14 =	spop (v2sf)  }
0x110: {  	s10 =	simm.s32 @!p0 $0x100;
	p3 =	seq.s32 s14, $0x0;
	s15 =	spop (v2sf)  }
0x111: {  	s1 =	simm.s32 @!p3 $0x2880;
	s26 =	spop (v2sf);
	s8 =	simm.s32 @!p3 $0x80  }
0x112: {  	[spmem:s2] =	stream.indirect.scatter @!p3 [tilespmem:s1], [sflag:$0x1], $0x1, s8, s8, $0xb8;
	[tilespmem:$0x14910] =	vst v63  }
0x113: {  	p5 =	seq.s32 s4, $0x0;
	p1 =	seq.s32 s13, $0x0;
	s29 =	spop (v2sf)  }
0x114: {  	(v2sf) =	vpush v2, $0xA;
	s1 =	simm.s32 @!p1 $0x180;
	s8 =	simm.s32 @!p0 $0x2880;
	s30 =	spop (v2sf)  }
0x115: {  	[spmem:s2] =	stream.indirect.scatter @!p0 [tilespmem:s8], [sflag:$0x1], $0x1, s10, s9, $0xb8;
	[tilespmem:$0x14910] =	vst v63  }
0x116: {  	s9 =	simm.s32 @!p1 $0x80;
	s10 =	simm.s32 @!p1 $0x2880;
	s31 =	spop (v2sf)  }
0x117: {  	(v2sf) =	vpush v2, $0xB;
	[spmem:s2] =	stream.indirect.scatter @!p1 [tilespmem:s10], [sflag:$0x1], $0x1, s1, s9, $0xb8;
	[tilespmem:$0x14910] =	vst v63  }
0x118: {  	(v2sf) =	vpush v2, $0x9;
	s12 =	simm.s32 @!p5 $0x0;
	s13 =	spop (v2sf)  }
0x119: {  	s12 =	simm.s32 @p5 $0x1;
	p6 =	seq.s32 s13, $0x0  }
0x11a: {  	[smem:$0x7CC] =	sst s12;
	p4 =	seq.s32 s30, $0x0;
	s10 =	simm.s32 @!p6 $0x0  }
0x11b: {  	s12 =	simm.s32 @!p4 $0x0;
	s1 =	simm.s32 @!p6 $0x80;
	s10 =	simm.s32 @p6 $0x1  }
0x11c: {  	s4 =	simm.s32 @!p6 $0x2880;
	[smem:$0x7D5] =	sst s10;
	s10 =	simm.s32 @!p6 $0x200  }
0x11d: {  	[spmem:s2] =	stream.indirect.scatter @!p6 [tilespmem:s4], [sflag:$0x1], $0x1, s10, s1, $0xb8;
	[tilespmem:$0x14910] =	vst v63  }
0x11e: {  	s1 =	simm.s32 @!p5 $0x80;
	s4 =	simm.s32 @!p5 $0x280;
	s10 =	simm.s32 @!p5 $0x2880  }
0x11f: {  	[spmem:s2] =	stream.indirect.scatter @!p5 [tilespmem:s10], [sflag:$0x1], $0x1, s4, s1, $0xb8;
	[tilespmem:$0x14910] =	vst v63  }
0x120: {  	s1 =	simm.s32 @!p4 $0x80;
	s4 =	simm.s32 @!p4 $0x2880;
	s10 =	simm.s32 @!p4 $0x300  }
0x121: {  	[spmem:s2] =	stream.indirect.scatter @!p4 [tilespmem:s4], [sflag:$0x1], $0x1, s10, s1, $0xb8;
	[tilespmem:$0x14910] =	vst v63  }
0x122: {  	s12 =	simm.s32 @p4 $0x1;
	p4 =	seq.s32 s15, $0x0  }
0x123: {  	[smem:$0x7CD] =	sst s12;
	s14 =	spop (v2sf);
	s0 =	simm.s32 @!p4 $0x2880  }
0x124: {  	s4 =	simm.s32 @!p4 $0x80;
	s10 =	simm.s32 @!p4 $0x380;
	s12 =	simm.s32 @!p4 $0x0  }
0x125: {  	[spmem:s2] =	stream.indirect.scatter @!p4 [tilespmem:s0], [sflag:$0x1], $0x1, s10, s4, $0xb8;
	[tilespmem:$0x14910] =	vst v63  }
0x126: {  	s15 =	spop (v2sf);
	s12 =	simm.s32 @p4 $0x1;
	p4 =	seq.s32 s26, $0x0  }
0x127: {  	(v2sf) =	vpush v2, $0xF;
	s26 =	spop (v2sf);
	[smem:$0x7CE] =	sst s12;
	s4 =	simm.s32 @!p4 $0x80  }
0x128: {  	s5 =	simm.s32 @!p4 $0x400;
	s10 =	simm.s32 @!p4 $0x2880;
	s12 =	simm.s32 @!p4 $0x0  }
0x129: {  	(v2sf) =	vpush v2, $0xE;
	[spmem:s2] =	stream.indirect.scatter @!p4 [tilespmem:s10], [sflag:$0x1], $0x1, s5, s4, $0xb8;
	[tilespmem:$0x14910] =	vst v63  }
0x12a: {  	s12 =	simm.s32 @p4 $0x1;
	p4 =	seq.s32 s26, $0x0  }
0x12b: {  	[smem:$0x7CF] =	sst s12;
	s4 =	simm.s32 @!p4 $0x2880  }
0x12c: {  	s5 =	simm.s32 @!p4 $0x80;
	s10 =	simm.s32 @!p4 $0x480;
	s12 =	simm.s32 @!p4 $0x0  }
0x12d: {  	[spmem:s2] =	stream.indirect.scatter @!p4 [tilespmem:s4], [sflag:$0x1], $0x1, s10, s5, $0xb8;
	[tilespmem:$0x14910] =	vst v63  }
0x12e: {  	s12 =	simm.s32 @p4 $0x1;
	p4 =	seq.s32 s14, $0x0  }
0x12f: {  	s1 =	simm.s32 @!p4 $0x80  }
0x130: {  	s4 =	simm.s32 @!p4 $0x500;
	s5 =	simm.s32 @!p4 $0x2880;
	s10 =	simm.s32 @!p4 $0x0  }
0x131: {  	[spmem:s2] =	stream.indirect.scatter @!p4 [tilespmem:s5], [sflag:$0x1], $0x1, s4, s1, $0xb8;
	[tilespmem:$0x14910] =	vst v63  }
0x132: {  	[smem:$0x7D0] =	sst s12;
	s10 =	simm.s32 @p4 $0x1;
	p4 =	seq.s32 s15, $0x0  }
0x133: {  	p5 =	seq.s32 s31, $0x0;
	[smem:$0x7D1] =	sst s10;
	s0 =	simm.s32 @!p4 $0x2880  }
0x134: {  	s1 =	simm.s32 @!p4 $0x80;
	s4 =	simm.s32 @!p4 $0x580;
	s5 =	simm.s32 @!p4 $0x0  }
0x135: {  	[spmem:s2] =	stream.indirect.scatter @!p4 [tilespmem:s0], [sflag:$0x1], $0x1, s4, s1, $0xb8;
	[tilespmem:$0x14910] =	vst v63  }
0x136: {  	s5 =	simm.s32 @p4 $0x1;
	p4 =	seq.s32 s29, $0x0;
	s29 =	spop (v2sf)  }
0x137: {  	[smem:$0x7D2] =	sst s5;
	s0 =	simm.s32 @!p4 $0x80;
	s1 =	simm.s32 @!p4 $0x600  }
0x138: {  	s4 =	simm.s32 @!p4 $0x2880;
	s5 =	simm.s32 @!p4 $0x0;
	s30 =	spop (v2sf)  }
0x139: {  	[spmem:s2] =	stream.indirect.scatter @!p4 [tilespmem:s4], [sflag:$0x1], $0x1, s1, s0, $0xb8;
	[tilespmem:$0x14910] =	vst v63  }
0x13a: {  	p6 =	seq.s32 s29, $0x0;
	s5 =	simm.s32 @p4 $0x1;
	s1 =	simm.s32 @!p5 $0x80  }
0x13b: {  	s4 =	simm.s32 @!p5 $0x680;
	p4 =	seq.s32 s30, $0x0;
	s0 =	simm.s32 @!p6 $0x80  }
0x13c: {  	[smem:$0x7D3] =	sst s5;
	s5 =	simm.s32 @!p5 $0x2880;
	s8 =	simm.s32 @!p4 $0x0  }
0x13d: {  	[spmem:s2] =	stream.indirect.scatter @!p5 [tilespmem:s5], [sflag:$0x1], $0x1, s4, s1, $0xb8;
	[tilespmem:$0x14910] =	vst v63  }
0x13e: {  	s1 =	simm.s32 @!p4 $0x80;
	s4 =	simm.s32 @!p4 $0x700;
	s5 =	simm.s32 @!p4 $0x2880  }
0x13f: {  	[spmem:s2] =	stream.indirect.scatter @!p4 [tilespmem:s5], [sflag:$0x1], $0x1, s4, s1, $0xb8;
	[tilespmem:$0x14910] =	vst v63  }
0x140: {  	s8 =	simm.s32 @p4 $0x1;
	s1 =	simm.s32 @!p6 $0x780;
	s4 =	simm.s32 @!p6 $0x2880  }
0x141: {  	[spmem:s2] =	stream.indirect.scatter @!p6 [tilespmem:s4], [sflag:$0x1], $0x1, s1, s0, $0xb8;
	[tilespmem:$0x14910] =	vst v63  }
0x142: {  	[smem:$0x7D4] =	sst s8;
	s0 =	simm.s32 @!p2 $0x1  }
0x143: {  	_ =	swait.ge @!p2 [sflag:s0], $0x80  }
0x144: {  	[sflag:s0] =	ssyncset.done @!p2 $0x0  }
0x145: {  	[sflag:s0] =	ssyncadd.s32 @!p2 $0xFFFFFF80;
	s0 =	simm.s32 @!p3 $0x1  }
0x146: {  	_ =	swait.ge @!p3 [sflag:s0], $0x80  }
0x147: {  	[sflag:s0] =	ssyncset.done @!p3 $0x0  }
0x148: {  	[sflag:s0] =	ssyncadd.s32 @!p3 $0xFFFFFF80;
	s0 =	simm.s32 @!p0 $0x1  }
0x149: {  	_ =	swait.ge @!p0 [sflag:s0], $0x80  }
0x14a: {  	[sflag:s0] =	ssyncset.done @!p0 $0x0  }
0x14b: {  	[sflag:s0] =	ssyncadd.s32 @!p0 $0xFFFFFF80;
	s0 =	simm.s32 @!p1 $0x1  }
0x14c: {  	_ =	swait.ge @!p1 [sflag:s0], $0x80  }
0x14d: {  	s31 =	sld [smem:$0x7D5];
	_ =	sdelay $0x1  }
0x14e: {  	[sflag:s0] =	ssyncset.done @!p1 $0x0  }
0x14f: {  	[sflag:s0] =	ssyncadd.s32 @!p1 $0xFFFFFF80;
	p1 =	seq.s32 s31, $0x1  }
0x150: {  	s28 =	sadd.s32 $0x100, s11;
	s26 =	simm.s32 $0x2;
	s8 =	simm.s32 @!p1 $0x1  }
.LBB2_10:
0x151: {  	_ =	swait.ge @!p1 [sflag:s8], $0x80  }
0x152: {  	s0 =	smov.u32 s26;
	s26 =	sadd.s32 $0x2, s26;
	s4 =	sld [smem:$0x7CC]  }
0x153: {  	p0 =	sne.s32 s26, $0x200  }
0x154: {  	s1 =	simm.s32 @!p0 $0x0  }
0x155: {  	[sflag:s8] =	ssyncset.done @!p1 $0x0;
	s1 =	simm.s32 @p0 $0x1;
	p0 =	seq.s32 s4, $0x1  }
0x156: {  	[sflag:s8] =	ssyncadd.s32 @!p1 $0xFFFFFF80;
	[smem:$0x7CB] =	sst s1;
	s1 =	simm.s32 @!p0 $0x1  }
0x157: {  	_ =	swait.ge @!p0 [sflag:s1], $0x80  }
0x158: {  	s5 =	sld [smem:$0x7CD];
	_ =	sdelay $0x1  }
0x159: {  	[sflag:s1] =	ssyncset.done @!p0 $0x0  }
0x15a: {  	[sflag:s1] =	ssyncadd.s32 @!p0 $0xFFFFFF80;
	p0 =	seq.s32 s5, $0x1  }
0x15b: {  	s1 =	simm.s32 @!p0 $0x1  }
0x15c: {  	_ =	swait.ge @!p0 [sflag:s1], $0x80  }
0x15d: {  	s8 =	sld [smem:$0x7CE];
	_ =	sdelay $0x1  }
0x15e: {  	[sflag:s1] =	ssyncset.done @!p0 $0x0  }
0x15f: {  	[sflag:s1] =	ssyncadd.s32 @!p0 $0xFFFFFF80;
	p0 =	seq.s32 s8, $0x1  }
0x160: {  	s1 =	simm.s32 @!p0 $0x1  }
0x161: {  	_ =	swait.ge @!p0 [sflag:s1], $0x80  }
0x162: {  	s9 =	sld [smem:$0x7CF];
	_ =	sdelay $0x1  }
0x163: {  	[sflag:s1] =	ssyncset.done @!p0 $0x0  }
0x164: {  	[sflag:s1] =	ssyncadd.s32 @!p0 $0xFFFFFF80;
	p0 =	seq.s32 s9, $0x1  }
0x165: {  	s1 =	simm.s32 @!p0 $0x1  }
0x166: {  	_ =	swait.ge @!p0 [sflag:s1], $0x80  }
0x167: {  	s10 =	sld [smem:$0x7D0];
	_ =	sdelay $0x1  }
0x168: {  	[sflag:s1] =	ssyncset.done @!p0 $0x0  }
0x169: {  	[sflag:s1] =	ssyncadd.s32 @!p0 $0xFFFFFF80;
	p0 =	seq.s32 s10, $0x1  }
0x16a: {  	s1 =	simm.s32 @!p0 $0x1  }
0x16b: {  	_ =	swait.ge @!p0 [sflag:s1], $0x80  }
0x16c: {  	s11 =	sld [smem:$0x7D1];
	_ =	sdelay $0x1  }
0x16d: {  	[sflag:s1] =	ssyncset.done @!p0 $0x0  }
0x16e: {  	[sflag:s1] =	ssyncadd.s32 @!p0 $0xFFFFFF80;
	p0 =	seq.s32 s11, $0x1  }
0x16f: {  	s1 =	simm.s32 @!p0 $0x1  }
0x170: {  	_ =	swait.ge @!p0 [sflag:s1], $0x80  }
0x171: {  	s12 =	sld [smem:$0x7D2];
	_ =	sdelay $0x1  }
0x172: {  	[sflag:s1] =	ssyncset.done @!p0 $0x0  }
0x173: {  	[sflag:s1] =	ssyncadd.s32 @!p0 $0xFFFFFF80;
	p0 =	seq.s32 s12, $0x1  }
0x174: {  	s1 =	simm.s32 @!p0 $0x1  }
0x175: {  	_ =	swait.ge @!p0 [sflag:s1], $0x80  }
0x176: {  	s13 =	sld [smem:$0x7D3];
	_ =	sdelay $0x1  }
0x177: {  	[sflag:s1] =	ssyncset.done @!p0 $0x0  }
0x178: {  	[sflag:s1] =	ssyncadd.s32 @!p0 $0xFFFFFF80;
	p0 =	seq.s32 s13, $0x1  }
0x179: {  	s1 =	simm.s32 @!p0 $0x1  }
0x17a: {  	_ =	swait.ge @!p0 [sflag:s1], $0x80  }
0x17b: {  	[sflag:s1] =	ssyncset.done @!p0 $0x0  }
0x17c: {  	[sflag:s1] =	ssyncadd.s32 @!p0 $0xFFFFFF80;
	s1 =	simm.s32 @!p5 $0x1  }
0x17d: {  	_ =	swait.ge @!p5 [sflag:s1], $0x80  }
0x17e: {  	s14 =	sld [smem:$0x7D4];
	_ =	sdelay $0x2  }
0x17f: {  	[sflag:s1] =	ssyncset.done @!p5 $0x0;
	p0 =	seq.s32 s14, $0x1  }
0x180: {  	[sflag:s1] =	ssyncadd.s32 @!p5 $0xFFFFFF80;
	s1 =	simm.s32 @!p0 $0x1  }
0x181: {  	_ =	swait.ge @!p0 [sflag:s1], $0x80  }
0x182: {  	[sflag:s1] =	ssyncset.done @!p0 $0x0  }
0x183: {  	[sflag:s1] =	ssyncadd.s32 @!p0 $0xFFFFFF80;
	s1 =	simm.s32 @!p6 $0x1  }
0x184: {  	_ =	swait.ge @!p6 [sflag:s1], $0x80  }
0x185: {  	[sflag:s1] =	ssyncset.done @!p6 $0x0  }
0x186: {  	s25 =	sadd.s32 $0x10, s25;
	[sflag:s1] =	ssyncadd.s32 @!p6 $0xFFFFFF80  }
0x187: {  	[tilespmem:s3], [sflag:$0x2] =	stream.linear.gather [hbm4b:s28+s3], $0x800, $0x38;
	[tilespmem:$0x14910] =	vst v63  }
0x188: {  	s4 =	sand.u32 $0xF80, s25;
	_ =	swait.ge [sflag:s21], $0x800  }
0x189: {  	s0 =	sand.u32 $0xE, s0;
	s4 =	sadd.s32 s4, s16;
	[sflag:s21] =	ssyncset.done $0x0  }
0x18a: {  	s0 =	sadd.s32 s0, s4;
	[sflag:s21] =	ssyncadd.s32 $0xFFFFF800  }
0x18b: {  	[tilespmem:s22], [sflag:$0x2] =	stream.linear.gather [hbm4b:s0+s3], $0x10, $0x38;
	[tilespmem:$0x14910] =	vst v63  }
0x18c: {  	_ =	swait.ge [sflag:s21], $0x10  }
0x18d: {  	[sflag:s21] =	ssyncset.done $0x0  }
0x18e: {  	[sflag:s21] =	ssyncadd.s32 $0xFFFFFFF0  }
0x18f: {  	v2 =	vld [tilespmem:$0x800];
	_ =	sdelay $0x4  }
0x190: {  	(v2sf) =	vpush v2, $0x0  }
0x191: {  	(v2sf) =	vpush v2, $0x2  }
0x192: {  	(v2sf) =	vpush v2, $0x5;
	_ =	sdelay $0x2  }
0x193: {  	(v2sf) =	vpush v2, $0x3  }
0x194: {  	(v2sf) =	vpush v2, $0x1  }
0x195: {  	(v2sf) =	vpush v2, $0x7  }
0x196: {  	(v2sf) =	vpush v2, $0x8  }
0x197: {  	(v2sf) =	vpush v2, $0xC;
	_ =	sdelay $0x1  }
0x198: {  	(v2sf) =	vpush v2, $0x6  }
0x199: {  	(v2sf) =	vpush v2, $0xD;
	_ =	sdelay $0x1  }
0x19a: {  	(v2sf) =	vpush v2, $0x4  }
0x19b: {  	s15 =	spop (v2sf)  }
0x19c: {  	p2 =	seq.s32 s15, $0x0;
	s29 =	spop (v2sf)  }
0x19d: {  	s1 =	simm.s32 @!p2 $0x2880;
	p3 =	seq.s32 s29, $0x0;
	s0 =	spop (v2sf)  }
0x19e: {  	s4 =	simm.s32 @!p2 $0x0;
	s8 =	simm.s32 @!p2 $0x80;
	s5 =	simm.s32 @!p3 $0x80  }
0x19f: {  	[spmem:s2] =	stream.indirect.scatter @!p2 [tilespmem:s1], [sflag:$0x1], $0x1, s4, s8, $0xb8;
	[tilespmem:$0x14910] =	vst v63  }
0x1a0: {  	s30 =	spop (v2sf);
	s1 =	simm.s32 @!p3 $0x2880;
	s8 =	simm.s32 @!p3 $0x100  }
0x1a1: {  	p5 =	seq.s32 s0, $0x0;
	s9 =	spop (v2sf);
	p1 =	seq.s32 s30, $0x0  }
0x1a2: {  	(v2sf) =	vpush v2, $0xA;
	p0 =	seq.s32 s9, $0x0;
	s9 =	spop (v2sf);
	s14 =	simm.s32 @!p1 $0x80  }
0x1a3: {  	s15 =	simm.s32 @!p1 $0x2880;
	s10 =	simm.s32 @!p0 $0x2880;
	s11 =	spop (v2sf)  }
0x1a4: {  	(v2sf) =	vpush v2, $0xB;
	s12 =	simm.s32 @!p0 $0x80;
	s13 =	simm.s32 @!p0 $0x0;
	s30 =	spop (v2sf)  }
0x1a5: {  	[spmem:s2] =	stream.indirect.scatter @!p0 [tilespmem:s10], [sflag:$0x1], $0x1, s12, s12, $0xb8;
	[tilespmem:$0x14910] =	vst v63  }
0x1a6: {  	p6 =	seq.s32 s9, $0x0;
	s13 =	simm.s32 @p0 $0x1;
	s31 =	spop (v2sf)  }
0x1a7: {  	(v2sf) =	vpush v2, $0x9;
	s9 =	simm.s32 @!p6 $0x2880;
	[smem:$0x7CA] =	sst s13;
	s29 =	spop (v2sf)  }
0x1a8: {  	[spmem:s2] =	stream.indirect.scatter @!p3 [tilespmem:s1], [sflag:$0x1], $0x1, s8, s5, $0xb8;
	[tilespmem:$0x14910] =	vst v63  }
0x1a9: {  	s13 =	simm.s32 @!p1 $0x180;
	p4 =	seq.s32 s31, $0x0;
	s31 =	spop (v2sf)  }
0x1aa: {  	[spmem:s2] =	stream.indirect.scatter @!p1 [tilespmem:s15], [sflag:$0x1], $0x1, s13, s14, $0xb8;
	[tilespmem:$0x14910] =	vst v63  }
0x1ab: {  	s10 =	simm.s32 @!p4 $0x80;
	p0 =	seq.s32 s31, $0x0;
	s13 =	simm.s32 @!p5 $0x0  }
0x1ac: {  	s4 =	simm.s32 @!p0 $0x0;
	s5 =	simm.s32 @!p0 $0x80;
	s8 =	simm.s32 @!p0 $0x200  }
0x1ad: {  	s0 =	simm.s32 @!p0 $0x2880;
	s13 =	simm.s32 @p5 $0x1;
	s4 =	simm.s32 @p0 $0x1  }
0x1ae: {  	[spmem:s2] =	stream.indirect.scatter @!p0 [tilespmem:s0], [sflag:$0x1], $0x1, s8, s5, $0xb8;
	[tilespmem:$0x14910] =	vst v63  }
0x1af: {  	s0 =	simm.s32 @!p5 $0x80;
	s5 =	simm.s32 @!p5 $0x280;
	s8 =	simm.s32 @!p5 $0x2880  }
0x1b0: {  	[smem:$0x7CC] =	sst s13;
	s13 =	simm.s32 @!p4 $0x0;
	p0 =	seq.s32 s29, $0x0  }
0x1b1: {  	[smem:$0x7D5] =	sst s4;
	s4 =	spop (v2sf);
	s13 =	simm.s32 @p4 $0x1  }
0x1b2: {  	[spmem:s2] =	stream.indirect.scatter @!p5 [tilespmem:s8], [sflag:$0x1], $0x1, s5, s0, $0xb8;
	[tilespmem:$0x14910] =	vst v63  }
0x1b3: {  	s1 =	spop (v2sf);
	s0 =	simm.s32 @!p4 $0x2880;
	s5 =	simm.s32 @!p4 $0x300  }
0x1b4: {  	[spmem:s2] =	stream.indirect.scatter @!p4 [tilespmem:s0], [sflag:$0x1], $0x1, s5, s10, $0xb8;
	[tilespmem:$0x14910] =	vst v63  }
0x1b5: {  	[smem:$0x7CD] =	sst s13;
	s0 =	simm.s32 @!p6 $0x80;
	s10 =	simm.s32 @!p6 $0x0  }
0x1b6: {  	s5 =	simm.s32 @!p6 $0x380;
	s31 =	spop (v2sf);
	s10 =	simm.s32 @p6 $0x1  }
0x1b7: {  	(v2sf) =	vpush v2, $0xF;
	p4 =	seq.s32 s11, $0x0;
	p5 =	seq.s32 s31, $0x0;
	[smem:$0x7CE] =	sst s10  }
0x1b8: {  	[spmem:s2] =	stream.indirect.scatter @!p6 [tilespmem:s9], [sflag:$0x1], $0x1, s5, s0, $0xb8;
	[tilespmem:$0x14910] =	vst v63  }
0x1b9: {  	s0 =	simm.s32 @!p4 $0x80;
	s5 =	simm.s32 @!p4 $0x400;
	s10 =	simm.s32 @!p4 $0x0  }
0x1ba: {  	s9 =	simm.s32 @!p4 $0x2880;
	p6 =	seq.s32 s30, $0x0;
	s10 =	simm.s32 @p4 $0x1  }
0x1bb: {  	(v2sf) =	vpush v2, $0xE;
	s12 =	simm.s32 @!p5 $0x2880;
	s11 =	simm.s32 @!p6 $0x600;
	[smem:$0x7CF] =	sst s10  }
0x1bc: {  	[spmem:s2] =	stream.indirect.scatter @!p4 [tilespmem:s9], [sflag:$0x1], $0x1, s5, s0, $0xb8;
	[tilespmem:$0x14910] =	vst v63  }
0x1bd: {  	s0 =	simm.s32 @!p5 $0x80;
	p4 =	seq.s32 s4, $0x0;
	s4 =	simm.s32 @!p5 $0x0  }
0x1be: {  	s5 =	simm.s32 @!p5 $0x480;
	s10 =	simm.s32 @!p6 $0x80;
	s4 =	simm.s32 @p5 $0x1  }
0x1bf: {  	[spmem:s2] =	stream.indirect.scatter @!p5 [tilespmem:s12], [sflag:$0x1], $0x1, s5, s0, $0xb8;
	[tilespmem:$0x14910] =	vst v63  }
0x1c0: {  	s9 =	simm.s32 @!p4 $0x0;
	[smem:$0x7D0] =	sst s4;
	s0 =	simm.s32 @!p4 $0x80  }
0x1c1: {  	s4 =	simm.s32 @!p4 $0x500;
	s9 =	simm.s32 @p4 $0x1;
	p5 =	seq.s32 s1, $0x0  }
0x1c2: {  	s5 =	simm.s32 @!p4 $0x2880;
	[smem:$0x7D1] =	sst s9;
	s1 =	simm.s32 @!p5 $0x2880  }
0x1c3: {  	[spmem:s2] =	stream.indirect.scatter @!p4 [tilespmem:s5], [sflag:$0x1], $0x1, s4, s0, $0xb8;
	[tilespmem:$0x14910] =	vst v63  }
0x1c4: {  	s9 =	simm.s32 @!p5 $0x580;
	s13 =	simm.s32 @!p5 $0x0;
	s0 =	simm.s32 @!p5 $0x80  }
0x1c5: {  	[spmem:s2] =	stream.indirect.scatter @!p5 [tilespmem:s1], [sflag:$0x1], $0x1, s9, s0, $0xb8;
	[tilespmem:$0x14910] =	vst v63  }
0x1c6: {  	s14 =	spop (v2sf);
	s12 =	simm.s32 @!p6 $0x2880;
	s13 =	simm.s32 @p5 $0x1  }
0x1c7: {  	[spmem:s2] =	stream.indirect.scatter @!p6 [tilespmem:s12], [sflag:$0x1], $0x1, s11, s10, $0xb8;
	[tilespmem:$0x14910] =	vst v63  }
0x1c8: {  	s0 =	simm.s32 @!p0 $0x80;
	s1 =	simm.s32 @!p0 $0x680;
	s9 =	simm.s32 @!p0 $0x2880  }
0x1c9: {  	[spmem:s2] =	stream.indirect.scatter @!p0 [tilespmem:s9], [sflag:$0x1], $0x1, s1, s0, $0xb8;
	[tilespmem:$0x14910] =	vst v63  }
0x1ca: {  	[smem:$0x7D2] =	sst s13;
	s13 =	simm.s32 @!p6 $0x0;
	s15 =	spop (v2sf)  }
0x1cb: {  	s13 =	simm.s32 @p6 $0x1;
	p4 =	seq.s32 s15, $0x0  }
0x1cc: {  	[smem:$0x7D3] =	sst s13;
	p6 =	seq.s32 s14, $0x0;
	s4 =	simm.s32 @!p4 $0x80  }
0x1cd: {  	s5 =	simm.s32 @!p4 $0x700;
	s0 =	simm.s32 @!p4 $0x2880;
	s8 =	simm.s32 @!p4 $0x0  }
0x1ce: {  	[spmem:s2] =	stream.indirect.scatter @!p4 [tilespmem:s0], [sflag:$0x1], $0x1, s5, s4, $0xb8;
	[tilespmem:$0x14910] =	vst v63  }
0x1cf: {  	s1 =	simm.s32 @!p2 $0x1;
	s8 =	simm.s32 @p4 $0x1;
	s0 =	simm.s32 @!p6 $0x80  }
0x1d0: {  	s4 =	simm.s32 @!p6 $0x780;
	s5 =	simm.s32 @!p6 $0x2880;
	[smem:$0x7D4] =	sst s8  }
0x1d1: {  	[spmem:s2] =	stream.indirect.scatter @!p6 [tilespmem:s5], [sflag:$0x1], $0x1, s4, s0, $0xb8;
	[tilespmem:$0x14910] =	vst v63  }
0x1d2: {  	_ =	swait.ge @!p2 [sflag:s1], $0x80  }
0x1d3: {  	s29 =	sld [smem:$0x7CA];
	_ =	sdelay $0x2  }
0x1d4: {  	p5 =	por p0, p0;
	[sflag:s1] =	ssyncset.done @!p2 $0x0;
	p0 =	seq.s32 s29, $0x1  }
0x1d5: {  	[sflag:s1] =	ssyncadd.s32 @!p2 $0xFFFFFF80;
	s0 =	simm.s32 @!p0 $0x1  }
0x1d6: {  	_ =	swait.ge @!p0 [sflag:s0], $0x80  }
0x1d7: {  	[sflag:s0] =	ssyncset.done @!p0 $0x0  }
0x1d8: {  	[sflag:s0] =	ssyncadd.s32 @!p0 $0xFFFFFF80;
	s0 =	simm.s32 @!p3 $0x1  }
0x1d9: {  	_ =	swait.ge @!p3 [sflag:s0], $0x80  }
0x1da: {  	[sflag:s0] =	ssyncset.done @!p3 $0x0  }
0x1db: {  	[sflag:s0] =	ssyncadd.s32 @!p3 $0xFFFFFF80;
	s0 =	simm.s32 @!p1 $0x1  }
0x1dc: {  	_ =	swait.ge @!p1 [sflag:s0], $0x80  }
0x1dd: {  	s31 =	sld [smem:$0x7CB];
	_ =	sdelay $0x2  }
0x1de: {  	p0 =	seq.s32 s31, $0x1  }
.Ltmp4:
0x1df: {  	s30 =	sld [smem:$0x7D5];
	(pc) =	sbr.rel @p0 .LBB2_10-.Ltmp4, $4  }
0x1e0: {  	_ = 	snop  }
0x1e1: {  	[sflag:s0] =	ssyncset.done @!p1 $0x0  }
0x1e2: {  	[sflag:s0] =	ssyncadd.s32 @!p1 $0xFFFFFF80;
	p1 =	seq.s32 s30, $0x1  }
0x1e3: {  	s28 =	sadd.s32 $0x100, s28;
	s8 =	simm.s32 @!p1 $0x1  }
0x1e4: {  	_ =	swait.ge @!p1 [sflag:s8], $0x80  }
0x1e5: {  	s0 =	sld [smem:$0x7CC];
	_ =	sdelay $0x2  }
0x1e6: {  	[sflag:s8] =	ssyncset.done @!p1 $0x0;
	p0 =	seq.s32 s0, $0x1  }
0x1e7: {  	[sflag:s8] =	ssyncadd.s32 @!p1 $0xFFFFFF80;
	s0 =	simm.s32 @!p0 $0x1  }
0x1e8: {  	_ =	swait.ge @!p0 [sflag:s0], $0x80  }
0x1e9: {  	s11 =	sld [smem:$0x7CD];
	_ =	sdelay $0x1  }
0x1ea: {  	[sflag:s0] =	ssyncset.done @!p0 $0x0  }
0x1eb: {  	[sflag:s0] =	ssyncadd.s32 @!p0 $0xFFFFFF80;
	p0 =	seq.s32 s11, $0x1  }
0x1ec: {  	s0 =	simm.s32 @!p0 $0x1  }
0x1ed: {  	_ =	swait.ge @!p0 [sflag:s0], $0x80  }
0x1ee: {  	s12 =	sld [smem:$0x7CE];
	_ =	sdelay $0x1  }
0x1ef: {  	[sflag:s0] =	ssyncset.done @!p0 $0x0  }
0x1f0: {  	[sflag:s0] =	ssyncadd.s32 @!p0 $0xFFFFFF80;
	p0 =	seq.s32 s12, $0x1  }
0x1f1: {  	s0 =	simm.s32 @!p0 $0x1  }
0x1f2: {  	_ =	swait.ge @!p0 [sflag:s0], $0x80  }
0x1f3: {  	s13 =	sld [smem:$0x7CF];
	_ =	sdelay $0x1  }
0x1f4: {  	[sflag:s0] =	ssyncset.done @!p0 $0x0  }
0x1f5: {  	[sflag:s0] =	ssyncadd.s32 @!p0 $0xFFFFFF80;
	p0 =	seq.s32 s13, $0x1  }
0x1f6: {  	s0 =	simm.s32 @!p0 $0x1  }
0x1f7: {  	_ =	swait.ge @!p0 [sflag:s0], $0x80  }
0x1f8: {  	s14 =	sld [smem:$0x7D0];
	_ =	sdelay $0x1  }
0x1f9: {  	[sflag:s0] =	ssyncset.done @!p0 $0x0  }
0x1fa: {  	[sflag:s0] =	ssyncadd.s32 @!p0 $0xFFFFFF80;
	p0 =	seq.s32 s14, $0x1  }
0x1fb: {  	s0 =	simm.s32 @!p0 $0x1  }
0x1fc: {  	_ =	swait.ge @!p0 [sflag:s0], $0x80  }
0x1fd: {  	s15 =	sld [smem:$0x7D1];
	_ =	sdelay $0x1  }
0x1fe: {  	[sflag:s0] =	ssyncset.done @!p0 $0x0  }
0x1ff: {  	[sflag:s0] =	ssyncadd.s32 @!p0 $0xFFFFFF80;
	p0 =	seq.s32 s15, $0x1  }
0x200: {  	s0 =	simm.s32 @!p0 $0x1  }
0x201: {  	_ =	swait.ge @!p0 [sflag:s0], $0x80  }
0x202: {  	s25 =	sld [smem:$0x7D2];
	_ =	sdelay $0x1  }
0x203: {  	[sflag:s0] =	ssyncset.done @!p0 $0x0  }
0x204: {  	[sflag:s0] =	ssyncadd.s32 @!p0 $0xFFFFFF80;
	p0 =	seq.s32 s25, $0x1  }
0x205: {  	s0 =	simm.s32 @!p0 $0x1  }
0x206: {  	_ =	swait.ge @!p0 [sflag:s0], $0x80  }
0x207: {  	s26 =	sld [smem:$0x7D3];
	_ =	sdelay $0x1  }
0x208: {  	[sflag:s0] =	ssyncset.done @!p0 $0x0  }
0x209: {  	[sflag:s0] =	ssyncadd.s32 @!p0 $0xFFFFFF80;
	p0 =	seq.s32 s26, $0x1  }
0x20a: {  	s0 =	simm.s32 @!p0 $0x1  }
0x20b: {  	_ =	swait.ge @!p0 [sflag:s0], $0x80  }
0x20c: {  	[sflag:s0] =	ssyncset.done @!p0 $0x0  }
0x20d: {  	[sflag:s0] =	ssyncadd.s32 @!p0 $0xFFFFFF80;
	s0 =	simm.s32 @!p5 $0x1  }
0x20e: {  	_ =	swait.ge @!p5 [sflag:s0], $0x80  }
0x20f: {  	s29 =	sld [smem:$0x7D4];
	_ =	sdelay $0x2  }
0x210: {  	[sflag:s0] =	ssyncset.done @!p5 $0x0;
	p0 =	seq.s32 s29, $0x1  }
0x211: {  	[sflag:s0] =	ssyncadd.s32 @!p5 $0xFFFFFF80;
	s0 =	simm.s32 @!p0 $0x1  }
0x212: {  	_ =	swait.ge @!p0 [sflag:s0], $0x80  }
0x213: {  	[sflag:s0] =	ssyncset.done @!p0 $0x0  }
0x214: {  	[sflag:s0] =	ssyncadd.s32 @!p0 $0xFFFFFF80;
	s0 =	simm.s32 @!p6 $0x1  }
0x215: {  	_ =	swait.ge @!p6 [sflag:s0], $0x80  }
0x216: {  	[sflag:s0] =	ssyncset.done @!p6 $0x0  }
0x217: {  	[sflag:s0] =	ssyncadd.s32 @!p6 $0xFFFFFF80  }
0x218: {  	[bflag:$0x0] =	sbarrier.arrive $0xFFFF  }
0x219: {  	s30 =	rddreg [dreg:$0x5]  }
0x21a: {  	[tilespmem:s23], [sflag:$0x2] =	stream.linear.gather [spmem:s30], $0x2000, $0x38;
	[tilespmem:$0x14910] =	vst v63  }
0x21b: {  	_ =	swait.ge [sflag:s21], $0x2000  }
0x21c: {  	[sflag:s21] =	ssyncset.done $0x0  }
0x21d: {  	s25 =	simm.s32 $0x0;
	s31 =	rddreg [dreg:$0x1c];
	[sflag:s21] =	ssyncadd.s32 $0xFFFFE000  }
0x21e: {  	[hbm4b:s31+s25] =	stream.linear.scatter [tilespmem:s23], [sflag:$0x2], $0x2000, $0x38;
	[tilespmem:$0x14910] =	vst v63  }
0x21f: {  	_ =	swait.ge [sflag:s21], $0x2000  }
0x220: {  	[sflag:s21] =	ssyncset.done $0x0  }
0x221: {  	s1 =	rddreg [dreg:$0x6];
	[sflag:s21] =	ssyncadd.s32 $0xFFFFE000  }
0x222: {  	[tilespmem:s23], [sflag:$0x2] =	stream.linear.gather [spmem:s1], $0x2000, $0x38;
	[tilespmem:$0x14910] =	vst v63  }
0x223: {  	_ =	swait.ge [sflag:s21], $0x2000  }
0x224: {  	[sflag:s21] =	ssyncset.done $0x0  }
0x225: {  	s4 =	rddreg [dreg:$0xe];
	[sflag:s21] =	ssyncadd.s32 $0xFFFFE000  }
0x226: {  	[hbm4b:s4+s25] =	stream.linear.scatter [tilespmem:s23], [sflag:$0x2], $0x2000, $0x38;
	[tilespmem:$0x14910] =	vst v63  }
0x227: {  	_ =	swait.ge [sflag:s21], $0x2000  }
0x228: {  	[sflag:s21] =	ssyncset.done $0x0  }
0x229: {  	s5 =	rddreg [dreg:$0x7];
	[sflag:s21] =	ssyncadd.s32 $0xFFFFE000  }
0x22a: {  	[tilespmem:s23], [sflag:$0x2] =	stream.linear.gather [spmem:s5], $0x2000, $0x38;
	[tilespmem:$0x14910] =	vst v63  }
0x22b: {  	_ =	swait.ge [sflag:s21], $0x2000  }
0x22c: {  	[sflag:s21] =	ssyncset.done $0x0  }
0x22d: {  	s8 =	rddreg [dreg:$0x10];
	[sflag:s21] =	ssyncadd.s32 $0xFFFFE000  }
0x22e: {  	[hbm4b:s8+s25] =	stream.linear.scatter [tilespmem:s23], [sflag:$0x2], $0x2000, $0x38;
	[tilespmem:$0x14910] =	vst v63  }
0x22f: {  	_ =	swait.ge [sflag:s21], $0x2000  }
0x230: {  	[sflag:s21] =	ssyncset.done $0x0  }
0x231: {  	s9 =	rddreg [dreg:$0x8];
	[sflag:s21] =	ssyncadd.s32 $0xFFFFE000  }
0x232: {  	[tilespmem:s23], [sflag:$0x2] =	stream.linear.gather [spmem:s9], $0x2000, $0x38;
	[tilespmem:$0x14910] =	vst v63  }
0x233: {  	_ =	swait.ge [sflag:s21], $0x2000  }
0x234: {  	[sflag:s21] =	ssyncset.done $0x0  }
0x235: {  	s10 =	rddreg [dreg:$0x12];
	[sflag:s21] =	ssyncadd.s32 $0xFFFFE000  }
0x236: {  	[hbm4b:s10+s25] =	stream.linear.scatter [tilespmem:s23], [sflag:$0x2], $0x2000, $0x38;
	[tilespmem:$0x14910] =	vst v63  }
0x237: {  	_ =	swait.ge [sflag:s21], $0x2000  }
0x238: {  	[sflag:s21] =	ssyncset.done $0x0  }
0x239: {  	s11 =	rddreg [dreg:$0x9];
	[sflag:s21] =	ssyncadd.s32 $0xFFFFE000  }
0x23a: {  	[tilespmem:s23], [sflag:$0x2] =	stream.linear.gather [spmem:s11], $0x2000, $0x38;
	[tilespmem:$0x14910] =	vst v63  }
0x23b: {  	_ =	swait.ge [sflag:s21], $0x2000  }
0x23c: {  	[sflag:s21] =	ssyncset.done $0x0  }
0x23d: {  	s12 =	rddreg [dreg:$0x14];
	[sflag:s21] =	ssyncadd.s32 $0xFFFFE000  }
0x23e: {  	[hbm4b:s12+s25] =	stream.linear.scatter [tilespmem:s23], [sflag:$0x2], $0x2000, $0x38;
	[tilespmem:$0x14910] =	vst v63  }
0x23f: {  	_ =	swait.ge [sflag:s21], $0x2000  }
0x240: {  	[sflag:s21] =	ssyncset.done $0x0  }
0x241: {  	s13 =	rddreg [dreg:$0xa];
	[sflag:s21] =	ssyncadd.s32 $0xFFFFE000  }
0x242: {  	[tilespmem:s23], [sflag:$0x2] =	stream.linear.gather [spmem:s13], $0x2000, $0x38;
	[tilespmem:$0x14910] =	vst v63  }
0x243: {  	_ =	swait.ge [sflag:s21], $0x2000  }
0x244: {  	[sflag:s21] =	ssyncset.done $0x0  }
0x245: {  	s14 =	rddreg [dreg:$0x16];
	[sflag:s21] =	ssyncadd.s32 $0xFFFFE000  }
0x246: {  	[hbm4b:s14+s25] =	stream.linear.scatter [tilespmem:s23], [sflag:$0x2], $0x2000, $0x38;
	[tilespmem:$0x14910] =	vst v63  }
0x247: {  	_ =	swait.ge [sflag:s21], $0x2000  }
0x248: {  	[sflag:s21] =	ssyncset.done $0x0  }
0x249: {  	s15 =	rddreg [dreg:$0xb];
	[sflag:s21] =	ssyncadd.s32 $0xFFFFE000  }
0x24a: {  	[tilespmem:s23], [sflag:$0x2] =	stream.linear.gather [spmem:s15], $0x2000, $0x38;
	[tilespmem:$0x14910] =	vst v63  }
0x24b: {  	_ =	swait.ge [sflag:s21], $0x2000  }
0x24c: {  	[sflag:s21] =	ssyncset.done $0x0  }
0x24d: {  	s26 =	rddreg [dreg:$0x18];
	[sflag:s21] =	ssyncadd.s32 $0xFFFFE000  }
0x24e: {  	[hbm4b:s26+s25] =	stream.linear.scatter [tilespmem:s23], [sflag:$0x2], $0x2000, $0x38;
	[tilespmem:$0x14910] =	vst v63  }
0x24f: {  	_ =	swait.ge [sflag:s21], $0x2000  }
0x250: {  	[sflag:s21] =	ssyncset.done $0x0  }
0x251: {  	s29 =	rddreg [dreg:$0xc];
	[sflag:s21] =	ssyncadd.s32 $0xFFFFE000  }
0x252: {  	[tilespmem:s23], [sflag:$0x2] =	stream.linear.gather [spmem:s29], $0x2000, $0x38;
	[tilespmem:$0x14910] =	vst v63  }
0x253: {  	_ =	swait.ge [sflag:s21], $0x2000  }
0x254: {  	[sflag:s21] =	ssyncset.done $0x0  }
0x255: {  	s30 =	rddreg [dreg:$0x1a];
	[sflag:s21] =	ssyncadd.s32 $0xFFFFE000  }
0x256: {  	[hbm4b:s30+s25] =	stream.linear.scatter [tilespmem:s23], [sflag:$0x2], $0x2000, $0x38;
	[tilespmem:$0x14910] =	vst v63  }
0x257: {  	_ =	swait.ge [sflag:s21], $0x2000  }
0x258: {  	[sflag:s21] =	ssyncset.done $0x0  }
0x259: {  	[sflag:s21] =	ssyncadd.s32 $0xFFFFE000  }
0x25a: {  	[bflag:$0x0] =	sbarrier.arrive $0xFFFF  }
0x25b: {  	[spmem:s6] =	stream.linear.scatter [tilespmem:s20], [sflag:$0x2], $0x2000, $0x38;
	[tilespmem:$0x14910] =	vst v63  }
0x25c: {  	_ =	swait.ge [sflag:s21], $0x2000  }
0x25d: {  	s31 =	sld [smem:$0x7FA]  }
0x25e: {  	[sflag:s21] =	ssyncset.done $0x0  }
0x25f: {  	[sflag:s21] =	ssyncadd.s32 $0xFFFFE000  }
0x260: {  	[spmem:s31] =	stream.linear.scatter [tilespmem:s20], [sflag:$0x2], $0x2000, $0x38;
	[tilespmem:$0x14910] =	vst v63  }
0x261: {  	_ =	swait.ge [sflag:s21], $0x2000  }
0x262: {  	s1 =	sld [smem:$0x7FB]  }
0x263: {  	[sflag:s21] =	ssyncset.done $0x0  }
0x264: {  	[sflag:s21] =	ssyncadd.s32 $0xFFFFE000  }
0x265: {  	[spmem:s1] =	stream.linear.scatter [tilespmem:s20], [sflag:$0x2], $0x2000, $0x38;
	[tilespmem:$0x14910] =	vst v63  }
0x266: {  	_ =	swait.ge [sflag:s21], $0x2000  }
0x267: {  	s4 =	sld [smem:$0x7FC]  }
0x268: {  	[sflag:s21] =	ssyncset.done $0x0  }
0x269: {  	[sflag:s21] =	ssyncadd.s32 $0xFFFFE000  }
0x26a: {  	[spmem:s4] =	stream.linear.scatter [tilespmem:s20], [sflag:$0x2], $0x2000, $0x38;
	[tilespmem:$0x14910] =	vst v63  }
0x26b: {  	_ =	swait.ge [sflag:s21], $0x2000  }
0x26c: {  	s5 =	sld [smem:$0x7FD]  }
0x26d: {  	[sflag:s21] =	ssyncset.done $0x0  }
0x26e: {  	[sflag:s21] =	ssyncadd.s32 $0xFFFFE000  }
0x26f: {  	[spmem:s5] =	stream.linear.scatter [tilespmem:s20], [sflag:$0x2], $0x2000, $0x38;
	[tilespmem:$0x14910] =	vst v63  }
0x270: {  	_ =	swait.ge [sflag:s21], $0x2000  }
0x271: {  	[sflag:s21] =	ssyncset.done $0x0  }
0x272: {  	[sflag:s21] =	ssyncadd.s32 $0xFFFFE000  }
0x273: {  	[spmem:s17] =	stream.linear.scatter [tilespmem:s20], [sflag:$0x2], $0x2000, $0x38;
	[tilespmem:$0x14910] =	vst v63  }
0x274: {  	_ =	swait.ge [sflag:s21], $0x2000  }
0x275: {  	[sflag:s21] =	ssyncset.done $0x0  }
0x276: {  	[sflag:s21] =	ssyncadd.s32 $0xFFFFE000  }
0x277: {  	[spmem:s18] =	stream.linear.scatter [tilespmem:s20], [sflag:$0x2], $0x2000, $0x38;
	[tilespmem:$0x14910] =	vst v63  }
0x278: {  	_ =	swait.ge [sflag:s21], $0x2000  }
0x279: {  	[sflag:s21] =	ssyncset.done $0x0  }
0x27a: {  	[sflag:s21] =	ssyncadd.s32 $0xFFFFE000  }
0x27b: {  	[spmem:s19] =	stream.linear.scatter [tilespmem:s20], [sflag:$0x2], $0x2000, $0x38;
	[tilespmem:$0x14910] =	vst v63  }
0x27c: {  	_ =	swait.ge [sflag:s21], $0x2000  }
0x27d: {  	s8 =	sld [smem:$0x7F9]  }
0x27e: {  	[sflag:s21] =	ssyncset.done $0x0  }
0x27f: {  	[sflag:s21] =	ssyncadd.s32 $0xFFFFE000  }
0x280: {  	[spmem:s8] =	stream.linear.scatter [tilespmem:s20], [sflag:$0x2], $0x10, $0x38;
	[tilespmem:$0x14910] =	vst v63  }
0x281: {  	_ =	swait.ge [sflag:s21], $0x10  }
0x282: {  	[sflag:s21] =	ssyncset.done $0x0  }
0x283: {  	[sflag:s21] =	ssyncadd.s32 $0xFFFFFFF0  }
0x284: {  	[bflag:$0x0] =	sbarrier.arrive $0xFFFF  }
0x285: {  	s11 =	sld [smem:$0x7F8];
	_ =	sdelay $0x2  }
0x286: {  	[tilespmem:s3], [sflag:$0x2] =	stream.linear.gather [hbm4b:s11+s3], $0x800, $0x38;
	[tilespmem:$0x14910] =	vst v63  }
0x287: {  	s9 =	sand.u32 $0xF80, s25;
	_ =	swait.ge [sflag:s21], $0x800  }
0x288: {  	s0 =	sadd.s32 s9, s16;
	s1 =	sand.u32 $0xE, s25;
	[sflag:s21] =	ssyncset.done $0x0  }
0x289: {  	s0 =	sadd.s32 s1, s0;
	[sflag:s21] =	ssyncadd.s32 $0xFFFFF800  }
0x28a: {  	[tilespmem:s22], [sflag:$0x2] =	stream.linear.gather [hbm4b:s0+s3], $0x10, $0x38;
	[tilespmem:$0x14910] =	vst v63  }
0x28b: {  	_ =	swait.ge [sflag:s21], $0x10  }
0x28c: {  	[sflag:s21] =	ssyncset.done $0x0  }
0x28d: {  	[sflag:s21] =	ssyncadd.s32 $0xFFFFFFF0  }
0x28e: {  	v2 =	vld [tilespmem:$0x800];
	_ =	sdelay $0x4  }
0x28f: {  	(v2sf) =	vpush v2, $0x0;
	_ =	sdelay $0x1  }
0x290: {  	(v2sf) =	vpush v2, $0x2  }
0x291: {  	(v2sf) =	vpush v2, $0x5  }
0x292: {  	(v2sf) =	vpush v2, $0x3;
	_ =	sdelay $0x1  }
0x293: {  	(v2sf) =	vpush v2, $0x1  }
0x294: {  	(v2sf) =	vpush v2, $0x7  }
0x295: {  	(v2sf) =	vpush v2, $0x8;
	_ =	sdelay $0x1  }
0x296: {  	(v2sf) =	vpush v2, $0xC  }
0x297: {  	(v2sf) =	vpush v2, $0x6;
	_ =	sdelay $0x1  }
0x298: {  	(v2sf) =	vpush v2, $0xD;
	_ =	sdelay $0x1  }
0x299: {  	s10 =	spop (v2sf);
	(v2sf) =	vpush v2, $0x4;
	_ =	sdelay $0x1  }
0x29a: {  	s12 =	spop (v2sf);
	p2 =	seq.s32 s10, $0x0  }
0x29b: {  	s4 =	spop (v2sf);
	s5 =	simm.s32 @!p2 $0x2880;
	p0 =	seq.s32 s12, $0x0  }
0x29c: {  	s8 =	simm.s32 @!p2 $0x0;
	s1 =	simm.s32 @!p2 $0x80;
	s13 =	spop (v2sf)  }
0x29d: {  	[spmem:s2] =	stream.indirect.scatter @!p2 [tilespmem:s5], [sflag:$0x1], $0x1, s8, s1, $0xb8;
	[tilespmem:$0x14910] =	vst v63  }
0x29e: {  	s9 =	simm.s32 @!p0 $0x80;
	s14 =	spop (v2sf)  }
0x29f: {  	s10 =	simm.s32 @!p0 $0x100;
	p3 =	seq.s32 s14, $0x0;
	s15 =	spop (v2sf)  }
0x2a0: {  	s1 =	simm.s32 @!p3 $0x2880;
	s26 =	spop (v2sf);
	s8 =	simm.s32 @!p3 $0x80  }
0x2a1: {  	[spmem:s2] =	stream.indirect.scatter @!p3 [tilespmem:s1], [sflag:$0x1], $0x1, s8, s8, $0xb8;
	[tilespmem:$0x14910] =	vst v63  }
0x2a2: {  	p5 =	seq.s32 s4, $0x0;
	p1 =	seq.s32 s13, $0x0;
	s29 =	spop (v2sf)  }
0x2a3: {  	(v2sf) =	vpush v2, $0xA;
	s1 =	simm.s32 @!p1 $0x180;
	s8 =	simm.s32 @!p0 $0x2880;
	s30 =	spop (v2sf)  }
0x2a4: {  	[spmem:s2] =	stream.indirect.scatter @!p0 [tilespmem:s8], [sflag:$0x1], $0x1, s10, s9, $0xb8;
	[tilespmem:$0x14910] =	vst v63  }
0x2a5: {  	s9 =	simm.s32 @!p1 $0x80;
	s10 =	simm.s32 @!p1 $0x2880;
	s31 =	spop (v2sf)  }
0x2a6: {  	(v2sf) =	vpush v2, $0xB;
	[spmem:s2] =	stream.indirect.scatter @!p1 [tilespmem:s10], [sflag:$0x1], $0x1, s1, s9, $0xb8;
	[tilespmem:$0x14910] =	vst v63  }
0x2a7: {  	(v2sf) =	vpush v2, $0x9;
	s12 =	simm.s32 @!p5 $0x0;
	s13 =	spop (v2sf)  }
0x2a8: {  	s12 =	simm.s32 @p5 $0x1;
	p6 =	seq.s32 s13, $0x0  }
0x2a9: {  	[smem:$0x7C0] =	sst s12;
	p4 =	seq.s32 s30, $0x0;
	s10 =	simm.s32 @!p6 $0x0  }
0x2aa: {  	s12 =	simm.s32 @!p4 $0x0;
	s1 =	simm.s32 @!p6 $0x80;
	s10 =	simm.s32 @p6 $0x1  }
0x2ab: {  	s4 =	simm.s32 @!p6 $0x2880;
	[smem:$0x7C9] =	sst s10;
	s10 =	simm.s32 @!p6 $0x200  }
0x2ac: {  	[spmem:s2] =	stream.indirect.scatter @!p6 [tilespmem:s4], [sflag:$0x1], $0x1, s10, s1, $0xb8;
	[tilespmem:$0x14910] =	vst v63  }
0x2ad: {  	s1 =	simm.s32 @!p5 $0x80;
	s4 =	simm.s32 @!p5 $0x280;
	s10 =	simm.s32 @!p5 $0x2880  }
0x2ae: {  	[spmem:s2] =	stream.indirect.scatter @!p5 [tilespmem:s10], [sflag:$0x1], $0x1, s4, s1, $0xb8;
	[tilespmem:$0x14910] =	vst v63  }
0x2af: {  	s1 =	simm.s32 @!p4 $0x80;
	s4 =	simm.s32 @!p4 $0x2880;
	s10 =	simm.s32 @!p4 $0x300  }
0x2b0: {  	[spmem:s2] =	stream.indirect.scatter @!p4 [tilespmem:s4], [sflag:$0x1], $0x1, s10, s1, $0xb8;
	[tilespmem:$0x14910] =	vst v63  }
0x2b1: {  	s12 =	simm.s32 @p4 $0x1;
	p4 =	seq.s32 s15, $0x0  }
0x2b2: {  	[smem:$0x7C1] =	sst s12;
	s14 =	spop (v2sf);
	s0 =	simm.s32 @!p4 $0x2880  }
0x2b3: {  	s4 =	simm.s32 @!p4 $0x80;
	s10 =	simm.s32 @!p4 $0x380;
	s12 =	simm.s32 @!p4 $0x0  }
0x2b4: {  	[spmem:s2] =	stream.indirect.scatter @!p4 [tilespmem:s0], [sflag:$0x1], $0x1, s10, s4, $0xb8;
	[tilespmem:$0x14910] =	vst v63  }
0x2b5: {  	s15 =	spop (v2sf);
	s12 =	simm.s32 @p4 $0x1;
	p4 =	seq.s32 s26, $0x0  }
0x2b6: {  	(v2sf) =	vpush v2, $0xF;
	s26 =	spop (v2sf);
	[smem:$0x7C2] =	sst s12;
	s4 =	simm.s32 @!p4 $0x80  }
0x2b7: {  	s5 =	simm.s32 @!p4 $0x400;
	s10 =	simm.s32 @!p4 $0x2880;
	s12 =	simm.s32 @!p4 $0x0  }
0x2b8: {  	(v2sf) =	vpush v2, $0xE;
	[spmem:s2] =	stream.indirect.scatter @!p4 [tilespmem:s10], [sflag:$0x1], $0x1, s5, s4, $0xb8;
	[tilespmem:$0x14910] =	vst v63  }
0x2b9: {  	s12 =	simm.s32 @p4 $0x1;
	p4 =	seq.s32 s26, $0x0  }
0x2ba: {  	[smem:$0x7C3] =	sst s12;
	s4 =	simm.s32 @!p4 $0x2880  }
0x2bb: {  	s5 =	simm.s32 @!p4 $0x80;
	s10 =	simm.s32 @!p4 $0x480;
	s12 =	simm.s32 @!p4 $0x0  }
0x2bc: {  	[spmem:s2] =	stream.indirect.scatter @!p4 [tilespmem:s4], [sflag:$0x1], $0x1, s10, s5, $0xb8;
	[tilespmem:$0x14910] =	vst v63  }
0x2bd: {  	s12 =	simm.s32 @p4 $0x1;
	p4 =	seq.s32 s14, $0x0  }
0x2be: {  	s1 =	simm.s32 @!p4 $0x80  }
0x2bf: {  	s4 =	simm.s32 @!p4 $0x500;
	s5 =	simm.s32 @!p4 $0x2880;
	s10 =	simm.s32 @!p4 $0x0  }
0x2c0: {  	[spmem:s2] =	stream.indirect.scatter @!p4 [tilespmem:s5], [sflag:$0x1], $0x1, s4, s1, $0xb8;
	[tilespmem:$0x14910] =	vst v63  }
0x2c1: {  	[smem:$0x7C4] =	sst s12;
	s10 =	simm.s32 @p4 $0x1;
	p4 =	seq.s32 s15, $0x0  }
0x2c2: {  	p5 =	seq.s32 s31, $0x0;
	[smem:$0x7C5] =	sst s10;
	s0 =	simm.s32 @!p4 $0x2880  }
0x2c3: {  	s1 =	simm.s32 @!p4 $0x80;
	s4 =	simm.s32 @!p4 $0x580;
	s5 =	simm.s32 @!p4 $0x0  }
0x2c4: {  	[spmem:s2] =	stream.indirect.scatter @!p4 [tilespmem:s0], [sflag:$0x1], $0x1, s4, s1, $0xb8;
	[tilespmem:$0x14910] =	vst v63  }
0x2c5: {  	s5 =	simm.s32 @p4 $0x1;
	p4 =	seq.s32 s29, $0x0;
	s29 =	spop (v2sf)  }
0x2c6: {  	[smem:$0x7C6] =	sst s5;
	s0 =	simm.s32 @!p4 $0x80;
	s1 =	simm.s32 @!p4 $0x600  }
0x2c7: {  	s4 =	simm.s32 @!p4 $0x2880;
	s5 =	simm.s32 @!p4 $0x0;
	s30 =	spop (v2sf)  }
0x2c8: {  	[spmem:s2] =	stream.indirect.scatter @!p4 [tilespmem:s4], [sflag:$0x1], $0x1, s1, s0, $0xb8;
	[tilespmem:$0x14910] =	vst v63  }
0x2c9: {  	p6 =	seq.s32 s29, $0x0;
	s5 =	simm.s32 @p4 $0x1;
	s1 =	simm.s32 @!p5 $0x80  }
0x2ca: {  	s4 =	simm.s32 @!p5 $0x680;
	p4 =	seq.s32 s30, $0x0;
	s0 =	simm.s32 @!p6 $0x80  }
0x2cb: {  	[smem:$0x7C7] =	sst s5;
	s5 =	simm.s32 @!p5 $0x2880;
	s8 =	simm.s32 @!p4 $0x0  }
0x2cc: {  	[spmem:s2] =	stream.indirect.scatter @!p5 [tilespmem:s5], [sflag:$0x1], $0x1, s4, s1, $0xb8;
	[tilespmem:$0x14910] =	vst v63  }
0x2cd: {  	s1 =	simm.s32 @!p4 $0x80;
	s4 =	simm.s32 @!p4 $0x700;
	s5 =	simm.s32 @!p4 $0x2880  }
0x2ce: {  	[spmem:s2] =	stream.indirect.scatter @!p4 [tilespmem:s5], [sflag:$0x1], $0x1, s4, s1, $0xb8;
	[tilespmem:$0x14910] =	vst v63  }
0x2cf: {  	s8 =	simm.s32 @p4 $0x1;
	s1 =	simm.s32 @!p6 $0x780;
	s4 =	simm.s32 @!p6 $0x2880  }
0x2d0: {  	[spmem:s2] =	stream.indirect.scatter @!p6 [tilespmem:s4], [sflag:$0x1], $0x1, s1, s0, $0xb8;
	[tilespmem:$0x14910] =	vst v63  }
0x2d1: {  	[smem:$0x7C8] =	sst s8;
	s0 =	simm.s32 @!p2 $0x1  }
0x2d2: {  	_ =	swait.ge @!p2 [sflag:s0], $0x80  }
0x2d3: {  	[sflag:s0] =	ssyncset.done @!p2 $0x0  }
0x2d4: {  	[sflag:s0] =	ssyncadd.s32 @!p2 $0xFFFFFF80;
	s0 =	simm.s32 @!p3 $0x1  }
0x2d5: {  	_ =	swait.ge @!p3 [sflag:s0], $0x80  }
0x2d6: {  	[sflag:s0] =	ssyncset.done @!p3 $0x0  }
0x2d7: {  	[sflag:s0] =	ssyncadd.s32 @!p3 $0xFFFFFF80;
	s0 =	simm.s32 @!p0 $0x1  }
0x2d8: {  	_ =	swait.ge @!p0 [sflag:s0], $0x80  }
0x2d9: {  	[sflag:s0] =	ssyncset.done @!p0 $0x0  }
0x2da: {  	[sflag:s0] =	ssyncadd.s32 @!p0 $0xFFFFFF80;
	s0 =	simm.s32 @!p1 $0x1  }
0x2db: {  	_ =	swait.ge @!p1 [sflag:s0], $0x80  }
0x2dc: {  	s31 =	sld [smem:$0x7C9];
	_ =	sdelay $0x1  }
0x2dd: {  	[sflag:s0] =	ssyncset.done @!p1 $0x0  }
0x2de: {  	[sflag:s0] =	ssyncadd.s32 @!p1 $0xFFFFFF80;
	p1 =	seq.s32 s31, $0x1  }
0x2df: {  	s28 =	sadd.s32 $0x100, s11;
	s26 =	simm.s32 $0x2;
	s8 =	simm.s32 @!p1 $0x1  }
.LBB2_12:
0x2e0: {  	_ =	swait.ge @!p1 [sflag:s8], $0x80  }
0x2e1: {  	s0 =	smov.u32 s26;
	s26 =	sadd.s32 $0x2, s26;
	s4 =	sld [smem:$0x7C0]  }
0x2e2: {  	p0 =	sne.s32 s26, $0x200  }
0x2e3: {  	s1 =	simm.s32 @!p0 $0x0  }
0x2e4: {  	[sflag:s8] =	ssyncset.done @!p1 $0x0;
	s1 =	simm.s32 @p0 $0x1;
	p0 =	seq.s32 s4, $0x1  }
0x2e5: {  	[sflag:s8] =	ssyncadd.s32 @!p1 $0xFFFFFF80;
	[smem:$0x7BF] =	sst s1;
	s1 =	simm.s32 @!p0 $0x1  }
0x2e6: {  	_ =	swait.ge @!p0 [sflag:s1], $0x80  }
0x2e7: {  	s5 =	sld [smem:$0x7C1];
	_ =	sdelay $0x1  }
0x2e8: {  	[sflag:s1] =	ssyncset.done @!p0 $0x0  }
0x2e9: {  	[sflag:s1] =	ssyncadd.s32 @!p0 $0xFFFFFF80;
	p0 =	seq.s32 s5, $0x1  }
0x2ea: {  	s1 =	simm.s32 @!p0 $0x1  }
0x2eb: {  	_ =	swait.ge @!p0 [sflag:s1], $0x80  }
0x2ec: {  	s8 =	sld [smem:$0x7C2];
	_ =	sdelay $0x1  }
0x2ed: {  	[sflag:s1] =	ssyncset.done @!p0 $0x0  }
0x2ee: {  	[sflag:s1] =	ssyncadd.s32 @!p0 $0xFFFFFF80;
	p0 =	seq.s32 s8, $0x1  }
0x2ef: {  	s1 =	simm.s32 @!p0 $0x1  }
0x2f0: {  	_ =	swait.ge @!p0 [sflag:s1], $0x80  }
0x2f1: {  	s9 =	sld [smem:$0x7C3];
	_ =	sdelay $0x1  }
0x2f2: {  	[sflag:s1] =	ssyncset.done @!p0 $0x0  }
0x2f3: {  	[sflag:s1] =	ssyncadd.s32 @!p0 $0xFFFFFF80;
	p0 =	seq.s32 s9, $0x1  }
0x2f4: {  	s1 =	simm.s32 @!p0 $0x1  }
0x2f5: {  	_ =	swait.ge @!p0 [sflag:s1], $0x80  }
0x2f6: {  	s10 =	sld [smem:$0x7C4];
	_ =	sdelay $0x1  }
0x2f7: {  	[sflag:s1] =	ssyncset.done @!p0 $0x0  }
0x2f8: {  	[sflag:s1] =	ssyncadd.s32 @!p0 $0xFFFFFF80;
	p0 =	seq.s32 s10, $0x1  }
0x2f9: {  	s1 =	simm.s32 @!p0 $0x1  }
0x2fa: {  	_ =	swait.ge @!p0 [sflag:s1], $0x80  }
0x2fb: {  	s11 =	sld [smem:$0x7C5];
	_ =	sdelay $0x1  }
0x2fc: {  	[sflag:s1] =	ssyncset.done @!p0 $0x0  }
0x2fd: {  	[sflag:s1] =	ssyncadd.s32 @!p0 $0xFFFFFF80;
	p0 =	seq.s32 s11, $0x1  }
0x2fe: {  	s1 =	simm.s32 @!p0 $0x1  }
0x2ff: {  	_ =	swait.ge @!p0 [sflag:s1], $0x80  }
0x300: {  	s12 =	sld [smem:$0x7C6];
	_ =	sdelay $0x1  }
0x301: {  	[sflag:s1] =	ssyncset.done @!p0 $0x0  }
0x302: {  	[sflag:s1] =	ssyncadd.s32 @!p0 $0xFFFFFF80;
	p0 =	seq.s32 s12, $0x1  }
0x303: {  	s1 =	simm.s32 @!p0 $0x1  }
0x304: {  	_ =	swait.ge @!p0 [sflag:s1], $0x80  }
0x305: {  	s13 =	sld [smem:$0x7C7];
	_ =	sdelay $0x1  }
0x306: {  	[sflag:s1] =	ssyncset.done @!p0 $0x0  }
0x307: {  	[sflag:s1] =	ssyncadd.s32 @!p0 $0xFFFFFF80;
	p0 =	seq.s32 s13, $0x1  }
0x308: {  	s1 =	simm.s32 @!p0 $0x1  }
0x309: {  	_ =	swait.ge @!p0 [sflag:s1], $0x80  }
0x30a: {  	[sflag:s1] =	ssyncset.done @!p0 $0x0  }
0x30b: {  	[sflag:s1] =	ssyncadd.s32 @!p0 $0xFFFFFF80;
	s1 =	simm.s32 @!p5 $0x1  }
0x30c: {  	_ =	swait.ge @!p5 [sflag:s1], $0x80  }
0x30d: {  	s14 =	sld [smem:$0x7C8];
	_ =	sdelay $0x2  }
0x30e: {  	[sflag:s1] =	ssyncset.done @!p5 $0x0;
	p0 =	seq.s32 s14, $0x1  }
0x30f: {  	[sflag:s1] =	ssyncadd.s32 @!p5 $0xFFFFFF80;
	s1 =	simm.s32 @!p0 $0x1  }
0x310: {  	_ =	swait.ge @!p0 [sflag:s1], $0x80  }
0x311: {  	[sflag:s1] =	ssyncset.done @!p0 $0x0  }
0x312: {  	[sflag:s1] =	ssyncadd.s32 @!p0 $0xFFFFFF80;
	s1 =	simm.s32 @!p6 $0x1  }
0x313: {  	_ =	swait.ge @!p6 [sflag:s1], $0x80  }
0x314: {  	[sflag:s1] =	ssyncset.done @!p6 $0x0  }
0x315: {  	s25 =	sadd.s32 $0x10, s25;
	[sflag:s1] =	ssyncadd.s32 @!p6 $0xFFFFFF80  }
0x316: {  	[tilespmem:s3], [sflag:$0x2] =	stream.linear.gather [hbm4b:s28+s3], $0x800, $0x38;
	[tilespmem:$0x14910] =	vst v63  }
0x317: {  	s4 =	sand.u32 $0xF80, s25;
	_ =	swait.ge [sflag:s21], $0x800  }
0x318: {  	s0 =	sand.u32 $0xE, s0;
	s4 =	sadd.s32 s4, s16;
	[sflag:s21] =	ssyncset.done $0x0  }
0x319: {  	s0 =	sadd.s32 s0, s4;
	[sflag:s21] =	ssyncadd.s32 $0xFFFFF800  }
0x31a: {  	[tilespmem:s22], [sflag:$0x2] =	stream.linear.gather [hbm4b:s0+s3], $0x10, $0x38;
	[tilespmem:$0x14910] =	vst v63  }
0x31b: {  	_ =	swait.ge [sflag:s21], $0x10  }
0x31c: {  	[sflag:s21] =	ssyncset.done $0x0  }
0x31d: {  	[sflag:s21] =	ssyncadd.s32 $0xFFFFFFF0  }
0x31e: {  	v2 =	vld [tilespmem:$0x800];
	_ =	sdelay $0x4  }
0x31f: {  	(v2sf) =	vpush v2, $0x0  }
0x320: {  	(v2sf) =	vpush v2, $0x2  }
0x321: {  	(v2sf) =	vpush v2, $0x5;
	_ =	sdelay $0x2  }
0x322: {  	(v2sf) =	vpush v2, $0x3  }
0x323: {  	(v2sf) =	vpush v2, $0x1  }
0x324: {  	(v2sf) =	vpush v2, $0x7  }
0x325: {  	(v2sf) =	vpush v2, $0x8  }
0x326: {  	(v2sf) =	vpush v2, $0xC;
	_ =	sdelay $0x1  }
0x327: {  	(v2sf) =	vpush v2, $0x6  }
0x328: {  	(v2sf) =	vpush v2, $0xD;
	_ =	sdelay $0x1  }
0x329: {  	(v2sf) =	vpush v2, $0x4  }
0x32a: {  	s15 =	spop (v2sf)  }
0x32b: {  	p2 =	seq.s32 s15, $0x0;
	s29 =	spop (v2sf)  }
0x32c: {  	s1 =	simm.s32 @!p2 $0x2880;
	p3 =	seq.s32 s29, $0x0;
	s0 =	spop (v2sf)  }
0x32d: {  	s4 =	simm.s32 @!p2 $0x0;
	s8 =	simm.s32 @!p2 $0x80;
	s5 =	simm.s32 @!p3 $0x80  }
0x32e: {  	[spmem:s2] =	stream.indirect.scatter @!p2 [tilespmem:s1], [sflag:$0x1], $0x1, s4, s8, $0xb8;
	[tilespmem:$0x14910] =	vst v63  }
0x32f: {  	s30 =	spop (v2sf);
	s1 =	simm.s32 @!p3 $0x2880;
	s8 =	simm.s32 @!p3 $0x100  }
0x330: {  	p5 =	seq.s32 s0, $0x0;
	s9 =	spop (v2sf);
	p1 =	seq.s32 s30, $0x0  }
0x331: {  	(v2sf) =	vpush v2, $0xA;
	p0 =	seq.s32 s9, $0x0;
	s9 =	spop (v2sf);
	s14 =	simm.s32 @!p1 $0x80  }
0x332: {  	s15 =	simm.s32 @!p1 $0x2880;
	s10 =	simm.s32 @!p0 $0x2880;
	s11 =	spop (v2sf)  }
0x333: {  	(v2sf) =	vpush v2, $0xB;
	s12 =	simm.s32 @!p0 $0x80;
	s13 =	simm.s32 @!p0 $0x0;
	s30 =	spop (v2sf)  }
0x334: {  	[spmem:s2] =	stream.indirect.scatter @!p0 [tilespmem:s10], [sflag:$0x1], $0x1, s12, s12, $0xb8;
	[tilespmem:$0x14910] =	vst v63  }
0x335: {  	p6 =	seq.s32 s9, $0x0;
	s13 =	simm.s32 @p0 $0x1;
	s31 =	spop (v2sf)  }
0x336: {  	(v2sf) =	vpush v2, $0x9;
	s9 =	simm.s32 @!p6 $0x2880;
	[smem:$0x7BE] =	sst s13;
	s29 =	spop (v2sf)  }
0x337: {  	[spmem:s2] =	stream.indirect.scatter @!p3 [tilespmem:s1], [sflag:$0x1], $0x1, s8, s5, $0xb8;
	[tilespmem:$0x14910] =	vst v63  }
0x338: {  	s13 =	simm.s32 @!p1 $0x180;
	p4 =	seq.s32 s31, $0x0;
	s31 =	spop (v2sf)  }
0x339: {  	[spmem:s2] =	stream.indirect.scatter @!p1 [tilespmem:s15], [sflag:$0x1], $0x1, s13, s14, $0xb8;
	[tilespmem:$0x14910] =	vst v63  }
0x33a: {  	s10 =	simm.s32 @!p4 $0x80;
	p0 =	seq.s32 s31, $0x0;
	s13 =	simm.s32 @!p5 $0x0  }
0x33b: {  	s4 =	simm.s32 @!p0 $0x0;
	s5 =	simm.s32 @!p0 $0x80;
	s8 =	simm.s32 @!p0 $0x200  }
0x33c: {  	s0 =	simm.s32 @!p0 $0x2880;
	s13 =	simm.s32 @p5 $0x1;
	s4 =	simm.s32 @p0 $0x1  }
0x33d: {  	[spmem:s2] =	stream.indirect.scatter @!p0 [tilespmem:s0], [sflag:$0x1], $0x1, s8, s5, $0xb8;
	[tilespmem:$0x14910] =	vst v63  }
0x33e: {  	s0 =	simm.s32 @!p5 $0x80;
	s5 =	simm.s32 @!p5 $0x280;
	s8 =	simm.s32 @!p5 $0x2880  }
0x33f: {  	[smem:$0x7C0] =	sst s13;
	s13 =	simm.s32 @!p4 $0x0;
	p0 =	seq.s32 s29, $0x0  }
0x340: {  	[smem:$0x7C9] =	sst s4;
	s4 =	spop (v2sf);
	s13 =	simm.s32 @p4 $0x1  }
0x341: {  	[spmem:s2] =	stream.indirect.scatter @!p5 [tilespmem:s8], [sflag:$0x1], $0x1, s5, s0, $0xb8;
	[tilespmem:$0x14910] =	vst v63  }
0x342: {  	s1 =	spop (v2sf);
	s0 =	simm.s32 @!p4 $0x2880;
	s5 =	simm.s32 @!p4 $0x300  }
0x343: {  	[spmem:s2] =	stream.indirect.scatter @!p4 [tilespmem:s0], [sflag:$0x1], $0x1, s5, s10, $0xb8;
	[tilespmem:$0x14910] =	vst v63  }
0x344: {  	[smem:$0x7C1] =	sst s13;
	s0 =	simm.s32 @!p6 $0x80;
	s10 =	simm.s32 @!p6 $0x0  }
0x345: {  	s5 =	simm.s32 @!p6 $0x380;
	s31 =	spop (v2sf);
	s10 =	simm.s32 @p6 $0x1  }
0x346: {  	(v2sf) =	vpush v2, $0xF;
	p4 =	seq.s32 s11, $0x0;
	p5 =	seq.s32 s31, $0x0;
	[smem:$0x7C2] =	sst s10  }
0x347: {  	[spmem:s2] =	stream.indirect.scatter @!p6 [tilespmem:s9], [sflag:$0x1], $0x1, s5, s0, $0xb8;
	[tilespmem:$0x14910] =	vst v63  }
0x348: {  	s0 =	simm.s32 @!p4 $0x80;
	s5 =	simm.s32 @!p4 $0x400;
	s10 =	simm.s32 @!p4 $0x0  }
0x349: {  	s9 =	simm.s32 @!p4 $0x2880;
	p6 =	seq.s32 s30, $0x0;
	s10 =	simm.s32 @p4 $0x1  }
0x34a: {  	(v2sf) =	vpush v2, $0xE;
	s12 =	simm.s32 @!p5 $0x2880;
	s11 =	simm.s32 @!p6 $0x600;
	[smem:$0x7C3] =	sst s10  }
0x34b: {  	[spmem:s2] =	stream.indirect.scatter @!p4 [tilespmem:s9], [sflag:$0x1], $0x1, s5, s0, $0xb8;
	[tilespmem:$0x14910] =	vst v63  }
0x34c: {  	s0 =	simm.s32 @!p5 $0x80;
	p4 =	seq.s32 s4, $0x0;
	s4 =	simm.s32 @!p5 $0x0  }
0x34d: {  	s5 =	simm.s32 @!p5 $0x480;
	s10 =	simm.s32 @!p6 $0x80;
	s4 =	simm.s32 @p5 $0x1  }
0x34e: {  	[spmem:s2] =	stream.indirect.scatter @!p5 [tilespmem:s12], [sflag:$0x1], $0x1, s5, s0, $0xb8;
	[tilespmem:$0x14910] =	vst v63  }
0x34f: {  	s9 =	simm.s32 @!p4 $0x0;
	[smem:$0x7C4] =	sst s4;
	s0 =	simm.s32 @!p4 $0x80  }
0x350: {  	s4 =	simm.s32 @!p4 $0x500;
	s9 =	simm.s32 @p4 $0x1;
	p5 =	seq.s32 s1, $0x0  }
0x351: {  	s5 =	simm.s32 @!p4 $0x2880;
	[smem:$0x7C5] =	sst s9;
	s1 =	simm.s32 @!p5 $0x2880  }
0x352: {  	[spmem:s2] =	stream.indirect.scatter @!p4 [tilespmem:s5], [sflag:$0x1], $0x1, s4, s0, $0xb8;
	[tilespmem:$0x14910] =	vst v63  }
0x353: {  	s9 =	simm.s32 @!p5 $0x580;
	s13 =	simm.s32 @!p5 $0x0;
	s0 =	simm.s32 @!p5 $0x80  }
0x354: {  	[spmem:s2] =	stream.indirect.scatter @!p5 [tilespmem:s1], [sflag:$0x1], $0x1, s9, s0, $0xb8;
	[tilespmem:$0x14910] =	vst v63  }
0x355: {  	s14 =	spop (v2sf);
	s12 =	simm.s32 @!p6 $0x2880;
	s13 =	simm.s32 @p5 $0x1  }
0x356: {  	[spmem:s2] =	stream.indirect.scatter @!p6 [tilespmem:s12], [sflag:$0x1], $0x1, s11, s10, $0xb8;
	[tilespmem:$0x14910] =	vst v63  }
0x357: {  	s0 =	simm.s32 @!p0 $0x80;
	s1 =	simm.s32 @!p0 $0x680;
	s9 =	simm.s32 @!p0 $0x2880  }
0x358: {  	[spmem:s2] =	stream.indirect.scatter @!p0 [tilespmem:s9], [sflag:$0x1], $0x1, s1, s0, $0xb8;
	[tilespmem:$0x14910] =	vst v63  }
0x359: {  	[smem:$0x7C6] =	sst s13;
	s13 =	simm.s32 @!p6 $0x0;
	s15 =	spop (v2sf)  }
0x35a: {  	s13 =	simm.s32 @p6 $0x1;
	p4 =	seq.s32 s15, $0x0  }
0x35b: {  	[smem:$0x7C7] =	sst s13;
	p6 =	seq.s32 s14, $0x0;
	s4 =	simm.s32 @!p4 $0x80  }
0x35c: {  	s5 =	simm.s32 @!p4 $0x700;
	s0 =	simm.s32 @!p4 $0x2880;
	s8 =	simm.s32 @!p4 $0x0  }
0x35d: {  	[spmem:s2] =	stream.indirect.scatter @!p4 [tilespmem:s0], [sflag:$0x1], $0x1, s5, s4, $0xb8;
	[tilespmem:$0x14910] =	vst v63  }
0x35e: {  	s1 =	simm.s32 @!p2 $0x1;
	s8 =	simm.s32 @p4 $0x1;
	s0 =	simm.s32 @!p6 $0x80  }
0x35f: {  	s4 =	simm.s32 @!p6 $0x780;
	s5 =	simm.s32 @!p6 $0x2880;
	[smem:$0x7C8] =	sst s8  }
0x360: {  	[spmem:s2] =	stream.indirect.scatter @!p6 [tilespmem:s5], [sflag:$0x1], $0x1, s4, s0, $0xb8;
	[tilespmem:$0x14910] =	vst v63  }
0x361: {  	_ =	swait.ge @!p2 [sflag:s1], $0x80  }
0x362: {  	s29 =	sld [smem:$0x7BE];
	_ =	sdelay $0x2  }
0x363: {  	p5 =	por p0, p0;
	[sflag:s1] =	ssyncset.done @!p2 $0x0;
	p0 =	seq.s32 s29, $0x1  }
0x364: {  	[sflag:s1] =	ssyncadd.s32 @!p2 $0xFFFFFF80;
	s0 =	simm.s32 @!p0 $0x1  }
0x365: {  	_ =	swait.ge @!p0 [sflag:s0], $0x80  }
0x366: {  	[sflag:s0] =	ssyncset.done @!p0 $0x0  }
0x367: {  	[sflag:s0] =	ssyncadd.s32 @!p0 $0xFFFFFF80;
	s0 =	simm.s32 @!p3 $0x1  }
0x368: {  	_ =	swait.ge @!p3 [sflag:s0], $0x80  }
0x369: {  	[sflag:s0] =	ssyncset.done @!p3 $0x0  }
0x36a: {  	[sflag:s0] =	ssyncadd.s32 @!p3 $0xFFFFFF80;
	s0 =	simm.s32 @!p1 $0x1  }
0x36b: {  	_ =	swait.ge @!p1 [sflag:s0], $0x80  }
0x36c: {  	s31 =	sld [smem:$0x7BF];
	_ =	sdelay $0x2  }
0x36d: {  	p0 =	seq.s32 s31, $0x1  }
.Ltmp5:
0x36e: {  	s30 =	sld [smem:$0x7C9];
	(pc) =	sbr.rel @p0 .LBB2_12-.Ltmp5, $4  }
0x36f: {  	_ = 	snop  }
0x370: {  	[sflag:s0] =	ssyncset.done @!p1 $0x0  }
0x371: {  	[sflag:s0] =	ssyncadd.s32 @!p1 $0xFFFFFF80;
	p1 =	seq.s32 s30, $0x1  }
0x372: {  	s28 =	sadd.s32 $0x100, s28;
	s8 =	simm.s32 @!p1 $0x1  }
0x373: {  	_ =	swait.ge @!p1 [sflag:s8], $0x80  }
0x374: {  	s0 =	sld [smem:$0x7C0];
	_ =	sdelay $0x2  }
0x375: {  	[sflag:s8] =	ssyncset.done @!p1 $0x0;
	p0 =	seq.s32 s0, $0x1  }
0x376: {  	[sflag:s8] =	ssyncadd.s32 @!p1 $0xFFFFFF80;
	s0 =	simm.s32 @!p0 $0x1  }
0x377: {  	_ =	swait.ge @!p0 [sflag:s0], $0x80  }
0x378: {  	s14 =	sld [smem:$0x7C1];
	_ =	sdelay $0x1  }
0x379: {  	[sflag:s0] =	ssyncset.done @!p0 $0x0  }
0x37a: {  	[sflag:s0] =	ssyncadd.s32 @!p0 $0xFFFFFF80;
	p0 =	seq.s32 s14, $0x1  }
0x37b: {  	s0 =	simm.s32 @!p0 $0x1  }
0x37c: {  	_ =	swait.ge @!p0 [sflag:s0], $0x80  }
0x37d: {  	s15 =	sld [smem:$0x7C2];
	_ =	sdelay $0x1  }
0x37e: {  	[sflag:s0] =	ssyncset.done @!p0 $0x0  }
0x37f: {  	[sflag:s0] =	ssyncadd.s32 @!p0 $0xFFFFFF80;
	p0 =	seq.s32 s15, $0x1  }
0x380: {  	s0 =	simm.s32 @!p0 $0x1  }
0x381: {  	_ =	swait.ge @!p0 [sflag:s0], $0x80  }
0x382: {  	s25 =	sld [smem:$0x7C3];
	_ =	sdelay $0x1  }
0x383: {  	[sflag:s0] =	ssyncset.done @!p0 $0x0  }
0x384: {  	[sflag:s0] =	ssyncadd.s32 @!p0 $0xFFFFFF80;
	p0 =	seq.s32 s25, $0x1  }
0x385: {  	s0 =	simm.s32 @!p0 $0x1  }
0x386: {  	_ =	swait.ge @!p0 [sflag:s0], $0x80  }
0x387: {  	s26 =	sld [smem:$0x7C4];
	_ =	sdelay $0x1  }
0x388: {  	[sflag:s0] =	ssyncset.done @!p0 $0x0  }
0x389: {  	[sflag:s0] =	ssyncadd.s32 @!p0 $0xFFFFFF80;
	p0 =	seq.s32 s26, $0x1  }
0x38a: {  	s0 =	simm.s32 @!p0 $0x1  }
0x38b: {  	_ =	swait.ge @!p0 [sflag:s0], $0x80  }
0x38c: {  	s28 =	sld [smem:$0x7C5];
	_ =	sdelay $0x1  }
0x38d: {  	[sflag:s0] =	ssyncset.done @!p0 $0x0  }
0x38e: {  	[sflag:s0] =	ssyncadd.s32 @!p0 $0xFFFFFF80;
	p0 =	seq.s32 s28, $0x1  }
0x38f: {  	s0 =	simm.s32 @!p0 $0x1  }
0x390: {  	_ =	swait.ge @!p0 [sflag:s0], $0x80  }
0x391: {  	s29 =	sld [smem:$0x7C6];
	_ =	sdelay $0x1  }
0x392: {  	[sflag:s0] =	ssyncset.done @!p0 $0x0  }
0x393: {  	[sflag:s0] =	ssyncadd.s32 @!p0 $0xFFFFFF80;
	p0 =	seq.s32 s29, $0x1  }
0x394: {  	s0 =	simm.s32 @!p0 $0x1  }
0x395: {  	_ =	swait.ge @!p0 [sflag:s0], $0x80  }
0x396: {  	s30 =	sld [smem:$0x7C7];
	_ =	sdelay $0x1  }
0x397: {  	[sflag:s0] =	ssyncset.done @!p0 $0x0  }
0x398: {  	[sflag:s0] =	ssyncadd.s32 @!p0 $0xFFFFFF80;
	p0 =	seq.s32 s30, $0x1  }
0x399: {  	s0 =	simm.s32 @!p0 $0x1  }
0x39a: {  	_ =	swait.ge @!p0 [sflag:s0], $0x80  }
0x39b: {  	[sflag:s0] =	ssyncset.done @!p0 $0x0  }
0x39c: {  	[sflag:s0] =	ssyncadd.s32 @!p0 $0xFFFFFF80;
	s0 =	simm.s32 @!p5 $0x1  }
0x39d: {  	_ =	swait.ge @!p5 [sflag:s0], $0x80  }
0x39e: {  	s31 =	sld [smem:$0x7C8];
	_ =	sdelay $0x2  }
0x39f: {  	[sflag:s0] =	ssyncset.done @!p5 $0x0;
	p0 =	seq.s32 s31, $0x1  }
0x3a0: {  	[sflag:s0] =	ssyncadd.s32 @!p5 $0xFFFFFF80;
	s0 =	simm.s32 @!p0 $0x1  }
0x3a1: {  	_ =	swait.ge @!p0 [sflag:s0], $0x80  }
.Ltmp6:
0x3a2: {  	[sflag:s0] =	ssyncset.done @!p0 $0x0;
	(pc) =	sbr.rel .LBB2_14-.Ltmp6, $4  }
0x3a3: {  	[sflag:s0] =	ssyncadd.s32 @!p0 $0xFFFFFF80;
	s0 =	simm.s32 @!p6 $0x1  }
0x3a4: {  	_ =	swait.ge @!p6 [sflag:s0], $0x80  }
0x3a5: {  	[sflag:s0] =	ssyncset.done @!p6 $0x0  }
0x3a6: {  	s25 =	rddreg [dreg:$0x4];
	[sflag:s0] =	ssyncadd.s32 @!p6 $0xFFFFFF80  }
.LBB2_4:
0x3a7: {  	s0 =	sld [smem:$0x7FA];
	_ =	sdelay $0x2  }
0x3a8: {  	[spmem:s0] =	stream.linear.scatter [tilespmem:s20], [sflag:$0x2], $0x2000, $0x38;
	[tilespmem:$0x14910] =	vst v63  }
0x3a9: {  	_ =	swait.ge [sflag:s21], $0x2000  }
0x3aa: {  	s8 =	sld [smem:$0x7FB]  }
0x3ab: {  	[sflag:s21] =	ssyncset.done $0x0  }
0x3ac: {  	[sflag:s21] =	ssyncadd.s32 $0xFFFFE000  }
0x3ad: {  	[spmem:s8] =	stream.linear.scatter [tilespmem:s20], [sflag:$0x2], $0x2000, $0x38;
	[tilespmem:$0x14910] =	vst v63  }
0x3ae: {  	_ =	swait.ge [sflag:s21], $0x2000  }
0x3af: {  	s9 =	sld [smem:$0x7FC]  }
0x3b0: {  	[sflag:s21] =	ssyncset.done $0x0  }
0x3b1: {  	[sflag:s21] =	ssyncadd.s32 $0xFFFFE000  }
0x3b2: {  	[spmem:s9] =	stream.linear.scatter [tilespmem:s20], [sflag:$0x2], $0x2000, $0x38;
	[tilespmem:$0x14910] =	vst v63  }
0x3b3: {  	_ =	swait.ge [sflag:s21], $0x2000  }
0x3b4: {  	s10 =	sld [smem:$0x7FD]  }
0x3b5: {  	[sflag:s21] =	ssyncset.done $0x0  }
0x3b6: {  	[sflag:s21] =	ssyncadd.s32 $0xFFFFE000  }
0x3b7: {  	[spmem:s10] =	stream.linear.scatter [tilespmem:s20], [sflag:$0x2], $0x2000, $0x38;
	[tilespmem:$0x14910] =	vst v63  }
0x3b8: {  	_ =	swait.ge [sflag:s21], $0x2000  }
0x3b9: {  	[sflag:s21] =	ssyncset.done $0x0  }
0x3ba: {  	[sflag:s21] =	ssyncadd.s32 $0xFFFFE000  }
0x3bb: {  	[spmem:s17] =	stream.linear.scatter [tilespmem:s20], [sflag:$0x2], $0x2000, $0x38;
	[tilespmem:$0x14910] =	vst v63  }
0x3bc: {  	_ =	swait.ge [sflag:s21], $0x2000  }
0x3bd: {  	[sflag:s21] =	ssyncset.done $0x0  }
0x3be: {  	[sflag:s21] =	ssyncadd.s32 $0xFFFFE000  }
0x3bf: {  	[spmem:s18] =	stream.linear.scatter [tilespmem:s20], [sflag:$0x2], $0x2000, $0x38;
	[tilespmem:$0x14910] =	vst v63  }
0x3c0: {  	_ =	swait.ge [sflag:s21], $0x2000  }
0x3c1: {  	[sflag:s21] =	ssyncset.done $0x0  }
0x3c2: {  	[sflag:s21] =	ssyncadd.s32 $0xFFFFE000  }
0x3c3: {  	[spmem:s19] =	stream.linear.scatter [tilespmem:s20], [sflag:$0x2], $0x2000, $0x38;
	[tilespmem:$0x14910] =	vst v63  }
0x3c4: {  	_ =	swait.ge [sflag:s21], $0x2000  }
0x3c5: {  	s11 =	sld [smem:$0x7F9]  }
0x3c6: {  	[sflag:s21] =	ssyncset.done $0x0  }
0x3c7: {  	[sflag:s21] =	ssyncadd.s32 $0xFFFFE000  }
0x3c8: {  	[spmem:s11] =	stream.linear.scatter [tilespmem:s20], [sflag:$0x2], $0x10, $0x38;
	[tilespmem:$0x14910] =	vst v63  }
0x3c9: {  	_ =	swait.ge [sflag:s21], $0x10  }
0x3ca: {  	[sflag:s21] =	ssyncset.done $0x0  }
0x3cb: {  	[sflag:s21] =	ssyncadd.s32 $0xFFFFFFF0  }
0x3cc: {  	[bflag:$0x0] =	sbarrier.arrive $0xFFFF  }
0x3cd: {  	s0 =	sld [smem:$0x7F7];
	_ =	sdelay $0x1  }
0x3ce: {  	s25 =	simm.s32 $0x0  }
0x3cf: {  	[tilespmem:s3], [sflag:$0x2] =	stream.linear.gather [hbm4b:s0+s3], $0x800, $0x38;
	[tilespmem:$0x14910] =	vst v63  }
0x3d0: {  	s8 =	sand.u32 $0xF80, s25;
	_ =	swait.ge [sflag:s21], $0x800  }
0x3d1: {  	s26 =	sand.u32 $0xE, s25;
	s8 =	sadd.s32 s8, s7;
	[sflag:s21] =	ssyncset.done $0x0  }
0x3d2: {  	s8 =	sadd.s32 s26, s8;
	[sflag:s21] =	ssyncadd.s32 $0xFFFFF800  }
0x3d3: {  	[tilespmem:s22], [sflag:$0x2] =	stream.linear.gather [hbm4b:s8+s3], $0x10, $0x38;
	[tilespmem:$0x14910] =	vst v63  }
0x3d4: {  	_ =	swait.ge [sflag:s21], $0x10  }
0x3d5: {  	[sflag:s21] =	ssyncset.done $0x0  }
0x3d6: {  	[sflag:s21] =	ssyncadd.s32 $0xFFFFFFF0  }
0x3d7: {  	v2 =	vld [tilespmem:$0x800];
	_ =	sdelay $0x4  }
0x3d8: {  	(v2sf) =	vpush v2, $0x0;
	_ =	sdelay $0x1  }
0x3d9: {  	(v2sf) =	vpush v2, $0x2  }
0x3da: {  	(v2sf) =	vpush v2, $0x5  }
0x3db: {  	(v2sf) =	vpush v2, $0x3;
	_ =	sdelay $0x1  }
0x3dc: {  	(v2sf) =	vpush v2, $0x1  }
0x3dd: {  	(v2sf) =	vpush v2, $0x7  }
0x3de: {  	(v2sf) =	vpush v2, $0x8;
	_ =	sdelay $0x1  }
0x3df: {  	(v2sf) =	vpush v2, $0xC  }
0x3e0: {  	(v2sf) =	vpush v2, $0x6;
	_ =	sdelay $0x1  }
0x3e1: {  	(v2sf) =	vpush v2, $0xD;
	_ =	sdelay $0x1  }
0x3e2: {  	s12 =	spop (v2sf);
	(v2sf) =	vpush v2, $0x4;
	_ =	sdelay $0x1  }
0x3e3: {  	s13 =	spop (v2sf);
	p2 =	seq.s32 s12, $0x0  }
0x3e4: {  	s28 =	spop (v2sf);
	s29 =	simm.s32 @!p2 $0x2880  }
0x3e5: {  	s30 =	simm.s32 @!p2 $0x0;
	s26 =	simm.s32 @!p2 $0x80;
	s14 =	spop (v2sf)  }
0x3e6: {  	[spmem:s2] =	stream.indirect.scatter @!p2 [tilespmem:s29], [sflag:$0x1], $0x1, s30, s26, $0xb8;
	[tilespmem:$0x14910] =	vst v63  }
0x3e7: {  	p0 =	seq.s32 s13, $0x0;
	s15 =	spop (v2sf)  }
0x3e8: {  	s9 =	simm.s32 @!p0 $0x80;
	p3 =	seq.s32 s15, $0x0;
	s31 =	spop (v2sf)  }
0x3e9: {  	s26 =	simm.s32 @!p3 $0x2880;
	s4 =	spop (v2sf);
	s30 =	simm.s32 @!p3 $0x80  }
0x3ea: {  	[spmem:s2] =	stream.indirect.scatter @!p3 [tilespmem:s26], [sflag:$0x1], $0x1, s30, s30, $0xb8;
	[tilespmem:$0x14910] =	vst v63  }
0x3eb: {  	s10 =	simm.s32 @!p0 $0x100;
	p1 =	seq.s32 s14, $0x0;
	s5 =	spop (v2sf)  }
0x3ec: {  	s26 =	simm.s32 @!p1 $0x180;
	s30 =	simm.s32 @!p0 $0x2880;
	s11 =	spop (v2sf)  }
0x3ed: {  	(v2sf) =	vpush v2, $0xA;
	[spmem:s2] =	stream.indirect.scatter @!p0 [tilespmem:s30], [sflag:$0x1], $0x1, s10, s9, $0xb8;
	[tilespmem:$0x14910] =	vst v63  }
0x3ee: {  	s10 =	simm.s32 @!p1 $0x80;
	s30 =	simm.s32 @!p1 $0x2880;
	s12 =	spop (v2sf)  }
0x3ef: {  	[spmem:s2] =	stream.indirect.scatter @!p1 [tilespmem:s30], [sflag:$0x1], $0x1, s26, s10, $0xb8;
	[tilespmem:$0x14910] =	vst v63  }
0x3f0: {  	(v2sf) =	vpush v2, $0xB;
	s13 =	spop (v2sf)  }
0x3f1: {  	p6 =	seq.s32 s13, $0x0  }
0x3f2: {  	p5 =	seq.s32 s28, $0x0;
	p4 =	seq.s32 s11, $0x0;
	s1 =	simm.s32 @!p6 $0x0  }
0x3f3: {  	(v2sf) =	vpush v2, $0x9;
	s10 =	simm.s32 @!p6 $0x80;
	s30 =	simm.s32 @!p6 $0x200;
	s28 =	simm.s32 @!p6 $0x2880  }
0x3f4: {  	[spmem:s2] =	stream.indirect.scatter @!p6 [tilespmem:s28], [sflag:$0x1], $0x1, s30, s10, $0xb8;
	[tilespmem:$0x14910] =	vst v63  }
0x3f5: {  	s1 =	simm.s32 @p6 $0x1;
	s10 =	simm.s32 @!p5 $0x80;
	s28 =	simm.s32 @!p5 $0x280  }
0x3f6: {  	s30 =	simm.s32 @!p5 $0x2880;
	[smem:$0x7ED] =	sst s1;
	s1 =	simm.s32 @!p5 $0x0  }
0x3f7: {  	[spmem:s2] =	stream.indirect.scatter @!p5 [tilespmem:s30], [sflag:$0x1], $0x1, s28, s10, $0xb8;
	[tilespmem:$0x14910] =	vst v63  }
0x3f8: {  	s1 =	simm.s32 @p5 $0x1;
	s10 =	simm.s32 @!p4 $0x80;
	s28 =	simm.s32 @!p4 $0x2880  }
0x3f9: {  	s30 =	simm.s32 @!p4 $0x300;
	[smem:$0x7E4] =	sst s1;
	s1 =	simm.s32 @!p4 $0x0  }
0x3fa: {  	[spmem:s2] =	stream.indirect.scatter @!p4 [tilespmem:s28], [sflag:$0x1], $0x1, s30, s10, $0xb8;
	[tilespmem:$0x14910] =	vst v63  }
0x3fb: {  	s1 =	simm.s32 @p4 $0x1;
	p4 =	seq.s32 s31, $0x0  }
0x3fc: {  	(v2sf) =	vpush v2, $0xF;
	s14 =	spop (v2sf);
	[smem:$0x7E5] =	sst s1;
	s8 =	simm.s32 @!p4 $0x2880  }
0x3fd: {  	s28 =	simm.s32 @!p4 $0x80;
	s30 =	simm.s32 @!p4 $0x380;
	s1 =	simm.s32 @!p4 $0x0  }
0x3fe: {  	(v2sf) =	vpush v2, $0xE;
	[spmem:s2] =	stream.indirect.scatter @!p4 [tilespmem:s8], [sflag:$0x1], $0x1, s30, s28, $0xb8;
	[tilespmem:$0x14910] =	vst v63  }
0x3ff: {  	s15 =	spop (v2sf);
	s1 =	simm.s32 @p4 $0x1;
	p4 =	seq.s32 s4, $0x0  }
0x400: {  	s28 =	simm.s32 @!p4 $0x80;
	s29 =	simm.s32 @!p4 $0x400;
	s30 =	simm.s32 @!p4 $0x2880  }
0x401: {  	[spmem:s2] =	stream.indirect.scatter @!p4 [tilespmem:s30], [sflag:$0x1], $0x1, s29, s28, $0xb8;
	[tilespmem:$0x14910] =	vst v63  }
0x402: {  	[smem:$0x7E6] =	sst s1;
	s1 =	simm.s32 @!p4 $0x0;
	s28 =	spop (v2sf)  }
0x403: {  	s1 =	simm.s32 @p4 $0x1;
	p4 =	seq.s32 s28, $0x0  }
0x404: {  	[smem:$0x7E7] =	sst s1;
	s28 =	simm.s32 @!p4 $0x2880  }
0x405: {  	s29 =	simm.s32 @!p4 $0x80;
	s30 =	simm.s32 @!p4 $0x480;
	s1 =	simm.s32 @!p4 $0x0  }
0x406: {  	[spmem:s2] =	stream.indirect.scatter @!p4 [tilespmem:s28], [sflag:$0x1], $0x1, s30, s29, $0xb8;
	[tilespmem:$0x14910] =	vst v63  }
0x407: {  	p5 =	seq.s32 s12, $0x0;
	s1 =	simm.s32 @p4 $0x1;
	p4 =	seq.s32 s14, $0x0  }
0x408: {  	s26 =	simm.s32 @!p5 $0x2880;
	[smem:$0x7E8] =	sst s1;
	s10 =	simm.s32 @!p4 $0x80  }
0x409: {  	s28 =	simm.s32 @!p4 $0x500;
	s29 =	simm.s32 @!p4 $0x2880;
	s1 =	simm.s32 @!p4 $0x0  }
0x40a: {  	[spmem:s2] =	stream.indirect.scatter @!p4 [tilespmem:s29], [sflag:$0x1], $0x1, s28, s10, $0xb8;
	[tilespmem:$0x14910] =	vst v63  }
0x40b: {  	s1 =	simm.s32 @p4 $0x1;
	p4 =	seq.s32 s15, $0x0;
	s29 =	spop (v2sf)  }
0x40c: {  	[smem:$0x7E9] =	sst s1;
	s8 =	simm.s32 @!p4 $0x2880;
	s10 =	simm.s32 @!p4 $0x80  }
0x40d: {  	s28 =	simm.s32 @!p4 $0x580;
	s1 =	simm.s32 @!p4 $0x0;
	s30 =	spop (v2sf)  }
0x40e: {  	[spmem:s2] =	stream.indirect.scatter @!p4 [tilespmem:s8], [sflag:$0x1], $0x1, s28, s10, $0xb8;
	[tilespmem:$0x14910] =	vst v63  }
0x40f: {  	p6 =	seq.s32 s29, $0x0;
	s1 =	simm.s32 @p4 $0x1;
	p4 =	seq.s32 s5, $0x0  }
0x410: {  	[smem:$0x7EA] =	sst s1;
	s8 =	simm.s32 @!p4 $0x80;
	s1 =	simm.s32 @!p4 $0x0  }
0x411: {  	s9 =	simm.s32 @!p4 $0x600;
	s10 =	simm.s32 @!p4 $0x2880;
	s1 =	simm.s32 @p4 $0x1  }
0x412: {  	[spmem:s2] =	stream.indirect.scatter @!p4 [tilespmem:s10], [sflag:$0x1], $0x1, s9, s8, $0xb8;
	[tilespmem:$0x14910] =	vst v63  }
0x413: {  	s9 =	simm.s32 @!p5 $0x80;
	s10 =	simm.s32 @!p5 $0x680;
	p4 =	seq.s32 s30, $0x0  }
0x414: {  	s8 =	simm.s32 @!p6 $0x80;
	[smem:$0x7EB] =	sst s1;
	s1 =	simm.s32 @!p4 $0x0  }
0x415: {  	[spmem:s2] =	stream.indirect.scatter @!p5 [tilespmem:s26], [sflag:$0x1], $0x1, s10, s9, $0xb8;
	[tilespmem:$0x14910] =	vst v63  }
0x416: {  	s9 =	simm.s32 @!p4 $0x80;
	s10 =	simm.s32 @!p4 $0x700;
	s26 =	simm.s32 @!p4 $0x2880  }
0x417: {  	[spmem:s2] =	stream.indirect.scatter @!p4 [tilespmem:s26], [sflag:$0x1], $0x1, s10, s9, $0xb8;
	[tilespmem:$0x14910] =	vst v63  }
0x418: {  	s1 =	simm.s32 @p4 $0x1;
	s9 =	simm.s32 @!p6 $0x780;
	s10 =	simm.s32 @!p6 $0x2880  }
0x419: {  	[spmem:s2] =	stream.indirect.scatter @!p6 [tilespmem:s10], [sflag:$0x1], $0x1, s9, s8, $0xb8;
	[tilespmem:$0x14910] =	vst v63  }
0x41a: {  	[smem:$0x7EC] =	sst s1;
	s8 =	simm.s32 @!p2 $0x1  }
0x41b: {  	_ =	swait.ge @!p2 [sflag:s8], $0x80  }
0x41c: {  	[sflag:s8] =	ssyncset.done @!p2 $0x0  }
0x41d: {  	[sflag:s8] =	ssyncadd.s32 @!p2 $0xFFFFFF80;
	s8 =	simm.s32 @!p3 $0x1  }
0x41e: {  	_ =	swait.ge @!p3 [sflag:s8], $0x80  }
0x41f: {  	[sflag:s8] =	ssyncset.done @!p3 $0x0  }
0x420: {  	[sflag:s8] =	ssyncadd.s32 @!p3 $0xFFFFFF80;
	s8 =	simm.s32 @!p0 $0x1  }
0x421: {  	_ =	swait.ge @!p0 [sflag:s8], $0x80  }
0x422: {  	[sflag:s8] =	ssyncset.done @!p0 $0x0  }
0x423: {  	[sflag:s8] =	ssyncadd.s32 @!p0 $0xFFFFFF80;
	s8 =	simm.s32 @!p1 $0x1  }
0x424: {  	_ =	swait.ge @!p1 [sflag:s8], $0x80  }
0x425: {  	s31 =	sld [smem:$0x7ED];
	_ =	sdelay $0x1  }
0x426: {  	[sflag:s8] =	ssyncset.done @!p1 $0x0  }
0x427: {  	[sflag:s8] =	ssyncadd.s32 @!p1 $0xFFFFFF80;
	p1 =	seq.s32 s31, $0x1  }
0x428: {  	s28 =	sadd.s32 $0x100, s0;
	s26 =	simm.s32 $0x2;
	s8 =	simm.s32 @!p1 $0x1  }
.LBB2_5:
0x429: {  	_ =	swait.ge @!p1 [sflag:s8], $0x80  }
0x42a: {  	s9 =	smov.u32 s26;
	s26 =	sadd.s32 $0x2, s26;
	s15 =	sld [smem:$0x7E4]  }
0x42b: {  	p0 =	sne.s32 s26, $0x200  }
0x42c: {  	s0 =	simm.s32 @!p0 $0x0  }
0x42d: {  	[sflag:s8] =	ssyncset.done @!p1 $0x0;
	s0 =	simm.s32 @p0 $0x1;
	p0 =	seq.s32 s15, $0x1  }
0x42e: {  	[sflag:s8] =	ssyncadd.s32 @!p1 $0xFFFFFF80;
	[smem:$0x7E3] =	sst s0;
	s8 =	simm.s32 @!p0 $0x1  }
0x42f: {  	_ =	swait.ge @!p0 [sflag:s8], $0x80  }
0x430: {  	s29 =	sld [smem:$0x7E5];
	_ =	sdelay $0x1  }
0x431: {  	[sflag:s8] =	ssyncset.done @!p0 $0x0  }
0x432: {  	[sflag:s8] =	ssyncadd.s32 @!p0 $0xFFFFFF80;
	p0 =	seq.s32 s29, $0x1  }
0x433: {  	s8 =	simm.s32 @!p0 $0x1  }
0x434: {  	_ =	swait.ge @!p0 [sflag:s8], $0x80  }
0x435: {  	s30 =	sld [smem:$0x7E6];
	_ =	sdelay $0x1  }
0x436: {  	[sflag:s8] =	ssyncset.done @!p0 $0x0  }
0x437: {  	[sflag:s8] =	ssyncadd.s32 @!p0 $0xFFFFFF80;
	p0 =	seq.s32 s30, $0x1  }
0x438: {  	s8 =	simm.s32 @!p0 $0x1  }
0x439: {  	_ =	swait.ge @!p0 [sflag:s8], $0x80  }
0x43a: {  	s31 =	sld [smem:$0x7E7];
	_ =	sdelay $0x1  }
0x43b: {  	[sflag:s8] =	ssyncset.done @!p0 $0x0  }
0x43c: {  	[sflag:s8] =	ssyncadd.s32 @!p0 $0xFFFFFF80;
	p0 =	seq.s32 s31, $0x1  }
0x43d: {  	s8 =	simm.s32 @!p0 $0x1  }
0x43e: {  	_ =	swait.ge @!p0 [sflag:s8], $0x80  }
0x43f: {  	s1 =	sld [smem:$0x7E8];
	_ =	sdelay $0x1  }
0x440: {  	[sflag:s8] =	ssyncset.done @!p0 $0x0  }
0x441: {  	[sflag:s8] =	ssyncadd.s32 @!p0 $0xFFFFFF80;
	p0 =	seq.s32 s1, $0x1  }
0x442: {  	s8 =	simm.s32 @!p0 $0x1  }
0x443: {  	_ =	swait.ge @!p0 [sflag:s8], $0x80  }
0x444: {  	s4 =	sld [smem:$0x7E9];
	_ =	sdelay $0x1  }
0x445: {  	[sflag:s8] =	ssyncset.done @!p0 $0x0  }
0x446: {  	[sflag:s8] =	ssyncadd.s32 @!p0 $0xFFFFFF80;
	p0 =	seq.s32 s4, $0x1  }
0x447: {  	s8 =	simm.s32 @!p0 $0x1  }
0x448: {  	_ =	swait.ge @!p0 [sflag:s8], $0x80  }
0x449: {  	s5 =	sld [smem:$0x7EA];
	_ =	sdelay $0x1  }
0x44a: {  	[sflag:s8] =	ssyncset.done @!p0 $0x0  }
0x44b: {  	[sflag:s8] =	ssyncadd.s32 @!p0 $0xFFFFFF80;
	p0 =	seq.s32 s5, $0x1  }
0x44c: {  	s8 =	simm.s32 @!p0 $0x1  }
0x44d: {  	_ =	swait.ge @!p0 [sflag:s8], $0x80  }
0x44e: {  	[sflag:s8] =	ssyncset.done @!p0 $0x0  }
0x44f: {  	[sflag:s8] =	ssyncadd.s32 @!p0 $0xFFFFFF80;
	s8 =	sld [smem:$0x7EB];
	_ =	sdelay $0x2  }
0x450: {  	p0 =	seq.s32 s8, $0x1  }
0x451: {  	s8 =	simm.s32 @!p0 $0x1  }
0x452: {  	_ =	swait.ge @!p0 [sflag:s8], $0x80  }
0x453: {  	s25 =	sadd.s32 $0x10, s25;
	[sflag:s8] =	ssyncset.done @!p0 $0x0  }
0x454: {  	s10 =	sand.u32 $0xF80, s25;
	[sflag:s8] =	ssyncadd.s32 @!p0 $0xFFFFFF80;
	s8 =	simm.s32 @!p5 $0x1  }
0x455: {  	s9 =	sand.u32 $0xE, s9;
	s10 =	sadd.s32 s10, s7;
	_ =	swait.ge @!p5 [sflag:s8], $0x80  }
0x456: {  	s9 =	sadd.s32 s9, s10;
	s10 =	sld [smem:$0x7EC];
	_ =	sdelay $0x2  }
0x457: {  	[sflag:s8] =	ssyncset.done @!p5 $0x0;
	p0 =	seq.s32 s10, $0x1  }
0x458: {  	[sflag:s8] =	ssyncadd.s32 @!p5 $0xFFFFFF80;
	s8 =	simm.s32 @!p0 $0x1  }
0x459: {  	_ =	swait.ge @!p0 [sflag:s8], $0x80  }
0x45a: {  	[sflag:s8] =	ssyncset.done @!p0 $0x0  }
0x45b: {  	[sflag:s8] =	ssyncadd.s32 @!p0 $0xFFFFFF80;
	s8 =	simm.s32 @!p6 $0x1  }
0x45c: {  	_ =	swait.ge @!p6 [sflag:s8], $0x80  }
0x45d: {  	[sflag:s8] =	ssyncset.done @!p6 $0x0  }
0x45e: {  	[sflag:s8] =	ssyncadd.s32 @!p6 $0xFFFFFF80  }
0x45f: {  	[tilespmem:s3], [sflag:$0x2] =	stream.linear.gather [hbm4b:s28+s3], $0x800, $0x38;
	[tilespmem:$0x14910] =	vst v63  }
0x460: {  	_ =	swait.ge [sflag:s21], $0x800  }
0x461: {  	[sflag:s21] =	ssyncset.done $0x0  }
0x462: {  	[sflag:s21] =	ssyncadd.s32 $0xFFFFF800  }
0x463: {  	[tilespmem:s22], [sflag:$0x2] =	stream.linear.gather [hbm4b:s9+s3], $0x10, $0x38;
	[tilespmem:$0x14910] =	vst v63  }
0x464: {  	_ =	swait.ge [sflag:s21], $0x10  }
0x465: {  	[sflag:s21] =	ssyncset.done $0x0  }
0x466: {  	[sflag:s21] =	ssyncadd.s32 $0xFFFFFFF0  }
0x467: {  	v2 =	vld [tilespmem:$0x800];
	_ =	sdelay $0x4  }
0x468: {  	(v2sf) =	vpush v2, $0x0  }
0x469: {  	(v2sf) =	vpush v2, $0x2;
	_ =	sdelay $0x1  }
0x46a: {  	(v2sf) =	vpush v2, $0x5;
	_ =	sdelay $0x1  }
0x46b: {  	(v2sf) =	vpush v2, $0x3  }
0x46c: {  	(v2sf) =	vpush v2, $0x1;
	_ =	sdelay $0x1  }
0x46d: {  	(v2sf) =	vpush v2, $0x7  }
0x46e: {  	(v2sf) =	vpush v2, $0x8  }
0x46f: {  	(v2sf) =	vpush v2, $0xC;
	_ =	sdelay $0x1  }
0x470: {  	(v2sf) =	vpush v2, $0x6  }
0x471: {  	(v2sf) =	vpush v2, $0xD;
	_ =	sdelay $0x1  }
0x472: {  	(v2sf) =	vpush v2, $0x4;
	s11 =	spop (v2sf)  }
0x473: {  	p2 =	seq.s32 s11, $0x0;
	s12 =	spop (v2sf)  }
0x474: {  	s9 =	simm.s32 @!p2 $0x2880;
	p3 =	seq.s32 s12, $0x0  }
0x475: {  	s8 =	spop (v2sf);
	s10 =	simm.s32 @!p2 $0x0;
	s13 =	simm.s32 @!p2 $0x80  }
0x476: {  	[spmem:s2] =	stream.indirect.scatter @!p2 [tilespmem:s9], [sflag:$0x1], $0x1, s10, s13, $0xb8;
	[tilespmem:$0x14910] =	vst v63  }
0x477: {  	s11 =	simm.s32 @!p3 $0x80;
	s29 =	spop (v2sf);
	s9 =	simm.s32 @!p3 $0x2880  }
0x478: {  	s10 =	simm.s32 @!p3 $0x100;
	p5 =	seq.s32 s8, $0x0;
	s30 =	spop (v2sf)  }
0x479: {  	p1 =	seq.s32 s29, $0x0;
	s8 =	simm.s32 @!p5 $0x0;
	p0 =	seq.s32 s30, $0x0  }
0x47a: {  	s12 =	spop (v2sf);
	s1 =	simm.s32 @!p1 $0x80;
	s4 =	simm.s32 @!p1 $0x2880  }
0x47b: {  	(v2sf) =	vpush v2, $0xA;
	s8 =	simm.s32 @p5 $0x1;
	s14 =	simm.s32 @!p0 $0x2880;
	s15 =	spop (v2sf)  }
0x47c: {  	s31 =	simm.s32 @!p0 $0x80;
	s0 =	simm.s32 @!p0 $0x0;
	s30 =	spop (v2sf)  }
0x47d: {  	(v2sf) =	vpush v2, $0xB;
	[spmem:s2] =	stream.indirect.scatter @!p0 [tilespmem:s14], [sflag:$0x1], $0x1, s31, s31, $0xb8;
	[tilespmem:$0x14910] =	vst v63  }
0x47e: {  	(v2sf) =	vpush v2, $0x9;
	[smem:$0x7E4] =	sst s8;
	s0 =	simm.s32 @p0 $0x1;
	s5 =	spop (v2sf)  }
0x47f: {  	p6 =	seq.s32 s12, $0x0;
	[smem:$0x7E2] =	sst s0;
	s29 =	spop (v2sf)  }
0x480: {  	[spmem:s2] =	stream.indirect.scatter @!p3 [tilespmem:s9], [sflag:$0x1], $0x1, s10, s11, $0xb8;
	[tilespmem:$0x14910] =	vst v63  }
0x481: {  	s0 =	simm.s32 @!p1 $0x180;
	p4 =	seq.s32 s5, $0x0;
	s13 =	spop (v2sf)  }
0x482: {  	s10 =	simm.s32 @!p4 $0x80;
	s12 =	simm.s32 @!p4 $0x0;
	p0 =	seq.s32 s13, $0x0  }
0x483: {  	[spmem:s2] =	stream.indirect.scatter @!p1 [tilespmem:s4], [sflag:$0x1], $0x1, s0, s1, $0xb8;
	[tilespmem:$0x14910] =	vst v63  }
0x484: {  	s12 =	simm.s32 @p4 $0x1;
	s5 =	simm.s32 @!p0 $0x0;
	s0 =	simm.s32 @!p0 $0x80  }
0x485: {  	s1 =	simm.s32 @!p0 $0x200;
	s4 =	simm.s32 @!p0 $0x2880;
	[smem:$0x7E5] =	sst s12  }
0x486: {  	[spmem:s2] =	stream.indirect.scatter @!p0 [tilespmem:s4], [sflag:$0x1], $0x1, s1, s0, $0xb8;
	[tilespmem:$0x14910] =	vst v63  }
0x487: {  	(v2sf) =	vpush v2, $0xF;
	s5 =	simm.s32 @p0 $0x1;
	s0 =	simm.s32 @!p5 $0x80;
	s1 =	simm.s32 @!p5 $0x280  }
0x488: {  	s4 =	simm.s32 @!p5 $0x2880;
	p0 =	seq.s32 s29, $0x0;
	[smem:$0x7ED] =	sst s5  }
0x489: {  	[spmem:s2] =	stream.indirect.scatter @!p5 [tilespmem:s4], [sflag:$0x1], $0x1, s1, s0, $0xb8;
	[tilespmem:$0x14910] =	vst v63  }
0x48a: {  	s5 =	spop (v2sf);
	s0 =	simm.s32 @!p4 $0x2880;
	s1 =	simm.s32 @!p4 $0x300  }
0x48b: {  	[spmem:s2] =	stream.indirect.scatter @!p4 [tilespmem:s0], [sflag:$0x1], $0x1, s1, s10, $0xb8;
	[tilespmem:$0x14910] =	vst v63  }
0x48c: {  	s31 =	spop (v2sf);
	s4 =	simm.s32 @!p6 $0x2880;
	s0 =	simm.s32 @!p6 $0x80  }
0x48d: {  	s1 =	simm.s32 @!p6 $0x380;
	s10 =	simm.s32 @!p6 $0x0;
	s13 =	spop (v2sf)  }
0x48e: {  	p4 =	seq.s32 s15, $0x0;
	s10 =	simm.s32 @p6 $0x1;
	p5 =	seq.s32 s13, $0x0  }
0x48f: {  	[spmem:s2] =	stream.indirect.scatter @!p6 [tilespmem:s4], [sflag:$0x1], $0x1, s1, s0, $0xb8;
	[tilespmem:$0x14910] =	vst v63  }
0x490: {  	[smem:$0x7E6] =	sst s10;
	s0 =	simm.s32 @!p4 $0x80;
	s1 =	simm.s32 @!p4 $0x400  }
0x491: {  	s4 =	simm.s32 @!p4 $0x2880;
	s10 =	simm.s32 @!p4 $0x0;
	p6 =	seq.s32 s30, $0x0  }
0x492: {  	(v2sf) =	vpush v2, $0xE;
	s11 =	simm.s32 @!p5 $0x2880;
	s10 =	simm.s32 @p4 $0x1;
	s12 =	simm.s32 @!p6 $0x2880  }
0x493: {  	[spmem:s2] =	stream.indirect.scatter @!p4 [tilespmem:s4], [sflag:$0x1], $0x1, s1, s0, $0xb8;
	[tilespmem:$0x14910] =	vst v63  }
0x494: {  	[smem:$0x7E7] =	sst s10;
	s0 =	simm.s32 @!p5 $0x80;
	s1 =	simm.s32 @!p5 $0x480  }
0x495: {  	p4 =	seq.s32 s5, $0x0;
	s4 =	simm.s32 @!p5 $0x0;
	s10 =	simm.s32 @!p6 $0x80  }
0x496: {  	s14 =	spop (v2sf);
	s4 =	simm.s32 @p5 $0x1;
	s5 =	simm.s32 @!p4 $0x0  }
0x497: {  	[spmem:s2] =	stream.indirect.scatter @!p5 [tilespmem:s11], [sflag:$0x1], $0x1, s1, s0, $0xb8;
	[tilespmem:$0x14910] =	vst v63  }
0x498: {  	[smem:$0x7E8] =	sst s4;
	s0 =	simm.s32 @!p4 $0x80;
	p5 =	seq.s32 s31, $0x0  }
0x499: {  	s1 =	simm.s32 @!p4 $0x500;
	s4 =	simm.s32 @!p4 $0x2880;
	s9 =	simm.s32 @!p5 $0x580  }
0x49a: {  	[spmem:s2] =	stream.indirect.scatter @!p4 [tilespmem:s4], [sflag:$0x1], $0x1, s1, s0, $0xb8;
	[tilespmem:$0x14910] =	vst v63  }
0x49b: {  	s13 =	simm.s32 @!p5 $0x0;
	s1 =	simm.s32 @!p5 $0x2880;
	s0 =	simm.s32 @!p5 $0x80  }
0x49c: {  	[spmem:s2] =	stream.indirect.scatter @!p5 [tilespmem:s1], [sflag:$0x1], $0x1, s9, s0, $0xb8;
	[tilespmem:$0x14910] =	vst v63  }
0x49d: {  	s5 =	simm.s32 @p4 $0x1;
	s11 =	simm.s32 @!p6 $0x600;
	s13 =	simm.s32 @p5 $0x1  }
0x49e: {  	[spmem:s2] =	stream.indirect.scatter @!p6 [tilespmem:s12], [sflag:$0x1], $0x1, s11, s10, $0xb8;
	[tilespmem:$0x14910] =	vst v63  }
0x49f: {  	s0 =	simm.s32 @!p0 $0x80;
	s1 =	simm.s32 @!p0 $0x680;
	s9 =	simm.s32 @!p0 $0x2880  }
0x4a0: {  	[spmem:s2] =	stream.indirect.scatter @!p0 [tilespmem:s9], [sflag:$0x1], $0x1, s1, s0, $0xb8;
	[tilespmem:$0x14910] =	vst v63  }
0x4a1: {  	[smem:$0x7EA] =	sst s13;
	s13 =	simm.s32 @!p6 $0x0;
	s15 =	spop (v2sf)  }
0x4a2: {  	[smem:$0x7E9] =	sst s5;
	s13 =	simm.s32 @p6 $0x1;
	p4 =	seq.s32 s15, $0x0  }
0x4a3: {  	[smem:$0x7EB] =	sst s13;
	p6 =	seq.s32 s14, $0x0;
	s4 =	simm.s32 @!p4 $0x80  }
0x4a4: {  	s5 =	simm.s32 @!p4 $0x700;
	s0 =	simm.s32 @!p4 $0x2880;
	s8 =	simm.s32 @!p4 $0x0  }
0x4a5: {  	[spmem:s2] =	stream.indirect.scatter @!p4 [tilespmem:s0], [sflag:$0x1], $0x1, s5, s4, $0xb8;
	[tilespmem:$0x14910] =	vst v63  }
0x4a6: {  	s1 =	simm.s32 @!p2 $0x1;
	s8 =	simm.s32 @p4 $0x1;
	s0 =	simm.s32 @!p6 $0x80  }
0x4a7: {  	s4 =	simm.s32 @!p6 $0x780;
	s5 =	simm.s32 @!p6 $0x2880;
	[smem:$0x7EC] =	sst s8  }
0x4a8: {  	[spmem:s2] =	stream.indirect.scatter @!p6 [tilespmem:s5], [sflag:$0x1], $0x1, s4, s0, $0xb8;
	[tilespmem:$0x14910] =	vst v63  }
0x4a9: {  	_ =	swait.ge @!p2 [sflag:s1], $0x80  }
0x4aa: {  	s29 =	sld [smem:$0x7E2];
	_ =	sdelay $0x2  }
0x4ab: {  	p5 =	por p0, p0;
	[sflag:s1] =	ssyncset.done @!p2 $0x0;
	p0 =	seq.s32 s29, $0x1  }
0x4ac: {  	[sflag:s1] =	ssyncadd.s32 @!p2 $0xFFFFFF80;
	s0 =	simm.s32 @!p0 $0x1  }
0x4ad: {  	_ =	swait.ge @!p0 [sflag:s0], $0x80  }
0x4ae: {  	[sflag:s0] =	ssyncset.done @!p0 $0x0  }
0x4af: {  	[sflag:s0] =	ssyncadd.s32 @!p0 $0xFFFFFF80;
	s0 =	simm.s32 @!p3 $0x1  }
0x4b0: {  	_ =	swait.ge @!p3 [sflag:s0], $0x80  }
0x4b1: {  	[sflag:s0] =	ssyncset.done @!p3 $0x0  }
0x4b2: {  	[sflag:s0] =	ssyncadd.s32 @!p3 $0xFFFFFF80;
	s0 =	simm.s32 @!p1 $0x1  }
0x4b3: {  	_ =	swait.ge @!p1 [sflag:s0], $0x80  }
0x4b4: {  	s31 =	sld [smem:$0x7E3];
	_ =	sdelay $0x2  }
0x4b5: {  	p0 =	seq.s32 s31, $0x1  }
.Ltmp7:
0x4b6: {  	s30 =	sld [smem:$0x7ED];
	(pc) =	sbr.rel @p0 .LBB2_5-.Ltmp7, $4  }
0x4b7: {  	_ = 	snop  }
0x4b8: {  	[sflag:s0] =	ssyncset.done @!p1 $0x0  }
0x4b9: {  	[sflag:s0] =	ssyncadd.s32 @!p1 $0xFFFFFF80;
	p1 =	seq.s32 s30, $0x1  }
0x4ba: {  	s28 =	sadd.s32 $0x100, s28;
	s8 =	simm.s32 @!p1 $0x1  }
0x4bb: {  	_ =	swait.ge @!p1 [sflag:s8], $0x80  }
0x4bc: {  	s0 =	sld [smem:$0x7E4];
	_ =	sdelay $0x2  }
0x4bd: {  	[sflag:s8] =	ssyncset.done @!p1 $0x0;
	p0 =	seq.s32 s0, $0x1  }
0x4be: {  	[sflag:s8] =	ssyncadd.s32 @!p1 $0xFFFFFF80;
	s0 =	simm.s32 @!p0 $0x1  }
0x4bf: {  	_ =	swait.ge @!p0 [sflag:s0], $0x80  }
0x4c0: {  	s11 =	sld [smem:$0x7E5];
	_ =	sdelay $0x1  }
0x4c1: {  	[sflag:s0] =	ssyncset.done @!p0 $0x0  }
0x4c2: {  	[sflag:s0] =	ssyncadd.s32 @!p0 $0xFFFFFF80;
	p0 =	seq.s32 s11, $0x1  }
0x4c3: {  	s0 =	simm.s32 @!p0 $0x1  }
0x4c4: {  	_ =	swait.ge @!p0 [sflag:s0], $0x80  }
0x4c5: {  	s12 =	sld [smem:$0x7E6];
	_ =	sdelay $0x1  }
0x4c6: {  	[sflag:s0] =	ssyncset.done @!p0 $0x0  }
0x4c7: {  	[sflag:s0] =	ssyncadd.s32 @!p0 $0xFFFFFF80;
	p0 =	seq.s32 s12, $0x1  }
0x4c8: {  	s0 =	simm.s32 @!p0 $0x1  }
0x4c9: {  	_ =	swait.ge @!p0 [sflag:s0], $0x80  }
0x4ca: {  	s13 =	sld [smem:$0x7E7];
	_ =	sdelay $0x1  }
0x4cb: {  	[sflag:s0] =	ssyncset.done @!p0 $0x0  }
0x4cc: {  	[sflag:s0] =	ssyncadd.s32 @!p0 $0xFFFFFF80;
	p0 =	seq.s32 s13, $0x1  }
0x4cd: {  	s0 =	simm.s32 @!p0 $0x1  }
0x4ce: {  	_ =	swait.ge @!p0 [sflag:s0], $0x80  }
0x4cf: {  	s14 =	sld [smem:$0x7E8];
	_ =	sdelay $0x1  }
0x4d0: {  	[sflag:s0] =	ssyncset.done @!p0 $0x0  }
0x4d1: {  	[sflag:s0] =	ssyncadd.s32 @!p0 $0xFFFFFF80;
	p0 =	seq.s32 s14, $0x1  }
0x4d2: {  	s0 =	simm.s32 @!p0 $0x1  }
0x4d3: {  	_ =	swait.ge @!p0 [sflag:s0], $0x80  }
0x4d4: {  	s15 =	sld [smem:$0x7E9];
	_ =	sdelay $0x1  }
0x4d5: {  	[sflag:s0] =	ssyncset.done @!p0 $0x0  }
0x4d6: {  	[sflag:s0] =	ssyncadd.s32 @!p0 $0xFFFFFF80;
	p0 =	seq.s32 s15, $0x1  }
0x4d7: {  	s0 =	simm.s32 @!p0 $0x1  }
0x4d8: {  	_ =	swait.ge @!p0 [sflag:s0], $0x80  }
0x4d9: {  	s25 =	sld [smem:$0x7EA];
	_ =	sdelay $0x1  }
0x4da: {  	[sflag:s0] =	ssyncset.done @!p0 $0x0  }
0x4db: {  	[sflag:s0] =	ssyncadd.s32 @!p0 $0xFFFFFF80;
	p0 =	seq.s32 s25, $0x1  }
0x4dc: {  	s0 =	simm.s32 @!p0 $0x1  }
0x4dd: {  	_ =	swait.ge @!p0 [sflag:s0], $0x80  }
0x4de: {  	s26 =	sld [smem:$0x7EB];
	_ =	sdelay $0x1  }
0x4df: {  	[sflag:s0] =	ssyncset.done @!p0 $0x0  }
0x4e0: {  	[sflag:s0] =	ssyncadd.s32 @!p0 $0xFFFFFF80;
	p0 =	seq.s32 s26, $0x1  }
0x4e1: {  	s0 =	simm.s32 @!p0 $0x1  }
0x4e2: {  	_ =	swait.ge @!p0 [sflag:s0], $0x80  }
0x4e3: {  	[sflag:s0] =	ssyncset.done @!p0 $0x0  }
0x4e4: {  	[sflag:s0] =	ssyncadd.s32 @!p0 $0xFFFFFF80;
	s0 =	simm.s32 @!p5 $0x1  }
0x4e5: {  	_ =	swait.ge @!p5 [sflag:s0], $0x80  }
0x4e6: {  	s29 =	sld [smem:$0x7EC];
	_ =	sdelay $0x2  }
0x4e7: {  	[sflag:s0] =	ssyncset.done @!p5 $0x0;
	p0 =	seq.s32 s29, $0x1  }
0x4e8: {  	[sflag:s0] =	ssyncadd.s32 @!p5 $0xFFFFFF80;
	s0 =	simm.s32 @!p0 $0x1  }
0x4e9: {  	_ =	swait.ge @!p0 [sflag:s0], $0x80  }
0x4ea: {  	[sflag:s0] =	ssyncset.done @!p0 $0x0  }
0x4eb: {  	[sflag:s0] =	ssyncadd.s32 @!p0 $0xFFFFFF80;
	s0 =	simm.s32 @!p6 $0x1  }
0x4ec: {  	_ =	swait.ge @!p6 [sflag:s0], $0x80  }
0x4ed: {  	[sflag:s0] =	ssyncset.done @!p6 $0x0  }
0x4ee: {  	[sflag:s0] =	ssyncadd.s32 @!p6 $0xFFFFFF80  }
0x4ef: {  	[bflag:$0x0] =	sbarrier.arrive $0xFFFF  }
0x4f0: {  	s30 =	rddreg [dreg:$0x5]  }
0x4f1: {  	[tilespmem:s23], [sflag:$0x2] =	stream.linear.gather [spmem:s30], $0x2000, $0x38;
	[tilespmem:$0x14910] =	vst v63  }
0x4f2: {  	_ =	swait.ge [sflag:s21], $0x2000  }
0x4f3: {  	[sflag:s21] =	ssyncset.done $0x0  }
0x4f4: {  	s25 =	simm.s32 $0x0;
	s31 =	rddreg [dreg:$0x1b];
	[sflag:s21] =	ssyncadd.s32 $0xFFFFE000  }
0x4f5: {  	[hbm4b:s31+s25] =	stream.linear.scatter [tilespmem:s23], [sflag:$0x2], $0x2000, $0x38;
	[tilespmem:$0x14910] =	vst v63  }
0x4f6: {  	_ =	swait.ge [sflag:s21], $0x2000  }
0x4f7: {  	[sflag:s21] =	ssyncset.done $0x0  }
0x4f8: {  	s1 =	rddreg [dreg:$0x6];
	[sflag:s21] =	ssyncadd.s32 $0xFFFFE000  }
0x4f9: {  	[tilespmem:s23], [sflag:$0x2] =	stream.linear.gather [spmem:s1], $0x2000, $0x38;
	[tilespmem:$0x14910] =	vst v63  }
0x4fa: {  	_ =	swait.ge [sflag:s21], $0x2000  }
0x4fb: {  	[sflag:s21] =	ssyncset.done $0x0  }
0x4fc: {  	s4 =	rddreg [dreg:$0xd];
	[sflag:s21] =	ssyncadd.s32 $0xFFFFE000  }
0x4fd: {  	[hbm4b:s4+s25] =	stream.linear.scatter [tilespmem:s23], [sflag:$0x2], $0x2000, $0x38;
	[tilespmem:$0x14910] =	vst v63  }
0x4fe: {  	_ =	swait.ge [sflag:s21], $0x2000  }
0x4ff: {  	[sflag:s21] =	ssyncset.done $0x0  }
0x500: {  	s5 =	rddreg [dreg:$0x7];
	[sflag:s21] =	ssyncadd.s32 $0xFFFFE000  }
0x501: {  	[tilespmem:s23], [sflag:$0x2] =	stream.linear.gather [spmem:s5], $0x2000, $0x38;
	[tilespmem:$0x14910] =	vst v63  }
0x502: {  	_ =	swait.ge [sflag:s21], $0x2000  }
0x503: {  	[sflag:s21] =	ssyncset.done $0x0  }
0x504: {  	s8 =	rddreg [dreg:$0xf];
	[sflag:s21] =	ssyncadd.s32 $0xFFFFE000  }
0x505: {  	[hbm4b:s8+s25] =	stream.linear.scatter [tilespmem:s23], [sflag:$0x2], $0x2000, $0x38;
	[tilespmem:$0x14910] =	vst v63  }
0x506: {  	_ =	swait.ge [sflag:s21], $0x2000  }
0x507: {  	[sflag:s21] =	ssyncset.done $0x0  }
0x508: {  	s9 =	rddreg [dreg:$0x8];
	[sflag:s21] =	ssyncadd.s32 $0xFFFFE000  }
0x509: {  	[tilespmem:s23], [sflag:$0x2] =	stream.linear.gather [spmem:s9], $0x2000, $0x38;
	[tilespmem:$0x14910] =	vst v63  }
0x50a: {  	_ =	swait.ge [sflag:s21], $0x2000  }
0x50b: {  	[sflag:s21] =	ssyncset.done $0x0  }
0x50c: {  	s10 =	rddreg [dreg:$0x11];
	[sflag:s21] =	ssyncadd.s32 $0xFFFFE000  }
0x50d: {  	[hbm4b:s10+s25] =	stream.linear.scatter [tilespmem:s23], [sflag:$0x2], $0x2000, $0x38;
	[tilespmem:$0x14910] =	vst v63  }
0x50e: {  	_ =	swait.ge [sflag:s21], $0x2000  }
0x50f: {  	[sflag:s21] =	ssyncset.done $0x0  }
0x510: {  	s11 =	rddreg [dreg:$0x9];
	[sflag:s21] =	ssyncadd.s32 $0xFFFFE000  }
0x511: {  	[tilespmem:s23], [sflag:$0x2] =	stream.linear.gather [spmem:s11], $0x2000, $0x38;
	[tilespmem:$0x14910] =	vst v63  }
0x512: {  	_ =	swait.ge [sflag:s21], $0x2000  }
0x513: {  	[sflag:s21] =	ssyncset.done $0x0  }
0x514: {  	s12 =	rddreg [dreg:$0x13];
	[sflag:s21] =	ssyncadd.s32 $0xFFFFE000  }
0x515: {  	[hbm4b:s12+s25] =	stream.linear.scatter [tilespmem:s23], [sflag:$0x2], $0x2000, $0x38;
	[tilespmem:$0x14910] =	vst v63  }
0x516: {  	_ =	swait.ge [sflag:s21], $0x2000  }
0x517: {  	[sflag:s21] =	ssyncset.done $0x0  }
0x518: {  	s13 =	rddreg [dreg:$0xa];
	[sflag:s21] =	ssyncadd.s32 $0xFFFFE000  }
0x519: {  	[tilespmem:s23], [sflag:$0x2] =	stream.linear.gather [spmem:s13], $0x2000, $0x38;
	[tilespmem:$0x14910] =	vst v63  }
0x51a: {  	_ =	swait.ge [sflag:s21], $0x2000  }
0x51b: {  	[sflag:s21] =	ssyncset.done $0x0  }
0x51c: {  	s14 =	rddreg [dreg:$0x15];
	[sflag:s21] =	ssyncadd.s32 $0xFFFFE000  }
0x51d: {  	[hbm4b:s14+s25] =	stream.linear.scatter [tilespmem:s23], [sflag:$0x2], $0x2000, $0x38;
	[tilespmem:$0x14910] =	vst v63  }
0x51e: {  	_ =	swait.ge [sflag:s21], $0x2000  }
0x51f: {  	[sflag:s21] =	ssyncset.done $0x0  }
0x520: {  	s15 =	rddreg [dreg:$0xb];
	[sflag:s21] =	ssyncadd.s32 $0xFFFFE000  }
0x521: {  	[tilespmem:s23], [sflag:$0x2] =	stream.linear.gather [spmem:s15], $0x2000, $0x38;
	[tilespmem:$0x14910] =	vst v63  }
0x522: {  	_ =	swait.ge [sflag:s21], $0x2000  }
0x523: {  	[sflag:s21] =	ssyncset.done $0x0  }
0x524: {  	s26 =	rddreg [dreg:$0x17];
	[sflag:s21] =	ssyncadd.s32 $0xFFFFE000  }
0x525: {  	[hbm4b:s26+s25] =	stream.linear.scatter [tilespmem:s23], [sflag:$0x2], $0x2000, $0x38;
	[tilespmem:$0x14910] =	vst v63  }
0x526: {  	_ =	swait.ge [sflag:s21], $0x2000  }
0x527: {  	[sflag:s21] =	ssyncset.done $0x0  }
0x528: {  	s29 =	rddreg [dreg:$0xc];
	[sflag:s21] =	ssyncadd.s32 $0xFFFFE000  }
0x529: {  	[tilespmem:s23], [sflag:$0x2] =	stream.linear.gather [spmem:s29], $0x2000, $0x38;
	[tilespmem:$0x14910] =	vst v63  }
0x52a: {  	_ =	swait.ge [sflag:s21], $0x2000  }
0x52b: {  	[sflag:s21] =	ssyncset.done $0x0  }
0x52c: {  	s30 =	rddreg [dreg:$0x19];
	[sflag:s21] =	ssyncadd.s32 $0xFFFFE000  }
0x52d: {  	[hbm4b:s30+s25] =	stream.linear.scatter [tilespmem:s23], [sflag:$0x2], $0x2000, $0x38;
	[tilespmem:$0x14910] =	vst v63  }
0x52e: {  	_ =	swait.ge [sflag:s21], $0x2000  }
0x52f: {  	[sflag:s21] =	ssyncset.done $0x0  }
0x530: {  	[sflag:s21] =	ssyncadd.s32 $0xFFFFE000  }
0x531: {  	[bflag:$0x0] =	sbarrier.arrive $0xFFFF  }
0x532: {  	[spmem:s6] =	stream.linear.scatter [tilespmem:s20], [sflag:$0x2], $0x2000, $0x38;
	[tilespmem:$0x14910] =	vst v63  }
0x533: {  	_ =	swait.ge [sflag:s21], $0x2000  }
0x534: {  	s31 =	sld [smem:$0x7FA]  }
0x535: {  	[sflag:s21] =	ssyncset.done $0x0  }
0x536: {  	[sflag:s21] =	ssyncadd.s32 $0xFFFFE000  }
0x537: {  	[spmem:s31] =	stream.linear.scatter [tilespmem:s20], [sflag:$0x2], $0x2000, $0x38;
	[tilespmem:$0x14910] =	vst v63  }
0x538: {  	_ =	swait.ge [sflag:s21], $0x2000  }
0x539: {  	s1 =	sld [smem:$0x7FB]  }
0x53a: {  	[sflag:s21] =	ssyncset.done $0x0  }
0x53b: {  	[sflag:s21] =	ssyncadd.s32 $0xFFFFE000  }
0x53c: {  	[spmem:s1] =	stream.linear.scatter [tilespmem:s20], [sflag:$0x2], $0x2000, $0x38;
	[tilespmem:$0x14910] =	vst v63  }
0x53d: {  	_ =	swait.ge [sflag:s21], $0x2000  }
0x53e: {  	s4 =	sld [smem:$0x7FC]  }
0x53f: {  	[sflag:s21] =	ssyncset.done $0x0  }
0x540: {  	[sflag:s21] =	ssyncadd.s32 $0xFFFFE000  }
0x541: {  	[spmem:s4] =	stream.linear.scatter [tilespmem:s20], [sflag:$0x2], $0x2000, $0x38;
	[tilespmem:$0x14910] =	vst v63  }
0x542: {  	_ =	swait.ge [sflag:s21], $0x2000  }
0x543: {  	s5 =	sld [smem:$0x7FD]  }
0x544: {  	[sflag:s21] =	ssyncset.done $0x0  }
0x545: {  	[sflag:s21] =	ssyncadd.s32 $0xFFFFE000  }
0x546: {  	[spmem:s5] =	stream.linear.scatter [tilespmem:s20], [sflag:$0x2], $0x2000, $0x38;
	[tilespmem:$0x14910] =	vst v63  }
0x547: {  	_ =	swait.ge [sflag:s21], $0x2000  }
0x548: {  	[sflag:s21] =	ssyncset.done $0x0  }
0x549: {  	[sflag:s21] =	ssyncadd.s32 $0xFFFFE000  }
0x54a: {  	[spmem:s17] =	stream.linear.scatter [tilespmem:s20], [sflag:$0x2], $0x2000, $0x38;
	[tilespmem:$0x14910] =	vst v63  }
0x54b: {  	_ =	swait.ge [sflag:s21], $0x2000  }
0x54c: {  	[sflag:s21] =	ssyncset.done $0x0  }
0x54d: {  	[sflag:s21] =	ssyncadd.s32 $0xFFFFE000  }
0x54e: {  	[spmem:s18] =	stream.linear.scatter [tilespmem:s20], [sflag:$0x2], $0x2000, $0x38;
	[tilespmem:$0x14910] =	vst v63  }
0x54f: {  	_ =	swait.ge [sflag:s21], $0x2000  }
0x550: {  	[sflag:s21] =	ssyncset.done $0x0  }
0x551: {  	[sflag:s21] =	ssyncadd.s32 $0xFFFFE000  }
0x552: {  	[spmem:s19] =	stream.linear.scatter [tilespmem:s20], [sflag:$0x2], $0x2000, $0x38;
	[tilespmem:$0x14910] =	vst v63  }
0x553: {  	_ =	swait.ge [sflag:s21], $0x2000  }
0x554: {  	s8 =	sld [smem:$0x7F9]  }
0x555: {  	[sflag:s21] =	ssyncset.done $0x0  }
0x556: {  	[sflag:s21] =	ssyncadd.s32 $0xFFFFE000  }
0x557: {  	[spmem:s8] =	stream.linear.scatter [tilespmem:s20], [sflag:$0x2], $0x10, $0x38;
	[tilespmem:$0x14910] =	vst v63  }
0x558: {  	_ =	swait.ge [sflag:s21], $0x10  }
0x559: {  	[sflag:s21] =	ssyncset.done $0x0  }
0x55a: {  	[sflag:s21] =	ssyncadd.s32 $0xFFFFFFF0  }
0x55b: {  	[bflag:$0x0] =	sbarrier.arrive $0xFFFF  }
0x55c: {  	s11 =	sld [smem:$0x7F5];
	_ =	sdelay $0x2  }
0x55d: {  	[tilespmem:s3], [sflag:$0x2] =	stream.linear.gather [hbm4b:s11+s3], $0x800, $0x38;
	[tilespmem:$0x14910] =	vst v63  }
0x55e: {  	s9 =	sand.u32 $0xF80, s25;
	_ =	swait.ge [sflag:s21], $0x800  }
0x55f: {  	s0 =	sadd.s32 s9, s7;
	s1 =	sand.u32 $0xE, s25;
	[sflag:s21] =	ssyncset.done $0x0  }
0x560: {  	s0 =	sadd.s32 s1, s0;
	[sflag:s21] =	ssyncadd.s32 $0xFFFFF800  }
0x561: {  	[tilespmem:s22], [sflag:$0x2] =	stream.linear.gather [hbm4b:s0+s3], $0x10, $0x38;
	[tilespmem:$0x14910] =	vst v63  }
0x562: {  	_ =	swait.ge [sflag:s21], $0x10  }
0x563: {  	[sflag:s21] =	ssyncset.done $0x0  }
0x564: {  	[sflag:s21] =	ssyncadd.s32 $0xFFFFFFF0  }
0x565: {  	v2 =	vld [tilespmem:$0x800];
	_ =	sdelay $0x4  }
0x566: {  	(v2sf) =	vpush v2, $0x0;
	_ =	sdelay $0x1  }
0x567: {  	(v2sf) =	vpush v2, $0x2  }
0x568: {  	(v2sf) =	vpush v2, $0x5  }
0x569: {  	(v2sf) =	vpush v2, $0x3;
	_ =	sdelay $0x1  }
0x56a: {  	(v2sf) =	vpush v2, $0x1  }
0x56b: {  	(v2sf) =	vpush v2, $0x7  }
0x56c: {  	(v2sf) =	vpush v2, $0x8;
	_ =	sdelay $0x1  }
0x56d: {  	(v2sf) =	vpush v2, $0xC  }
0x56e: {  	(v2sf) =	vpush v2, $0x6;
	_ =	sdelay $0x1  }
0x56f: {  	(v2sf) =	vpush v2, $0xD;
	_ =	sdelay $0x1  }
0x570: {  	s10 =	spop (v2sf);
	(v2sf) =	vpush v2, $0x4;
	_ =	sdelay $0x1  }
0x571: {  	s12 =	spop (v2sf);
	p2 =	seq.s32 s10, $0x0  }
0x572: {  	s4 =	spop (v2sf);
	s5 =	simm.s32 @!p2 $0x2880;
	p0 =	seq.s32 s12, $0x0  }
0x573: {  	s8 =	simm.s32 @!p2 $0x0;
	s1 =	simm.s32 @!p2 $0x80;
	s13 =	spop (v2sf)  }
0x574: {  	[spmem:s2] =	stream.indirect.scatter @!p2 [tilespmem:s5], [sflag:$0x1], $0x1, s8, s1, $0xb8;
	[tilespmem:$0x14910] =	vst v63  }
0x575: {  	s9 =	simm.s32 @!p0 $0x80;
	s14 =	spop (v2sf)  }
0x576: {  	s10 =	simm.s32 @!p0 $0x100;
	p3 =	seq.s32 s14, $0x0;
	s15 =	spop (v2sf)  }
0x577: {  	s1 =	simm.s32 @!p3 $0x2880;
	s26 =	spop (v2sf);
	s8 =	simm.s32 @!p3 $0x80  }
0x578: {  	[spmem:s2] =	stream.indirect.scatter @!p3 [tilespmem:s1], [sflag:$0x1], $0x1, s8, s8, $0xb8;
	[tilespmem:$0x14910] =	vst v63  }
0x579: {  	p5 =	seq.s32 s4, $0x0;
	p1 =	seq.s32 s13, $0x0;
	s29 =	spop (v2sf)  }
0x57a: {  	(v2sf) =	vpush v2, $0xA;
	s1 =	simm.s32 @!p1 $0x180;
	s8 =	simm.s32 @!p0 $0x2880;
	s30 =	spop (v2sf)  }
0x57b: {  	[spmem:s2] =	stream.indirect.scatter @!p0 [tilespmem:s8], [sflag:$0x1], $0x1, s10, s9, $0xb8;
	[tilespmem:$0x14910] =	vst v63  }
0x57c: {  	s9 =	simm.s32 @!p1 $0x80;
	s10 =	simm.s32 @!p1 $0x2880;
	s31 =	spop (v2sf)  }
0x57d: {  	(v2sf) =	vpush v2, $0xB;
	[spmem:s2] =	stream.indirect.scatter @!p1 [tilespmem:s10], [sflag:$0x1], $0x1, s1, s9, $0xb8;
	[tilespmem:$0x14910] =	vst v63  }
0x57e: {  	(v2sf) =	vpush v2, $0x9;
	s12 =	simm.s32 @!p5 $0x0;
	s13 =	spop (v2sf)  }
0x57f: {  	s12 =	simm.s32 @p5 $0x1;
	p6 =	seq.s32 s13, $0x0  }
0x580: {  	[smem:$0x7D8] =	sst s12;
	p4 =	seq.s32 s30, $0x0;
	s10 =	simm.s32 @!p6 $0x0  }
0x581: {  	s12 =	simm.s32 @!p4 $0x0;
	s1 =	simm.s32 @!p6 $0x80;
	s10 =	simm.s32 @p6 $0x1  }
0x582: {  	s4 =	simm.s32 @!p6 $0x2880;
	[smem:$0x7E1] =	sst s10;
	s10 =	simm.s32 @!p6 $0x200  }
0x583: {  	[spmem:s2] =	stream.indirect.scatter @!p6 [tilespmem:s4], [sflag:$0x1], $0x1, s10, s1, $0xb8;
	[tilespmem:$0x14910] =	vst v63  }
0x584: {  	s1 =	simm.s32 @!p5 $0x80;
	s4 =	simm.s32 @!p5 $0x280;
	s10 =	simm.s32 @!p5 $0x2880  }
0x585: {  	[spmem:s2] =	stream.indirect.scatter @!p5 [tilespmem:s10], [sflag:$0x1], $0x1, s4, s1, $0xb8;
	[tilespmem:$0x14910] =	vst v63  }
0x586: {  	s1 =	simm.s32 @!p4 $0x80;
	s4 =	simm.s32 @!p4 $0x2880;
	s10 =	simm.s32 @!p4 $0x300  }
0x587: {  	[spmem:s2] =	stream.indirect.scatter @!p4 [tilespmem:s4], [sflag:$0x1], $0x1, s10, s1, $0xb8;
	[tilespmem:$0x14910] =	vst v63  }
0x588: {  	s12 =	simm.s32 @p4 $0x1;
	p4 =	seq.s32 s15, $0x0  }
0x589: {  	[smem:$0x7D9] =	sst s12;
	s14 =	spop (v2sf);
	s0 =	simm.s32 @!p4 $0x2880  }
0x58a: {  	s4 =	simm.s32 @!p4 $0x80;
	s10 =	simm.s32 @!p4 $0x380;
	s12 =	simm.s32 @!p4 $0x0  }
0x58b: {  	[spmem:s2] =	stream.indirect.scatter @!p4 [tilespmem:s0], [sflag:$0x1], $0x1, s10, s4, $0xb8;
	[tilespmem:$0x14910] =	vst v63  }
0x58c: {  	s15 =	spop (v2sf);
	s12 =	simm.s32 @p4 $0x1;
	p4 =	seq.s32 s26, $0x0  }
0x58d: {  	(v2sf) =	vpush v2, $0xF;
	s26 =	spop (v2sf);
	[smem:$0x7DA] =	sst s12;
	s4 =	simm.s32 @!p4 $0x80  }
0x58e: {  	s5 =	simm.s32 @!p4 $0x400;
	s10 =	simm.s32 @!p4 $0x2880;
	s12 =	simm.s32 @!p4 $0x0  }
0x58f: {  	(v2sf) =	vpush v2, $0xE;
	[spmem:s2] =	stream.indirect.scatter @!p4 [tilespmem:s10], [sflag:$0x1], $0x1, s5, s4, $0xb8;
	[tilespmem:$0x14910] =	vst v63  }
0x590: {  	s12 =	simm.s32 @p4 $0x1;
	p4 =	seq.s32 s26, $0x0  }
0x591: {  	[smem:$0x7DB] =	sst s12;
	s4 =	simm.s32 @!p4 $0x2880  }
0x592: {  	s5 =	simm.s32 @!p4 $0x80;
	s10 =	simm.s32 @!p4 $0x480;
	s12 =	simm.s32 @!p4 $0x0  }
0x593: {  	[spmem:s2] =	stream.indirect.scatter @!p4 [tilespmem:s4], [sflag:$0x1], $0x1, s10, s5, $0xb8;
	[tilespmem:$0x14910] =	vst v63  }
0x594: {  	s12 =	simm.s32 @p4 $0x1;
	p4 =	seq.s32 s14, $0x0  }
0x595: {  	s1 =	simm.s32 @!p4 $0x80  }
0x596: {  	s4 =	simm.s32 @!p4 $0x500;
	s5 =	simm.s32 @!p4 $0x2880;
	s10 =	simm.s32 @!p4 $0x0  }
0x597: {  	[spmem:s2] =	stream.indirect.scatter @!p4 [tilespmem:s5], [sflag:$0x1], $0x1, s4, s1, $0xb8;
	[tilespmem:$0x14910] =	vst v63  }
0x598: {  	[smem:$0x7DC] =	sst s12;
	s10 =	simm.s32 @p4 $0x1;
	p4 =	seq.s32 s15, $0x0  }
0x599: {  	p5 =	seq.s32 s31, $0x0;
	[smem:$0x7DD] =	sst s10;
	s0 =	simm.s32 @!p4 $0x2880  }
0x59a: {  	s1 =	simm.s32 @!p4 $0x80;
	s4 =	simm.s32 @!p4 $0x580;
	s5 =	simm.s32 @!p4 $0x0  }
0x59b: {  	[spmem:s2] =	stream.indirect.scatter @!p4 [tilespmem:s0], [sflag:$0x1], $0x1, s4, s1, $0xb8;
	[tilespmem:$0x14910] =	vst v63  }
0x59c: {  	s5 =	simm.s32 @p4 $0x1;
	p4 =	seq.s32 s29, $0x0;
	s29 =	spop (v2sf)  }
0x59d: {  	[smem:$0x7DE] =	sst s5;
	s0 =	simm.s32 @!p4 $0x80;
	s1 =	simm.s32 @!p4 $0x600  }
0x59e: {  	s4 =	simm.s32 @!p4 $0x2880;
	s5 =	simm.s32 @!p4 $0x0;
	s30 =	spop (v2sf)  }
0x59f: {  	[spmem:s2] =	stream.indirect.scatter @!p4 [tilespmem:s4], [sflag:$0x1], $0x1, s1, s0, $0xb8;
	[tilespmem:$0x14910] =	vst v63  }
0x5a0: {  	p6 =	seq.s32 s29, $0x0;
	s5 =	simm.s32 @p4 $0x1;
	s1 =	simm.s32 @!p5 $0x80  }
0x5a1: {  	s4 =	simm.s32 @!p5 $0x680;
	p4 =	seq.s32 s30, $0x0;
	s0 =	simm.s32 @!p6 $0x80  }
0x5a2: {  	[smem:$0x7DF] =	sst s5;
	s5 =	simm.s32 @!p5 $0x2880;
	s8 =	simm.s32 @!p4 $0x0  }
0x5a3: {  	[spmem:s2] =	stream.indirect.scatter @!p5 [tilespmem:s5], [sflag:$0x1], $0x1, s4, s1, $0xb8;
	[tilespmem:$0x14910] =	vst v63  }
0x5a4: {  	s1 =	simm.s32 @!p4 $0x80;
	s4 =	simm.s32 @!p4 $0x700;
	s5 =	simm.s32 @!p4 $0x2880  }
0x5a5: {  	[spmem:s2] =	stream.indirect.scatter @!p4 [tilespmem:s5], [sflag:$0x1], $0x1, s4, s1, $0xb8;
	[tilespmem:$0x14910] =	vst v63  }
0x5a6: {  	s8 =	simm.s32 @p4 $0x1;
	s1 =	simm.s32 @!p6 $0x780;
	s4 =	simm.s32 @!p6 $0x2880  }
0x5a7: {  	[spmem:s2] =	stream.indirect.scatter @!p6 [tilespmem:s4], [sflag:$0x1], $0x1, s1, s0, $0xb8;
	[tilespmem:$0x14910] =	vst v63  }
0x5a8: {  	[smem:$0x7E0] =	sst s8;
	s0 =	simm.s32 @!p2 $0x1  }
0x5a9: {  	_ =	swait.ge @!p2 [sflag:s0], $0x80  }
0x5aa: {  	[sflag:s0] =	ssyncset.done @!p2 $0x0  }
0x5ab: {  	[sflag:s0] =	ssyncadd.s32 @!p2 $0xFFFFFF80;
	s0 =	simm.s32 @!p3 $0x1  }
0x5ac: {  	_ =	swait.ge @!p3 [sflag:s0], $0x80  }
0x5ad: {  	[sflag:s0] =	ssyncset.done @!p3 $0x0  }
0x5ae: {  	[sflag:s0] =	ssyncadd.s32 @!p3 $0xFFFFFF80;
	s0 =	simm.s32 @!p0 $0x1  }
0x5af: {  	_ =	swait.ge @!p0 [sflag:s0], $0x80  }
0x5b0: {  	[sflag:s0] =	ssyncset.done @!p0 $0x0  }
0x5b1: {  	[sflag:s0] =	ssyncadd.s32 @!p0 $0xFFFFFF80;
	s0 =	simm.s32 @!p1 $0x1  }
0x5b2: {  	_ =	swait.ge @!p1 [sflag:s0], $0x80  }
0x5b3: {  	s31 =	sld [smem:$0x7E1];
	_ =	sdelay $0x1  }
0x5b4: {  	[sflag:s0] =	ssyncset.done @!p1 $0x0  }
0x5b5: {  	[sflag:s0] =	ssyncadd.s32 @!p1 $0xFFFFFF80;
	p1 =	seq.s32 s31, $0x1  }
0x5b6: {  	s28 =	sadd.s32 $0x100, s11;
	s26 =	simm.s32 $0x2;
	s8 =	simm.s32 @!p1 $0x1  }
.LBB2_7:
0x5b7: {  	_ =	swait.ge @!p1 [sflag:s8], $0x80  }
0x5b8: {  	s0 =	smov.u32 s26;
	s26 =	sadd.s32 $0x2, s26;
	s4 =	sld [smem:$0x7D8]  }
0x5b9: {  	p0 =	seq.s32 s26, $0x200  }
0x5ba: {  	s1 =	simm.s32 @!p0 $0x0  }
0x5bb: {  	[sflag:s8] =	ssyncset.done @!p1 $0x0;
	s1 =	simm.s32 @p0 $0x1;
	p0 =	seq.s32 s4, $0x1  }
0x5bc: {  	[sflag:s8] =	ssyncadd.s32 @!p1 $0xFFFFFF80;
	[smem:$0x7D7] =	sst s1;
	s1 =	simm.s32 @!p0 $0x1  }
0x5bd: {  	_ =	swait.ge @!p0 [sflag:s1], $0x80  }
0x5be: {  	s5 =	sld [smem:$0x7D9];
	_ =	sdelay $0x1  }
0x5bf: {  	[sflag:s1] =	ssyncset.done @!p0 $0x0  }
0x5c0: {  	[sflag:s1] =	ssyncadd.s32 @!p0 $0xFFFFFF80;
	p0 =	seq.s32 s5, $0x1  }
0x5c1: {  	s1 =	simm.s32 @!p0 $0x1  }
0x5c2: {  	_ =	swait.ge @!p0 [sflag:s1], $0x80  }
0x5c3: {  	s8 =	sld [smem:$0x7DA];
	_ =	sdelay $0x1  }
0x5c4: {  	[sflag:s1] =	ssyncset.done @!p0 $0x0  }
0x5c5: {  	[sflag:s1] =	ssyncadd.s32 @!p0 $0xFFFFFF80;
	p0 =	seq.s32 s8, $0x1  }
0x5c6: {  	s1 =	simm.s32 @!p0 $0x1  }
0x5c7: {  	_ =	swait.ge @!p0 [sflag:s1], $0x80  }
0x5c8: {  	s9 =	sld [smem:$0x7DB];
	_ =	sdelay $0x1  }
0x5c9: {  	[sflag:s1] =	ssyncset.done @!p0 $0x0  }
0x5ca: {  	[sflag:s1] =	ssyncadd.s32 @!p0 $0xFFFFFF80;
	p0 =	seq.s32 s9, $0x1  }
0x5cb: {  	s1 =	simm.s32 @!p0 $0x1  }
0x5cc: {  	_ =	swait.ge @!p0 [sflag:s1], $0x80  }
0x5cd: {  	s10 =	sld [smem:$0x7DC];
	_ =	sdelay $0x1  }
0x5ce: {  	[sflag:s1] =	ssyncset.done @!p0 $0x0  }
0x5cf: {  	[sflag:s1] =	ssyncadd.s32 @!p0 $0xFFFFFF80;
	p0 =	seq.s32 s10, $0x1  }
0x5d0: {  	s1 =	simm.s32 @!p0 $0x1  }
0x5d1: {  	_ =	swait.ge @!p0 [sflag:s1], $0x80  }
0x5d2: {  	s11 =	sld [smem:$0x7DD];
	_ =	sdelay $0x1  }
0x5d3: {  	[sflag:s1] =	ssyncset.done @!p0 $0x0  }
0x5d4: {  	[sflag:s1] =	ssyncadd.s32 @!p0 $0xFFFFFF80;
	p0 =	seq.s32 s11, $0x1  }
0x5d5: {  	s1 =	simm.s32 @!p0 $0x1  }
0x5d6: {  	_ =	swait.ge @!p0 [sflag:s1], $0x80  }
0x5d7: {  	s12 =	sld [smem:$0x7DE];
	_ =	sdelay $0x1  }
0x5d8: {  	[sflag:s1] =	ssyncset.done @!p0 $0x0  }
0x5d9: {  	[sflag:s1] =	ssyncadd.s32 @!p0 $0xFFFFFF80;
	p0 =	seq.s32 s12, $0x1  }
0x5da: {  	s1 =	simm.s32 @!p0 $0x1  }
0x5db: {  	_ =	swait.ge @!p0 [sflag:s1], $0x80  }
0x5dc: {  	s13 =	sld [smem:$0x7DF];
	_ =	sdelay $0x1  }
0x5dd: {  	[sflag:s1] =	ssyncset.done @!p0 $0x0  }
0x5de: {  	[sflag:s1] =	ssyncadd.s32 @!p0 $0xFFFFFF80;
	p0 =	seq.s32 s13, $0x1  }
0x5df: {  	s1 =	simm.s32 @!p0 $0x1  }
0x5e0: {  	_ =	swait.ge @!p0 [sflag:s1], $0x80  }
0x5e1: {  	[sflag:s1] =	ssyncset.done @!p0 $0x0  }
0x5e2: {  	[sflag:s1] =	ssyncadd.s32 @!p0 $0xFFFFFF80;
	s1 =	simm.s32 @!p5 $0x1  }
0x5e3: {  	_ =	swait.ge @!p5 [sflag:s1], $0x80  }
0x5e4: {  	s14 =	sld [smem:$0x7E0];
	_ =	sdelay $0x2  }
0x5e5: {  	[sflag:s1] =	ssyncset.done @!p5 $0x0;
	p0 =	seq.s32 s14, $0x1  }
0x5e6: {  	[sflag:s1] =	ssyncadd.s32 @!p5 $0xFFFFFF80;
	s1 =	simm.s32 @!p0 $0x1  }
0x5e7: {  	_ =	swait.ge @!p0 [sflag:s1], $0x80  }
0x5e8: {  	[sflag:s1] =	ssyncset.done @!p0 $0x0  }
0x5e9: {  	[sflag:s1] =	ssyncadd.s32 @!p0 $0xFFFFFF80;
	s1 =	simm.s32 @!p6 $0x1  }
0x5ea: {  	_ =	swait.ge @!p6 [sflag:s1], $0x80  }
0x5eb: {  	[sflag:s1] =	ssyncset.done @!p6 $0x0  }
0x5ec: {  	s25 =	sadd.s32 $0x10, s25;
	[sflag:s1] =	ssyncadd.s32 @!p6 $0xFFFFFF80  }
0x5ed: {  	[tilespmem:s3], [sflag:$0x2] =	stream.linear.gather [hbm4b:s28+s3], $0x800, $0x38;
	[tilespmem:$0x14910] =	vst v63  }
0x5ee: {  	s4 =	sand.u32 $0xF80, s25;
	_ =	swait.ge [sflag:s21], $0x800  }
0x5ef: {  	s0 =	sand.u32 $0xE, s0;
	s4 =	sadd.s32 s4, s7;
	[sflag:s21] =	ssyncset.done $0x0  }
0x5f0: {  	s0 =	sadd.s32 s0, s4;
	[sflag:s21] =	ssyncadd.s32 $0xFFFFF800  }
0x5f1: {  	[tilespmem:s22], [sflag:$0x2] =	stream.linear.gather [hbm4b:s0+s3], $0x10, $0x38;
	[tilespmem:$0x14910] =	vst v63  }
0x5f2: {  	_ =	swait.ge [sflag:s21], $0x10  }
0x5f3: {  	[sflag:s21] =	ssyncset.done $0x0  }
0x5f4: {  	[sflag:s21] =	ssyncadd.s32 $0xFFFFFFF0  }
0x5f5: {  	v2 =	vld [tilespmem:$0x800];
	_ =	sdelay $0x4  }
0x5f6: {  	(v2sf) =	vpush v2, $0x0  }
0x5f7: {  	(v2sf) =	vpush v2, $0x2  }
0x5f8: {  	(v2sf) =	vpush v2, $0x5;
	_ =	sdelay $0x2  }
0x5f9: {  	(v2sf) =	vpush v2, $0x3  }
0x5fa: {  	(v2sf) =	vpush v2, $0x1  }
0x5fb: {  	(v2sf) =	vpush v2, $0x7  }
0x5fc: {  	(v2sf) =	vpush v2, $0x8  }
0x5fd: {  	(v2sf) =	vpush v2, $0xC;
	_ =	sdelay $0x1  }
0x5fe: {  	(v2sf) =	vpush v2, $0x6  }
0x5ff: {  	(v2sf) =	vpush v2, $0xD;
	_ =	sdelay $0x1  }
0x600: {  	(v2sf) =	vpush v2, $0x4  }
0x601: {  	s15 =	spop (v2sf)  }
0x602: {  	p2 =	seq.s32 s15, $0x0;
	s29 =	spop (v2sf)  }
0x603: {  	s1 =	simm.s32 @!p2 $0x2880;
	p3 =	seq.s32 s29, $0x0;
	s0 =	spop (v2sf)  }
0x604: {  	s4 =	simm.s32 @!p2 $0x0;
	s8 =	simm.s32 @!p2 $0x80;
	s5 =	simm.s32 @!p3 $0x80  }
0x605: {  	[spmem:s2] =	stream.indirect.scatter @!p2 [tilespmem:s1], [sflag:$0x1], $0x1, s4, s8, $0xb8;
	[tilespmem:$0x14910] =	vst v63  }
0x606: {  	s30 =	spop (v2sf);
	s1 =	simm.s32 @!p3 $0x2880;
	s8 =	simm.s32 @!p3 $0x100  }
0x607: {  	p5 =	seq.s32 s0, $0x0;
	s9 =	spop (v2sf);
	p1 =	seq.s32 s30, $0x0  }
0x608: {  	(v2sf) =	vpush v2, $0xA;
	p0 =	seq.s32 s9, $0x0;
	s9 =	spop (v2sf);
	s14 =	simm.s32 @!p1 $0x80  }
0x609: {  	s15 =	simm.s32 @!p1 $0x2880;
	s10 =	simm.s32 @!p0 $0x2880;
	s11 =	spop (v2sf)  }
0x60a: {  	(v2sf) =	vpush v2, $0xB;
	s12 =	simm.s32 @!p0 $0x80;
	s13 =	simm.s32 @!p0 $0x0;
	s30 =	spop (v2sf)  }
0x60b: {  	[spmem:s2] =	stream.indirect.scatter @!p0 [tilespmem:s10], [sflag:$0x1], $0x1, s12, s12, $0xb8;
	[tilespmem:$0x14910] =	vst v63  }
0x60c: {  	p6 =	seq.s32 s9, $0x0;
	s13 =	simm.s32 @p0 $0x1;
	s31 =	spop (v2sf)  }
0x60d: {  	(v2sf) =	vpush v2, $0x9;
	s9 =	simm.s32 @!p6 $0x2880;
	[smem:$0x7D6] =	sst s13;
	s29 =	spop (v2sf)  }
0x60e: {  	[spmem:s2] =	stream.indirect.scatter @!p3 [tilespmem:s1], [sflag:$0x1], $0x1, s8, s5, $0xb8;
	[tilespmem:$0x14910] =	vst v63  }
0x60f: {  	s13 =	simm.s32 @!p1 $0x180;
	p4 =	seq.s32 s31, $0x0;
	s31 =	spop (v2sf)  }
0x610: {  	[spmem:s2] =	stream.indirect.scatter @!p1 [tilespmem:s15], [sflag:$0x1], $0x1, s13, s14, $0xb8;
	[tilespmem:$0x14910] =	vst v63  }
0x611: {  	s10 =	simm.s32 @!p4 $0x80;
	p0 =	seq.s32 s31, $0x0;
	s13 =	simm.s32 @!p5 $0x0  }
0x612: {  	s4 =	simm.s32 @!p0 $0x0;
	s5 =	simm.s32 @!p0 $0x80;
	s8 =	simm.s32 @!p0 $0x200  }
0x613: {  	s0 =	simm.s32 @!p0 $0x2880;
	s13 =	simm.s32 @p5 $0x1;
	s4 =	simm.s32 @p0 $0x1  }
0x614: {  	[spmem:s2] =	stream.indirect.scatter @!p0 [tilespmem:s0], [sflag:$0x1], $0x1, s8, s5, $0xb8;
	[tilespmem:$0x14910] =	vst v63  }
0x615: {  	s0 =	simm.s32 @!p5 $0x80;
	s5 =	simm.s32 @!p5 $0x280;
	s8 =	simm.s32 @!p5 $0x2880  }
0x616: {  	[smem:$0x7D8] =	sst s13;
	s13 =	simm.s32 @!p4 $0x0;
	p0 =	seq.s32 s29, $0x0  }
0x617: {  	[smem:$0x7E1] =	sst s4;
	s4 =	spop (v2sf);
	s13 =	simm.s32 @p4 $0x1  }
0x618: {  	[spmem:s2] =	stream.indirect.scatter @!p5 [tilespmem:s8], [sflag:$0x1], $0x1, s5, s0, $0xb8;
	[tilespmem:$0x14910] =	vst v63  }
0x619: {  	s1 =	spop (v2sf);
	s0 =	simm.s32 @!p4 $0x2880;
	s5 =	simm.s32 @!p4 $0x300  }
0x61a: {  	[spmem:s2] =	stream.indirect.scatter @!p4 [tilespmem:s0], [sflag:$0x1], $0x1, s5, s10, $0xb8;
	[tilespmem:$0x14910] =	vst v63  }
0x61b: {  	[smem:$0x7D9] =	sst s13;
	s0 =	simm.s32 @!p6 $0x80;
	s10 =	simm.s32 @!p6 $0x0  }
0x61c: {  	s5 =	simm.s32 @!p6 $0x380;
	s31 =	spop (v2sf);
	s10 =	simm.s32 @p6 $0x1  }
0x61d: {  	(v2sf) =	vpush v2, $0xF;
	p4 =	seq.s32 s11, $0x0;
	p5 =	seq.s32 s31, $0x0;
	[smem:$0x7DA] =	sst s10  }
0x61e: {  	[spmem:s2] =	stream.indirect.scatter @!p6 [tilespmem:s9], [sflag:$0x1], $0x1, s5, s0, $0xb8;
	[tilespmem:$0x14910] =	vst v63  }
0x61f: {  	s0 =	simm.s32 @!p4 $0x80;
	s5 =	simm.s32 @!p4 $0x400;
	s10 =	simm.s32 @!p4 $0x0  }
0x620: {  	s9 =	simm.s32 @!p4 $0x2880;
	p6 =	seq.s32 s30, $0x0;
	s10 =	simm.s32 @p4 $0x1  }
0x621: {  	(v2sf) =	vpush v2, $0xE;
	s12 =	simm.s32 @!p5 $0x2880;
	s11 =	simm.s32 @!p6 $0x600;
	[smem:$0x7DB] =	sst s10  }
0x622: {  	[spmem:s2] =	stream.indirect.scatter @!p4 [tilespmem:s9], [sflag:$0x1], $0x1, s5, s0, $0xb8;
	[tilespmem:$0x14910] =	vst v63  }
0x623: {  	s0 =	simm.s32 @!p5 $0x80;
	p4 =	seq.s32 s4, $0x0;
	s4 =	simm.s32 @!p5 $0x0  }
0x624: {  	s5 =	simm.s32 @!p5 $0x480;
	s10 =	simm.s32 @!p6 $0x80;
	s4 =	simm.s32 @p5 $0x1  }
0x625: {  	[spmem:s2] =	stream.indirect.scatter @!p5 [tilespmem:s12], [sflag:$0x1], $0x1, s5, s0, $0xb8;
	[tilespmem:$0x14910] =	vst v63  }
0x626: {  	s9 =	simm.s32 @!p4 $0x0;
	[smem:$0x7DC] =	sst s4;
	s0 =	simm.s32 @!p4 $0x80  }
0x627: {  	s4 =	simm.s32 @!p4 $0x500;
	s9 =	simm.s32 @p4 $0x1;
	p5 =	seq.s32 s1, $0x0  }
0x628: {  	s5 =	simm.s32 @!p4 $0x2880;
	[smem:$0x7DD] =	sst s9;
	s1 =	simm.s32 @!p5 $0x2880  }
0x629: {  	[spmem:s2] =	stream.indirect.scatter @!p4 [tilespmem:s5], [sflag:$0x1], $0x1, s4, s0, $0xb8;
	[tilespmem:$0x14910] =	vst v63  }
0x62a: {  	s9 =	simm.s32 @!p5 $0x580;
	s13 =	simm.s32 @!p5 $0x0;
	s0 =	simm.s32 @!p5 $0x80  }
0x62b: {  	[spmem:s2] =	stream.indirect.scatter @!p5 [tilespmem:s1], [sflag:$0x1], $0x1, s9, s0, $0xb8;
	[tilespmem:$0x14910] =	vst v63  }
0x62c: {  	s14 =	spop (v2sf);
	s12 =	simm.s32 @!p6 $0x2880;
	s13 =	simm.s32 @p5 $0x1  }
0x62d: {  	[spmem:s2] =	stream.indirect.scatter @!p6 [tilespmem:s12], [sflag:$0x1], $0x1, s11, s10, $0xb8;
	[tilespmem:$0x14910] =	vst v63  }
0x62e: {  	s0 =	simm.s32 @!p0 $0x80;
	s1 =	simm.s32 @!p0 $0x680;
	s9 =	simm.s32 @!p0 $0x2880  }
0x62f: {  	[spmem:s2] =	stream.indirect.scatter @!p0 [tilespmem:s9], [sflag:$0x1], $0x1, s1, s0, $0xb8;
	[tilespmem:$0x14910] =	vst v63  }
0x630: {  	[smem:$0x7DE] =	sst s13;
	s13 =	simm.s32 @!p6 $0x0;
	s15 =	spop (v2sf)  }
0x631: {  	s13 =	simm.s32 @p6 $0x1;
	p4 =	seq.s32 s15, $0x0  }
0x632: {  	[smem:$0x7DF] =	sst s13;
	p6 =	seq.s32 s14, $0x0;
	s4 =	simm.s32 @!p4 $0x80  }
0x633: {  	s5 =	simm.s32 @!p4 $0x700;
	s0 =	simm.s32 @!p4 $0x2880;
	s8 =	simm.s32 @!p4 $0x0  }
0x634: {  	[spmem:s2] =	stream.indirect.scatter @!p4 [tilespmem:s0], [sflag:$0x1], $0x1, s5, s4, $0xb8;
	[tilespmem:$0x14910] =	vst v63  }
0x635: {  	s1 =	simm.s32 @!p2 $0x1;
	s8 =	simm.s32 @p4 $0x1;
	s0 =	simm.s32 @!p6 $0x80  }
0x636: {  	s4 =	simm.s32 @!p6 $0x780;
	s5 =	simm.s32 @!p6 $0x2880;
	[smem:$0x7E0] =	sst s8  }
0x637: {  	[spmem:s2] =	stream.indirect.scatter @!p6 [tilespmem:s5], [sflag:$0x1], $0x1, s4, s0, $0xb8;
	[tilespmem:$0x14910] =	vst v63  }
0x638: {  	_ =	swait.ge @!p2 [sflag:s1], $0x80  }
0x639: {  	s29 =	sld [smem:$0x7D6];
	_ =	sdelay $0x2  }
0x63a: {  	p5 =	por p0, p0;
	[sflag:s1] =	ssyncset.done @!p2 $0x0;
	p0 =	seq.s32 s29, $0x1  }
0x63b: {  	[sflag:s1] =	ssyncadd.s32 @!p2 $0xFFFFFF80;
	s0 =	simm.s32 @!p0 $0x1  }
0x63c: {  	_ =	swait.ge @!p0 [sflag:s0], $0x80  }
0x63d: {  	[sflag:s0] =	ssyncset.done @!p0 $0x0  }
0x63e: {  	[sflag:s0] =	ssyncadd.s32 @!p0 $0xFFFFFF80;
	s0 =	simm.s32 @!p3 $0x1  }
0x63f: {  	_ =	swait.ge @!p3 [sflag:s0], $0x80  }
0x640: {  	[sflag:s0] =	ssyncset.done @!p3 $0x0  }
0x641: {  	[sflag:s0] =	ssyncadd.s32 @!p3 $0xFFFFFF80;
	s0 =	simm.s32 @!p1 $0x1  }
0x642: {  	_ =	swait.ge @!p1 [sflag:s0], $0x80  }
0x643: {  	s31 =	sld [smem:$0x7D7];
	_ =	sdelay $0x2  }
0x644: {  	p0 =	seq.s32 s31, $0x1  }
.Ltmp8:
0x645: {  	s30 =	sld [smem:$0x7E1];
	(pc) =	sbr.rel @!p0 .LBB2_7-.Ltmp8, $4  }
0x646: {  	_ = 	snop  }
0x647: {  	[sflag:s0] =	ssyncset.done @!p1 $0x0  }
0x648: {  	[sflag:s0] =	ssyncadd.s32 @!p1 $0xFFFFFF80;
	p1 =	seq.s32 s30, $0x1  }
0x649: {  	s28 =	sadd.s32 $0x100, s28;
	s8 =	simm.s32 @!p1 $0x1  }
.Ltmp9:
0x64a: {  	_ = 	snop;
	(pc) =	sbr.rel .LBB2_8-.Ltmp9, $1  }
0x64b: {  	_ =	sdelay $0x3  }
.LBB2_15:
0x64c: {  	_ =	sfence.sel $0x180000  }
0x64d: {  	[bflag:$0x0] =	sbarrier.arrive $0xFFFF  }
0x64e: {  	_ =	strace $0x90000047  }
0x64f: {  	s0 =	stileid.u32;
	[bflag:$0x2] =	sbarrier.arrive $0xFFFF  }
0x650: {  	p0 =	sne.s32 s0, $0x0;
	s0 =	rddreg [dreg:$0x2]  }
0x651: {  	s0 =	sadd.s32 @!p0 $0x100000, s0  }
0x652: {  	[sflag:s0] =	ssyncadd.tile.s32 @!p0 $0x1;
	_ =	shalt  }
.Lfunc_end2:
_tile_overlayer_lowered:
.L_overlay_start_2:
0x653: {  	(tag) =	ssettag $0x2  }
0x654: {  	s0 =	rddreg [dreg:$0x0];
	s2 =	stileid.u32  }
0x655: {  	s1 =	rddreg [dreg:$0x1];
	p0 =	sne.s32 s2, $0x0  }
0x656: {  	s3 =	rddreg [dreg:$0x2];
	[bflag:$0x3] =	sbarrier.arrive $0xFFFF;
	s2 =	simm.s32 @!p0 $0x1C02  }
0x657: {  	[timem:s3], [sflag:s2] =	dma.local @!p0 [hbm:s0], s1  }
0x658: {  	s0 =	simm.s32 @!p0 $0x2  }
0x659: {  	_ =	swait.ge @!p0 [sflag:s0], s1  }
0x65a: {  	s1 =	ssub.s32 @!p0 $0x0, s1;
	[sflag:s0] =	ssyncset.done @!p0 $0x0  }
0x65b: {  	[sflag:s0] =	ssyncadd.s32 @!p0 s1  }
0x65c: {  	[bflag:$0x3] =	sbarrier.arrive $0xFFFF  }
0x65d: {  	_ =	shalt  }

</sc_bundles>
